<compile_context>
chip_gen: v7x
topology: tpu7x:2x2x1
jax: 0.10.2.dev20260603
libtpu: 0.0.44.dev20260713+nightly
codegen_flags: <defaults>
</compile_context>

<pallas_src>
import functools

import jax
import jax.numpy as jnp
from jax import lax
from jax.experimental import pallas as pl
from jax.experimental.pallas import tpu as pltpu
from jax.experimental.pallas import tpu_sc as plsc

S = 2048
H = 2048
E = 8
FF = 2048
BM = 256
NP = S * 2 + E * BM
NB = NP // BM
NBPAD = ((NB + 15) // 16) * 16

RT = 256

_MESH = plsc.VectorSubcoreMesh(core_axis_name="c", subcore_axis_name="s")
_SC_PARAMS = pltpu.CompilerParams(needs_layout_passes=False)
NW = 32
TPW = S // NW



def _splat(vec, i):
    tt = jnp.full((16, 1), i, jnp.int32)
    dnums = lax.GatherDimensionNumbers(
        offset_dims=(), collapsed_slice_dims=(0,), start_index_map=(0,))
    return lax.gather(vec, tt, dnums, (1,),
                      mode=lax.GatherScatterMode.PROMISE_IN_BOUNDS)


def _router_body(x_ref, gate_ref, selw_ref, seli_ref):
    x = x_ref[...]
    g = gate_ref[...]
    lt = lax.dot_general(g, x, (((1,), (1,)), ((), ())),
                         preferred_element_type=jnp.float32)
    row = lax.broadcasted_iota(jnp.int32, lt.shape, 0)
    m = jnp.max(lt, axis=0, keepdims=True)
    p = jnp.exp(lt - m)
    p = p / jnp.sum(p, axis=0, keepdims=True)
    m1 = jnp.max(p, axis=0, keepdims=True)
    a1 = jnp.min(jnp.where(p == m1, row, E), axis=0, keepdims=True)
    p2 = jnp.where(row == a1, -1.0, p)
    m2 = jnp.max(p2, axis=0, keepdims=True)
    a2 = jnp.min(jnp.where(p2 == m2, row, E), axis=0, keepdims=True)
    tot = m1 + m2
    selw_ref[...] = jnp.where(row == 0, m1 / tot,
                              jnp.where(row == 1, m2 / tot, 0.0))
    seli_ref[...] = jnp.where(row == 0, a1, jnp.where(row == 1, a2, 0))


def _router(x, gate_w):
    return pl.pallas_call(
        _router_body,
        grid=(S // RT,),
        in_specs=[pl.BlockSpec((RT, H), lambda i: (i, 0)),
                  pl.BlockSpec((E, H), lambda i: (0, 0))],
        out_specs=[pl.BlockSpec((E, RT), lambda i: (0, i)),
                   pl.BlockSpec((E, RT), lambda i: (0, i))],
        out_shape=[jax.ShapeDtypeStruct((E, S), jnp.float32),
                   jax.ShapeDtypeStruct((E, S), jnp.int32)],
    )(x, gate_w)


def _sort_body(x_hbm, si_hbm, xs_hbm, d0_hbm, d1_hbm, be_hbm,
               s0v, s1v, d0v, d1v, bev, cnt, cntr, xb0, xb1, i0v, i1v, shrd,
               sem, seml0, seml1, semsc0, semsc1):
    cid = lax.axis_index("c")
    sid = lax.axis_index("s")
    wid = sid * 2 + cid
    ones = jnp.ones((16,), jnp.int32)
    lanes = lax.iota(jnp.int32, 16)
    base = wid * TPW
    lds = [pltpu.async_copy(x_hbm.at[pl.ds(base, 16)], xb0, seml0),
           None, None, None]

    @pl.when(sid == 0)
    def _():
        pltpu.async_copy(si_hbm.at[0], s0v, sem).wait()
        pltpu.async_copy(si_hbm.at[1], s1v, sem).wait()
        cnt[...] = jnp.zeros((16,), jnp.int32)

        @pl.loop(0, S // 16)
        def _(i):
            plsc.addupdate_scatter(cnt, [s0v[pl.ds(i * 16, 16)]], ones)
            plsc.addupdate_scatter(cnt, [s1v[pl.ds(i * 16, 16)]], ones)

        c = cnt[...]
        nblk = jnp.where(lanes < E, (c + BM - 1) // BM, 0)
        cs = plsc.cumsum(nblk)
        bstart = cs - nblk
        cntr[...] = bstart * BM

        for j in range(NBPAD // 16):
            v = lanes + 16 * j
            be = jnp.full((16,), -1, jnp.int32)
            for e in range(E):
                be = be + jnp.where(v >= _splat(bstart, e), 1, 0)
            bev[pl.ds(16 * j, 16)] = jnp.clip(be, 0, E - 1)

        def dest_pass(sv, dv):
            @pl.loop(0, S // 16)
            def _(i):
                v = sv[pl.ds(i * 16, 16)]
                rk, _last = plsc.scan_count(v)
                base = plsc.load_gather(cntr, [v])
                dv[pl.ds(i * 16, 16)] = base + rk - 1
                plsc.addupdate_scatter(cntr, [v], ones)

        dest_pass(s0v, d0v)
        dest_pass(s1v, d1v)

        pltpu.sync_copy(d0v, shrd.at[0])
        pltpu.sync_copy(d1v, shrd.at[1])

        @pl.when(cid == 0)
        def _():
            pltpu.async_copy(d0v, d0_hbm, sem).wait()
            pltpu.async_copy(d1v, d1_hbm, sem).wait()
            pltpu.async_copy(bev, be_hbm, sem).wait()

    plsc.subcore_barrier()

    pltpu.sync_copy(shrd.at[0, pl.ds(base, TPW)], i0v)
    pltpu.sync_copy(shrd.at[1, pl.ds(base, TPW)], i1v)
    xbufs = [xb0, xb1]
    lsems = [seml0, seml1]
    ssems = [semsc0, semsc1]
    nch = TPW // 16
    lds[1] = pltpu.async_copy(x_hbm.at[pl.ds(base + 16, 16)], xb1, seml1)
    pend = [None, None]
    for cch in range(nch):
        p = cch % 2
        buf = xbufs[p]
        lds[cch].wait()
        iv0 = i0v[pl.ds(cch * 16, 16)]
        iv1 = i1v[pl.ds(cch * 16, 16)]
        s0 = pltpu.async_copy(buf, xs_hbm.at[iv0], ssems[p])
        s1 = pltpu.async_copy(buf, xs_hbm.at[iv1], ssems[p])
        if cch + 2 < nch:
            s0.wait()
            s1.wait()
            lds[cch + 2] = pltpu.async_copy(
                x_hbm.at[pl.ds(base + (cch + 2) * 16, 16)], buf, lsems[p])
        else:
            pend[p] = (s0, s1)
    for pr in pend:
        if pr is not None:
            pr[0].wait()
            pr[1].wait()


_sort_kernel = functools.partial(
    pl.kernel,
    out_type=(jax.ShapeDtypeStruct((NP, H), jnp.float32),
              jax.ShapeDtypeStruct((S,), jnp.int32),
              jax.ShapeDtypeStruct((S,), jnp.int32),
              jax.ShapeDtypeStruct((NBPAD,), jnp.int32)),
    mesh=_MESH,
    scratch_types=[pltpu.VMEM((S,), jnp.int32), pltpu.VMEM((S,), jnp.int32),
                   pltpu.VMEM((S,), jnp.int32), pltpu.VMEM((S,), jnp.int32),
                   pltpu.VMEM((NBPAD,), jnp.int32),
                   pltpu.VMEM((16,), jnp.int32), pltpu.VMEM((16,), jnp.int32),
                   pltpu.VMEM((16, H), jnp.float32),
                   pltpu.VMEM((16, H), jnp.float32),
                   pltpu.VMEM((TPW,), jnp.int32), pltpu.VMEM((TPW,), jnp.int32),
                   pltpu.VMEM_SHARED((2, S), jnp.int32),
                   pltpu.SemaphoreType.DMA, pltpu.SemaphoreType.DMA,
                   pltpu.SemaphoreType.DMA, pltpu.SemaphoreType.DMA,
                   pltpu.SemaphoreType.DMA],
    compiler_params=_SC_PARAMS,
)(_sort_body)


def _ffn_body(be_ref, xs_ref, w1_ref, w3_ref, w2_ref, ys_ref):
    del be_ref
    x = xs_ref[...].astype(jnp.bfloat16)
    h1 = lax.dot_general(x, w1_ref[0], (((1,), (1,)), ((), ())),
                         preferred_element_type=jnp.float32)
    h3 = lax.dot_general(x, w3_ref[0], (((1,), (1,)), ((), ())),
                         preferred_element_type=jnp.float32)
    h = (h1 * jax.nn.sigmoid(h1)) * h3
    y = lax.dot_general(h.astype(jnp.bfloat16), w2_ref[0],
                        (((1,), (1,)), ((), ())),
                        preferred_element_type=jnp.float32)
    ys_ref[...] = y


def _ffn(blk_exp, xs, w1b, w3b, w2b):
    return pl.pallas_call(
        _ffn_body,
        grid_spec=pltpu.PrefetchScalarGridSpec(
            num_scalar_prefetch=1,
            grid=(NB,),
            in_specs=[pl.BlockSpec((BM, H), lambda i, be: (i, 0)),
                      pl.BlockSpec((1, FF, H), lambda i, be: (be[i], 0, 0)),
                      pl.BlockSpec((1, FF, H), lambda i, be: (be[i], 0, 0)),
                      pl.BlockSpec((1, H, FF), lambda i, be: (be[i], 0, 0))],
            out_specs=pl.BlockSpec((BM, H), lambda i, be: (i, 0)),
        ),
        out_shape=jax.ShapeDtypeStruct((NP, H), jnp.float32),
        compiler_params=pltpu.CompilerParams(
            vmem_limit_bytes=63 * 1024 * 1024),
    )(blk_exp, xs, w1b, w3b, w2b)


def _combine_body(ys_hbm, sw_hbm, d0_hbm, d1_hbm, out_hbm,
                  i0v, i1v, w0v, w1v, ga, gb, gc,
                  sem0, sem1, sema, semc):
    cid = lax.axis_index("c")
    sid = lax.axis_index("s")
    wid = sid * 2 + cid
    base = wid * TPW
    pltpu.sync_copy(d0_hbm.at[pl.ds(base, TPW)], i0v)
    pltpu.sync_copy(d1_hbm.at[pl.ds(base, TPW)], i1v)
    pltpu.sync_copy(sw_hbm.at[0, pl.ds(base, TPW)], w0v)
    pltpu.sync_copy(sw_hbm.at[1, pl.ds(base, TPW)], w1v)
    stores = [None, None]
    for cch in range(TPW // 16):
        buf = ga if cch % 2 == 0 else gc
        stsem = sema if cch % 2 == 0 else semc
        if stores[cch % 2] is not None:
            stores[cch % 2].wait()
        iv0 = i0v[pl.ds(cch * 16, 16)]
        iv1 = i1v[pl.ds(cch * 16, 16)]
        cp0 = pltpu.async_copy(ys_hbm.at[iv0], buf, sem0)
        cp1 = pltpu.async_copy(ys_hbm.at[iv1], gb, sem1)
        cp0.wait()
        cp1.wait()
        wa = w0v[pl.ds(cch * 16, 16)]
        wb = w1v[pl.ds(cch * 16, 16)]

        @pl.loop(0, 16)
        def _(t):
            was = _splat(wa, t)
            wbs = _splat(wb, t)

            @pl.loop(0, 8)
            def _(u):
                for uu in range(16):
                    sl = pl.ds(u * 256 + uu * 16, 16)
                    buf[t, sl] = buf[t, sl] * was + gb[t, sl] * wbs

        stores[cch % 2] = pltpu.async_copy(
            buf, out_hbm.at[pl.ds(base + cch * 16, 16)], stsem)
    for st in stores:
        if st is not None:
            st.wait()


_combine_kernel = functools.partial(
    pl.kernel,
    out_type=jax.ShapeDtypeStruct((S, H), jnp.float32),
    mesh=_MESH,
    scratch_types=[pltpu.VMEM((TPW,), jnp.int32), pltpu.VMEM((TPW,), jnp.int32),
                   pltpu.VMEM((TPW,), jnp.float32),
                   pltpu.VMEM((TPW,), jnp.float32),
                   pltpu.VMEM((16, H), jnp.float32),
                   pltpu.VMEM((16, H), jnp.float32),
                   pltpu.VMEM((16, H), jnp.float32),
                   pltpu.SemaphoreType.DMA, pltpu.SemaphoreType.DMA,
                   pltpu.SemaphoreType.DMA, pltpu.SemaphoreType.DMA],
    compiler_params=_SC_PARAMS,
)(_combine_body)


def kernel(hidden_states, gate_w, w1, w3, w2):
    x = hidden_states.reshape(S, H)
    w1b = w1.astype(jnp.bfloat16)
    w3b = w3.astype(jnp.bfloat16)
    w2b = w2.astype(jnp.bfloat16)

    selw, seli = _router(x, gate_w)

    xs, d0, d1, blk_exp = _sort_kernel(x, seli)

    ys = _ffn(blk_exp, xs, w1b, w3b, w2b)

    out = _combine_kernel(ys, selw, d0, d1)
    return out.reshape(hidden_states.shape)

# --- scband reference (transcript-rebuilt; emitter-appended) ---
"""Pipeline reference for scband-mixtral-sparse-moe-block-37709812859143 (READ-ONLY COPY).

The authoritative reference and input builder live on the scoring server;
editing this copy changes nothing except your own understanding.
"""

import jax, jax.numpy as jnp
import numpy as np

B, S, HIDDEN = 1, 2048, 2048
E, K, FF = 8, 2, 2048


def setup_inputs(seed: int = 0) -> dict:
    key = jax.random.key(seed)
    k1, k2, k3, k4, k5 = jax.random.split(key, 5)
    hidden_states = jax.random.normal(k1, (B, S, HIDDEN), dtype=jnp.float32)
    gate_w = jax.random.normal(k2, (E, HIDDEN), dtype=jnp.float32) * 0.02
    w1 = jax.random.normal(k3, (E, FF, HIDDEN), dtype=jnp.float32) * 0.02
    w3 = jax.random.normal(k4, (E, FF, HIDDEN), dtype=jnp.float32) * 0.02
    w2 = jax.random.normal(k5, (E, HIDDEN, FF), dtype=jnp.float32) * 0.02
    return {"hidden_states": hidden_states, "gate_w": gate_w, "w1": w1, "w3": w3, "w2": w2}


def reference(hidden_states, gate_w, w1, w3, w2):
    input_shape = hidden_states.shape
    x = hidden_states.reshape(-1, HIDDEN)
    # router
    router_logits = x @ gate_w.T
    routing_weights = jax.nn.softmax(router_logits.astype(jnp.float32), axis=1)
    topw, selected_experts = jax.lax.top_k(routing_weights, K)
    topw = topw / jnp.sum(topw, axis=-1, keepdims=True)
    final = jnp.zeros_like(x)
    for e in range(E):
        # Mixtral expert MLP: w2(silu(w1 x) * (w3 x))
        ye = (jax.nn.silu(x @ w1[e].T) * (x @ w3[e].T)) @ w2[e].T
        w_sel = jnp.sum((selected_experts == e).astype(topw.dtype) * topw, axis=-1)
        final = final + w_sel[:, None] * ye
    return final.reshape(input_shape)

if __name__ == "__main__":
    import jax
    _d = setup_inputs()
    print(jax.jit(kernel)(*tuple(_d.values())))

</pallas_src>

<mosaic_0001>
#map = affine_map<(d0, d1) -> (0, 0)>
#map1 = affine_map<(d0, d1) -> (0)>
module attributes {stable_mosaic.version = 14 : i64} {
  func.func @_sort_body(%arg0: i32, %arg1: i32, %arg2: memref<2048x2048xf32, #tpu.memory_space<hbm>>, %arg3: memref<8x2048xi32, #tpu.memory_space<hbm>>, %arg4: memref<6144x2048xf32, #tpu.memory_space<hbm>>, %arg5: memref<2048xi32, #tpu.memory_space<hbm>>, %arg6: memref<2048xi32, #tpu.memory_space<hbm>>, %arg7: memref<32xi32, #tpu.memory_space<hbm>>, %arg8: memref<2048xi32, #tpu.memory_space<vmem>>, %arg9: memref<2048xi32, #tpu.memory_space<vmem>>, %arg10: memref<2048xi32, #tpu.memory_space<vmem>>, %arg11: memref<2048xi32, #tpu.memory_space<vmem>>, %arg12: memref<32xi32, #tpu.memory_space<vmem>>, %arg13: memref<16xi32, #tpu.memory_space<vmem>>, %arg14: memref<16xi32, #tpu.memory_space<vmem>>, %arg15: memref<16x2048xf32, #tpu.memory_space<vmem>>, %arg16: memref<16x2048xf32, #tpu.memory_space<vmem>>, %arg17: memref<64xi32, #tpu.memory_space<vmem>>, %arg18: memref<64xi32, #tpu.memory_space<vmem>>, %arg19: memref<2x2048xi32, #tpu.memory_space<vmem_shared>>, %arg20: memref<!tpu.dma_semaphore, #tpu.memory_space<semaphore_mem>>, %arg21: memref<!tpu.dma_semaphore, #tpu.memory_space<semaphore_mem>>, %arg22: memref<!tpu.dma_semaphore, #tpu.memory_space<semaphore_mem>>, %arg23: memref<!tpu.dma_semaphore, #tpu.memory_space<semaphore_mem>>, %arg24: memref<!tpu.dma_semaphore, #tpu.memory_space<semaphore_mem>>) attributes {dimension_semantics = [#tpu.dimension_semantics<core_parallel>, #tpu.dimension_semantics<subcore_parallel>], iteration_bounds = array<i64: 2, 16>, scalar_prefetch = 0 : i64, scratch_operands = 17 : i64, tpu.core_type = #tpu.core_type<sc_vector_subcore>, window_params = [{transform_indices = #map}, {transform_indices = #map}, {transform_indices = #map}, {transform_indices = #map1}, {transform_indices = #map1}, {transform_indices = #map1}]} {
    %mul3A = arith.constant 2 : i32
    %mul3A_0 = arith.muli %arg1, %mul3A : i32
    %add3A = arith.addi %mul3A_0, %arg0 : i32
    %broadcast_in_dim3A = arith.constant 1 : i32
    %broadcast_in_dim3A_1 = vector.broadcast %broadcast_in_dim3A : i32 to vector<16xi32>
    %iota3A = tpu.iota {dimensions = array<i32: 0>} : vector<16xi32>
    %mul3A_2 = arith.constant 64 : i32
    %mul3A_3 = arith.muli %add3A, %mul3A_2 : i32
    %dma_start3A = arith.constant 0 : i32
    %dma_start3A_4 = tpu.memref_slice %arg2[%mul3A_3, %dma_start3A] : memref<2048x2048xf32, #tpu.memory_space<hbm>> -> memref<16x2048xf32, #tpu.memory_space<hbm>>
    %dma_start3A_5 = arith.constant 0 : i32
    %dma_start3A_6 = tpu.memref_slice %arg2[%mul3A_3, %dma_start3A_5] : memref<2048x2048xf32, #tpu.memory_space<hbm>> -> memref<16x2048xf32, #tpu.memory_space<hbm>>
    tpu.enqueue_dma source(%dma_start3A_6 : memref<16x2048xf32, #tpu.memory_space<hbm>>) target(%arg15 : memref<16x2048xf32, #tpu.memory_space<vmem>>) target_semaphore(%arg21 : memref<!tpu.dma_semaphore, #tpu.memory_space<semaphore_mem>>)
    %eq3A = arith.constant 0 : i32
    %eq3A_7 = arith.cmpi eq, %arg1, %eq3A : i32
    %convert_element_type3A = arith.extui %eq3A_7 : i1 to i32
    %cond3A = arith.constant 0 : i32
    %cond3A_8 = arith.cmpi ne, %convert_element_type3A, %cond3A : i32
    scf.if %cond3A_8 {
      %dma_start3A_106 = arith.constant 0 : i32
      %dma_start3A_107 = arith.constant 0 : i32
      %dma_start3A_108 = tpu.memref_slice %arg3[%dma_start3A_106, %dma_start3A_107] : memref<8x2048xi32, #tpu.memory_space<hbm>> -> memref<1x2048xi32, #tpu.memory_space<hbm>>
      %dma_start3A_109 = tpu.memref_squeeze %dma_start3A_108 : memref<1x2048xi32, #tpu.memory_space<hbm>> -> memref<2048xi32, #tpu.memory_space<hbm>>
      %dma_start3A_110 = arith.constant 0 : i32
      %dma_start3A_111 = tpu.memref_slice %arg3[%dma_start3A_106, %dma_start3A_110] : memref<8x2048xi32, #tpu.memory_space<hbm>> -> memref<1x2048xi32, #tpu.memory_space<hbm>>
      %dma_start3A_112 = tpu.memref_squeeze %dma_start3A_111 : memref<1x2048xi32, #tpu.memory_space<hbm>> -> memref<2048xi32, #tpu.memory_space<hbm>>
      tpu.enqueue_dma source(%dma_start3A_112 : memref<2048xi32, #tpu.memory_space<hbm>>) target(%arg8 : memref<2048xi32, #tpu.memory_space<vmem>>) target_semaphore(%arg20 : memref<!tpu.dma_semaphore, #tpu.memory_space<semaphore_mem>>)
      %dma_wait3A_113 = arith.constant 0 : i32
      %dma_wait3A_114 = arith.constant 0 : i32
      %dma_wait3A_115 = tpu.memref_slice %arg3[%dma_wait3A_113, %dma_wait3A_114] : memref<8x2048xi32, #tpu.memory_space<hbm>> -> memref<1x2048xi32, #tpu.memory_space<hbm>>
      %dma_wait3A_116 = tpu.memref_squeeze %dma_wait3A_115 : memref<1x2048xi32, #tpu.memory_space<hbm>> -> memref<2048xi32, #tpu.memory_space<hbm>>
      %dma_wait3A_117 = arith.constant 0 : i32
      %dma_wait3A_118 = tpu.memref_slice %arg3[%dma_wait3A_113, %dma_wait3A_117] : memref<8x2048xi32, #tpu.memory_space<hbm>> -> memref<1x2048xi32, #tpu.memory_space<hbm>>
      %dma_wait3A_119 = tpu.memref_squeeze %dma_wait3A_118 : memref<1x2048xi32, #tpu.memory_space<hbm>> -> memref<2048xi32, #tpu.memory_space<hbm>>
      tpu.wait_dma2 semaphore(%arg20 : memref<!tpu.dma_semaphore, #tpu.memory_space<semaphore_mem>>) src(%dma_wait3A_119 : memref<2048xi32, #tpu.memory_space<hbm>>) dst(%arg8 : memref<2048xi32, #tpu.memory_space<vmem>>)
      %dma_start3A_120 = arith.constant 1 : i32
      %dma_start3A_121 = arith.constant 0 : i32
      %dma_start3A_122 = tpu.memref_slice %arg3[%dma_start3A_120, %dma_start3A_121] : memref<8x2048xi32, #tpu.memory_space<hbm>> -> memref<1x2048xi32, #tpu.memory_space<hbm>>
      %dma_start3A_123 = tpu.memref_squeeze %dma_start3A_122 : memref<1x2048xi32, #tpu.memory_space<hbm>> -> memref<2048xi32, #tpu.memory_space<hbm>>
      %dma_start3A_124 = arith.constant 0 : i32
      %dma_start3A_125 = tpu.memref_slice %arg3[%dma_start3A_120, %dma_start3A_124] : memref<8x2048xi32, #tpu.memory_space<hbm>> -> memref<1x2048xi32, #tpu.memory_space<hbm>>
      %dma_start3A_126 = tpu.memref_squeeze %dma_start3A_125 : memref<1x2048xi32, #tpu.memory_space<hbm>> -> memref<2048xi32, #tpu.memory_space<hbm>>
      tpu.enqueue_dma source(%dma_start3A_126 : memref<2048xi32, #tpu.memory_space<hbm>>) target(%arg9 : memref<2048xi32, #tpu.memory_space<vmem>>) target_semaphore(%arg20 : memref<!tpu.dma_semaphore, #tpu.memory_space<semaphore_mem>>)
      %dma_wait3A_127 = arith.constant 1 : i32
      %dma_wait3A_128 = arith.constant 0 : i32
      %dma_wait3A_129 = tpu.memref_slice %arg3[%dma_wait3A_127, %dma_wait3A_128] : memref<8x2048xi32, #tpu.memory_space<hbm>> -> memref<1x2048xi32, #tpu.memory_space<hbm>>
      %dma_wait3A_130 = tpu.memref_squeeze %dma_wait3A_129 : memref<1x2048xi32, #tpu.memory_space<hbm>> -> memref<2048xi32, #tpu.memory_space<hbm>>
      %dma_wait3A_131 = arith.constant 0 : i32
      %dma_wait3A_132 = tpu.memref_slice %arg3[%dma_wait3A_127, %dma_wait3A_131] : memref<8x2048xi32, #tpu.memory_space<hbm>> -> memref<1x2048xi32, #tpu.memory_space<hbm>>
      %dma_wait3A_133 = tpu.memref_squeeze %dma_wait3A_132 : memref<1x2048xi32, #tpu.memory_space<hbm>> -> memref<2048xi32, #tpu.memory_space<hbm>>
      tpu.wait_dma2 semaphore(%arg20 : memref<!tpu.dma_semaphore, #tpu.memory_space<semaphore_mem>>) src(%dma_wait3A_133 : memref<2048xi32, #tpu.memory_space<hbm>>) dst(%arg9 : memref<2048xi32, #tpu.memory_space<vmem>>)
      %broadcast_in_dim3A_134 = arith.constant 0 : i32
      %broadcast_in_dim3A_135 = vector.broadcast %broadcast_in_dim3A_134 : i32 to vector<16xi32>
      %swap3A = arith.constant 0 : index
      %swap3A_136 = tpu.vector_load %arg13[%swap3A] {strides = array<i32>} : memref<16xi32, #tpu.memory_space<vmem>>, vector<16xi32>,
      tpu.vector_store %arg13[%swap3A], %broadcast_in_dim3A_135 {strides = array<i32>} : memref<16xi32, #tpu.memory_space<vmem>>, vector<16xi32>,
      %scan3A = arith.constant 0 : i32
      %scan3A_137 = arith.constant 128 : i32
      %scan3A_138 = arith.addi %scan3A, %scan3A_137 : i32
      %scan3A_139 = arith.constant 1 : i32
      scf.for %scan3A_400 = %scan3A to %scan3A_138 step %scan3A_139  : i32 {
        %mul3A_401 = arith.constant 1 : i32
        %mul3A_402 = arith.muli %scan3A_400, %mul3A_401 : i32
        %add3A_403 = arith.constant 0 : i32
        %add3A_404 = arith.addi %add3A_403, %mul3A_402 : i32
        %mul3A_405 = arith.constant 16 : i32
        %mul3A_406 = arith.muli %add3A_404, %mul3A_405 : i32
        %get3A_407 = arith.index_cast %mul3A_406 : i32 to index
        %get3A_408 = tpu.vector_load %arg8[%get3A_407] {strides = array<i32>} : memref<2048xi32, #tpu.memory_space<vmem>>, vector<16xi32>,
        tpu.vector_store_idx %arg13[%get3A_408], %broadcast_in_dim3A_1 {add = true} : memref<16xi32, #tpu.memory_space<vmem>>[vector<16xi32>], vector<16xi32>,
        %mul3A_409 = arith.constant 16 : i32
        %mul3A_410 = arith.muli %add3A_404, %mul3A_409 : i32
        %get3A_411 = arith.index_cast %mul3A_410 : i32 to index
        %get3A_412 = tpu.vector_load %arg9[%get3A_411] {strides = array<i32>} : memref<2048xi32, #tpu.memory_space<vmem>>, vector<16xi32>,
        tpu.vector_store_idx %arg13[%get3A_412], %broadcast_in_dim3A_1 {add = true} : memref<16xi32, #tpu.memory_space<vmem>>[vector<16xi32>], vector<16xi32>,
      }
      %scan3A_140 = arith.constant 128 : i32
      %get3A_141 = arith.constant 0 : index
      %get3A_142 = tpu.vector_load %arg13[%get3A_141] {strides = array<i32>} : memref<16xi32, #tpu.memory_space<vmem>>, vector<16xi32>,
      %lt3A = arith.constant 8 : i32
      %lt3A_143 = vector.broadcast %lt3A : i32 to vector<16xi32>
      %lt3A_144 = arith.cmpi slt, %iota3A, %lt3A_143 : vector<16xi32>
      %add3A_145 = arith.constant 256 : i32
      %add3A_146 = vector.broadcast %add3A_145 : i32 to vector<16xi32>
      %add3A_147 = arith.addi %get3A_142, %add3A_146 : vector<16xi32>
      %sub3A = arith.constant 1 : i32
      %sub3A_148 = vector.broadcast %sub3A : i32 to vector<16xi32>
      %sub3A_149 = arith.subi %add3A_147, %sub3A_148 : vector<16xi32>
      %jit3A = arith.constant 256 : i32
      %div3A = vector.broadcast %jit3A : i32 to vector<16xi32>
      %div3A_150 = arith.divsi %sub3A_149, %div3A : vector<16xi32>
      %sign3A = arith.constant 0 : i32
      %sign3A_151 = vector.broadcast %sign3A : i32 to vector<16xi32>
      %sign3A_152 = arith.cmpi sgt, %sub3A_149, %sign3A_151 : vector<16xi32>
      %sign3A_153 = arith.extui %sign3A_152 : vector<16xi1> to vector<16xi32>
      %sign3A_154 = arith.constant 0 : i32
      %sign3A_155 = vector.broadcast %sign3A_154 : i32 to vector<16xi32>
      %sign3A_156 = arith.cmpi slt, %sub3A_149, %sign3A_155 : vector<16xi32>
      %sign3A_157 = arith.extui %sign3A_156 : vector<16xi1> to vector<16xi32>
      %sign3A_158 = arith.subi %sign3A_153, %sign3A_157 : vector<16xi32>
      %sign3A_159 = arith.constant 0 : i32
      %sign3A_160 = arith.cmpi sgt, %jit3A, %sign3A_159 : i32
      %sign3A_161 = arith.extui %sign3A_160 : i1 to i32
      %sign3A_162 = arith.constant 0 : i32
      %sign3A_163 = arith.cmpi slt, %jit3A, %sign3A_162 : i32
      %sign3A_164 = arith.extui %sign3A_163 : i1 to i32
      %sign3A_165 = arith.subi %sign3A_161, %sign3A_164 : i32
      %ne3A = vector.broadcast %sign3A_165 : i32 to vector<16xi32>
      %ne3A_166 = arith.cmpi ne, %sign3A_158, %ne3A : vector<16xi32>
      %rem3A = vector.broadcast %jit3A : i32 to vector<16xi32>
      %rem3A_167 = arith.remsi %sub3A_149, %rem3A : vector<16xi32>
      %ne3A_168 = arith.constant 0 : i32
      %ne3A_169 = vector.broadcast %ne3A_168 : i32 to vector<16xi32>
      %ne3A_170 = arith.cmpi ne, %rem3A_167, %ne3A_169 : vector<16xi32>
      %and3A = arith.andi %ne3A_166, %ne3A_170 : vector<16xi1>
      %sub3A_171 = arith.constant 1 : i32
      %sub3A_172 = vector.broadcast %sub3A_171 : i32 to vector<16xi32>
      %sub3A_173 = arith.subi %div3A_150, %sub3A_172 : vector<16xi32>
      %select_n3A = arith.select %and3A, %sub3A_173, %div3A_150 : vector<16xi1>, vector<16xi32>
      %jit3A_174 = arith.constant 0 : i32
      %broadcast_in_dim3A_175 = vector.broadcast %jit3A_174 : i32 to vector<16xi32>
      %select_n3A_176 = arith.select %lt3A_144, %select_n3A, %broadcast_in_dim3A_175 : vector<16xi1>, vector<16xi32>
      %broadcast_in_dim3A_177 = arith.constant true
      %broadcast_in_dim3A_178 = vector.broadcast %broadcast_in_dim3A_177 : i1 to vector<16xi1>
      %masked_cumsum3A = tpu.scan <sum>, %select_n3A_176 masked %broadcast_in_dim3A_178 : vector<16xi32>, vector<16xi1> -> vector<16xi32>
      %sub3A_179 = arith.subi %masked_cumsum3A, %select_n3A_176 : vector<16xi32>
      %mul3A_180 = arith.constant 256 : i32
      %mul3A_181 = vector.broadcast %mul3A_180 : i32 to vector<16xi32>
      %mul3A_182 = arith.muli %sub3A_179, %mul3A_181 : vector<16xi32>
      %swap3A_183 = arith.constant 0 : index
      %swap3A_184 = tpu.vector_load %arg14[%swap3A_183] {strides = array<i32>} : memref<16xi32, #tpu.memory_space<vmem>>, vector<16xi32>,
      tpu.vector_store %arg14[%swap3A_183], %mul3A_182 {strides = array<i32>} : memref<16xi32, #tpu.memory_space<vmem>>, vector<16xi32>,
      %add3A_185 = arith.constant 0 : i32
      %add3A_186 = vector.broadcast %add3A_185 : i32 to vector<16xi32>
      %add3A_187 = arith.addi %iota3A, %add3A_186 : vector<16xi32>
      %broadcast_in_dim3A_188 = arith.constant -1 : i32
      %broadcast_in_dim3A_189 = vector.broadcast %broadcast_in_dim3A_188 : i32 to vector<16xi32>
      %broadcast_in_dim3A_190 = arith.constant 0 : i32
      %broadcast_in_dim3A_191 = vector.broadcast %broadcast_in_dim3A_190 : i32 to vector<16x1xi32>
      %gather3A = vector.shape_cast %broadcast_in_dim3A_191 : vector<16x1xi32> to vector<16xi32>
      %gather3A_192 = tpu.dynamic_gather %sub3A_179[%gather3A] in [0] : vector<16xi32>, vector<16xi32> -> vector<16xi32>
      %ge3A = arith.cmpi sge, %add3A_187, %gather3A_192 : vector<16xi32>
      %jit3A_193 = arith.constant 1 : i32
      %jit3A_194 = arith.constant 0 : i32
      %broadcast_in_dim3A_195 = vector.broadcast %jit3A_193 : i32 to vector<16xi32>
      %broadcast_in_dim3A_196 = vector.broadcast %jit3A_194 : i32 to vector<16xi32>
      %select_n3A_197 = arith.select %ge3A, %broadcast_in_dim3A_195, %broadcast_in_dim3A_196 : vector<16xi1>, vector<16xi32>
      %add3A_198 = arith.addi %broadcast_in_dim3A_189, %select_n3A_197 : vector<16xi32>
      %broadcast_in_dim3A_199 = arith.constant 1 : i32
      %broadcast_in_dim3A_200 = vector.broadcast %broadcast_in_dim3A_199 : i32 to vector<16x1xi32>
      %gather3A_201 = vector.shape_cast %broadcast_in_dim3A_200 : vector<16x1xi32> to vector<16xi32>
      %gather3A_202 = tpu.dynamic_gather %sub3A_179[%gather3A_201] in [0] : vector<16xi32>, vector<16xi32> -> vector<16xi32>
      %ge3A_203 = arith.cmpi sge, %add3A_187, %gather3A_202 : vector<16xi32>
      %jit3A_204 = arith.constant 1 : i32
      %jit3A_205 = arith.constant 0 : i32
      %broadcast_in_dim3A_206 = vector.broadcast %jit3A_204 : i32 to vector<16xi32>
      %broadcast_in_dim3A_207 = vector.broadcast %jit3A_205 : i32 to vector<16xi32>
      %select_n3A_208 = arith.select %ge3A_203, %broadcast_in_dim3A_206, %broadcast_in_dim3A_207 : vector<16xi1>, vector<16xi32>
      %add3A_209 = arith.addi %add3A_198, %select_n3A_208 : vector<16xi32>
      %broadcast_in_dim3A_210 = arith.constant 2 : i32
      %broadcast_in_dim3A_211 = vector.broadcast %broadcast_in_dim3A_210 : i32 to vector<16x1xi32>
      %gather3A_212 = vector.shape_cast %broadcast_in_dim3A_211 : vector<16x1xi32> to vector<16xi32>
      %gather3A_213 = tpu.dynamic_gather %sub3A_179[%gather3A_212] in [0] : vector<16xi32>, vector<16xi32> -> vector<16xi32>
      %ge3A_214 = arith.cmpi sge, %add3A_187, %gather3A_213 : vector<16xi32>
      %jit3A_215 = arith.constant 1 : i32
      %jit3A_216 = arith.constant 0 : i32
      %broadcast_in_dim3A_217 = vector.broadcast %jit3A_215 : i32 to vector<16xi32>
      %broadcast_in_dim3A_218 = vector.broadcast %jit3A_216 : i32 to vector<16xi32>
      %select_n3A_219 = arith.select %ge3A_214, %broadcast_in_dim3A_217, %broadcast_in_dim3A_218 : vector<16xi1>, vector<16xi32>
      %add3A_220 = arith.addi %add3A_209, %select_n3A_219 : vector<16xi32>
      %broadcast_in_dim3A_221 = arith.constant 3 : i32
      %broadcast_in_dim3A_222 = vector.broadcast %broadcast_in_dim3A_221 : i32 to vector<16x1xi32>
      %gather3A_223 = vector.shape_cast %broadcast_in_dim3A_222 : vector<16x1xi32> to vector<16xi32>
      %gather3A_224 = tpu.dynamic_gather %sub3A_179[%gather3A_223] in [0] : vector<16xi32>, vector<16xi32> -> vector<16xi32>
      %ge3A_225 = arith.cmpi sge, %add3A_187, %gather3A_224 : vector<16xi32>
      %jit3A_226 = arith.constant 1 : i32
      %jit3A_227 = arith.constant 0 : i32
      %broadcast_in_dim3A_228 = vector.broadcast %jit3A_226 : i32 to vector<16xi32>
      %broadcast_in_dim3A_229 = vector.broadcast %jit3A_227 : i32 to vector<16xi32>
      %select_n3A_230 = arith.select %ge3A_225, %broadcast_in_dim3A_228, %broadcast_in_dim3A_229 : vector<16xi1>, vector<16xi32>
      %add3A_231 = arith.addi %add3A_220, %select_n3A_230 : vector<16xi32>
      %broadcast_in_dim3A_232 = arith.constant 4 : i32
      %broadcast_in_dim3A_233 = vector.broadcast %broadcast_in_dim3A_232 : i32 to vector<16x1xi32>
      %gather3A_234 = vector.shape_cast %broadcast_in_dim3A_233 : vector<16x1xi32> to vector<16xi32>
      %gather3A_235 = tpu.dynamic_gather %sub3A_179[%gather3A_234] in [0] : vector<16xi32>, vector<16xi32> -> vector<16xi32>
      %ge3A_236 = arith.cmpi sge, %add3A_187, %gather3A_235 : vector<16xi32>
      %jit3A_237 = arith.constant 1 : i32
      %jit3A_238 = arith.constant 0 : i32
      %broadcast_in_dim3A_239 = vector.broadcast %jit3A_237 : i32 to vector<16xi32>
      %broadcast_in_dim3A_240 = vector.broadcast %jit3A_238 : i32 to vector<16xi32>
      %select_n3A_241 = arith.select %ge3A_236, %broadcast_in_dim3A_239, %broadcast_in_dim3A_240 : vector<16xi1>, vector<16xi32>
      %add3A_242 = arith.addi %add3A_231, %select_n3A_241 : vector<16xi32>
      %broadcast_in_dim3A_243 = arith.constant 5 : i32
      %broadcast_in_dim3A_244 = vector.broadcast %broadcast_in_dim3A_243 : i32 to vector<16x1xi32>
      %gather3A_245 = vector.shape_cast %broadcast_in_dim3A_244 : vector<16x1xi32> to vector<16xi32>
      %gather3A_246 = tpu.dynamic_gather %sub3A_179[%gather3A_245] in [0] : vector<16xi32>, vector<16xi32> -> vector<16xi32>
      %ge3A_247 = arith.cmpi sge, %add3A_187, %gather3A_246 : vector<16xi32>
      %jit3A_248 = arith.constant 1 : i32
      %jit3A_249 = arith.constant 0 : i32
      %broadcast_in_dim3A_250 = vector.broadcast %jit3A_248 : i32 to vector<16xi32>
      %broadcast_in_dim3A_251 = vector.broadcast %jit3A_249 : i32 to vector<16xi32>
      %select_n3A_252 = arith.select %ge3A_247, %broadcast_in_dim3A_250, %broadcast_in_dim3A_251 : vector<16xi1>, vector<16xi32>
      %add3A_253 = arith.addi %add3A_242, %select_n3A_252 : vector<16xi32>
      %broadcast_in_dim3A_254 = arith.constant 6 : i32
      %broadcast_in_dim3A_255 = vector.broadcast %broadcast_in_dim3A_254 : i32 to vector<16x1xi32>
      %gather3A_256 = vector.shape_cast %broadcast_in_dim3A_255 : vector<16x1xi32> to vector<16xi32>
      %gather3A_257 = tpu.dynamic_gather %sub3A_179[%gather3A_256] in [0] : vector<16xi32>, vector<16xi32> -> vector<16xi32>
      %ge3A_258 = arith.cmpi sge, %add3A_187, %gather3A_257 : vector<16xi32>
      %jit3A_259 = arith.constant 1 : i32
      %jit3A_260 = arith.constant 0 : i32
      %broadcast_in_dim3A_261 = vector.broadcast %jit3A_259 : i32 to vector<16xi32>
      %broadcast_in_dim3A_262 = vector.broadcast %jit3A_260 : i32 to vector<16xi32>
      %select_n3A_263 = arith.select %ge3A_258, %broadcast_in_dim3A_261, %broadcast_in_dim3A_262 : vector<16xi1>, vector<16xi32>
      %add3A_264 = arith.addi %add3A_253, %select_n3A_263 : vector<16xi32>
      %broadcast_in_dim3A_265 = arith.constant 7 : i32
      %broadcast_in_dim3A_266 = vector.broadcast %broadcast_in_dim3A_265 : i32 to vector<16x1xi32>
      %gather3A_267 = vector.shape_cast %broadcast_in_dim3A_266 : vector<16x1xi32> to vector<16xi32>
      %gather3A_268 = tpu.dynamic_gather %sub3A_179[%gather3A_267] in [0] : vector<16xi32>, vector<16xi32> -> vector<16xi32>
      %ge3A_269 = arith.cmpi sge, %add3A_187, %gather3A_268 : vector<16xi32>
      %jit3A_270 = arith.constant 1 : i32
      %jit3A_271 = arith.constant 0 : i32
      %broadcast_in_dim3A_272 = vector.broadcast %jit3A_270 : i32 to vector<16xi32>
      %broadcast_in_dim3A_273 = vector.broadcast %jit3A_271 : i32 to vector<16xi32>
      %select_n3A_274 = arith.select %ge3A_269, %broadcast_in_dim3A_272, %broadcast_in_dim3A_273 : vector<16xi1>, vector<16xi32>
      %add3A_275 = arith.addi %add3A_264, %select_n3A_274 : vector<16xi32>
      %jit3A_276 = arith.constant 0 : i32
      %jit3A_277 = arith.constant 7 : i32
      %max3A = vector.broadcast %jit3A_276 : i32 to vector<16xi32>
      %max3A_278 = arith.maxsi %max3A, %add3A_275 : vector<16xi32>
      %min3A = vector.broadcast %jit3A_277 : i32 to vector<16xi32>
      %min3A_279 = arith.minsi %min3A, %max3A_278 : vector<16xi32>
      %swap3A_280 = arith.constant 0 : index
      %swap3A_281 = tpu.vector_load %arg12[%swap3A_280] {strides = array<i32>} : memref<32xi32, #tpu.memory_space<vmem>>, vector<16xi32>,
      tpu.vector_store %arg12[%swap3A_280], %min3A_279 {strides = array<i32>} : memref<32xi32, #tpu.memory_space<vmem>>, vector<16xi32>,
      %add3A_282 = arith.constant 16 : i32
      %add3A_283 = vector.broadcast %add3A_282 : i32 to vector<16xi32>
      %add3A_284 = arith.addi %iota3A, %add3A_283 : vector<16xi32>
      %broadcast_in_dim3A_285 = arith.constant -1 : i32
      %broadcast_in_dim3A_286 = vector.broadcast %broadcast_in_dim3A_285 : i32 to vector<16xi32>
      %broadcast_in_dim3A_287 = arith.constant 0 : i32
      %broadcast_in_dim3A_288 = vector.broadcast %broadcast_in_dim3A_287 : i32 to vector<16x1xi32>
      %gather3A_289 = vector.shape_cast %broadcast_in_dim3A_288 : vector<16x1xi32> to vector<16xi32>
      %gather3A_290 = tpu.dynamic_gather %sub3A_179[%gather3A_289] in [0] : vector<16xi32>, vector<16xi32> -> vector<16xi32>
      %ge3A_291 = arith.cmpi sge, %add3A_284, %gather3A_290 : vector<16xi32>
      %jit3A_292 = arith.constant 1 : i32
      %jit3A_293 = arith.constant 0 : i32
      %broadcast_in_dim3A_294 = vector.broadcast %jit3A_292 : i32 to vector<16xi32>
      %broadcast_in_dim3A_295 = vector.broadcast %jit3A_293 : i32 to vector<16xi32>
      %select_n3A_296 = arith.select %ge3A_291, %broadcast_in_dim3A_294, %broadcast_in_dim3A_295 : vector<16xi1>, vector<16xi32>
      %add3A_297 = arith.addi %broadcast_in_dim3A_286, %select_n3A_296 : vector<16xi32>
      %broadcast_in_dim3A_298 = arith.constant 1 : i32
      %broadcast_in_dim3A_299 = vector.broadcast %broadcast_in_dim3A_298 : i32 to vector<16x1xi32>
      %gather3A_300 = vector.shape_cast %broadcast_in_dim3A_299 : vector<16x1xi32> to vector<16xi32>
      %gather3A_301 = tpu.dynamic_gather %sub3A_179[%gather3A_300] in [0] : vector<16xi32>, vector<16xi32> -> vector<16xi32>
      %ge3A_302 = arith.cmpi sge, %add3A_284, %gather3A_301 : vector<16xi32>
      %jit3A_303 = arith.constant 1 : i32
      %jit3A_304 = arith.constant 0 : i32
      %broadcast_in_dim3A_305 = vector.broadcast %jit3A_303 : i32 to vector<16xi32>
      %broadcast_in_dim3A_306 = vector.broadcast %jit3A_304 : i32 to vector<16xi32>
      %select_n3A_307 = arith.select %ge3A_302, %broadcast_in_dim3A_305, %broadcast_in_dim3A_306 : vector<16xi1>, vector<16xi32>
      %add3A_308 = arith.addi %add3A_297, %select_n3A_307 : vector<16xi32>
      %broadcast_in_dim3A_309 = arith.constant 2 : i32
      %broadcast_in_dim3A_310 = vector.broadcast %broadcast_in_dim3A_309 : i32 to vector<16x1xi32>
      %gather3A_311 = vector.shape_cast %broadcast_in_dim3A_310 : vector<16x1xi32> to vector<16xi32>
      %gather3A_312 = tpu.dynamic_gather %sub3A_179[%gather3A_311] in [0] : vector<16xi32>, vector<16xi32> -> vector<16xi32>
      %ge3A_313 = arith.cmpi sge, %add3A_284, %gather3A_312 : vector<16xi32>
      %jit3A_314 = arith.constant 1 : i32
      %jit3A_315 = arith.constant 0 : i32
      %broadcast_in_dim3A_316 = vector.broadcast %jit3A_314 : i32 to vector<16xi32>
      %broadcast_in_dim3A_317 = vector.broadcast %jit3A_315 : i32 to vector<16xi32>
      %select_n3A_318 = arith.select %ge3A_313, %broadcast_in_dim3A_316, %broadcast_in_dim3A_317 : vector<16xi1>, vector<16xi32>
      %add3A_319 = arith.addi %add3A_308, %select_n3A_318 : vector<16xi32>
      %broadcast_in_dim3A_320 = arith.constant 3 : i32
      %broadcast_in_dim3A_321 = vector.broadcast %broadcast_in_dim3A_320 : i32 to vector<16x1xi32>
      %gather3A_322 = vector.shape_cast %broadcast_in_dim3A_321 : vector<16x1xi32> to vector<16xi32>
      %gather3A_323 = tpu.dynamic_gather %sub3A_179[%gather3A_322] in [0] : vector<16xi32>, vector<16xi32> -> vector<16xi32>
      %ge3A_324 = arith.cmpi sge, %add3A_284, %gather3A_323 : vector<16xi32>
      %jit3A_325 = arith.constant 1 : i32
      %jit3A_326 = arith.constant 0 : i32
      %broadcast_in_dim3A_327 = vector.broadcast %jit3A_325 : i32 to vector<16xi32>
      %broadcast_in_dim3A_328 = vector.broadcast %jit3A_326 : i32 to vector<16xi32>
      %select_n3A_329 = arith.select %ge3A_324, %broadcast_in_dim3A_327, %broadcast_in_dim3A_328 : vector<16xi1>, vector<16xi32>
      %add3A_330 = arith.addi %add3A_319, %select_n3A_329 : vector<16xi32>
      %broadcast_in_dim3A_331 = arith.constant 4 : i32
      %broadcast_in_dim3A_332 = vector.broadcast %broadcast_in_dim3A_331 : i32 to vector<16x1xi32>
      %gather3A_333 = vector.shape_cast %broadcast_in_dim3A_332 : vector<16x1xi32> to vector<16xi32>
      %gather3A_334 = tpu.dynamic_gather %sub3A_179[%gather3A_333] in [0] : vector<16xi32>, vector<16xi32> -> vector<16xi32>
      %ge3A_335 = arith.cmpi sge, %add3A_284, %gather3A_334 : vector<16xi32>
      %jit3A_336 = arith.constant 1 : i32
      %jit3A_337 = arith.constant 0 : i32
      %broadcast_in_dim3A_338 = vector.broadcast %jit3A_336 : i32 to vector<16xi32>
      %broadcast_in_dim3A_339 = vector.broadcast %jit3A_337 : i32 to vector<16xi32>
      %select_n3A_340 = arith.select %ge3A_335, %broadcast_in_dim3A_338, %broadcast_in_dim3A_339 : vector<16xi1>, vector<16xi32>
      %add3A_341 = arith.addi %add3A_330, %select_n3A_340 : vector<16xi32>
      %broadcast_in_dim3A_342 = arith.constant 5 : i32
      %broadcast_in_dim3A_343 = vector.broadcast %broadcast_in_dim3A_342 : i32 to vector<16x1xi32>
      %gather3A_344 = vector.shape_cast %broadcast_in_dim3A_343 : vector<16x1xi32> to vector<16xi32>
      %gather3A_345 = tpu.dynamic_gather %sub3A_179[%gather3A_344] in [0] : vector<16xi32>, vector<16xi32> -> vector<16xi32>
      %ge3A_346 = arith.cmpi sge, %add3A_284, %gather3A_345 : vector<16xi32>
      %jit3A_347 = arith.constant 1 : i32
      %jit3A_348 = arith.constant 0 : i32
      %broadcast_in_dim3A_349 = vector.broadcast %jit3A_347 : i32 to vector<16xi32>
      %broadcast_in_dim3A_350 = vector.broadcast %jit3A_348 : i32 to vector<16xi32>
      %select_n3A_351 = arith.select %ge3A_346, %broadcast_in_dim3A_349, %broadcast_in_dim3A_350 : vector<16xi1>, vector<16xi32>
      %add3A_352 = arith.addi %add3A_341, %select_n3A_351 : vector<16xi32>
      %broadcast_in_dim3A_353 = arith.constant 6 : i32
      %broadcast_in_dim3A_354 = vector.broadcast %broadcast_in_dim3A_353 : i32 to vector<16x1xi32>
      %gather3A_355 = vector.shape_cast %broadcast_in_dim3A_354 : vector<16x1xi32> to vector<16xi32>
      %gather3A_356 = tpu.dynamic_gather %sub3A_179[%gather3A_355] in [0] : vector<16xi32>, vector<16xi32> -> vector<16xi32>
      %ge3A_357 = arith.cmpi sge, %add3A_284, %gather3A_356 : vector<16xi32>
      %jit3A_358 = arith.constant 1 : i32
      %jit3A_359 = arith.constant 0 : i32
      %broadcast_in_dim3A_360 = vector.broadcast %jit3A_358 : i32 to vector<16xi32>
      %broadcast_in_dim3A_361 = vector.broadcast %jit3A_359 : i32 to vector<16xi32>
      %select_n3A_362 = arith.select %ge3A_357, %broadcast_in_dim3A_360, %broadcast_in_dim3A_361 : vector<16xi1>, vector<16xi32>
      %add3A_363 = arith.addi %add3A_352, %select_n3A_362 : vector<16xi32>
      %broadcast_in_dim3A_364 = arith.constant 7 : i32
      %broadcast_in_dim3A_365 = vector.broadcast %broadcast_in_dim3A_364 : i32 to vector<16x1xi32>
      %gather3A_366 = vector.shape_cast %broadcast_in_dim3A_365 : vector<16x1xi32> to vector<16xi32>
      %gather3A_367 = tpu.dynamic_gather %sub3A_179[%gather3A_366] in [0] : vector<16xi32>, vector<16xi32> -> vector<16xi32>
      %ge3A_368 = arith.cmpi sge, %add3A_284, %gather3A_367 : vector<16xi32>
      %jit3A_369 = arith.constant 1 : i32
      %jit3A_370 = arith.constant 0 : i32
      %broadcast_in_dim3A_371 = vector.broadcast %jit3A_369 : i32 to vector<16xi32>
      %broadcast_in_dim3A_372 = vector.broadcast %jit3A_370 : i32 to vector<16xi32>
      %select_n3A_373 = arith.select %ge3A_368, %broadcast_in_dim3A_371, %broadcast_in_dim3A_372 : vector<16xi1>, vector<16xi32>
      %add3A_374 = arith.addi %add3A_363, %select_n3A_373 : vector<16xi32>
      %jit3A_375 = arith.constant 0 : i32
      %jit3A_376 = arith.constant 7 : i32
      %max3A_377 = vector.broadcast %jit3A_375 : i32 to vector<16xi32>
      %max3A_378 = arith.maxsi %max3A_377, %add3A_374 : vector<16xi32>
      %min3A_379 = vector.broadcast %jit3A_376 : i32 to vector<16xi32>
      %min3A_380 = arith.minsi %min3A_379, %max3A_378 : vector<16xi32>
      %swap3A_381 = arith.constant 16 : index
      %swap3A_382 = tpu.vector_load %arg12[%swap3A_381] {strides = array<i32>} : memref<32xi32, #tpu.memory_space<vmem>>, vector<16xi32>,
      tpu.vector_store %arg12[%swap3A_381], %min3A_380 {strides = array<i32>} : memref<32xi32, #tpu.memory_space<vmem>>, vector<16xi32>,
      %scan3A_383 = arith.constant 0 : i32
      %scan3A_384 = arith.constant 128 : i32
      %scan3A_385 = arith.addi %scan3A_383, %scan3A_384 : i32
      %scan3A_386 = arith.constant 1 : i32
      scf.for %scan3A_400 = %scan3A_383 to %scan3A_385 step %scan3A_386  : i32 {
        %mul3A_401 = arith.constant 1 : i32
        %mul3A_402 = arith.muli %scan3A_400, %mul3A_401 : i32
        %add3A_403 = arith.constant 0 : i32
        %add3A_404 = arith.addi %add3A_403, %mul3A_402 : i32
        %mul3A_405 = arith.constant 16 : i32
        %mul3A_406 = arith.muli %add3A_404, %mul3A_405 : i32
        %get3A_407 = arith.index_cast %mul3A_406 : i32 to index
        %get3A_408 = tpu.vector_load %arg8[%get3A_407] {strides = array<i32>} : memref<2048xi32, #tpu.memory_space<vmem>>, vector<16xi32>,
        %broadcast_in_dim3A_409 = arith.constant true
        %broadcast_in_dim3A_410 = vector.broadcast %broadcast_in_dim3A_409 : i1 to vector<16xi1>
        %unique3A, %unique3A_411 = tpu.scan_count mask(%broadcast_in_dim3A_410 : vector<16xi1>) value(%get3A_408 : vector<16xi32>) : vector<16xi1>, vector<16xi32>
        %gather3A_412 = tpu.vector_load_idx %arg14[%get3A_408] : memref<16xi32, #tpu.memory_space<vmem>>[vector<16xi32>], vector<16xi32>,
        %add3A_413 = arith.addi %gather3A_412, %unique3A_411 : vector<16xi32>
        %sub3A_414 = arith.constant 1 : i32
        %sub3A_415 = vector.broadcast %sub3A_414 : i32 to vector<16xi32>
        %sub3A_416 = arith.subi %add3A_413, %sub3A_415 : vector<16xi32>
        %mul3A_417 = arith.constant 16 : i32
        %mul3A_418 = arith.muli %add3A_404, %mul3A_417 : i32
        %swap3A_419 = arith.index_cast %mul3A_418 : i32 to index
        %swap3A_420 = tpu.vector_load %arg10[%swap3A_419] {strides = array<i32>} : memref<2048xi32, #tpu.memory_space<vmem>>, vector<16xi32>,
        tpu.vector_store %arg10[%swap3A_419], %sub3A_416 {strides = array<i32>} : memref<2048xi32, #tpu.memory_space<vmem>>, vector<16xi32>,
        tpu.vector_store_idx %arg14[%get3A_408], %broadcast_in_dim3A_1 {add = true} : memref<16xi32, #tpu.memory_space<vmem>>[vector<16xi32>], vector<16xi32>,
      }
      %scan3A_387 = arith.constant 128 : i32
      %scan3A_388 = arith.constant 0 : i32
      %scan3A_389 = arith.constant 128 : i32
      %scan3A_390 = arith.addi %scan3A_388, %scan3A_389 : i32
      %scan3A_391 = arith.constant 1 : i32
      scf.for %scan3A_400 = %scan3A_388 to %scan3A_390 step %scan3A_391  : i32 {
        %mul3A_401 = arith.constant 1 : i32
        %mul3A_402 = arith.muli %scan3A_400, %mul3A_401 : i32
        %add3A_403 = arith.constant 0 : i32
        %add3A_404 = arith.addi %add3A_403, %mul3A_402 : i32
        %mul3A_405 = arith.constant 16 : i32
        %mul3A_406 = arith.muli %add3A_404, %mul3A_405 : i32
        %get3A_407 = arith.index_cast %mul3A_406 : i32 to index
        %get3A_408 = tpu.vector_load %arg9[%get3A_407] {strides = array<i32>} : memref<2048xi32, #tpu.memory_space<vmem>>, vector<16xi32>,
        %broadcast_in_dim3A_409 = arith.constant true
        %broadcast_in_dim3A_410 = vector.broadcast %broadcast_in_dim3A_409 : i1 to vector<16xi1>
        %unique3A, %unique3A_411 = tpu.scan_count mask(%broadcast_in_dim3A_410 : vector<16xi1>) value(%get3A_408 : vector<16xi32>) : vector<16xi1>, vector<16xi32>
        %gather3A_412 = tpu.vector_load_idx %arg14[%get3A_408] : memref<16xi32, #tpu.memory_space<vmem>>[vector<16xi32>], vector<16xi32>,
        %add3A_413 = arith.addi %gather3A_412, %unique3A_411 : vector<16xi32>
        %sub3A_414 = arith.constant 1 : i32
        %sub3A_415 = vector.broadcast %sub3A_414 : i32 to vector<16xi32>
        %sub3A_416 = arith.subi %add3A_413, %sub3A_415 : vector<16xi32>
        %mul3A_417 = arith.constant 16 : i32
        %mul3A_418 = arith.muli %add3A_404, %mul3A_417 : i32
        %swap3A_419 = arith.index_cast %mul3A_418 : i32 to index
        %swap3A_420 = tpu.vector_load %arg11[%swap3A_419] {strides = array<i32>} : memref<2048xi32, #tpu.memory_space<vmem>>, vector<16xi32>,
        tpu.vector_store %arg11[%swap3A_419], %sub3A_416 {strides = array<i32>} : memref<2048xi32, #tpu.memory_space<vmem>>, vector<16xi32>,
        tpu.vector_store_idx %arg14[%get3A_408], %broadcast_in_dim3A_1 {add = true} : memref<16xi32, #tpu.memory_space<vmem>>[vector<16xi32>], vector<16xi32>,
      }
      %scan3A_392 = arith.constant 128 : i32
      %run_scoped3A_393 = arith.constant 0 : i32
      "tpu.region"() ({
        %run_scoped3A_400 = tpu.sem_alloc : memref<!tpu.dma_semaphore, #tpu.memory_space<semaphore_mem>>
        %dma_start3A_401 = arith.constant 0 : i32
        %dma_start3A_402 = tpu.memref_slice %arg19[%run_scoped3A_393, %dma_start3A_401] : memref<2x2048xi32, #tpu.memory_space<vmem_shared>> -> memref<1x2048xi32, #tpu.memory_space<vmem_shared>>
        %dma_start3A_403 = tpu.memref_squeeze %dma_start3A_402 : memref<1x2048xi32, #tpu.memory_space<vmem_shared>> -> memref<2048xi32, #tpu.memory_space<vmem_shared>>
        %dma_start3A_404 = arith.constant 0 : i32
        %dma_start3A_405 = tpu.memref_slice %arg19[%run_scoped3A_393, %dma_start3A_404] : memref<2x2048xi32, #tpu.memory_space<vmem_shared>> -> memref<1x2048xi32, #tpu.memory_space<vmem_shared>>
        %dma_start3A_406 = tpu.memref_squeeze %dma_start3A_405 : memref<1x2048xi32, #tpu.memory_space<vmem_shared>> -> memref<2048xi32, #tpu.memory_space<vmem_shared>>
        tpu.enqueue_dma source(%arg10 : memref<2048xi32, #tpu.memory_space<vmem>>) target(%dma_start3A_406 : memref<2048xi32, #tpu.memory_space<vmem_shared>>) target_semaphore(%run_scoped3A_400 : memref<!tpu.dma_semaphore, #tpu.memory_space<semaphore_mem>>)
        %dma_wait3A_407 = arith.constant 0 : i32
        %dma_wait3A_408 = tpu.memref_slice %arg19[%run_scoped3A_393, %dma_wait3A_407] : memref<2x2048xi32, #tpu.memory_space<vmem_shared>> -> memref<1x2048xi32, #tpu.memory_space<vmem_shared>>
        %dma_wait3A_409 = tpu.memref_squeeze %dma_wait3A_408 : memref<1x2048xi32, #tpu.memory_space<vmem_shared>> -> memref<2048xi32, #tpu.memory_space<vmem_shared>>
        %dma_wait3A_410 = arith.constant 0 : i32
        %dma_wait3A_411 = tpu.memref_slice %arg19[%run_scoped3A_393, %dma_wait3A_410] : memref<2x2048xi32, #tpu.memory_space<vmem_shared>> -> memref<1x2048xi32, #tpu.memory_space<vmem_shared>>
        %dma_wait3A_412 = tpu.memref_squeeze %dma_wait3A_411 : memref<1x2048xi32, #tpu.memory_space<vmem_shared>> -> memref<2048xi32, #tpu.memory_space<vmem_shared>>
        tpu.wait_dma2 semaphore(%run_scoped3A_400 : memref<!tpu.dma_semaphore, #tpu.memory_space<semaphore_mem>>) src(%arg10 : memref<2048xi32, #tpu.memory_space<vmem>>) dst(%dma_wait3A_412 : memref<2048xi32, #tpu.memory_space<vmem_shared>>)
        tpu.yield
      }) : () -> ()
      %run_scoped3A_394 = arith.constant 1 : i32
      "tpu.region"() ({
        %run_scoped3A_400 = tpu.sem_alloc : memref<!tpu.dma_semaphore, #tpu.memory_space<semaphore_mem>>
        %dma_start3A_401 = arith.constant 0 : i32
        %dma_start3A_402 = tpu.memref_slice %arg19[%run_scoped3A_394, %dma_start3A_401] : memref<2x2048xi32, #tpu.memory_space<vmem_shared>> -> memref<1x2048xi32, #tpu.memory_space<vmem_shared>>
        %dma_start3A_403 = tpu.memref_squeeze %dma_start3A_402 : memref<1x2048xi32, #tpu.memory_space<vmem_shared>> -> memref<2048xi32, #tpu.memory_space<vmem_shared>>
        %dma_start3A_404 = arith.constant 0 : i32
        %dma_start3A_405 = tpu.memref_slice %arg19[%run_scoped3A_394, %dma_start3A_404] : memref<2x2048xi32, #tpu.memory_space<vmem_shared>> -> memref<1x2048xi32, #tpu.memory_space<vmem_shared>>
        %dma_start3A_406 = tpu.memref_squeeze %dma_start3A_405 : memref<1x2048xi32, #tpu.memory_space<vmem_shared>> -> memref<2048xi32, #tpu.memory_space<vmem_shared>>
        tpu.enqueue_dma source(%arg11 : memref<2048xi32, #tpu.memory_space<vmem>>) target(%dma_start3A_406 : memref<2048xi32, #tpu.memory_space<vmem_shared>>) target_semaphore(%run_scoped3A_400 : memref<!tpu.dma_semaphore, #tpu.memory_space<semaphore_mem>>)
        %dma_wait3A_407 = arith.constant 0 : i32
        %dma_wait3A_408 = tpu.memref_slice %arg19[%run_scoped3A_394, %dma_wait3A_407] : memref<2x2048xi32, #tpu.memory_space<vmem_shared>> -> memref<1x2048xi32, #tpu.memory_space<vmem_shared>>
        %dma_wait3A_409 = tpu.memref_squeeze %dma_wait3A_408 : memref<1x2048xi32, #tpu.memory_space<vmem_shared>> -> memref<2048xi32, #tpu.memory_space<vmem_shared>>
        %dma_wait3A_410 = arith.constant 0 : i32
        %dma_wait3A_411 = tpu.memref_slice %arg19[%run_scoped3A_394, %dma_wait3A_410] : memref<2x2048xi32, #tpu.memory_space<vmem_shared>> -> memref<1x2048xi32, #tpu.memory_space<vmem_shared>>
        %dma_wait3A_412 = tpu.memref_squeeze %dma_wait3A_411 : memref<1x2048xi32, #tpu.memory_space<vmem_shared>> -> memref<2048xi32, #tpu.memory_space<vmem_shared>>
        tpu.wait_dma2 semaphore(%run_scoped3A_400 : memref<!tpu.dma_semaphore, #tpu.memory_space<semaphore_mem>>) src(%arg11 : memref<2048xi32, #tpu.memory_space<vmem>>) dst(%dma_wait3A_412 : memref<2048xi32, #tpu.memory_space<vmem_shared>>)
        tpu.yield
      }) : () -> ()
      %eq3A_395 = arith.constant 0 : i32
      %eq3A_396 = arith.cmpi eq, %arg0, %eq3A_395 : i32
      %convert_element_type3A_397 = arith.extui %eq3A_396 : i1 to i32
      %cond3A_398 = arith.constant 0 : i32
      %cond3A_399 = arith.cmpi ne, %convert_element_type3A_397, %cond3A_398 : i32
      scf.if %cond3A_399 {
        tpu.enqueue_dma source(%arg10 : memref<2048xi32, #tpu.memory_space<vmem>>) target(%arg5 : memref<2048xi32, #tpu.memory_space<hbm>>) target_semaphore(%arg20 : memref<!tpu.dma_semaphore, #tpu.memory_space<semaphore_mem>>)
        tpu.wait_dma2 semaphore(%arg20 : memref<!tpu.dma_semaphore, #tpu.memory_space<semaphore_mem>>) src(%arg10 : memref<2048xi32, #tpu.memory_space<vmem>>) dst(%arg5 : memref<2048xi32, #tpu.memory_space<hbm>>)
        tpu.enqueue_dma source(%arg11 : memref<2048xi32, #tpu.memory_space<vmem>>) target(%arg6 : memref<2048xi32, #tpu.memory_space<hbm>>) target_semaphore(%arg20 : memref<!tpu.dma_semaphore, #tpu.memory_space<semaphore_mem>>)
        tpu.wait_dma2 semaphore(%arg20 : memref<!tpu.dma_semaphore, #tpu.memory_space<semaphore_mem>>) src(%arg11 : memref<2048xi32, #tpu.memory_space<vmem>>) dst(%arg6 : memref<2048xi32, #tpu.memory_space<hbm>>)
        tpu.enqueue_dma source(%arg12 : memref<32xi32, #tpu.memory_space<vmem>>) target(%arg7 : memref<32xi32, #tpu.memory_space<hbm>>) target_semaphore(%arg20 : memref<!tpu.dma_semaphore, #tpu.memory_space<semaphore_mem>>)
        tpu.wait_dma2 semaphore(%arg20 : memref<!tpu.dma_semaphore, #tpu.memory_space<semaphore_mem>>) src(%arg12 : memref<32xi32, #tpu.memory_space<vmem>>) dst(%arg7 : memref<32xi32, #tpu.memory_space<hbm>>)
      } else {
      }
    } else {
    }
    %barrier3A = arith.constant 0 : index
    tpu.barrier barrier_id(%barrier3A)
    %run_scoped3A = arith.constant 0 : i32
    "tpu.region"() ({
      %run_scoped3A_106 = tpu.sem_alloc : memref<!tpu.dma_semaphore, #tpu.memory_space<semaphore_mem>>
      %dma_start3A_107 = tpu.memref_slice %arg19[%run_scoped3A, %mul3A_3] : memref<2x2048xi32, #tpu.memory_space<vmem_shared>> -> memref<1x64xi32, #tpu.memory_space<vmem_shared>>
      %dma_start3A_108 = tpu.memref_squeeze %dma_start3A_107 : memref<1x64xi32, #tpu.memory_space<vmem_shared>> -> memref<64xi32, #tpu.memory_space<vmem_shared>>
      %dma_start3A_109 = tpu.memref_slice %arg19[%run_scoped3A, %mul3A_3] : memref<2x2048xi32, #tpu.memory_space<vmem_shared>> -> memref<1x64xi32, #tpu.memory_space<vmem_shared>>
      %dma_start3A_110 = tpu.memref_squeeze %dma_start3A_109 : memref<1x64xi32, #tpu.memory_space<vmem_shared>> -> memref<64xi32, #tpu.memory_space<vmem_shared>>
      tpu.enqueue_dma source(%dma_start3A_110 : memref<64xi32, #tpu.memory_space<vmem_shared>>) target(%arg17 : memref<64xi32, #tpu.memory_space<vmem>>) target_semaphore(%run_scoped3A_106 : memref<!tpu.dma_semaphore, #tpu.memory_space<semaphore_mem>>)
      %dma_wait3A_111 = tpu.memref_slice %arg19[%run_scoped3A, %mul3A_3] : memref<2x2048xi32, #tpu.memory_space<vmem_shared>> -> memref<1x64xi32, #tpu.memory_space<vmem_shared>>
      %dma_wait3A_112 = tpu.memref_squeeze %dma_wait3A_111 : memref<1x64xi32, #tpu.memory_space<vmem_shared>> -> memref<64xi32, #tpu.memory_space<vmem_shared>>
      %dma_wait3A_113 = tpu.memref_slice %arg19[%run_scoped3A, %mul3A_3] : memref<2x2048xi32, #tpu.memory_space<vmem_shared>> -> memref<1x64xi32, #tpu.memory_space<vmem_shared>>
      %dma_wait3A_114 = tpu.memref_squeeze %dma_wait3A_113 : memref<1x64xi32, #tpu.memory_space<vmem_shared>> -> memref<64xi32, #tpu.memory_space<vmem_shared>>
      tpu.wait_dma2 semaphore(%run_scoped3A_106 : memref<!tpu.dma_semaphore, #tpu.memory_space<semaphore_mem>>) src(%dma_wait3A_114 : memref<64xi32, #tpu.memory_space<vmem_shared>>) dst(%arg17 : memref<64xi32, #tpu.memory_space<vmem>>)
      tpu.yield
    }) : () -> ()
    %run_scoped3A_9 = arith.constant 1 : i32
    "tpu.region"() ({
      %run_scoped3A_106 = tpu.sem_alloc : memref<!tpu.dma_semaphore, #tpu.memory_space<semaphore_mem>>
      %dma_start3A_107 = tpu.memref_slice %arg19[%run_scoped3A_9, %mul3A_3] : memref<2x2048xi32, #tpu.memory_space<vmem_shared>> -> memref<1x64xi32, #tpu.memory_space<vmem_shared>>
      %dma_start3A_108 = tpu.memref_squeeze %dma_start3A_107 : memref<1x64xi32, #tpu.memory_space<vmem_shared>> -> memref<64xi32, #tpu.memory_space<vmem_shared>>
      %dma_start3A_109 = tpu.memref_slice %arg19[%run_scoped3A_9, %mul3A_3] : memref<2x2048xi32, #tpu.memory_space<vmem_shared>> -> memref<1x64xi32, #tpu.memory_space<vmem_shared>>
      %dma_start3A_110 = tpu.memref_squeeze %dma_start3A_109 : memref<1x64xi32, #tpu.memory_space<vmem_shared>> -> memref<64xi32, #tpu.memory_space<vmem_shared>>
      tpu.enqueue_dma source(%dma_start3A_110 : memref<64xi32, #tpu.memory_space<vmem_shared>>) target(%arg18 : memref<64xi32, #tpu.memory_space<vmem>>) target_semaphore(%run_scoped3A_106 : memref<!tpu.dma_semaphore, #tpu.memory_space<semaphore_mem>>)
      %dma_wait3A_111 = tpu.memref_slice %arg19[%run_scoped3A_9, %mul3A_3] : memref<2x2048xi32, #tpu.memory_space<vmem_shared>> -> memref<1x64xi32, #tpu.memory_space<vmem_shared>>
      %dma_wait3A_112 = tpu.memref_squeeze %dma_wait3A_111 : memref<1x64xi32, #tpu.memory_space<vmem_shared>> -> memref<64xi32, #tpu.memory_space<vmem_shared>>
      %dma_wait3A_113 = tpu.memref_slice %arg19[%run_scoped3A_9, %mul3A_3] : memref<2x2048xi32, #tpu.memory_space<vmem_shared>> -> memref<1x64xi32, #tpu.memory_space<vmem_shared>>
      %dma_wait3A_114 = tpu.memref_squeeze %dma_wait3A_113 : memref<1x64xi32, #tpu.memory_space<vmem_shared>> -> memref<64xi32, #tpu.memory_space<vmem_shared>>
      tpu.wait_dma2 semaphore(%run_scoped3A_106 : memref<!tpu.dma_semaphore, #tpu.memory_space<semaphore_mem>>) src(%dma_wait3A_114 : memref<64xi32, #tpu.memory_space<vmem_shared>>) dst(%arg18 : memref<64xi32, #tpu.memory_space<vmem>>)
      tpu.yield
    }) : () -> ()
    %add3A_10 = arith.constant 16 : i32
    %add3A_11 = arith.addi %mul3A_3, %add3A_10 : i32
    %dma_start3A_12 = arith.constant 0 : i32
    %dma_start3A_13 = tpu.memref_slice %arg2[%add3A_11, %dma_start3A_12] : memref<2048x2048xf32, #tpu.memory_space<hbm>> -> memref<16x2048xf32, #tpu.memory_space<hbm>>
    %dma_start3A_14 = arith.constant 0 : i32
    %dma_start3A_15 = tpu.memref_slice %arg2[%add3A_11, %dma_start3A_14] : memref<2048x2048xf32, #tpu.memory_space<hbm>> -> memref<16x2048xf32, #tpu.memory_space<hbm>>
    tpu.enqueue_dma source(%dma_start3A_15 : memref<16x2048xf32, #tpu.memory_space<hbm>>) target(%arg16 : memref<16x2048xf32, #tpu.memory_space<vmem>>) target_semaphore(%arg22 : memref<!tpu.dma_semaphore, #tpu.memory_space<semaphore_mem>>)
    %dma_wait3A = arith.constant 0 : i32
    %dma_wait3A_16 = tpu.memref_slice %arg2[%mul3A_3, %dma_wait3A] : memref<2048x2048xf32, #tpu.memory_space<hbm>> -> memref<16x2048xf32, #tpu.memory_space<hbm>>
    %dma_wait3A_17 = arith.constant 0 : i32
    %dma_wait3A_18 = tpu.memref_slice %arg2[%mul3A_3, %dma_wait3A_17] : memref<2048x2048xf32, #tpu.memory_space<hbm>> -> memref<16x2048xf32, #tpu.memory_space<hbm>>
    tpu.wait_dma2 semaphore(%arg21 : memref<!tpu.dma_semaphore, #tpu.memory_space<semaphore_mem>>) src(%dma_wait3A_18 : memref<16x2048xf32, #tpu.memory_space<hbm>>) dst(%arg15 : memref<16x2048xf32, #tpu.memory_space<vmem>>)
    %get3A = arith.constant 0 : index
    %get3A_19 = tpu.vector_load %arg17[%get3A] {strides = array<i32>} : memref<64xi32, #tpu.memory_space<vmem>>, vector<16xi32>,
    %get3A_20 = arith.constant 0 : index
    %get3A_21 = tpu.vector_load %arg18[%get3A_20] {strides = array<i32>} : memref<64xi32, #tpu.memory_space<vmem>>, vector<16xi32>,
    %dma_start3A_22 = arith.constant 0 : i32
    %dma_start3A_23 = arith.constant 0 : i32
    %dma_start3A_24 = tpu.memref_slice %arg4[%dma_start3A_22, %dma_start3A_23] : memref<6144x2048xf32, #tpu.memory_space<hbm>> -> memref<6144x2048xf32, #tpu.memory_space<hbm>>
    tpu.enqueue_indirect_dma source(%arg15 : memref<16x2048xf32, #tpu.memory_space<vmem>>) target(%dma_start3A_24 : memref<6144x2048xf32, #tpu.memory_space<hbm>>) offsets(%get3A_19 : vector<16xi32>) semaphore(%arg23 : memref<!tpu.dma_semaphore, #tpu.memory_space<semaphore_mem>>)
    %dma_start3A_25 = arith.constant 0 : i32
    %dma_start3A_26 = arith.constant 0 : i32
    %dma_start3A_27 = tpu.memref_slice %arg4[%dma_start3A_25, %dma_start3A_26] : memref<6144x2048xf32, #tpu.memory_space<hbm>> -> memref<6144x2048xf32, #tpu.memory_space<hbm>>
    tpu.enqueue_indirect_dma source(%arg15 : memref<16x2048xf32, #tpu.memory_space<vmem>>) target(%dma_start3A_27 : memref<6144x2048xf32, #tpu.memory_space<hbm>>) offsets(%get3A_21 : vector<16xi32>) semaphore(%arg23 : memref<!tpu.dma_semaphore, #tpu.memory_space<semaphore_mem>>)
    %dma_wait3A_28 = arith.constant 0 : i32
    %dma_wait3A_29 = arith.constant 0 : i32
    %dma_wait3A_30 = tpu.memref_slice %arg4[%dma_wait3A_28, %dma_wait3A_29] : memref<6144x2048xf32, #tpu.memory_space<hbm>> -> memref<6144x2048xf32, #tpu.memory_space<hbm>>
    tpu.wait_indirect_dma semaphore(%arg23 : memref<!tpu.dma_semaphore, #tpu.memory_space<semaphore_mem>>) src(%arg15 : memref<16x2048xf32, #tpu.memory_space<vmem>>) dst(%dma_wait3A_30 : memref<6144x2048xf32, #tpu.memory_space<hbm>>)
    %dma_wait3A_31 = arith.constant 0 : i32
    %dma_wait3A_32 = arith.constant 0 : i32
    %dma_wait3A_33 = tpu.memref_slice %arg4[%dma_wait3A_31, %dma_wait3A_32] : memref<6144x2048xf32, #tpu.memory_space<hbm>> -> memref<6144x2048xf32, #tpu.memory_space<hbm>>
    tpu.wait_indirect_dma semaphore(%arg23 : memref<!tpu.dma_semaphore, #tpu.memory_space<semaphore_mem>>) src(%arg15 : memref<16x2048xf32, #tpu.memory_space<vmem>>) dst(%dma_wait3A_33 : memref<6144x2048xf32, #tpu.memory_space<hbm>>)
    %add3A_34 = arith.constant 32 : i32
    %add3A_35 = arith.addi %mul3A_3, %add3A_34 : i32
    %dma_start3A_36 = arith.constant 0 : i32
    %dma_start3A_37 = tpu.memref_slice %arg2[%add3A_35, %dma_start3A_36] : memref<2048x2048xf32, #tpu.memory_space<hbm>> -> memref<16x2048xf32, #tpu.memory_space<hbm>>
    %dma_start3A_38 = arith.constant 0 : i32
    %dma_start3A_39 = tpu.memref_slice %arg2[%add3A_35, %dma_start3A_38] : memref<2048x2048xf32, #tpu.memory_space<hbm>> -> memref<16x2048xf32, #tpu.memory_space<hbm>>
    tpu.enqueue_dma source(%dma_start3A_39 : memref<16x2048xf32, #tpu.memory_space<hbm>>) target(%arg15 : memref<16x2048xf32, #tpu.memory_space<vmem>>) target_semaphore(%arg21 : memref<!tpu.dma_semaphore, #tpu.memory_space<semaphore_mem>>)
    %dma_wait3A_40 = arith.constant 0 : i32
    %dma_wait3A_41 = tpu.memref_slice %arg2[%add3A_11, %dma_wait3A_40] : memref<2048x2048xf32, #tpu.memory_space<hbm>> -> memref<16x2048xf32, #tpu.memory_space<hbm>>
    %dma_wait3A_42 = arith.constant 0 : i32
    %dma_wait3A_43 = tpu.memref_slice %arg2[%add3A_11, %dma_wait3A_42] : memref<2048x2048xf32, #tpu.memory_space<hbm>> -> memref<16x2048xf32, #tpu.memory_space<hbm>>
    tpu.wait_dma2 semaphore(%arg22 : memref<!tpu.dma_semaphore, #tpu.memory_space<semaphore_mem>>) src(%dma_wait3A_43 : memref<16x2048xf32, #tpu.memory_space<hbm>>) dst(%arg16 : memref<16x2048xf32, #tpu.memory_space<vmem>>)
    %get3A_44 = arith.constant 16 : index
    %get3A_45 = tpu.vector_load %arg17[%get3A_44] {strides = array<i32>} : memref<64xi32, #tpu.memory_space<vmem>>, vector<16xi32>,
    %get3A_46 = arith.constant 16 : index
    %get3A_47 = tpu.vector_load %arg18[%get3A_46] {strides = array<i32>} : memref<64xi32, #tpu.memory_space<vmem>>, vector<16xi32>,
    %dma_start3A_48 = arith.constant 0 : i32
    %dma_start3A_49 = arith.constant 0 : i32
    %dma_start3A_50 = tpu.memref_slice %arg4[%dma_start3A_48, %dma_start3A_49] : memref<6144x2048xf32, #tpu.memory_space<hbm>> -> memref<6144x2048xf32, #tpu.memory_space<hbm>>
    tpu.enqueue_indirect_dma source(%arg16 : memref<16x2048xf32, #tpu.memory_space<vmem>>) target(%dma_start3A_50 : memref<6144x2048xf32, #tpu.memory_space<hbm>>) offsets(%get3A_45 : vector<16xi32>) semaphore(%arg24 : memref<!tpu.dma_semaphore, #tpu.memory_space<semaphore_mem>>)
    %dma_start3A_51 = arith.constant 0 : i32
    %dma_start3A_52 = arith.constant 0 : i32
    %dma_start3A_53 = tpu.memref_slice %arg4[%dma_start3A_51, %dma_start3A_52] : memref<6144x2048xf32, #tpu.memory_space<hbm>> -> memref<6144x2048xf32, #tpu.memory_space<hbm>>
    tpu.enqueue_indirect_dma source(%arg16 : memref<16x2048xf32, #tpu.memory_space<vmem>>) target(%dma_start3A_53 : memref<6144x2048xf32, #tpu.memory_space<hbm>>) offsets(%get3A_47 : vector<16xi32>) semaphore(%arg24 : memref<!tpu.dma_semaphore, #tpu.memory_space<semaphore_mem>>)
    %dma_wait3A_54 = arith.constant 0 : i32
    %dma_wait3A_55 = arith.constant 0 : i32
    %dma_wait3A_56 = tpu.memref_slice %arg4[%dma_wait3A_54, %dma_wait3A_55] : memref<6144x2048xf32, #tpu.memory_space<hbm>> -> memref<6144x2048xf32, #tpu.memory_space<hbm>>
    tpu.wait_indirect_dma semaphore(%arg24 : memref<!tpu.dma_semaphore, #tpu.memory_space<semaphore_mem>>) src(%arg16 : memref<16x2048xf32, #tpu.memory_space<vmem>>) dst(%dma_wait3A_56 : memref<6144x2048xf32, #tpu.memory_space<hbm>>)
    %dma_wait3A_57 = arith.constant 0 : i32
    %dma_wait3A_58 = arith.constant 0 : i32
    %dma_wait3A_59 = tpu.memref_slice %arg4[%dma_wait3A_57, %dma_wait3A_58] : memref<6144x2048xf32, #tpu.memory_space<hbm>> -> memref<6144x2048xf32, #tpu.memory_space<hbm>>
    tpu.wait_indirect_dma semaphore(%arg24 : memref<!tpu.dma_semaphore, #tpu.memory_space<semaphore_mem>>) src(%arg16 : memref<16x2048xf32, #tpu.memory_space<vmem>>) dst(%dma_wait3A_59 : memref<6144x2048xf32, #tpu.memory_space<hbm>>)
    %add3A_60 = arith.constant 48 : i32
    %add3A_61 = arith.addi %mul3A_3, %add3A_60 : i32
    %dma_start3A_62 = arith.constant 0 : i32
    %dma_start3A_63 = tpu.memref_slice %arg2[%add3A_61, %dma_start3A_62] : memref<2048x2048xf32, #tpu.memory_space<hbm>> -> memref<16x2048xf32, #tpu.memory_space<hbm>>
    %dma_start3A_64 = arith.constant 0 : i32
    %dma_start3A_65 = tpu.memref_slice %arg2[%add3A_61, %dma_start3A_64] : memref<2048x2048xf32, #tpu.memory_space<hbm>> -> memref<16x2048xf32, #tpu.memory_space<hbm>>
    tpu.enqueue_dma source(%dma_start3A_65 : memref<16x2048xf32, #tpu.memory_space<hbm>>) target(%arg16 : memref<16x2048xf32, #tpu.memory_space<vmem>>) target_semaphore(%arg22 : memref<!tpu.dma_semaphore, #tpu.memory_space<semaphore_mem>>)
    %dma_wait3A_66 = arith.constant 0 : i32
    %dma_wait3A_67 = tpu.memref_slice %arg2[%add3A_35, %dma_wait3A_66] : memref<2048x2048xf32, #tpu.memory_space<hbm>> -> memref<16x2048xf32, #tpu.memory_space<hbm>>
    %dma_wait3A_68 = arith.constant 0 : i32
    %dma_wait3A_69 = tpu.memref_slice %arg2[%add3A_35, %dma_wait3A_68] : memref<2048x2048xf32, #tpu.memory_space<hbm>> -> memref<16x2048xf32, #tpu.memory_space<hbm>>
    tpu.wait_dma2 semaphore(%arg21 : memref<!tpu.dma_semaphore, #tpu.memory_space<semaphore_mem>>) src(%dma_wait3A_69 : memref<16x2048xf32, #tpu.memory_space<hbm>>) dst(%arg15 : memref<16x2048xf32, #tpu.memory_space<vmem>>)
    %get3A_70 = arith.constant 32 : index
    %get3A_71 = tpu.vector_load %arg17[%get3A_70] {strides = array<i32>} : memref<64xi32, #tpu.memory_space<vmem>>, vector<16xi32>,
    %get3A_72 = arith.constant 32 : index
    %get3A_73 = tpu.vector_load %arg18[%get3A_72] {strides = array<i32>} : memref<64xi32, #tpu.memory_space<vmem>>, vector<16xi32>,
    %dma_start3A_74 = arith.constant 0 : i32
    %dma_start3A_75 = arith.constant 0 : i32
    %dma_start3A_76 = tpu.memref_slice %arg4[%dma_start3A_74, %dma_start3A_75] : memref<6144x2048xf32, #tpu.memory_space<hbm>> -> memref<6144x2048xf32, #tpu.memory_space<hbm>>
    tpu.enqueue_indirect_dma source(%arg15 : memref<16x2048xf32, #tpu.memory_space<vmem>>) target(%dma_start3A_76 : memref<6144x2048xf32, #tpu.memory_space<hbm>>) offsets(%get3A_71 : vector<16xi32>) semaphore(%arg23 : memref<!tpu.dma_semaphore, #tpu.memory_space<semaphore_mem>>)
    %dma_start3A_77 = arith.constant 0 : i32
    %dma_start3A_78 = arith.constant 0 : i32
    %dma_start3A_79 = tpu.memref_slice %arg4[%dma_start3A_77, %dma_start3A_78] : memref<6144x2048xf32, #tpu.memory_space<hbm>> -> memref<6144x2048xf32, #tpu.memory_space<hbm>>
    tpu.enqueue_indirect_dma source(%arg15 : memref<16x2048xf32, #tpu.memory_space<vmem>>) target(%dma_start3A_79 : memref<6144x2048xf32, #tpu.memory_space<hbm>>) offsets(%get3A_73 : vector<16xi32>) semaphore(%arg23 : memref<!tpu.dma_semaphore, #tpu.memory_space<semaphore_mem>>)
    %dma_wait3A_80 = arith.constant 0 : i32
    %dma_wait3A_81 = tpu.memref_slice %arg2[%add3A_61, %dma_wait3A_80] : memref<2048x2048xf32, #tpu.memory_space<hbm>> -> memref<16x2048xf32, #tpu.memory_space<hbm>>
    %dma_wait3A_82 = arith.constant 0 : i32
    %dma_wait3A_83 = tpu.memref_slice %arg2[%add3A_61, %dma_wait3A_82] : memref<2048x2048xf32, #tpu.memory_space<hbm>> -> memref<16x2048xf32, #tpu.memory_space<hbm>>
    tpu.wait_dma2 semaphore(%arg22 : memref<!tpu.dma_semaphore, #tpu.memory_space<semaphore_mem>>) src(%dma_wait3A_83 : memref<16x2048xf32, #tpu.memory_space<hbm>>) dst(%arg16 : memref<16x2048xf32, #tpu.memory_space<vmem>>)
    %get3A_84 = arith.constant 48 : index
    %get3A_85 = tpu.vector_load %arg17[%get3A_84] {strides = array<i32>} : memref<64xi32, #tpu.memory_space<vmem>>, vector<16xi32>,
    %get3A_86 = arith.constant 48 : index
    %get3A_87 = tpu.vector_load %arg18[%get3A_86] {strides = array<i32>} : memref<64xi32, #tpu.memory_space<vmem>>, vector<16xi32>,
    %dma_start3A_88 = arith.constant 0 : i32
    %dma_start3A_89 = arith.constant 0 : i32
    %dma_start3A_90 = tpu.memref_slice %arg4[%dma_start3A_88, %dma_start3A_89] : memref<6144x2048xf32, #tpu.memory_space<hbm>> -> memref<6144x2048xf32, #tpu.memory_space<hbm>>
    tpu.enqueue_indirect_dma source(%arg16 : memref<16x2048xf32, #tpu.memory_space<vmem>>) target(%dma_start3A_90 : memref<6144x2048xf32, #tpu.memory_space<hbm>>) offsets(%get3A_85 : vector<16xi32>) semaphore(%arg24 : memref<!tpu.dma_semaphore, #tpu.memory_space<semaphore_mem>>)
    %dma_start3A_91 = arith.constant 0 : i32
    %dma_start3A_92 = arith.constant 0 : i32
    %dma_start3A_93 = tpu.memref_slice %arg4[%dma_start3A_91, %dma_start3A_92] : memref<6144x2048xf32, #tpu.memory_space<hbm>> -> memref<6144x2048xf32, #tpu.memory_space<hbm>>
    tpu.enqueue_indirect_dma source(%arg16 : memref<16x2048xf32, #tpu.memory_space<vmem>>) target(%dma_start3A_93 : memref<6144x2048xf32, #tpu.memory_space<hbm>>) offsets(%get3A_87 : vector<16xi32>) semaphore(%arg24 : memref<!tpu.dma_semaphore, #tpu.memory_space<semaphore_mem>>)
    %dma_wait3A_94 = arith.constant 0 : i32
    %dma_wait3A_95 = arith.constant 0 : i32
    %dma_wait3A_96 = tpu.memref_slice %arg4[%dma_wait3A_94, %dma_wait3A_95] : memref<6144x2048xf32, #tpu.memory_space<hbm>> -> memref<6144x2048xf32, #tpu.memory_space<hbm>>
    tpu.wait_indirect_dma semaphore(%arg23 : memref<!tpu.dma_semaphore, #tpu.memory_space<semaphore_mem>>) src(%arg15 : memref<16x2048xf32, #tpu.memory_space<vmem>>) dst(%dma_wait3A_96 : memref<6144x2048xf32, #tpu.memory_space<hbm>>)
    %dma_wait3A_97 = arith.constant 0 : i32
    %dma_wait3A_98 = arith.constant 0 : i32
    %dma_wait3A_99 = tpu.memref_slice %arg4[%dma_wait3A_97, %dma_wait3A_98] : memref<6144x2048xf32, #tpu.memory_space<hbm>> -> memref<6144x2048xf32, #tpu.memory_space<hbm>>
    tpu.wait_indirect_dma semaphore(%arg23 : memref<!tpu.dma_semaphore, #tpu.memory_space<semaphore_mem>>) src(%arg15 : memref<16x2048xf32, #tpu.memory_space<vmem>>) dst(%dma_wait3A_99 : memref<6144x2048xf32, #tpu.memory_space<hbm>>)
    %dma_wait3A_100 = arith.constant 0 : i32
    %dma_wait3A_101 = arith.constant 0 : i32
    %dma_wait3A_102 = tpu.memref_slice %arg4[%dma_wait3A_100, %dma_wait3A_101] : memref<6144x2048xf32, #tpu.memory_space<hbm>> -> memref<6144x2048xf32, #tpu.memory_space<hbm>>
    tpu.wait_indirect_dma semaphore(%arg24 : memref<!tpu.dma_semaphore, #tpu.memory_space<semaphore_mem>>) src(%arg16 : memref<16x2048xf32, #tpu.memory_space<vmem>>) dst(%dma_wait3A_102 : memref<6144x2048xf32, #tpu.memory_space<hbm>>)
    %dma_wait3A_103 = arith.constant 0 : i32
    %dma_wait3A_104 = arith.constant 0 : i32
    %dma_wait3A_105 = tpu.memref_slice %arg4[%dma_wait3A_103, %dma_wait3A_104] : memref<6144x2048xf32, #tpu.memory_space<hbm>> -> memref<6144x2048xf32, #tpu.memory_space<hbm>>
    tpu.wait_indirect_dma semaphore(%arg24 : memref<!tpu.dma_semaphore, #tpu.memory_space<semaphore_mem>>) src(%arg16 : memref<16x2048xf32, #tpu.memory_space<vmem>>) dst(%dma_wait3A_105 : memref<6144x2048xf32, #tpu.memory_space<hbm>>)
    return
  }
}

#map = affine_map<(d0, d1) -> (0, 0)>
#map1 = affine_map<(d0, d1) -> (0)>
module attributes {stable_mosaic.version = 14 : i64} {
  func.func @_combine_body(%arg0: i32, %arg1: i32, %arg2: memref<6144x2048xf32, #tpu.memory_space<hbm>>, %arg3: memref<8x2048xf32, #tpu.memory_space<hbm>>, %arg4: memref<2048xi32, #tpu.memory_space<hbm>>, %arg5: memref<2048xi32, #tpu.memory_space<hbm>>, %arg6: memref<2048x2048xf32, #tpu.memory_space<hbm>>, %arg7: memref<64xi32, #tpu.memory_space<vmem>>, %arg8: memref<64xi32, #tpu.memory_space<vmem>>, %arg9: memref<64xf32, #tpu.memory_space<vmem>>, %arg10: memref<64xf32, #tpu.memory_space<vmem>>, %arg11: memref<16x2048xf32, #tpu.memory_space<vmem>>, %arg12: memref<16x2048xf32, #tpu.memory_space<vmem>>, %arg13: memref<16x2048xf32, #tpu.memory_space<vmem>>, %arg14: memref<!tpu.dma_semaphore, #tpu.memory_space<semaphore_mem>>, %arg15: memref<!tpu.dma_semaphore, #tpu.memory_space<semaphore_mem>>, %arg16: memref<!tpu.dma_semaphore, #tpu.memory_space<semaphore_mem>>, %arg17: memref<!tpu.dma_semaphore, #tpu.memory_space<semaphore_mem>>) attributes {dimension_semantics = [#tpu.dimension_semantics<core_parallel>, #tpu.dimension_semantics<subcore_parallel>], iteration_bounds = array<i64: 2, 16>, scalar_prefetch = 0 : i64, scratch_operands = 11 : i64, tpu.core_type = #tpu.core_type<sc_vector_subcore>, window_params = [{transform_indices = #map}, {transform_indices = #map}, {transform_indices = #map1}, {transform_indices = #map1}, {transform_indices = #map}]} {
    %mul3A = arith.constant 2 : i32
    %mul3A_0 = arith.muli %arg1, %mul3A : i32
    %add3A = arith.addi %mul3A_0, %arg0 : i32
    %mul3A_1 = arith.constant 64 : i32
    %mul3A_2 = arith.muli %add3A, %mul3A_1 : i32
    "tpu.region"() ({
      %run_scoped3A_140 = tpu.sem_alloc : memref<!tpu.dma_semaphore, #tpu.memory_space<semaphore_mem>>
      %dma_start3A_141 = tpu.memref_slice %arg4[%mul3A_2] : memref<2048xi32, #tpu.memory_space<hbm>> -> memref<64xi32, #tpu.memory_space<hbm>>
      %dma_start3A_142 = tpu.memref_slice %arg4[%mul3A_2] : memref<2048xi32, #tpu.memory_space<hbm>> -> memref<64xi32, #tpu.memory_space<hbm>>
      tpu.enqueue_dma source(%dma_start3A_142 : memref<64xi32, #tpu.memory_space<hbm>>) target(%arg7 : memref<64xi32, #tpu.memory_space<vmem>>) target_semaphore(%run_scoped3A_140 : memref<!tpu.dma_semaphore, #tpu.memory_space<semaphore_mem>>)
      %dma_wait3A_143 = tpu.memref_slice %arg4[%mul3A_2] : memref<2048xi32, #tpu.memory_space<hbm>> -> memref<64xi32, #tpu.memory_space<hbm>>
      %dma_wait3A_144 = tpu.memref_slice %arg4[%mul3A_2] : memref<2048xi32, #tpu.memory_space<hbm>> -> memref<64xi32, #tpu.memory_space<hbm>>
      tpu.wait_dma2 semaphore(%run_scoped3A_140 : memref<!tpu.dma_semaphore, #tpu.memory_space<semaphore_mem>>) src(%dma_wait3A_144 : memref<64xi32, #tpu.memory_space<hbm>>) dst(%arg7 : memref<64xi32, #tpu.memory_space<vmem>>)
      tpu.yield
    }) : () -> ()
    "tpu.region"() ({
      %run_scoped3A_140 = tpu.sem_alloc : memref<!tpu.dma_semaphore, #tpu.memory_space<semaphore_mem>>
      %dma_start3A_141 = tpu.memref_slice %arg5[%mul3A_2] : memref<2048xi32, #tpu.memory_space<hbm>> -> memref<64xi32, #tpu.memory_space<hbm>>
      %dma_start3A_142 = tpu.memref_slice %arg5[%mul3A_2] : memref<2048xi32, #tpu.memory_space<hbm>> -> memref<64xi32, #tpu.memory_space<hbm>>
      tpu.enqueue_dma source(%dma_start3A_142 : memref<64xi32, #tpu.memory_space<hbm>>) target(%arg8 : memref<64xi32, #tpu.memory_space<vmem>>) target_semaphore(%run_scoped3A_140 : memref<!tpu.dma_semaphore, #tpu.memory_space<semaphore_mem>>)
      %dma_wait3A_143 = tpu.memref_slice %arg5[%mul3A_2] : memref<2048xi32, #tpu.memory_space<hbm>> -> memref<64xi32, #tpu.memory_space<hbm>>
      %dma_wait3A_144 = tpu.memref_slice %arg5[%mul3A_2] : memref<2048xi32, #tpu.memory_space<hbm>> -> memref<64xi32, #tpu.memory_space<hbm>>
      tpu.wait_dma2 semaphore(%run_scoped3A_140 : memref<!tpu.dma_semaphore, #tpu.memory_space<semaphore_mem>>) src(%dma_wait3A_144 : memref<64xi32, #tpu.memory_space<hbm>>) dst(%arg8 : memref<64xi32, #tpu.memory_space<vmem>>)
      tpu.yield
    }) : () -> ()
    %run_scoped3A = arith.constant 0 : i32
    "tpu.region"() ({
      %run_scoped3A_140 = tpu.sem_alloc : memref<!tpu.dma_semaphore, #tpu.memory_space<semaphore_mem>>
      %dma_start3A_141 = tpu.memref_slice %arg3[%run_scoped3A, %mul3A_2] : memref<8x2048xf32, #tpu.memory_space<hbm>> -> memref<1x64xf32, #tpu.memory_space<hbm>>
      %dma_start3A_142 = tpu.memref_squeeze %dma_start3A_141 : memref<1x64xf32, #tpu.memory_space<hbm>> -> memref<64xf32, #tpu.memory_space<hbm>>
      %dma_start3A_143 = tpu.memref_slice %arg3[%run_scoped3A, %mul3A_2] : memref<8x2048xf32, #tpu.memory_space<hbm>> -> memref<1x64xf32, #tpu.memory_space<hbm>>
      %dma_start3A_144 = tpu.memref_squeeze %dma_start3A_143 : memref<1x64xf32, #tpu.memory_space<hbm>> -> memref<64xf32, #tpu.memory_space<hbm>>
      tpu.enqueue_dma source(%dma_start3A_144 : memref<64xf32, #tpu.memory_space<hbm>>) target(%arg9 : memref<64xf32, #tpu.memory_space<vmem>>) target_semaphore(%run_scoped3A_140 : memref<!tpu.dma_semaphore, #tpu.memory_space<semaphore_mem>>)
      %dma_wait3A_145 = tpu.memref_slice %arg3[%run_scoped3A, %mul3A_2] : memref<8x2048xf32, #tpu.memory_space<hbm>> -> memref<1x64xf32, #tpu.memory_space<hbm>>
      %dma_wait3A_146 = tpu.memref_squeeze %dma_wait3A_145 : memref<1x64xf32, #tpu.memory_space<hbm>> -> memref<64xf32, #tpu.memory_space<hbm>>
      %dma_wait3A_147 = tpu.memref_slice %arg3[%run_scoped3A, %mul3A_2] : memref<8x2048xf32, #tpu.memory_space<hbm>> -> memref<1x64xf32, #tpu.memory_space<hbm>>
      %dma_wait3A_148 = tpu.memref_squeeze %dma_wait3A_147 : memref<1x64xf32, #tpu.memory_space<hbm>> -> memref<64xf32, #tpu.memory_space<hbm>>
      tpu.wait_dma2 semaphore(%run_scoped3A_140 : memref<!tpu.dma_semaphore, #tpu.memory_space<semaphore_mem>>) src(%dma_wait3A_148 : memref<64xf32, #tpu.memory_space<hbm>>) dst(%arg9 : memref<64xf32, #tpu.memory_space<vmem>>)
      tpu.yield
    }) : () -> ()
    %run_scoped3A_3 = arith.constant 1 : i32
    "tpu.region"() ({
      %run_scoped3A_140 = tpu.sem_alloc : memref<!tpu.dma_semaphore, #tpu.memory_space<semaphore_mem>>
      %dma_start3A_141 = tpu.memref_slice %arg3[%run_scoped3A_3, %mul3A_2] : memref<8x2048xf32, #tpu.memory_space<hbm>> -> memref<1x64xf32, #tpu.memory_space<hbm>>
      %dma_start3A_142 = tpu.memref_squeeze %dma_start3A_141 : memref<1x64xf32, #tpu.memory_space<hbm>> -> memref<64xf32, #tpu.memory_space<hbm>>
      %dma_start3A_143 = tpu.memref_slice %arg3[%run_scoped3A_3, %mul3A_2] : memref<8x2048xf32, #tpu.memory_space<hbm>> -> memref<1x64xf32, #tpu.memory_space<hbm>>
      %dma_start3A_144 = tpu.memref_squeeze %dma_start3A_143 : memref<1x64xf32, #tpu.memory_space<hbm>> -> memref<64xf32, #tpu.memory_space<hbm>>
      tpu.enqueue_dma source(%dma_start3A_144 : memref<64xf32, #tpu.memory_space<hbm>>) target(%arg10 : memref<64xf32, #tpu.memory_space<vmem>>) target_semaphore(%run_scoped3A_140 : memref<!tpu.dma_semaphore, #tpu.memory_space<semaphore_mem>>)
      %dma_wait3A_145 = tpu.memref_slice %arg3[%run_scoped3A_3, %mul3A_2] : memref<8x2048xf32, #tpu.memory_space<hbm>> -> memref<1x64xf32, #tpu.memory_space<hbm>>
      %dma_wait3A_146 = tpu.memref_squeeze %dma_wait3A_145 : memref<1x64xf32, #tpu.memory_space<hbm>> -> memref<64xf32, #tpu.memory_space<hbm>>
      %dma_wait3A_147 = tpu.memref_slice %arg3[%run_scoped3A_3, %mul3A_2] : memref<8x2048xf32, #tpu.memory_space<hbm>> -> memref<1x64xf32, #tpu.memory_space<hbm>>
      %dma_wait3A_148 = tpu.memref_squeeze %dma_wait3A_147 : memref<1x64xf32, #tpu.memory_space<hbm>> -> memref<64xf32, #tpu.memory_space<hbm>>
      tpu.wait_dma2 semaphore(%run_scoped3A_140 : memref<!tpu.dma_semaphore, #tpu.memory_space<semaphore_mem>>) src(%dma_wait3A_148 : memref<64xf32, #tpu.memory_space<hbm>>) dst(%arg10 : memref<64xf32, #tpu.memory_space<vmem>>)
      tpu.yield
    }) : () -> ()
    %get3A = arith.constant 0 : index
    %get3A_4 = tpu.vector_load %arg7[%get3A] {strides = array<i32>} : memref<64xi32, #tpu.memory_space<vmem>>, vector<16xi32>,
    %get3A_5 = arith.constant 0 : index
    %get3A_6 = tpu.vector_load %arg8[%get3A_5] {strides = array<i32>} : memref<64xi32, #tpu.memory_space<vmem>>, vector<16xi32>,
    %dma_start3A = arith.constant 0 : i32
    %dma_start3A_7 = arith.constant 0 : i32
    %dma_start3A_8 = tpu.memref_slice %arg2[%dma_start3A, %dma_start3A_7] : memref<6144x2048xf32, #tpu.memory_space<hbm>> -> memref<6144x2048xf32, #tpu.memory_space<hbm>>
    tpu.enqueue_indirect_dma source(%dma_start3A_8 : memref<6144x2048xf32, #tpu.memory_space<hbm>>) target(%arg11 : memref<16x2048xf32, #tpu.memory_space<vmem>>) offsets(%get3A_4 : vector<16xi32>) semaphore(%arg14 : memref<!tpu.dma_semaphore, #tpu.memory_space<semaphore_mem>>)
    %dma_start3A_9 = arith.constant 0 : i32
    %dma_start3A_10 = arith.constant 0 : i32
    %dma_start3A_11 = tpu.memref_slice %arg2[%dma_start3A_9, %dma_start3A_10] : memref<6144x2048xf32, #tpu.memory_space<hbm>> -> memref<6144x2048xf32, #tpu.memory_space<hbm>>
    tpu.enqueue_indirect_dma source(%dma_start3A_11 : memref<6144x2048xf32, #tpu.memory_space<hbm>>) target(%arg12 : memref<16x2048xf32, #tpu.memory_space<vmem>>) offsets(%get3A_6 : vector<16xi32>) semaphore(%arg15 : memref<!tpu.dma_semaphore, #tpu.memory_space<semaphore_mem>>)
    %dma_wait3A = arith.constant 0 : i32
    %dma_wait3A_12 = arith.constant 0 : i32
    %dma_wait3A_13 = tpu.memref_slice %arg2[%dma_wait3A, %dma_wait3A_12] : memref<6144x2048xf32, #tpu.memory_space<hbm>> -> memref<6144x2048xf32, #tpu.memory_space<hbm>>
    tpu.wait_indirect_dma semaphore(%arg14 : memref<!tpu.dma_semaphore, #tpu.memory_space<semaphore_mem>>) src(%dma_wait3A_13 : memref<6144x2048xf32, #tpu.memory_space<hbm>>) dst(%arg11 : memref<16x2048xf32, #tpu.memory_space<vmem>>)
    %dma_wait3A_14 = arith.constant 0 : i32
    %dma_wait3A_15 = arith.constant 0 : i32
    %dma_wait3A_16 = tpu.memref_slice %arg2[%dma_wait3A_14, %dma_wait3A_15] : memref<6144x2048xf32, #tpu.memory_space<hbm>> -> memref<6144x2048xf32, #tpu.memory_space<hbm>>
    tpu.wait_indirect_dma semaphore(%arg15 : memref<!tpu.dma_semaphore, #tpu.memory_space<semaphore_mem>>) src(%dma_wait3A_16 : memref<6144x2048xf32, #tpu.memory_space<hbm>>) dst(%arg12 : memref<16x2048xf32, #tpu.memory_space<vmem>>)
    %get3A_17 = arith.constant 0 : index
    %get3A_18 = tpu.vector_load %arg9[%get3A_17] {strides = array<i32>} : memref<64xf32, #tpu.memory_space<vmem>>, vector<16xf32>,
    %get3A_19 = arith.constant 0 : index
    %get3A_20 = tpu.vector_load %arg10[%get3A_19] {strides = array<i32>} : memref<64xf32, #tpu.memory_space<vmem>>, vector<16xf32>,
    %scan3A = arith.constant 0 : i32
    %scan3A_21 = arith.constant 16 : i32
    %scan3A_22 = arith.addi %scan3A, %scan3A_21 : i32
    %scan3A_23 = arith.constant 1 : i32
    scf.for %scan3A_140 = %scan3A to %scan3A_22 step %scan3A_23  : i32 {
      %mul3A_141 = arith.constant 1 : i32
      %mul3A_142 = arith.muli %scan3A_140, %mul3A_141 : i32
      %add3A_143 = arith.constant 0 : i32
      %add3A_144 = arith.addi %add3A_143, %mul3A_142 : i32
      %broadcast_in_dim3A = vector.broadcast %add3A_144 : i32 to vector<16x1xi32>
      %gather3A = vector.shape_cast %broadcast_in_dim3A : vector<16x1xi32> to vector<16xi32>
      %gather3A_145 = tpu.dynamic_gather %get3A_18[%gather3A] in [0] : vector<16xf32>, vector<16xi32> -> vector<16xf32>
      %broadcast_in_dim3A_146 = vector.broadcast %add3A_144 : i32 to vector<16x1xi32>
      %gather3A_147 = vector.shape_cast %broadcast_in_dim3A_146 : vector<16x1xi32> to vector<16xi32>
      %gather3A_148 = tpu.dynamic_gather %get3A_20[%gather3A_147] in [0] : vector<16xf32>, vector<16xi32> -> vector<16xf32>
      %scan3A_149 = arith.constant 0 : i32
      %scan3A_150 = arith.constant 8 : i32
      %scan3A_151 = arith.addi %scan3A_149, %scan3A_150 : i32
      %scan3A_152 = arith.constant 1 : i32
      scf.for %scan3A_154 = %scan3A_149 to %scan3A_151 step %scan3A_152  : i32 {
        %mul3A_155 = arith.constant 1 : i32
        %mul3A_156 = arith.muli %scan3A_154, %mul3A_155 : i32
        %add3A_157 = arith.constant 0 : i32
        %add3A_158 = arith.addi %add3A_157, %mul3A_156 : i32
        %mul3A_159 = arith.constant 256 : i32
        %mul3A_160 = arith.muli %add3A_158, %mul3A_159 : i32
        %add3A_161 = arith.constant 0 : i32
        %add3A_162 = arith.addi %mul3A_160, %add3A_161 : i32
        %get3A_163 = arith.index_cast %add3A_144 : i32 to index
        %get3A_164 = arith.index_cast %add3A_162 : i32 to index
        %get3A_165 = tpu.vector_load %arg11[%get3A_163, %get3A_164] {strides = array<i32>} : memref<16x2048xf32, #tpu.memory_space<vmem>>, vector<16xf32>,
        %mul3A_166 = arith.mulf %get3A_165, %gather3A_145 : vector<16xf32>
        %get3A_167 = arith.index_cast %add3A_144 : i32 to index
        %get3A_168 = arith.index_cast %add3A_162 : i32 to index
        %get3A_169 = tpu.vector_load %arg12[%get3A_167, %get3A_168] {strides = array<i32>} : memref<16x2048xf32, #tpu.memory_space<vmem>>, vector<16xf32>,
        %mul3A_170 = arith.mulf %get3A_169, %gather3A_148 : vector<16xf32>
        %add3A_171 = arith.addf %mul3A_166, %mul3A_170 : vector<16xf32>
        %swap3A = arith.index_cast %add3A_144 : i32 to index
        %swap3A_172 = arith.index_cast %add3A_162 : i32 to index
        %swap3A_173 = tpu.vector_load %arg11[%swap3A, %swap3A_172] {strides = array<i32>} : memref<16x2048xf32, #tpu.memory_space<vmem>>, vector<16xf32>,
        tpu.vector_store %arg11[%swap3A, %swap3A_172], %add3A_171 {strides = array<i32>} : memref<16x2048xf32, #tpu.memory_space<vmem>>, vector<16xf32>,
        %mul3A_174 = arith.constant 256 : i32
        %mul3A_175 = arith.muli %add3A_158, %mul3A_174 : i32
        %add3A_176 = arith.constant 16 : i32
        %add3A_177 = arith.addi %mul3A_175, %add3A_176 : i32
        %get3A_178 = arith.index_cast %add3A_144 : i32 to index
        %get3A_179 = arith.index_cast %add3A_177 : i32 to index
        %get3A_180 = tpu.vector_load %arg11[%get3A_178, %get3A_179] {strides = array<i32>} : memref<16x2048xf32, #tpu.memory_space<vmem>>, vector<16xf32>,
        %mul3A_181 = arith.mulf %get3A_180, %gather3A_145 : vector<16xf32>
        %get3A_182 = arith.index_cast %add3A_144 : i32 to index
        %get3A_183 = arith.index_cast %add3A_177 : i32 to index
        %get3A_184 = tpu.vector_load %arg12[%get3A_182, %get3A_183] {strides = array<i32>} : memref<16x2048xf32, #tpu.memory_space<vmem>>, vector<16xf32>,
        %mul3A_185 = arith.mulf %get3A_184, %gather3A_148 : vector<16xf32>
        %add3A_186 = arith.addf %mul3A_181, %mul3A_185 : vector<16xf32>
        %swap3A_187 = arith.index_cast %add3A_144 : i32 to index
        %swap3A_188 = arith.index_cast %add3A_177 : i32 to index
        %swap3A_189 = tpu.vector_load %arg11[%swap3A_187, %swap3A_188] {strides = array<i32>} : memref<16x2048xf32, #tpu.memory_space<vmem>>, vector<16xf32>,
        tpu.vector_store %arg11[%swap3A_187, %swap3A_188], %add3A_186 {strides = array<i32>} : memref<16x2048xf32, #tpu.memory_space<vmem>>, vector<16xf32>,
        %mul3A_190 = arith.constant 256 : i32
        %mul3A_191 = arith.muli %add3A_158, %mul3A_190 : i32
        %add3A_192 = arith.constant 32 : i32
        %add3A_193 = arith.addi %mul3A_191, %add3A_192 : i32
        %get3A_194 = arith.index_cast %add3A_144 : i32 to index
        %get3A_195 = arith.index_cast %add3A_193 : i32 to index
        %get3A_196 = tpu.vector_load %arg11[%get3A_194, %get3A_195] {strides = array<i32>} : memref<16x2048xf32, #tpu.memory_space<vmem>>, vector<16xf32>,
        %mul3A_197 = arith.mulf %get3A_196, %gather3A_145 : vector<16xf32>
        %get3A_198 = arith.index_cast %add3A_144 : i32 to index
        %get3A_199 = arith.index_cast %add3A_193 : i32 to index
        %get3A_200 = tpu.vector_load %arg12[%get3A_198, %get3A_199] {strides = array<i32>} : memref<16x2048xf32, #tpu.memory_space<vmem>>, vector<16xf32>,
        %mul3A_201 = arith.mulf %get3A_200, %gather3A_148 : vector<16xf32>
        %add3A_202 = arith.addf %mul3A_197, %mul3A_201 : vector<16xf32>
        %swap3A_203 = arith.index_cast %add3A_144 : i32 to index
        %swap3A_204 = arith.index_cast %add3A_193 : i32 to index
        %swap3A_205 = tpu.vector_load %arg11[%swap3A_203, %swap3A_204] {strides = array<i32>} : memref<16x2048xf32, #tpu.memory_space<vmem>>, vector<16xf32>,
        tpu.vector_store %arg11[%swap3A_203, %swap3A_204], %add3A_202 {strides = array<i32>} : memref<16x2048xf32, #tpu.memory_space<vmem>>, vector<16xf32>,
        %mul3A_206 = arith.constant 256 : i32
        %mul3A_207 = arith.muli %add3A_158, %mul3A_206 : i32
        %add3A_208 = arith.constant 48 : i32
        %add3A_209 = arith.addi %mul3A_207, %add3A_208 : i32
        %get3A_210 = arith.index_cast %add3A_144 : i32 to index
        %get3A_211 = arith.index_cast %add3A_209 : i32 to index
        %get3A_212 = tpu.vector_load %arg11[%get3A_210, %get3A_211] {strides = array<i32>} : memref<16x2048xf32, #tpu.memory_space<vmem>>, vector<16xf32>,
        %mul3A_213 = arith.mulf %get3A_212, %gather3A_145 : vector<16xf32>
        %get3A_214 = arith.index_cast %add3A_144 : i32 to index
        %get3A_215 = arith.index_cast %add3A_209 : i32 to index
        %get3A_216 = tpu.vector_load %arg12[%get3A_214, %get3A_215] {strides = array<i32>} : memref<16x2048xf32, #tpu.memory_space<vmem>>, vector<16xf32>,
        %mul3A_217 = arith.mulf %get3A_216, %gather3A_148 : vector<16xf32>
        %add3A_218 = arith.addf %mul3A_213, %mul3A_217 : vector<16xf32>
        %swap3A_219 = arith.index_cast %add3A_144 : i32 to index
        %swap3A_220 = arith.index_cast %add3A_209 : i32 to index
        %swap3A_221 = tpu.vector_load %arg11[%swap3A_219, %swap3A_220] {strides = array<i32>} : memref<16x2048xf32, #tpu.memory_space<vmem>>, vector<16xf32>,
        tpu.vector_store %arg11[%swap3A_219, %swap3A_220], %add3A_218 {strides = array<i32>} : memref<16x2048xf32, #tpu.memory_space<vmem>>, vector<16xf32>,
        %mul3A_222 = arith.constant 256 : i32
        %mul3A_223 = arith.muli %add3A_158, %mul3A_222 : i32
        %add3A_224 = arith.constant 64 : i32
        %add3A_225 = arith.addi %mul3A_223, %add3A_224 : i32
        %get3A_226 = arith.index_cast %add3A_144 : i32 to index
        %get3A_227 = arith.index_cast %add3A_225 : i32 to index
        %get3A_228 = tpu.vector_load %arg11[%get3A_226, %get3A_227] {strides = array<i32>} : memref<16x2048xf32, #tpu.memory_space<vmem>>, vector<16xf32>,
        %mul3A_229 = arith.mulf %get3A_228, %gather3A_145 : vector<16xf32>
        %get3A_230 = arith.index_cast %add3A_144 : i32 to index
        %get3A_231 = arith.index_cast %add3A_225 : i32 to index
        %get3A_232 = tpu.vector_load %arg12[%get3A_230, %get3A_231] {strides = array<i32>} : memref<16x2048xf32, #tpu.memory_space<vmem>>, vector<16xf32>,
        %mul3A_233 = arith.mulf %get3A_232, %gather3A_148 : vector<16xf32>
        %add3A_234 = arith.addf %mul3A_229, %mul3A_233 : vector<16xf32>
        %swap3A_235 = arith.index_cast %add3A_144 : i32 to index
        %swap3A_236 = arith.index_cast %add3A_225 : i32 to index
        %swap3A_237 = tpu.vector_load %arg11[%swap3A_235, %swap3A_236] {strides = array<i32>} : memref<16x2048xf32, #tpu.memory_space<vmem>>, vector<16xf32>,
        tpu.vector_store %arg11[%swap3A_235, %swap3A_236], %add3A_234 {strides = array<i32>} : memref<16x2048xf32, #tpu.memory_space<vmem>>, vector<16xf32>,
        %mul3A_238 = arith.constant 256 : i32
        %mul3A_239 = arith.muli %add3A_158, %mul3A_238 : i32
        %add3A_240 = arith.constant 80 : i32
        %add3A_241 = arith.addi %mul3A_239, %add3A_240 : i32
        %get3A_242 = arith.index_cast %add3A_144 : i32 to index
        %get3A_243 = arith.index_cast %add3A_241 : i32 to index
        %get3A_244 = tpu.vector_load %arg11[%get3A_242, %get3A_243] {strides = array<i32>} : memref<16x2048xf32, #tpu.memory_space<vmem>>, vector<16xf32>,
        %mul3A_245 = arith.mulf %get3A_244, %gather3A_145 : vector<16xf32>
        %get3A_246 = arith.index_cast %add3A_144 : i32 to index
        %get3A_247 = arith.index_cast %add3A_241 : i32 to index
        %get3A_248 = tpu.vector_load %arg12[%get3A_246, %get3A_247] {strides = array<i32>} : memref<16x2048xf32, #tpu.memory_space<vmem>>, vector<16xf32>,
        %mul3A_249 = arith.mulf %get3A_248, %gather3A_148 : vector<16xf32>
        %add3A_250 = arith.addf %mul3A_245, %mul3A_249 : vector<16xf32>
        %swap3A_251 = arith.index_cast %add3A_144 : i32 to index
        %swap3A_252 = arith.index_cast %add3A_241 : i32 to index
        %swap3A_253 = tpu.vector_load %arg11[%swap3A_251, %swap3A_252] {strides = array<i32>} : memref<16x2048xf32, #tpu.memory_space<vmem>>, vector<16xf32>,
        tpu.vector_store %arg11[%swap3A_251, %swap3A_252], %add3A_250 {strides = array<i32>} : memref<16x2048xf32, #tpu.memory_space<vmem>>, vector<16xf32>,
        %mul3A_254 = arith.constant 256 : i32
        %mul3A_255 = arith.muli %add3A_158, %mul3A_254 : i32
        %add3A_256 = arith.constant 96 : i32
        %add3A_257 = arith.addi %mul3A_255, %add3A_256 : i32
        %get3A_258 = arith.index_cast %add3A_144 : i32 to index
        %get3A_259 = arith.index_cast %add3A_257 : i32 to index
        %get3A_260 = tpu.vector_load %arg11[%get3A_258, %get3A_259] {strides = array<i32>} : memref<16x2048xf32, #tpu.memory_space<vmem>>, vector<16xf32>,
        %mul3A_261 = arith.mulf %get3A_260, %gather3A_145 : vector<16xf32>
        %get3A_262 = arith.index_cast %add3A_144 : i32 to index
        %get3A_263 = arith.index_cast %add3A_257 : i32 to index
        %get3A_264 = tpu.vector_load %arg12[%get3A_262, %get3A_263] {strides = array<i32>} : memref<16x2048xf32, #tpu.memory_space<vmem>>, vector<16xf32>,
        %mul3A_265 = arith.mulf %get3A_264, %gather3A_148 : vector<16xf32>
        %add3A_266 = arith.addf %mul3A_261, %mul3A_265 : vector<16xf32>
        %swap3A_267 = arith.index_cast %add3A_144 : i32 to index
        %swap3A_268 = arith.index_cast %add3A_257 : i32 to index
        %swap3A_269 = tpu.vector_load %arg11[%swap3A_267, %swap3A_268] {strides = array<i32>} : memref<16x2048xf32, #tpu.memory_space<vmem>>, vector<16xf32>,
        tpu.vector_store %arg11[%swap3A_267, %swap3A_268], %add3A_266 {strides = array<i32>} : memref<16x2048xf32, #tpu.memory_space<vmem>>, vector<16xf32>,
        %mul3A_270 = arith.constant 256 : i32
        %mul3A_271 = arith.muli %add3A_158, %mul3A_270 : i32
        %add3A_272 = arith.constant 112 : i32
        %add3A_273 = arith.addi %mul3A_271, %add3A_272 : i32
        %get3A_274 = arith.index_cast %add3A_144 : i32 to index
        %get3A_275 = arith.index_cast %add3A_273 : i32 to index
        %get3A_276 = tpu.vector_load %arg11[%get3A_274, %get3A_275] {strides = array<i32>} : memref<16x2048xf32, #tpu.memory_space<vmem>>, vector<16xf32>,
        %mul3A_277 = arith.mulf %get3A_276, %gather3A_145 : vector<16xf32>
        %get3A_278 = arith.index_cast %add3A_144 : i32 to index
        %get3A_279 = arith.index_cast %add3A_273 : i32 to index
        %get3A_280 = tpu.vector_load %arg12[%get3A_278, %get3A_279] {strides = array<i32>} : memref<16x2048xf32, #tpu.memory_space<vmem>>, vector<16xf32>,
        %mul3A_281 = arith.mulf %get3A_280, %gather3A_148 : vector<16xf32>
        %add3A_282 = arith.addf %mul3A_277, %mul3A_281 : vector<16xf32>
        %swap3A_283 = arith.index_cast %add3A_144 : i32 to index
        %swap3A_284 = arith.index_cast %add3A_273 : i32 to index
        %swap3A_285 = tpu.vector_load %arg11[%swap3A_283, %swap3A_284] {strides = array<i32>} : memref<16x2048xf32, #tpu.memory_space<vmem>>, vector<16xf32>,
        tpu.vector_store %arg11[%swap3A_283, %swap3A_284], %add3A_282 {strides = array<i32>} : memref<16x2048xf32, #tpu.memory_space<vmem>>, vector<16xf32>,
        %mul3A_286 = arith.constant 256 : i32
        %mul3A_287 = arith.muli %add3A_158, %mul3A_286 : i32
        %add3A_288 = arith.constant 128 : i32
        %add3A_289 = arith.addi %mul3A_287, %add3A_288 : i32
        %get3A_290 = arith.index_cast %add3A_144 : i32 to index
        %get3A_291 = arith.index_cast %add3A_289 : i32 to index
        %get3A_292 = tpu.vector_load %arg11[%get3A_290, %get3A_291] {strides = array<i32>} : memref<16x2048xf32, #tpu.memory_space<vmem>>, vector<16xf32>,
        %mul3A_293 = arith.mulf %get3A_292, %gather3A_145 : vector<16xf32>
        %get3A_294 = arith.index_cast %add3A_144 : i32 to index
        %get3A_295 = arith.index_cast %add3A_289 : i32 to index
        %get3A_296 = tpu.vector_load %arg12[%get3A_294, %get3A_295] {strides = array<i32>} : memref<16x2048xf32, #tpu.memory_space<vmem>>, vector<16xf32>,
        %mul3A_297 = arith.mulf %get3A_296, %gather3A_148 : vector<16xf32>
        %add3A_298 = arith.addf %mul3A_293, %mul3A_297 : vector<16xf32>
        %swap3A_299 = arith.index_cast %add3A_144 : i32 to index
        %swap3A_300 = arith.index_cast %add3A_289 : i32 to index
        %swap3A_301 = tpu.vector_load %arg11[%swap3A_299, %swap3A_300] {strides = array<i32>} : memref<16x2048xf32, #tpu.memory_space<vmem>>, vector<16xf32>,
        tpu.vector_store %arg11[%swap3A_299, %swap3A_300], %add3A_298 {strides = array<i32>} : memref<16x2048xf32, #tpu.memory_space<vmem>>, vector<16xf32>,
        %mul3A_302 = arith.constant 256 : i32
        %mul3A_303 = arith.muli %add3A_158, %mul3A_302 : i32
        %add3A_304 = arith.constant 144 : i32
        %add3A_305 = arith.addi %mul3A_303, %add3A_304 : i32
        %get3A_306 = arith.index_cast %add3A_144 : i32 to index
        %get3A_307 = arith.index_cast %add3A_305 : i32 to index
        %get3A_308 = tpu.vector_load %arg11[%get3A_306, %get3A_307] {strides = array<i32>} : memref<16x2048xf32, #tpu.memory_space<vmem>>, vector<16xf32>,
        %mul3A_309 = arith.mulf %get3A_308, %gather3A_145 : vector<16xf32>
        %get3A_310 = arith.index_cast %add3A_144 : i32 to index
        %get3A_311 = arith.index_cast %add3A_305 : i32 to index
        %get3A_312 = tpu.vector_load %arg12[%get3A_310, %get3A_311] {strides = array<i32>} : memref<16x2048xf32, #tpu.memory_space<vmem>>, vector<16xf32>,
        %mul3A_313 = arith.mulf %get3A_312, %gather3A_148 : vector<16xf32>
        %add3A_314 = arith.addf %mul3A_309, %mul3A_313 : vector<16xf32>
        %swap3A_315 = arith.index_cast %add3A_144 : i32 to index
        %swap3A_316 = arith.index_cast %add3A_305 : i32 to index
        %swap3A_317 = tpu.vector_load %arg11[%swap3A_315, %swap3A_316] {strides = array<i32>} : memref<16x2048xf32, #tpu.memory_space<vmem>>, vector<16xf32>,
        tpu.vector_store %arg11[%swap3A_315, %swap3A_316], %add3A_314 {strides = array<i32>} : memref<16x2048xf32, #tpu.memory_space<vmem>>, vector<16xf32>,
        %mul3A_318 = arith.constant 256 : i32
        %mul3A_319 = arith.muli %add3A_158, %mul3A_318 : i32
        %add3A_320 = arith.constant 160 : i32
        %add3A_321 = arith.addi %mul3A_319, %add3A_320 : i32
        %get3A_322 = arith.index_cast %add3A_144 : i32 to index
        %get3A_323 = arith.index_cast %add3A_321 : i32 to index
        %get3A_324 = tpu.vector_load %arg11[%get3A_322, %get3A_323] {strides = array<i32>} : memref<16x2048xf32, #tpu.memory_space<vmem>>, vector<16xf32>,
        %mul3A_325 = arith.mulf %get3A_324, %gather3A_145 : vector<16xf32>
        %get3A_326 = arith.index_cast %add3A_144 : i32 to index
        %get3A_327 = arith.index_cast %add3A_321 : i32 to index
        %get3A_328 = tpu.vector_load %arg12[%get3A_326, %get3A_327] {strides = array<i32>} : memref<16x2048xf32, #tpu.memory_space<vmem>>, vector<16xf32>,
        %mul3A_329 = arith.mulf %get3A_328, %gather3A_148 : vector<16xf32>
        %add3A_330 = arith.addf %mul3A_325, %mul3A_329 : vector<16xf32>
        %swap3A_331 = arith.index_cast %add3A_144 : i32 to index
        %swap3A_332 = arith.index_cast %add3A_321 : i32 to index
        %swap3A_333 = tpu.vector_load %arg11[%swap3A_331, %swap3A_332] {strides = array<i32>} : memref<16x2048xf32, #tpu.memory_space<vmem>>, vector<16xf32>,
        tpu.vector_store %arg11[%swap3A_331, %swap3A_332], %add3A_330 {strides = array<i32>} : memref<16x2048xf32, #tpu.memory_space<vmem>>, vector<16xf32>,
        %mul3A_334 = arith.constant 256 : i32
        %mul3A_335 = arith.muli %add3A_158, %mul3A_334 : i32
        %add3A_336 = arith.constant 176 : i32
        %add3A_337 = arith.addi %mul3A_335, %add3A_336 : i32
        %get3A_338 = arith.index_cast %add3A_144 : i32 to index
        %get3A_339 = arith.index_cast %add3A_337 : i32 to index
        %get3A_340 = tpu.vector_load %arg11[%get3A_338, %get3A_339] {strides = array<i32>} : memref<16x2048xf32, #tpu.memory_space<vmem>>, vector<16xf32>,
        %mul3A_341 = arith.mulf %get3A_340, %gather3A_145 : vector<16xf32>
        %get3A_342 = arith.index_cast %add3A_144 : i32 to index
        %get3A_343 = arith.index_cast %add3A_337 : i32 to index
        %get3A_344 = tpu.vector_load %arg12[%get3A_342, %get3A_343] {strides = array<i32>} : memref<16x2048xf32, #tpu.memory_space<vmem>>, vector<16xf32>,
        %mul3A_345 = arith.mulf %get3A_344, %gather3A_148 : vector<16xf32>
        %add3A_346 = arith.addf %mul3A_341, %mul3A_345 : vector<16xf32>
        %swap3A_347 = arith.index_cast %add3A_144 : i32 to index
        %swap3A_348 = arith.index_cast %add3A_337 : i32 to index
        %swap3A_349 = tpu.vector_load %arg11[%swap3A_347, %swap3A_348] {strides = array<i32>} : memref<16x2048xf32, #tpu.memory_space<vmem>>, vector<16xf32>,
        tpu.vector_store %arg11[%swap3A_347, %swap3A_348], %add3A_346 {strides = array<i32>} : memref<16x2048xf32, #tpu.memory_space<vmem>>, vector<16xf32>,
        %mul3A_350 = arith.constant 256 : i32
        %mul3A_351 = arith.muli %add3A_158, %mul3A_350 : i32
        %add3A_352 = arith.constant 192 : i32
        %add3A_353 = arith.addi %mul3A_351, %add3A_352 : i32
        %get3A_354 = arith.index_cast %add3A_144 : i32 to index
        %get3A_355 = arith.index_cast %add3A_353 : i32 to index
        %get3A_356 = tpu.vector_load %arg11[%get3A_354, %get3A_355] {strides = array<i32>} : memref<16x2048xf32, #tpu.memory_space<vmem>>, vector<16xf32>,
        %mul3A_357 = arith.mulf %get3A_356, %gather3A_145 : vector<16xf32>
        %get3A_358 = arith.index_cast %add3A_144 : i32 to index
        %get3A_359 = arith.index_cast %add3A_353 : i32 to index
        %get3A_360 = tpu.vector_load %arg12[%get3A_358, %get3A_359] {strides = array<i32>} : memref<16x2048xf32, #tpu.memory_space<vmem>>, vector<16xf32>,
        %mul3A_361 = arith.mulf %get3A_360, %gather3A_148 : vector<16xf32>
        %add3A_362 = arith.addf %mul3A_357, %mul3A_361 : vector<16xf32>
        %swap3A_363 = arith.index_cast %add3A_144 : i32 to index
        %swap3A_364 = arith.index_cast %add3A_353 : i32 to index
        %swap3A_365 = tpu.vector_load %arg11[%swap3A_363, %swap3A_364] {strides = array<i32>} : memref<16x2048xf32, #tpu.memory_space<vmem>>, vector<16xf32>,
        tpu.vector_store %arg11[%swap3A_363, %swap3A_364], %add3A_362 {strides = array<i32>} : memref<16x2048xf32, #tpu.memory_space<vmem>>, vector<16xf32>,
        %mul3A_366 = arith.constant 256 : i32
        %mul3A_367 = arith.muli %add3A_158, %mul3A_366 : i32
        %add3A_368 = arith.constant 208 : i32
        %add3A_369 = arith.addi %mul3A_367, %add3A_368 : i32
        %get3A_370 = arith.index_cast %add3A_144 : i32 to index
        %get3A_371 = arith.index_cast %add3A_369 : i32 to index
        %get3A_372 = tpu.vector_load %arg11[%get3A_370, %get3A_371] {strides = array<i32>} : memref<16x2048xf32, #tpu.memory_space<vmem>>, vector<16xf32>,
        %mul3A_373 = arith.mulf %get3A_372, %gather3A_145 : vector<16xf32>
        %get3A_374 = arith.index_cast %add3A_144 : i32 to index
        %get3A_375 = arith.index_cast %add3A_369 : i32 to index
        %get3A_376 = tpu.vector_load %arg12[%get3A_374, %get3A_375] {strides = array<i32>} : memref<16x2048xf32, #tpu.memory_space<vmem>>, vector<16xf32>,
        %mul3A_377 = arith.mulf %get3A_376, %gather3A_148 : vector<16xf32>
        %add3A_378 = arith.addf %mul3A_373, %mul3A_377 : vector<16xf32>
        %swap3A_379 = arith.index_cast %add3A_144 : i32 to index
        %swap3A_380 = arith.index_cast %add3A_369 : i32 to index
        %swap3A_381 = tpu.vector_load %arg11[%swap3A_379, %swap3A_380] {strides = array<i32>} : memref<16x2048xf32, #tpu.memory_space<vmem>>, vector<16xf32>,
        tpu.vector_store %arg11[%swap3A_379, %swap3A_380], %add3A_378 {strides = array<i32>} : memref<16x2048xf32, #tpu.memory_space<vmem>>, vector<16xf32>,
        %mul3A_382 = arith.constant 256 : i32
        %mul3A_383 = arith.muli %add3A_158, %mul3A_382 : i32
        %add3A_384 = arith.constant 224 : i32
        %add3A_385 = arith.addi %mul3A_383, %add3A_384 : i32
        %get3A_386 = arith.index_cast %add3A_144 : i32 to index
        %get3A_387 = arith.index_cast %add3A_385 : i32 to index
        %get3A_388 = tpu.vector_load %arg11[%get3A_386, %get3A_387] {strides = array<i32>} : memref<16x2048xf32, #tpu.memory_space<vmem>>, vector<16xf32>,
        %mul3A_389 = arith.mulf %get3A_388, %gather3A_145 : vector<16xf32>
        %get3A_390 = arith.index_cast %add3A_144 : i32 to index
        %get3A_391 = arith.index_cast %add3A_385 : i32 to index
        %get3A_392 = tpu.vector_load %arg12[%get3A_390, %get3A_391] {strides = array<i32>} : memref<16x2048xf32, #tpu.memory_space<vmem>>, vector<16xf32>,
        %mul3A_393 = arith.mulf %get3A_392, %gather3A_148 : vector<16xf32>
        %add3A_394 = arith.addf %mul3A_389, %mul3A_393 : vector<16xf32>
        %swap3A_395 = arith.index_cast %add3A_144 : i32 to index
        %swap3A_396 = arith.index_cast %add3A_385 : i32 to index
        %swap3A_397 = tpu.vector_load %arg11[%swap3A_395, %swap3A_396] {strides = array<i32>} : memref<16x2048xf32, #tpu.memory_space<vmem>>, vector<16xf32>,
        tpu.vector_store %arg11[%swap3A_395, %swap3A_396], %add3A_394 {strides = array<i32>} : memref<16x2048xf32, #tpu.memory_space<vmem>>, vector<16xf32>,
        %mul3A_398 = arith.constant 256 : i32
        %mul3A_399 = arith.muli %add3A_158, %mul3A_398 : i32
        %add3A_400 = arith.constant 240 : i32
        %add3A_401 = arith.addi %mul3A_399, %add3A_400 : i32
        %get3A_402 = arith.index_cast %add3A_144 : i32 to index
        %get3A_403 = arith.index_cast %add3A_401 : i32 to index
        %get3A_404 = tpu.vector_load %arg11[%get3A_402, %get3A_403] {strides = array<i32>} : memref<16x2048xf32, #tpu.memory_space<vmem>>, vector<16xf32>,
        %mul3A_405 = arith.mulf %get3A_404, %gather3A_145 : vector<16xf32>
        %get3A_406 = arith.index_cast %add3A_144 : i32 to index
        %get3A_407 = arith.index_cast %add3A_401 : i32 to index
        %get3A_408 = tpu.vector_load %arg12[%get3A_406, %get3A_407] {strides = array<i32>} : memref<16x2048xf32, #tpu.memory_space<vmem>>, vector<16xf32>,
        %mul3A_409 = arith.mulf %get3A_408, %gather3A_148 : vector<16xf32>
        %add3A_410 = arith.addf %mul3A_405, %mul3A_409 : vector<16xf32>
        %swap3A_411 = arith.index_cast %add3A_144 : i32 to index
        %swap3A_412 = arith.index_cast %add3A_401 : i32 to index
        %swap3A_413 = tpu.vector_load %arg11[%swap3A_411, %swap3A_412] {strides = array<i32>} : memref<16x2048xf32, #tpu.memory_space<vmem>>, vector<16xf32>,
        tpu.vector_store %arg11[%swap3A_411, %swap3A_412], %add3A_410 {strides = array<i32>} : memref<16x2048xf32, #tpu.memory_space<vmem>>, vector<16xf32>,
      }
      %scan3A_153 = arith.constant 8 : i32
    }
    %scan3A_24 = arith.constant 16 : i32
    %add3A_25 = arith.constant 0 : i32
    %add3A_26 = arith.addi %mul3A_2, %add3A_25 : i32
    %dma_start3A_27 = arith.constant 0 : i32
    %dma_start3A_28 = tpu.memref_slice %arg6[%add3A_26, %dma_start3A_27] : memref<2048x2048xf32, #tpu.memory_space<hbm>> -> memref<16x2048xf32, #tpu.memory_space<hbm>>
    %dma_start3A_29 = arith.constant 0 : i32
    %dma_start3A_30 = tpu.memref_slice %arg6[%add3A_26, %dma_start3A_29] : memref<2048x2048xf32, #tpu.memory_space<hbm>> -> memref<16x2048xf32, #tpu.memory_space<hbm>>
    tpu.enqueue_dma source(%arg11 : memref<16x2048xf32, #tpu.memory_space<vmem>>) target(%dma_start3A_30 : memref<16x2048xf32, #tpu.memory_space<hbm>>) target_semaphore(%arg16 : memref<!tpu.dma_semaphore, #tpu.memory_space<semaphore_mem>>)
    %get3A_31 = arith.constant 16 : index
    %get3A_32 = tpu.vector_load %arg7[%get3A_31] {strides = array<i32>} : memref<64xi32, #tpu.memory_space<vmem>>, vector<16xi32>,
    %get3A_33 = arith.constant 16 : index
    %get3A_34 = tpu.vector_load %arg8[%get3A_33] {strides = array<i32>} : memref<64xi32, #tpu.memory_space<vmem>>, vector<16xi32>,
    %dma_start3A_35 = arith.constant 0 : i32
    %dma_start3A_36 = arith.constant 0 : i32
    %dma_start3A_37 = tpu.memref_slice %arg2[%dma_start3A_35, %dma_start3A_36] : memref<6144x2048xf32, #tpu.memory_space<hbm>> -> memref<6144x2048xf32, #tpu.memory_space<hbm>>
    tpu.enqueue_indirect_dma source(%dma_start3A_37 : memref<6144x2048xf32, #tpu.memory_space<hbm>>) target(%arg13 : memref<16x2048xf32, #tpu.memory_space<vmem>>) offsets(%get3A_32 : vector<16xi32>) semaphore(%arg14 : memref<!tpu.dma_semaphore, #tpu.memory_space<semaphore_mem>>)
    %dma_start3A_38 = arith.constant 0 : i32
    %dma_start3A_39 = arith.constant 0 : i32
    %dma_start3A_40 = tpu.memref_slice %arg2[%dma_start3A_38, %dma_start3A_39] : memref<6144x2048xf32, #tpu.memory_space<hbm>> -> memref<6144x2048xf32, #tpu.memory_space<hbm>>
    tpu.enqueue_indirect_dma source(%dma_start3A_40 : memref<6144x2048xf32, #tpu.memory_space<hbm>>) target(%arg12 : memref<16x2048xf32, #tpu.memory_space<vmem>>) offsets(%get3A_34 : vector<16xi32>) semaphore(%arg15 : memref<!tpu.dma_semaphore, #tpu.memory_space<semaphore_mem>>)
    %dma_wait3A_41 = arith.constant 0 : i32
    %dma_wait3A_42 = arith.constant 0 : i32
    %dma_wait3A_43 = tpu.memref_slice %arg2[%dma_wait3A_41, %dma_wait3A_42] : memref<6144x2048xf32, #tpu.memory_space<hbm>> -> memref<6144x2048xf32, #tpu.memory_space<hbm>>
    tpu.wait_indirect_dma semaphore(%arg14 : memref<!tpu.dma_semaphore, #tpu.memory_space<semaphore_mem>>) src(%dma_wait3A_43 : memref<6144x2048xf32, #tpu.memory_space<hbm>>) dst(%arg13 : memref<16x2048xf32, #tpu.memory_space<vmem>>)
    %dma_wait3A_44 = arith.constant 0 : i32
    %dma_wait3A_45 = arith.constant 0 : i32
    %dma_wait3A_46 = tpu.memref_slice %arg2[%dma_wait3A_44, %dma_wait3A_45] : memref<6144x2048xf32, #tpu.memory_space<hbm>> -> memref<6144x2048xf32, #tpu.memory_space<hbm>>
    tpu.wait_indirect_dma semaphore(%arg15 : memref<!tpu.dma_semaphore, #tpu.memory_space<semaphore_mem>>) src(%dma_wait3A_46 : memref<6144x2048xf32, #tpu.memory_space<hbm>>) dst(%arg12 : memref<16x2048xf32, #tpu.memory_space<vmem>>)
    %get3A_47 = arith.constant 16 : index
    %get3A_48 = tpu.vector_load %arg9[%get3A_47] {strides = array<i32>} : memref<64xf32, #tpu.memory_space<vmem>>, vector<16xf32>,
    %get3A_49 = arith.constant 16 : index
    %get3A_50 = tpu.vector_load %arg10[%get3A_49] {strides = array<i32>} : memref<64xf32, #tpu.memory_space<vmem>>, vector<16xf32>,
    %scan3A_51 = arith.constant 0 : i32
    %scan3A_52 = arith.constant 16 : i32
    %scan3A_53 = arith.addi %scan3A_51, %scan3A_52 : i32
    %scan3A_54 = arith.constant 1 : i32
    scf.for %scan3A_140 = %scan3A_51 to %scan3A_53 step %scan3A_54  : i32 {
      %mul3A_141 = arith.constant 1 : i32
      %mul3A_142 = arith.muli %scan3A_140, %mul3A_141 : i32
      %add3A_143 = arith.constant 0 : i32
      %add3A_144 = arith.addi %add3A_143, %mul3A_142 : i32
      %broadcast_in_dim3A = vector.broadcast %add3A_144 : i32 to vector<16x1xi32>
      %gather3A = vector.shape_cast %broadcast_in_dim3A : vector<16x1xi32> to vector<16xi32>
      %gather3A_145 = tpu.dynamic_gather %get3A_48[%gather3A] in [0] : vector<16xf32>, vector<16xi32> -> vector<16xf32>
      %broadcast_in_dim3A_146 = vector.broadcast %add3A_144 : i32 to vector<16x1xi32>
      %gather3A_147 = vector.shape_cast %broadcast_in_dim3A_146 : vector<16x1xi32> to vector<16xi32>
      %gather3A_148 = tpu.dynamic_gather %get3A_50[%gather3A_147] in [0] : vector<16xf32>, vector<16xi32> -> vector<16xf32>
      %scan3A_149 = arith.constant 0 : i32
      %scan3A_150 = arith.constant 8 : i32
      %scan3A_151 = arith.addi %scan3A_149, %scan3A_150 : i32
      %scan3A_152 = arith.constant 1 : i32
      scf.for %scan3A_154 = %scan3A_149 to %scan3A_151 step %scan3A_152  : i32 {
        %mul3A_155 = arith.constant 1 : i32
        %mul3A_156 = arith.muli %scan3A_154, %mul3A_155 : i32
        %add3A_157 = arith.constant 0 : i32
        %add3A_158 = arith.addi %add3A_157, %mul3A_156 : i32
        %mul3A_159 = arith.constant 256 : i32
        %mul3A_160 = arith.muli %add3A_158, %mul3A_159 : i32
        %add3A_161 = arith.constant 0 : i32
        %add3A_162 = arith.addi %mul3A_160, %add3A_161 : i32
        %get3A_163 = arith.index_cast %add3A_144 : i32 to index
        %get3A_164 = arith.index_cast %add3A_162 : i32 to index
        %get3A_165 = tpu.vector_load %arg13[%get3A_163, %get3A_164] {strides = array<i32>} : memref<16x2048xf32, #tpu.memory_space<vmem>>, vector<16xf32>,
        %mul3A_166 = arith.mulf %get3A_165, %gather3A_145 : vector<16xf32>
        %get3A_167 = arith.index_cast %add3A_144 : i32 to index
        %get3A_168 = arith.index_cast %add3A_162 : i32 to index
        %get3A_169 = tpu.vector_load %arg12[%get3A_167, %get3A_168] {strides = array<i32>} : memref<16x2048xf32, #tpu.memory_space<vmem>>, vector<16xf32>,
        %mul3A_170 = arith.mulf %get3A_169, %gather3A_148 : vector<16xf32>
        %add3A_171 = arith.addf %mul3A_166, %mul3A_170 : vector<16xf32>
        %swap3A = arith.index_cast %add3A_144 : i32 to index
        %swap3A_172 = arith.index_cast %add3A_162 : i32 to index
        %swap3A_173 = tpu.vector_load %arg13[%swap3A, %swap3A_172] {strides = array<i32>} : memref<16x2048xf32, #tpu.memory_space<vmem>>, vector<16xf32>,
        tpu.vector_store %arg13[%swap3A, %swap3A_172], %add3A_171 {strides = array<i32>} : memref<16x2048xf32, #tpu.memory_space<vmem>>, vector<16xf32>,
        %mul3A_174 = arith.constant 256 : i32
        %mul3A_175 = arith.muli %add3A_158, %mul3A_174 : i32
        %add3A_176 = arith.constant 16 : i32
        %add3A_177 = arith.addi %mul3A_175, %add3A_176 : i32
        %get3A_178 = arith.index_cast %add3A_144 : i32 to index
        %get3A_179 = arith.index_cast %add3A_177 : i32 to index
        %get3A_180 = tpu.vector_load %arg13[%get3A_178, %get3A_179] {strides = array<i32>} : memref<16x2048xf32, #tpu.memory_space<vmem>>, vector<16xf32>,
        %mul3A_181 = arith.mulf %get3A_180, %gather3A_145 : vector<16xf32>
        %get3A_182 = arith.index_cast %add3A_144 : i32 to index
        %get3A_183 = arith.index_cast %add3A_177 : i32 to index
        %get3A_184 = tpu.vector_load %arg12[%get3A_182, %get3A_183] {strides = array<i32>} : memref<16x2048xf32, #tpu.memory_space<vmem>>, vector<16xf32>,
        %mul3A_185 = arith.mulf %get3A_184, %gather3A_148 : vector<16xf32>
        %add3A_186 = arith.addf %mul3A_181, %mul3A_185 : vector<16xf32>
        %swap3A_187 = arith.index_cast %add3A_144 : i32 to index
        %swap3A_188 = arith.index_cast %add3A_177 : i32 to index
        %swap3A_189 = tpu.vector_load %arg13[%swap3A_187, %swap3A_188] {strides = array<i32>} : memref<16x2048xf32, #tpu.memory_space<vmem>>, vector<16xf32>,
        tpu.vector_store %arg13[%swap3A_187, %swap3A_188], %add3A_186 {strides = array<i32>} : memref<16x2048xf32, #tpu.memory_space<vmem>>, vector<16xf32>,
        %mul3A_190 = arith.constant 256 : i32
        %mul3A_191 = arith.muli %add3A_158, %mul3A_190 : i32
        %add3A_192 = arith.constant 32 : i32
        %add3A_193 = arith.addi %mul3A_191, %add3A_192 : i32
        %get3A_194 = arith.index_cast %add3A_144 : i32 to index
        %get3A_195 = arith.index_cast %add3A_193 : i32 to index
        %get3A_196 = tpu.vector_load %arg13[%get3A_194, %get3A_195] {strides = array<i32>} : memref<16x2048xf32, #tpu.memory_space<vmem>>, vector<16xf32>,
        %mul3A_197 = arith.mulf %get3A_196, %gather3A_145 : vector<16xf32>
        %get3A_198 = arith.index_cast %add3A_144 : i32 to index
        %get3A_199 = arith.index_cast %add3A_193 : i32 to index
        %get3A_200 = tpu.vector_load %arg12[%get3A_198, %get3A_199] {strides = array<i32>} : memref<16x2048xf32, #tpu.memory_space<vmem>>, vector<16xf32>,
        %mul3A_201 = arith.mulf %get3A_200, %gather3A_148 : vector<16xf32>
        %add3A_202 = arith.addf %mul3A_197, %mul3A_201 : vector<16xf32>
        %swap3A_203 = arith.index_cast %add3A_144 : i32 to index
        %swap3A_204 = arith.index_cast %add3A_193 : i32 to index
        %swap3A_205 = tpu.vector_load %arg13[%swap3A_203, %swap3A_204] {strides = array<i32>} : memref<16x2048xf32, #tpu.memory_space<vmem>>, vector<16xf32>,
        tpu.vector_store %arg13[%swap3A_203, %swap3A_204], %add3A_202 {strides = array<i32>} : memref<16x2048xf32, #tpu.memory_space<vmem>>, vector<16xf32>,
        %mul3A_206 = arith.constant 256 : i32
        %mul3A_207 = arith.muli %add3A_158, %mul3A_206 : i32
        %add3A_208 = arith.constant 48 : i32
        %add3A_209 = arith.addi %mul3A_207, %add3A_208 : i32
        %get3A_210 = arith.index_cast %add3A_144 : i32 to index
        %get3A_211 = arith.index_cast %add3A_209 : i32 to index
        %get3A_212 = tpu.vector_load %arg13[%get3A_210, %get3A_211] {strides = array<i32>} : memref<16x2048xf32, #tpu.memory_space<vmem>>, vector<16xf32>,
        %mul3A_213 = arith.mulf %get3A_212, %gather3A_145 : vector<16xf32>
        %get3A_214 = arith.index_cast %add3A_144 : i32 to index
        %get3A_215 = arith.index_cast %add3A_209 : i32 to index
        %get3A_216 = tpu.vector_load %arg12[%get3A_214, %get3A_215] {strides = array<i32>} : memref<16x2048xf32, #tpu.memory_space<vmem>>, vector<16xf32>,
        %mul3A_217 = arith.mulf %get3A_216, %gather3A_148 : vector<16xf32>
        %add3A_218 = arith.addf %mul3A_213, %mul3A_217 : vector<16xf32>
        %swap3A_219 = arith.index_cast %add3A_144 : i32 to index
        %swap3A_220 = arith.index_cast %add3A_209 : i32 to index
        %swap3A_221 = tpu.vector_load %arg13[%swap3A_219, %swap3A_220] {strides = array<i32>} : memref<16x2048xf32, #tpu.memory_space<vmem>>, vector<16xf32>,
        tpu.vector_store %arg13[%swap3A_219, %swap3A_220], %add3A_218 {strides = array<i32>} : memref<16x2048xf32, #tpu.memory_space<vmem>>, vector<16xf32>,
        %mul3A_222 = arith.constant 256 : i32
        %mul3A_223 = arith.muli %add3A_158, %mul3A_222 : i32
        %add3A_224 = arith.constant 64 : i32
        %add3A_225 = arith.addi %mul3A_223, %add3A_224 : i32
        %get3A_226 = arith.index_cast %add3A_144 : i32 to index
        %get3A_227 = arith.index_cast %add3A_225 : i32 to index
        %get3A_228 = tpu.vector_load %arg13[%get3A_226, %get3A_227] {strides = array<i32>} : memref<16x2048xf32, #tpu.memory_space<vmem>>, vector<16xf32>,
        %mul3A_229 = arith.mulf %get3A_228, %gather3A_145 : vector<16xf32>
        %get3A_230 = arith.index_cast %add3A_144 : i32 to index
        %get3A_231 = arith.index_cast %add3A_225 : i32 to index
        %get3A_232 = tpu.vector_load %arg12[%get3A_230, %get3A_231] {strides = array<i32>} : memref<16x2048xf32, #tpu.memory_space<vmem>>, vector<16xf32>,
        %mul3A_233 = arith.mulf %get3A_232, %gather3A_148 : vector<16xf32>
        %add3A_234 = arith.addf %mul3A_229, %mul3A_233 : vector<16xf32>
        %swap3A_235 = arith.index_cast %add3A_144 : i32 to index
        %swap3A_236 = arith.index_cast %add3A_225 : i32 to index
        %swap3A_237 = tpu.vector_load %arg13[%swap3A_235, %swap3A_236] {strides = array<i32>} : memref<16x2048xf32, #tpu.memory_space<vmem>>, vector<16xf32>,
        tpu.vector_store %arg13[%swap3A_235, %swap3A_236], %add3A_234 {strides = array<i32>} : memref<16x2048xf32, #tpu.memory_space<vmem>>, vector<16xf32>,
        %mul3A_238 = arith.constant 256 : i32
        %mul3A_239 = arith.muli %add3A_158, %mul3A_238 : i32
        %add3A_240 = arith.constant 80 : i32
        %add3A_241 = arith.addi %mul3A_239, %add3A_240 : i32
        %get3A_242 = arith.index_cast %add3A_144 : i32 to index
        %get3A_243 = arith.index_cast %add3A_241 : i32 to index
        %get3A_244 = tpu.vector_load %arg13[%get3A_242, %get3A_243] {strides = array<i32>} : memref<16x2048xf32, #tpu.memory_space<vmem>>, vector<16xf32>,
        %mul3A_245 = arith.mulf %get3A_244, %gather3A_145 : vector<16xf32>
        %get3A_246 = arith.index_cast %add3A_144 : i32 to index
        %get3A_247 = arith.index_cast %add3A_241 : i32 to index
        %get3A_248 = tpu.vector_load %arg12[%get3A_246, %get3A_247] {strides = array<i32>} : memref<16x2048xf32, #tpu.memory_space<vmem>>, vector<16xf32>,
        %mul3A_249 = arith.mulf %get3A_248, %gather3A_148 : vector<16xf32>
        %add3A_250 = arith.addf %mul3A_245, %mul3A_249 : vector<16xf32>
        %swap3A_251 = arith.index_cast %add3A_144 : i32 to index
        %swap3A_252 = arith.index_cast %add3A_241 : i32 to index
        %swap3A_253 = tpu.vector_load %arg13[%swap3A_251, %swap3A_252] {strides = array<i32>} : memref<16x2048xf32, #tpu.memory_space<vmem>>, vector<16xf32>,
        tpu.vector_store %arg13[%swap3A_251, %swap3A_252], %add3A_250 {strides = array<i32>} : memref<16x2048xf32, #tpu.memory_space<vmem>>, vector<16xf32>,
        %mul3A_254 = arith.constant 256 : i32
        %mul3A_255 = arith.muli %add3A_158, %mul3A_254 : i32
        %add3A_256 = arith.constant 96 : i32
        %add3A_257 = arith.addi %mul3A_255, %add3A_256 : i32
        %get3A_258 = arith.index_cast %add3A_144 : i32 to index
        %get3A_259 = arith.index_cast %add3A_257 : i32 to index
        %get3A_260 = tpu.vector_load %arg13[%get3A_258, %get3A_259] {strides = array<i32>} : memref<16x2048xf32, #tpu.memory_space<vmem>>, vector<16xf32>,
        %mul3A_261 = arith.mulf %get3A_260, %gather3A_145 : vector<16xf32>
        %get3A_262 = arith.index_cast %add3A_144 : i32 to index
        %get3A_263 = arith.index_cast %add3A_257 : i32 to index
        %get3A_264 = tpu.vector_load %arg12[%get3A_262, %get3A_263] {strides = array<i32>} : memref<16x2048xf32, #tpu.memory_space<vmem>>, vector<16xf32>,
        %mul3A_265 = arith.mulf %get3A_264, %gather3A_148 : vector<16xf32>
        %add3A_266 = arith.addf %mul3A_261, %mul3A_265 : vector<16xf32>
        %swap3A_267 = arith.index_cast %add3A_144 : i32 to index
        %swap3A_268 = arith.index_cast %add3A_257 : i32 to index
        %swap3A_269 = tpu.vector_load %arg13[%swap3A_267, %swap3A_268] {strides = array<i32>} : memref<16x2048xf32, #tpu.memory_space<vmem>>, vector<16xf32>,
        tpu.vector_store %arg13[%swap3A_267, %swap3A_268], %add3A_266 {strides = array<i32>} : memref<16x2048xf32, #tpu.memory_space<vmem>>, vector<16xf32>,
        %mul3A_270 = arith.constant 256 : i32
        %mul3A_271 = arith.muli %add3A_158, %mul3A_270 : i32
        %add3A_272 = arith.constant 112 : i32
        %add3A_273 = arith.addi %mul3A_271, %add3A_272 : i32
        %get3A_274 = arith.index_cast %add3A_144 : i32 to index
        %get3A_275 = arith.index_cast %add3A_273 : i32 to index
        %get3A_276 = tpu.vector_load %arg13[%get3A_274, %get3A_275] {strides = array<i32>} : memref<16x2048xf32, #tpu.memory_space<vmem>>, vector<16xf32>,
        %mul3A_277 = arith.mulf %get3A_276, %gather3A_145 : vector<16xf32>
        %get3A_278 = arith.index_cast %add3A_144 : i32 to index
        %get3A_279 = arith.index_cast %add3A_273 : i32 to index
        %get3A_280 = tpu.vector_load %arg12[%get3A_278, %get3A_279] {strides = array<i32>} : memref<16x2048xf32, #tpu.memory_space<vmem>>, vector<16xf32>,
        %mul3A_281 = arith.mulf %get3A_280, %gather3A_148 : vector<16xf32>
        %add3A_282 = arith.addf %mul3A_277, %mul3A_281 : vector<16xf32>
        %swap3A_283 = arith.index_cast %add3A_144 : i32 to index
        %swap3A_284 = arith.index_cast %add3A_273 : i32 to index
        %swap3A_285 = tpu.vector_load %arg13[%swap3A_283, %swap3A_284] {strides = array<i32>} : memref<16x2048xf32, #tpu.memory_space<vmem>>, vector<16xf32>,
        tpu.vector_store %arg13[%swap3A_283, %swap3A_284], %add3A_282 {strides = array<i32>} : memref<16x2048xf32, #tpu.memory_space<vmem>>, vector<16xf32>,
        %mul3A_286 = arith.constant 256 : i32
        %mul3A_287 = arith.muli %add3A_158, %mul3A_286 : i32
        %add3A_288 = arith.constant 128 : i32
        %add3A_289 = arith.addi %mul3A_287, %add3A_288 : i32
        %get3A_290 = arith.index_cast %add3A_144 : i32 to index
        %get3A_291 = arith.index_cast %add3A_289 : i32 to index
        %get3A_292 = tpu.vector_load %arg13[%get3A_290, %get3A_291] {strides = array<i32>} : memref<16x2048xf32, #tpu.memory_space<vmem>>, vector<16xf32>,
        %mul3A_293 = arith.mulf %get3A_292, %gather3A_145 : vector<16xf32>
        %get3A_294 = arith.index_cast %add3A_144 : i32 to index
        %get3A_295 = arith.index_cast %add3A_289 : i32 to index
        %get3A_296 = tpu.vector_load %arg12[%get3A_294, %get3A_295] {strides = array<i32>} : memref<16x2048xf32, #tpu.memory_space<vmem>>, vector<16xf32>,
        %mul3A_297 = arith.mulf %get3A_296, %gather3A_148 : vector<16xf32>
        %add3A_298 = arith.addf %mul3A_293, %mul3A_297 : vector<16xf32>
        %swap3A_299 = arith.index_cast %add3A_144 : i32 to index
        %swap3A_300 = arith.index_cast %add3A_289 : i32 to index
        %swap3A_301 = tpu.vector_load %arg13[%swap3A_299, %swap3A_300] {strides = array<i32>} : memref<16x2048xf32, #tpu.memory_space<vmem>>, vector<16xf32>,
        tpu.vector_store %arg13[%swap3A_299, %swap3A_300], %add3A_298 {strides = array<i32>} : memref<16x2048xf32, #tpu.memory_space<vmem>>, vector<16xf32>,
        %mul3A_302 = arith.constant 256 : i32
        %mul3A_303 = arith.muli %add3A_158, %mul3A_302 : i32
        %add3A_304 = arith.constant 144 : i32
        %add3A_305 = arith.addi %mul3A_303, %add3A_304 : i32
        %get3A_306 = arith.index_cast %add3A_144 : i32 to index
        %get3A_307 = arith.index_cast %add3A_305 : i32 to index
        %get3A_308 = tpu.vector_load %arg13[%get3A_306, %get3A_307] {strides = array<i32>} : memref<16x2048xf32, #tpu.memory_space<vmem>>, vector<16xf32>,
        %mul3A_309 = arith.mulf %get3A_308, %gather3A_145 : vector<16xf32>
        %get3A_310 = arith.index_cast %add3A_144 : i32 to index
        %get3A_311 = arith.index_cast %add3A_305 : i32 to index
        %get3A_312 = tpu.vector_load %arg12[%get3A_310, %get3A_311] {strides = array<i32>} : memref<16x2048xf32, #tpu.memory_space<vmem>>, vector<16xf32>,
        %mul3A_313 = arith.mulf %get3A_312, %gather3A_148 : vector<16xf32>
        %add3A_314 = arith.addf %mul3A_309, %mul3A_313 : vector<16xf32>
        %swap3A_315 = arith.index_cast %add3A_144 : i32 to index
        %swap3A_316 = arith.index_cast %add3A_305 : i32 to index
        %swap3A_317 = tpu.vector_load %arg13[%swap3A_315, %swap3A_316] {strides = array<i32>} : memref<16x2048xf32, #tpu.memory_space<vmem>>, vector<16xf32>,
        tpu.vector_store %arg13[%swap3A_315, %swap3A_316], %add3A_314 {strides = array<i32>} : memref<16x2048xf32, #tpu.memory_space<vmem>>, vector<16xf32>,
        %mul3A_318 = arith.constant 256 : i32
        %mul3A_319 = arith.muli %add3A_158, %mul3A_318 : i32
        %add3A_320 = arith.constant 160 : i32
        %add3A_321 = arith.addi %mul3A_319, %add3A_320 : i32
        %get3A_322 = arith.index_cast %add3A_144 : i32 to index
        %get3A_323 = arith.index_cast %add3A_321 : i32 to index
        %get3A_324 = tpu.vector_load %arg13[%get3A_322, %get3A_323] {strides = array<i32>} : memref<16x2048xf32, #tpu.memory_space<vmem>>, vector<16xf32>,
        %mul3A_325 = arith.mulf %get3A_324, %gather3A_145 : vector<16xf32>
        %get3A_326 = arith.index_cast %add3A_144 : i32 to index
        %get3A_327 = arith.index_cast %add3A_321 : i32 to index
        %get3A_328 = tpu.vector_load %arg12[%get3A_326, %get3A_327] {strides = array<i32>} : memref<16x2048xf32, #tpu.memory_space<vmem>>, vector<16xf32>,
        %mul3A_329 = arith.mulf %get3A_328, %gather3A_148 : vector<16xf32>
        %add3A_330 = arith.addf %mul3A_325, %mul3A_329 : vector<16xf32>
        %swap3A_331 = arith.index_cast %add3A_144 : i32 to index
        %swap3A_332 = arith.index_cast %add3A_321 : i32 to index
        %swap3A_333 = tpu.vector_load %arg13[%swap3A_331, %swap3A_332] {strides = array<i32>} : memref<16x2048xf32, #tpu.memory_space<vmem>>, vector<16xf32>,
        tpu.vector_store %arg13[%swap3A_331, %swap3A_332], %add3A_330 {strides = array<i32>} : memref<16x2048xf32, #tpu.memory_space<vmem>>, vector<16xf32>,
        %mul3A_334 = arith.constant 256 : i32
        %mul3A_335 = arith.muli %add3A_158, %mul3A_334 : i32
        %add3A_336 = arith.constant 176 : i32
        %add3A_337 = arith.addi %mul3A_335, %add3A_336 : i32
        %get3A_338 = arith.index_cast %add3A_144 : i32 to index
        %get3A_339 = arith.index_cast %add3A_337 : i32 to index
        %get3A_340 = tpu.vector_load %arg13[%get3A_338, %get3A_339] {strides = array<i32>} : memref<16x2048xf32, #tpu.memory_space<vmem>>, vector<16xf32>,
        %mul3A_341 = arith.mulf %get3A_340, %gather3A_145 : vector<16xf32>
        %get3A_342 = arith.index_cast %add3A_144 : i32 to index
        %get3A_343 = arith.index_cast %add3A_337 : i32 to index
        %get3A_344 = tpu.vector_load %arg12[%get3A_342, %get3A_343] {strides = array<i32>} : memref<16x2048xf32, #tpu.memory_space<vmem>>, vector<16xf32>,
        %mul3A_345 = arith.mulf %get3A_344, %gather3A_148 : vector<16xf32>
        %add3A_346 = arith.addf %mul3A_341, %mul3A_345 : vector<16xf32>
        %swap3A_347 = arith.index_cast %add3A_144 : i32 to index
        %swap3A_348 = arith.index_cast %add3A_337 : i32 to index
        %swap3A_349 = tpu.vector_load %arg13[%swap3A_347, %swap3A_348] {strides = array<i32>} : memref<16x2048xf32, #tpu.memory_space<vmem>>, vector<16xf32>,
        tpu.vector_store %arg13[%swap3A_347, %swap3A_348], %add3A_346 {strides = array<i32>} : memref<16x2048xf32, #tpu.memory_space<vmem>>, vector<16xf32>,
        %mul3A_350 = arith.constant 256 : i32
        %mul3A_351 = arith.muli %add3A_158, %mul3A_350 : i32
        %add3A_352 = arith.constant 192 : i32
        %add3A_353 = arith.addi %mul3A_351, %add3A_352 : i32
        %get3A_354 = arith.index_cast %add3A_144 : i32 to index
        %get3A_355 = arith.index_cast %add3A_353 : i32 to index
        %get3A_356 = tpu.vector_load %arg13[%get3A_354, %get3A_355] {strides = array<i32>} : memref<16x2048xf32, #tpu.memory_space<vmem>>, vector<16xf32>,
        %mul3A_357 = arith.mulf %get3A_356, %gather3A_145 : vector<16xf32>
        %get3A_358 = arith.index_cast %add3A_144 : i32 to index
        %get3A_359 = arith.index_cast %add3A_353 : i32 to index
        %get3A_360 = tpu.vector_load %arg12[%get3A_358, %get3A_359] {strides = array<i32>} : memref<16x2048xf32, #tpu.memory_space<vmem>>, vector<16xf32>,
        %mul3A_361 = arith.mulf %get3A_360, %gather3A_148 : vector<16xf32>
        %add3A_362 = arith.addf %mul3A_357, %mul3A_361 : vector<16xf32>
        %swap3A_363 = arith.index_cast %add3A_144 : i32 to index
        %swap3A_364 = arith.index_cast %add3A_353 : i32 to index
        %swap3A_365 = tpu.vector_load %arg13[%swap3A_363, %swap3A_364] {strides = array<i32>} : memref<16x2048xf32, #tpu.memory_space<vmem>>, vector<16xf32>,
        tpu.vector_store %arg13[%swap3A_363, %swap3A_364], %add3A_362 {strides = array<i32>} : memref<16x2048xf32, #tpu.memory_space<vmem>>, vector<16xf32>,
        %mul3A_366 = arith.constant 256 : i32
        %mul3A_367 = arith.muli %add3A_158, %mul3A_366 : i32
        %add3A_368 = arith.constant 208 : i32
        %add3A_369 = arith.addi %mul3A_367, %add3A_368 : i32
        %get3A_370 = arith.index_cast %add3A_144 : i32 to index
        %get3A_371 = arith.index_cast %add3A_369 : i32 to index
        %get3A_372 = tpu.vector_load %arg13[%get3A_370, %get3A_371] {strides = array<i32>} : memref<16x2048xf32, #tpu.memory_space<vmem>>, vector<16xf32>,
        %mul3A_373 = arith.mulf %get3A_372, %gather3A_145 : vector<16xf32>
        %get3A_374 = arith.index_cast %add3A_144 : i32 to index
        %get3A_375 = arith.index_cast %add3A_369 : i32 to index
        %get3A_376 = tpu.vector_load %arg12[%get3A_374, %get3A_375] {strides = array<i32>} : memref<16x2048xf32, #tpu.memory_space<vmem>>, vector<16xf32>,
        %mul3A_377 = arith.mulf %get3A_376, %gather3A_148 : vector<16xf32>
        %add3A_378 = arith.addf %mul3A_373, %mul3A_377 : vector<16xf32>
        %swap3A_379 = arith.index_cast %add3A_144 : i32 to index
        %swap3A_380 = arith.index_cast %add3A_369 : i32 to index
        %swap3A_381 = tpu.vector_load %arg13[%swap3A_379, %swap3A_380] {strides = array<i32>} : memref<16x2048xf32, #tpu.memory_space<vmem>>, vector<16xf32>,
        tpu.vector_store %arg13[%swap3A_379, %swap3A_380], %add3A_378 {strides = array<i32>} : memref<16x2048xf32, #tpu.memory_space<vmem>>, vector<16xf32>,
        %mul3A_382 = arith.constant 256 : i32
        %mul3A_383 = arith.muli %add3A_158, %mul3A_382 : i32
        %add3A_384 = arith.constant 224 : i32
        %add3A_385 = arith.addi %mul3A_383, %add3A_384 : i32
        %get3A_386 = arith.index_cast %add3A_144 : i32 to index
        %get3A_387 = arith.index_cast %add3A_385 : i32 to index
        %get3A_388 = tpu.vector_load %arg13[%get3A_386, %get3A_387] {strides = array<i32>} : memref<16x2048xf32, #tpu.memory_space<vmem>>, vector<16xf32>,
        %mul3A_389 = arith.mulf %get3A_388, %gather3A_145 : vector<16xf32>
        %get3A_390 = arith.index_cast %add3A_144 : i32 to index
        %get3A_391 = arith.index_cast %add3A_385 : i32 to index
        %get3A_392 = tpu.vector_load %arg12[%get3A_390, %get3A_391] {strides = array<i32>} : memref<16x2048xf32, #tpu.memory_space<vmem>>, vector<16xf32>,
        %mul3A_393 = arith.mulf %get3A_392, %gather3A_148 : vector<16xf32>
        %add3A_394 = arith.addf %mul3A_389, %mul3A_393 : vector<16xf32>
        %swap3A_395 = arith.index_cast %add3A_144 : i32 to index
        %swap3A_396 = arith.index_cast %add3A_385 : i32 to index
        %swap3A_397 = tpu.vector_load %arg13[%swap3A_395, %swap3A_396] {strides = array<i32>} : memref<16x2048xf32, #tpu.memory_space<vmem>>, vector<16xf32>,
        tpu.vector_store %arg13[%swap3A_395, %swap3A_396], %add3A_394 {strides = array<i32>} : memref<16x2048xf32, #tpu.memory_space<vmem>>, vector<16xf32>,
        %mul3A_398 = arith.constant 256 : i32
        %mul3A_399 = arith.muli %add3A_158, %mul3A_398 : i32
        %add3A_400 = arith.constant 240 : i32
        %add3A_401 = arith.addi %mul3A_399, %add3A_400 : i32
        %get3A_402 = arith.index_cast %add3A_144 : i32 to index
        %get3A_403 = arith.index_cast %add3A_401 : i32 to index
        %get3A_404 = tpu.vector_load %arg13[%get3A_402, %get3A_403] {strides = array<i32>} : memref<16x2048xf32, #tpu.memory_space<vmem>>, vector<16xf32>,
        %mul3A_405 = arith.mulf %get3A_404, %gather3A_145 : vector<16xf32>
        %get3A_406 = arith.index_cast %add3A_144 : i32 to index
        %get3A_407 = arith.index_cast %add3A_401 : i32 to index
        %get3A_408 = tpu.vector_load %arg12[%get3A_406, %get3A_407] {strides = array<i32>} : memref<16x2048xf32, #tpu.memory_space<vmem>>, vector<16xf32>,
        %mul3A_409 = arith.mulf %get3A_408, %gather3A_148 : vector<16xf32>
        %add3A_410 = arith.addf %mul3A_405, %mul3A_409 : vector<16xf32>
        %swap3A_411 = arith.index_cast %add3A_144 : i32 to index
        %swap3A_412 = arith.index_cast %add3A_401 : i32 to index
        %swap3A_413 = tpu.vector_load %arg13[%swap3A_411, %swap3A_412] {strides = array<i32>} : memref<16x2048xf32, #tpu.memory_space<vmem>>, vector<16xf32>,
        tpu.vector_store %arg13[%swap3A_411, %swap3A_412], %add3A_410 {strides = array<i32>} : memref<16x2048xf32, #tpu.memory_space<vmem>>, vector<16xf32>,
      }
      %scan3A_153 = arith.constant 8 : i32
    }
    %scan3A_55 = arith.constant 16 : i32
    %add3A_56 = arith.constant 16 : i32
    %add3A_57 = arith.addi %mul3A_2, %add3A_56 : i32
    %dma_start3A_58 = arith.constant 0 : i32
    %dma_start3A_59 = tpu.memref_slice %arg6[%add3A_57, %dma_start3A_58] : memref<2048x2048xf32, #tpu.memory_space<hbm>> -> memref<16x2048xf32, #tpu.memory_space<hbm>>
    %dma_start3A_60 = arith.constant 0 : i32
    %dma_start3A_61 = tpu.memref_slice %arg6[%add3A_57, %dma_start3A_60] : memref<2048x2048xf32, #tpu.memory_space<hbm>> -> memref<16x2048xf32, #tpu.memory_space<hbm>>
    tpu.enqueue_dma source(%arg13 : memref<16x2048xf32, #tpu.memory_space<vmem>>) target(%dma_start3A_61 : memref<16x2048xf32, #tpu.memory_space<hbm>>) target_semaphore(%arg17 : memref<!tpu.dma_semaphore, #tpu.memory_space<semaphore_mem>>)
    %dma_wait3A_62 = arith.constant 0 : i32
    %dma_wait3A_63 = tpu.memref_slice %arg6[%add3A_26, %dma_wait3A_62] : memref<2048x2048xf32, #tpu.memory_space<hbm>> -> memref<16x2048xf32, #tpu.memory_space<hbm>>
    %dma_wait3A_64 = arith.constant 0 : i32
    %dma_wait3A_65 = tpu.memref_slice %arg6[%add3A_26, %dma_wait3A_64] : memref<2048x2048xf32, #tpu.memory_space<hbm>> -> memref<16x2048xf32, #tpu.memory_space<hbm>>
    tpu.wait_dma2 semaphore(%arg16 : memref<!tpu.dma_semaphore, #tpu.memory_space<semaphore_mem>>) src(%arg11 : memref<16x2048xf32, #tpu.memory_space<vmem>>) dst(%dma_wait3A_65 : memref<16x2048xf32, #tpu.memory_space<hbm>>)
    %get3A_66 = arith.constant 32 : index
    %get3A_67 = tpu.vector_load %arg7[%get3A_66] {strides = array<i32>} : memref<64xi32, #tpu.memory_space<vmem>>, vector<16xi32>,
    %get3A_68 = arith.constant 32 : index
    %get3A_69 = tpu.vector_load %arg8[%get3A_68] {strides = array<i32>} : memref<64xi32, #tpu.memory_space<vmem>>, vector<16xi32>,
    %dma_start3A_70 = arith.constant 0 : i32
    %dma_start3A_71 = arith.constant 0 : i32
    %dma_start3A_72 = tpu.memref_slice %arg2[%dma_start3A_70, %dma_start3A_71] : memref<6144x2048xf32, #tpu.memory_space<hbm>> -> memref<6144x2048xf32, #tpu.memory_space<hbm>>
    tpu.enqueue_indirect_dma source(%dma_start3A_72 : memref<6144x2048xf32, #tpu.memory_space<hbm>>) target(%arg11 : memref<16x2048xf32, #tpu.memory_space<vmem>>) offsets(%get3A_67 : vector<16xi32>) semaphore(%arg14 : memref<!tpu.dma_semaphore, #tpu.memory_space<semaphore_mem>>)
    %dma_start3A_73 = arith.constant 0 : i32
    %dma_start3A_74 = arith.constant 0 : i32
    %dma_start3A_75 = tpu.memref_slice %arg2[%dma_start3A_73, %dma_start3A_74] : memref<6144x2048xf32, #tpu.memory_space<hbm>> -> memref<6144x2048xf32, #tpu.memory_space<hbm>>
    tpu.enqueue_indirect_dma source(%dma_start3A_75 : memref<6144x2048xf32, #tpu.memory_space<hbm>>) target(%arg12 : memref<16x2048xf32, #tpu.memory_space<vmem>>) offsets(%get3A_69 : vector<16xi32>) semaphore(%arg15 : memref<!tpu.dma_semaphore, #tpu.memory_space<semaphore_mem>>)
    %dma_wait3A_76 = arith.constant 0 : i32
    %dma_wait3A_77 = arith.constant 0 : i32
    %dma_wait3A_78 = tpu.memref_slice %arg2[%dma_wait3A_76, %dma_wait3A_77] : memref<6144x2048xf32, #tpu.memory_space<hbm>> -> memref<6144x2048xf32, #tpu.memory_space<hbm>>
    tpu.wait_indirect_dma semaphore(%arg14 : memref<!tpu.dma_semaphore, #tpu.memory_space<semaphore_mem>>) src(%dma_wait3A_78 : memref<6144x2048xf32, #tpu.memory_space<hbm>>) dst(%arg11 : memref<16x2048xf32, #tpu.memory_space<vmem>>)
    %dma_wait3A_79 = arith.constant 0 : i32
    %dma_wait3A_80 = arith.constant 0 : i32
    %dma_wait3A_81 = tpu.memref_slice %arg2[%dma_wait3A_79, %dma_wait3A_80] : memref<6144x2048xf32, #tpu.memory_space<hbm>> -> memref<6144x2048xf32, #tpu.memory_space<hbm>>
    tpu.wait_indirect_dma semaphore(%arg15 : memref<!tpu.dma_semaphore, #tpu.memory_space<semaphore_mem>>) src(%dma_wait3A_81 : memref<6144x2048xf32, #tpu.memory_space<hbm>>) dst(%arg12 : memref<16x2048xf32, #tpu.memory_space<vmem>>)
    %get3A_82 = arith.constant 32 : index
    %get3A_83 = tpu.vector_load %arg9[%get3A_82] {strides = array<i32>} : memref<64xf32, #tpu.memory_space<vmem>>, vector<16xf32>,
    %get3A_84 = arith.constant 32 : index
    %get3A_85 = tpu.vector_load %arg10[%get3A_84] {strides = array<i32>} : memref<64xf32, #tpu.memory_space<vmem>>, vector<16xf32>,
    %scan3A_86 = arith.constant 0 : i32
    %scan3A_87 = arith.constant 16 : i32
    %scan3A_88 = arith.addi %scan3A_86, %scan3A_87 : i32
    %scan3A_89 = arith.constant 1 : i32
    scf.for %scan3A_140 = %scan3A_86 to %scan3A_88 step %scan3A_89  : i32 {
      %mul3A_141 = arith.constant 1 : i32
      %mul3A_142 = arith.muli %scan3A_140, %mul3A_141 : i32
      %add3A_143 = arith.constant 0 : i32
      %add3A_144 = arith.addi %add3A_143, %mul3A_142 : i32
      %broadcast_in_dim3A = vector.broadcast %add3A_144 : i32 to vector<16x1xi32>
      %gather3A = vector.shape_cast %broadcast_in_dim3A : vector<16x1xi32> to vector<16xi32>
      %gather3A_145 = tpu.dynamic_gather %get3A_83[%gather3A] in [0] : vector<16xf32>, vector<16xi32> -> vector<16xf32>
      %broadcast_in_dim3A_146 = vector.broadcast %add3A_144 : i32 to vector<16x1xi32>
      %gather3A_147 = vector.shape_cast %broadcast_in_dim3A_146 : vector<16x1xi32> to vector<16xi32>
      %gather3A_148 = tpu.dynamic_gather %get3A_85[%gather3A_147] in [0] : vector<16xf32>, vector<16xi32> -> vector<16xf32>
      %scan3A_149 = arith.constant 0 : i32
      %scan3A_150 = arith.constant 8 : i32
      %scan3A_151 = arith.addi %scan3A_149, %scan3A_150 : i32
      %scan3A_152 = arith.constant 1 : i32
      scf.for %scan3A_154 = %scan3A_149 to %scan3A_151 step %scan3A_152  : i32 {
        %mul3A_155 = arith.constant 1 : i32
        %mul3A_156 = arith.muli %scan3A_154, %mul3A_155 : i32
        %add3A_157 = arith.constant 0 : i32
        %add3A_158 = arith.addi %add3A_157, %mul3A_156 : i32
        %mul3A_159 = arith.constant 256 : i32
        %mul3A_160 = arith.muli %add3A_158, %mul3A_159 : i32
        %add3A_161 = arith.constant 0 : i32
        %add3A_162 = arith.addi %mul3A_160, %add3A_161 : i32
        %get3A_163 = arith.index_cast %add3A_144 : i32 to index
        %get3A_164 = arith.index_cast %add3A_162 : i32 to index
        %get3A_165 = tpu.vector_load %arg11[%get3A_163, %get3A_164] {strides = array<i32>} : memref<16x2048xf32, #tpu.memory_space<vmem>>, vector<16xf32>,
        %mul3A_166 = arith.mulf %get3A_165, %gather3A_145 : vector<16xf32>
        %get3A_167 = arith.index_cast %add3A_144 : i32 to index
        %get3A_168 = arith.index_cast %add3A_162 : i32 to index
        %get3A_169 = tpu.vector_load %arg12[%get3A_167, %get3A_168] {strides = array<i32>} : memref<16x2048xf32, #tpu.memory_space<vmem>>, vector<16xf32>,
        %mul3A_170 = arith.mulf %get3A_169, %gather3A_148 : vector<16xf32>
        %add3A_171 = arith.addf %mul3A_166, %mul3A_170 : vector<16xf32>
        %swap3A = arith.index_cast %add3A_144 : i32 to index
        %swap3A_172 = arith.index_cast %add3A_162 : i32 to index
        %swap3A_173 = tpu.vector_load %arg11[%swap3A, %swap3A_172] {strides = array<i32>} : memref<16x2048xf32, #tpu.memory_space<vmem>>, vector<16xf32>,
        tpu.vector_store %arg11[%swap3A, %swap3A_172], %add3A_171 {strides = array<i32>} : memref<16x2048xf32, #tpu.memory_space<vmem>>, vector<16xf32>,
        %mul3A_174 = arith.constant 256 : i32
        %mul3A_175 = arith.muli %add3A_158, %mul3A_174 : i32
        %add3A_176 = arith.constant 16 : i32
        %add3A_177 = arith.addi %mul3A_175, %add3A_176 : i32
        %get3A_178 = arith.index_cast %add3A_144 : i32 to index
        %get3A_179 = arith.index_cast %add3A_177 : i32 to index
        %get3A_180 = tpu.vector_load %arg11[%get3A_178, %get3A_179] {strides = array<i32>} : memref<16x2048xf32, #tpu.memory_space<vmem>>, vector<16xf32>,
        %mul3A_181 = arith.mulf %get3A_180, %gather3A_145 : vector<16xf32>
        %get3A_182 = arith.index_cast %add3A_144 : i32 to index
        %get3A_183 = arith.index_cast %add3A_177 : i32 to index
        %get3A_184 = tpu.vector_load %arg12[%get3A_182, %get3A_183] {strides = array<i32>} : memref<16x2048xf32, #tpu.memory_space<vmem>>, vector<16xf32>,
        %mul3A_185 = arith.mulf %get3A_184, %gather3A_148 : vector<16xf32>
        %add3A_186 = arith.addf %mul3A_181, %mul3A_185 : vector<16xf32>
        %swap3A_187 = arith.index_cast %add3A_144 : i32 to index
        %swap3A_188 = arith.index_cast %add3A_177 : i32 to index
        %swap3A_189 = tpu.vector_load %arg11[%swap3A_187, %swap3A_188] {strides = array<i32>} : memref<16x2048xf32, #tpu.memory_space<vmem>>, vector<16xf32>,
        tpu.vector_store %arg11[%swap3A_187, %swap3A_188], %add3A_186 {strides = array<i32>} : memref<16x2048xf32, #tpu.memory_space<vmem>>, vector<16xf32>,
        %mul3A_190 = arith.constant 256 : i32
        %mul3A_191 = arith.muli %add3A_158, %mul3A_190 : i32
        %add3A_192 = arith.constant 32 : i32
        %add3A_193 = arith.addi %mul3A_191, %add3A_192 : i32
        %get3A_194 = arith.index_cast %add3A_144 : i32 to index
        %get3A_195 = arith.index_cast %add3A_193 : i32 to index
        %get3A_196 = tpu.vector_load %arg11[%get3A_194, %get3A_195] {strides = array<i32>} : memref<16x2048xf32, #tpu.memory_space<vmem>>, vector<16xf32>,
        %mul3A_197 = arith.mulf %get3A_196, %gather3A_145 : vector<16xf32>
        %get3A_198 = arith.index_cast %add3A_144 : i32 to index
        %get3A_199 = arith.index_cast %add3A_193 : i32 to index
        %get3A_200 = tpu.vector_load %arg12[%get3A_198, %get3A_199] {strides = array<i32>} : memref<16x2048xf32, #tpu.memory_space<vmem>>, vector<16xf32>,
        %mul3A_201 = arith.mulf %get3A_200, %gather3A_148 : vector<16xf32>
        %add3A_202 = arith.addf %mul3A_197, %mul3A_201 : vector<16xf32>
        %swap3A_203 = arith.index_cast %add3A_144 : i32 to index
        %swap3A_204 = arith.index_cast %add3A_193 : i32 to index
        %swap3A_205 = tpu.vector_load %arg11[%swap3A_203, %swap3A_204] {strides = array<i32>} : memref<16x2048xf32, #tpu.memory_space<vmem>>, vector<16xf32>,
        tpu.vector_store %arg11[%swap3A_203, %swap3A_204], %add3A_202 {strides = array<i32>} : memref<16x2048xf32, #tpu.memory_space<vmem>>, vector<16xf32>,
        %mul3A_206 = arith.constant 256 : i32
        %mul3A_207 = arith.muli %add3A_158, %mul3A_206 : i32
        %add3A_208 = arith.constant 48 : i32
        %add3A_209 = arith.addi %mul3A_207, %add3A_208 : i32
        %get3A_210 = arith.index_cast %add3A_144 : i32 to index
        %get3A_211 = arith.index_cast %add3A_209 : i32 to index
        %get3A_212 = tpu.vector_load %arg11[%get3A_210, %get3A_211] {strides = array<i32>} : memref<16x2048xf32, #tpu.memory_space<vmem>>, vector<16xf32>,
        %mul3A_213 = arith.mulf %get3A_212, %gather3A_145 : vector<16xf32>
        %get3A_214 = arith.index_cast %add3A_144 : i32 to index
        %get3A_215 = arith.index_cast %add3A_209 : i32 to index
        %get3A_216 = tpu.vector_load %arg12[%get3A_214, %get3A_215] {strides = array<i32>} : memref<16x2048xf32, #tpu.memory_space<vmem>>, vector<16xf32>,
        %mul3A_217 = arith.mulf %get3A_216, %gather3A_148 : vector<16xf32>
        %add3A_218 = arith.addf %mul3A_213, %mul3A_217 : vector<16xf32>
        %swap3A_219 = arith.index_cast %add3A_144 : i32 to index
        %swap3A_220 = arith.index_cast %add3A_209 : i32 to index
        %swap3A_221 = tpu.vector_load %arg11[%swap3A_219, %swap3A_220] {strides = array<i32>} : memref<16x2048xf32, #tpu.memory_space<vmem>>, vector<16xf32>,
        tpu.vector_store %arg11[%swap3A_219, %swap3A_220], %add3A_218 {strides = array<i32>} : memref<16x2048xf32, #tpu.memory_space<vmem>>, vector<16xf32>,
        %mul3A_222 = arith.constant 256 : i32
        %mul3A_223 = arith.muli %add3A_158, %mul3A_222 : i32
        %add3A_224 = arith.constant 64 : i32
        %add3A_225 = arith.addi %mul3A_223, %add3A_224 : i32
        %get3A_226 = arith.index_cast %add3A_144 : i32 to index
        %get3A_227 = arith.index_cast %add3A_225 : i32 to index
        %get3A_228 = tpu.vector_load %arg11[%get3A_226, %get3A_227] {strides = array<i32>} : memref<16x2048xf32, #tpu.memory_space<vmem>>, vector<16xf32>,
        %mul3A_229 = arith.mulf %get3A_228, %gather3A_145 : vector<16xf32>
        %get3A_230 = arith.index_cast %add3A_144 : i32 to index
        %get3A_231 = arith.index_cast %add3A_225 : i32 to index
        %get3A_232 = tpu.vector_load %arg12[%get3A_230, %get3A_231] {strides = array<i32>} : memref<16x2048xf32, #tpu.memory_space<vmem>>, vector<16xf32>,
        %mul3A_233 = arith.mulf %get3A_232, %gather3A_148 : vector<16xf32>
        %add3A_234 = arith.addf %mul3A_229, %mul3A_233 : vector<16xf32>
        %swap3A_235 = arith.index_cast %add3A_144 : i32 to index
        %swap3A_236 = arith.index_cast %add3A_225 : i32 to index
        %swap3A_237 = tpu.vector_load %arg11[%swap3A_235, %swap3A_236] {strides = array<i32>} : memref<16x2048xf32, #tpu.memory_space<vmem>>, vector<16xf32>,
        tpu.vector_store %arg11[%swap3A_235, %swap3A_236], %add3A_234 {strides = array<i32>} : memref<16x2048xf32, #tpu.memory_space<vmem>>, vector<16xf32>,
        %mul3A_238 = arith.constant 256 : i32
        %mul3A_239 = arith.muli %add3A_158, %mul3A_238 : i32
        %add3A_240 = arith.constant 80 : i32
        %add3A_241 = arith.addi %mul3A_239, %add3A_240 : i32
        %get3A_242 = arith.index_cast %add3A_144 : i32 to index
        %get3A_243 = arith.index_cast %add3A_241 : i32 to index
        %get3A_244 = tpu.vector_load %arg11[%get3A_242, %get3A_243] {strides = array<i32>} : memref<16x2048xf32, #tpu.memory_space<vmem>>, vector<16xf32>,
        %mul3A_245 = arith.mulf %get3A_244, %gather3A_145 : vector<16xf32>
        %get3A_246 = arith.index_cast %add3A_144 : i32 to index
        %get3A_247 = arith.index_cast %add3A_241 : i32 to index
        %get3A_248 = tpu.vector_load %arg12[%get3A_246, %get3A_247] {strides = array<i32>} : memref<16x2048xf32, #tpu.memory_space<vmem>>, vector<16xf32>,
        %mul3A_249 = arith.mulf %get3A_248, %gather3A_148 : vector<16xf32>
        %add3A_250 = arith.addf %mul3A_245, %mul3A_249 : vector<16xf32>
        %swap3A_251 = arith.index_cast %add3A_144 : i32 to index
        %swap3A_252 = arith.index_cast %add3A_241 : i32 to index
        %swap3A_253 = tpu.vector_load %arg11[%swap3A_251, %swap3A_252] {strides = array<i32>} : memref<16x2048xf32, #tpu.memory_space<vmem>>, vector<16xf32>,
        tpu.vector_store %arg11[%swap3A_251, %swap3A_252], %add3A_250 {strides = array<i32>} : memref<16x2048xf32, #tpu.memory_space<vmem>>, vector<16xf32>,
        %mul3A_254 = arith.constant 256 : i32
        %mul3A_255 = arith.muli %add3A_158, %mul3A_254 : i32
        %add3A_256 = arith.constant 96 : i32
        %add3A_257 = arith.addi %mul3A_255, %add3A_256 : i32
        %get3A_258 = arith.index_cast %add3A_144 : i32 to index
        %get3A_259 = arith.index_cast %add3A_257 : i32 to index
        %get3A_260 = tpu.vector_load %arg11[%get3A_258, %get3A_259] {strides = array<i32>} : memref<16x2048xf32, #tpu.memory_space<vmem>>, vector<16xf32>,
        %mul3A_261 = arith.mulf %get3A_260, %gather3A_145 : vector<16xf32>
        %get3A_262 = arith.index_cast %add3A_144 : i32 to index
        %get3A_263 = arith.index_cast %add3A_257 : i32 to index
        %get3A_264 = tpu.vector_load %arg12[%get3A_262, %get3A_263] {strides = array<i32>} : memref<16x2048xf32, #tpu.memory_space<vmem>>, vector<16xf32>,
        %mul3A_265 = arith.mulf %get3A_264, %gather3A_148 : vector<16xf32>
        %add3A_266 = arith.addf %mul3A_261, %mul3A_265 : vector<16xf32>
        %swap3A_267 = arith.index_cast %add3A_144 : i32 to index
        %swap3A_268 = arith.index_cast %add3A_257 : i32 to index
        %swap3A_269 = tpu.vector_load %arg11[%swap3A_267, %swap3A_268] {strides = array<i32>} : memref<16x2048xf32, #tpu.memory_space<vmem>>, vector<16xf32>,
        tpu.vector_store %arg11[%swap3A_267, %swap3A_268], %add3A_266 {strides = array<i32>} : memref<16x2048xf32, #tpu.memory_space<vmem>>, vector<16xf32>,
        %mul3A_270 = arith.constant 256 : i32
        %mul3A_271 = arith.muli %add3A_158, %mul3A_270 : i32
        %add3A_272 = arith.constant 112 : i32
        %add3A_273 = arith.addi %mul3A_271, %add3A_272 : i32
        %get3A_274 = arith.index_cast %add3A_144 : i32 to index
        %get3A_275 = arith.index_cast %add3A_273 : i32 to index
        %get3A_276 = tpu.vector_load %arg11[%get3A_274, %get3A_275] {strides = array<i32>} : memref<16x2048xf32, #tpu.memory_space<vmem>>, vector<16xf32>,
        %mul3A_277 = arith.mulf %get3A_276, %gather3A_145 : vector<16xf32>
        %get3A_278 = arith.index_cast %add3A_144 : i32 to index
        %get3A_279 = arith.index_cast %add3A_273 : i32 to index
        %get3A_280 = tpu.vector_load %arg12[%get3A_278, %get3A_279] {strides = array<i32>} : memref<16x2048xf32, #tpu.memory_space<vmem>>, vector<16xf32>,
        %mul3A_281 = arith.mulf %get3A_280, %gather3A_148 : vector<16xf32>
        %add3A_282 = arith.addf %mul3A_277, %mul3A_281 : vector<16xf32>
        %swap3A_283 = arith.index_cast %add3A_144 : i32 to index
        %swap3A_284 = arith.index_cast %add3A_273 : i32 to index
        %swap3A_285 = tpu.vector_load %arg11[%swap3A_283, %swap3A_284] {strides = array<i32>} : memref<16x2048xf32, #tpu.memory_space<vmem>>, vector<16xf32>,
        tpu.vector_store %arg11[%swap3A_283, %swap3A_284], %add3A_282 {strides = array<i32>} : memref<16x2048xf32, #tpu.memory_space<vmem>>, vector<16xf32>,
        %mul3A_286 = arith.constant 256 : i32
        %mul3A_287 = arith.muli %add3A_158, %mul3A_286 : i32
        %add3A_288 = arith.constant 128 : i32
        %add3A_289 = arith.addi %mul3A_287, %add3A_288 : i32
        %get3A_290 = arith.index_cast %add3A_144 : i32 to index
        %get3A_291 = arith.index_cast %add3A_289 : i32 to index
        %get3A_292 = tpu.vector_load %arg11[%get3A_290, %get3A_291] {strides = array<i32>} : memref<16x2048xf32, #tpu.memory_space<vmem>>, vector<16xf32>,
        %mul3A_293 = arith.mulf %get3A_292, %gather3A_145 : vector<16xf32>
        %get3A_294 = arith.index_cast %add3A_144 : i32 to index
        %get3A_295 = arith.index_cast %add3A_289 : i32 to index
        %get3A_296 = tpu.vector_load %arg12[%get3A_294, %get3A_295] {strides = array<i32>} : memref<16x2048xf32, #tpu.memory_space<vmem>>, vector<16xf32>,
        %mul3A_297 = arith.mulf %get3A_296, %gather3A_148 : vector<16xf32>
        %add3A_298 = arith.addf %mul3A_293, %mul3A_297 : vector<16xf32>
        %swap3A_299 = arith.index_cast %add3A_144 : i32 to index
        %swap3A_300 = arith.index_cast %add3A_289 : i32 to index
        %swap3A_301 = tpu.vector_load %arg11[%swap3A_299, %swap3A_300] {strides = array<i32>} : memref<16x2048xf32, #tpu.memory_space<vmem>>, vector<16xf32>,
        tpu.vector_store %arg11[%swap3A_299, %swap3A_300], %add3A_298 {strides = array<i32>} : memref<16x2048xf32, #tpu.memory_space<vmem>>, vector<16xf32>,
        %mul3A_302 = arith.constant 256 : i32
        %mul3A_303 = arith.muli %add3A_158, %mul3A_302 : i32
        %add3A_304 = arith.constant 144 : i32
        %add3A_305 = arith.addi %mul3A_303, %add3A_304 : i32
        %get3A_306 = arith.index_cast %add3A_144 : i32 to index
        %get3A_307 = arith.index_cast %add3A_305 : i32 to index
        %get3A_308 = tpu.vector_load %arg11[%get3A_306, %get3A_307] {strides = array<i32>} : memref<16x2048xf32, #tpu.memory_space<vmem>>, vector<16xf32>,
        %mul3A_309 = arith.mulf %get3A_308, %gather3A_145 : vector<16xf32>
        %get3A_310 = arith.index_cast %add3A_144 : i32 to index
        %get3A_311 = arith.index_cast %add3A_305 : i32 to index
        %get3A_312 = tpu.vector_load %arg12[%get3A_310, %get3A_311] {strides = array<i32>} : memref<16x2048xf32, #tpu.memory_space<vmem>>, vector<16xf32>,
        %mul3A_313 = arith.mulf %get3A_312, %gather3A_148 : vector<16xf32>
        %add3A_314 = arith.addf %mul3A_309, %mul3A_313 : vector<16xf32>
        %swap3A_315 = arith.index_cast %add3A_144 : i32 to index
        %swap3A_316 = arith.index_cast %add3A_305 : i32 to index
        %swap3A_317 = tpu.vector_load %arg11[%swap3A_315, %swap3A_316] {strides = array<i32>} : memref<16x2048xf32, #tpu.memory_space<vmem>>, vector<16xf32>,
        tpu.vector_store %arg11[%swap3A_315, %swap3A_316], %add3A_314 {strides = array<i32>} : memref<16x2048xf32, #tpu.memory_space<vmem>>, vector<16xf32>,
        %mul3A_318 = arith.constant 256 : i32
        %mul3A_319 = arith.muli %add3A_158, %mul3A_318 : i32
        %add3A_320 = arith.constant 160 : i32
        %add3A_321 = arith.addi %mul3A_319, %add3A_320 : i32
        %get3A_322 = arith.index_cast %add3A_144 : i32 to index
        %get3A_323 = arith.index_cast %add3A_321 : i32 to index
        %get3A_324 = tpu.vector_load %arg11[%get3A_322, %get3A_323] {strides = array<i32>} : memref<16x2048xf32, #tpu.memory_space<vmem>>, vector<16xf32>,
        %mul3A_325 = arith.mulf %get3A_324, %gather3A_145 : vector<16xf32>
        %get3A_326 = arith.index_cast %add3A_144 : i32 to index
        %get3A_327 = arith.index_cast %add3A_321 : i32 to index
        %get3A_328 = tpu.vector_load %arg12[%get3A_326, %get3A_327] {strides = array<i32>} : memref<16x2048xf32, #tpu.memory_space<vmem>>, vector<16xf32>,
        %mul3A_329 = arith.mulf %get3A_328, %gather3A_148 : vector<16xf32>
        %add3A_330 = arith.addf %mul3A_325, %mul3A_329 : vector<16xf32>
        %swap3A_331 = arith.index_cast %add3A_144 : i32 to index
        %swap3A_332 = arith.index_cast %add3A_321 : i32 to index
        %swap3A_333 = tpu.vector_load %arg11[%swap3A_331, %swap3A_332] {strides = array<i32>} : memref<16x2048xf32, #tpu.memory_space<vmem>>, vector<16xf32>,
        tpu.vector_store %arg11[%swap3A_331, %swap3A_332], %add3A_330 {strides = array<i32>} : memref<16x2048xf32, #tpu.memory_space<vmem>>, vector<16xf32>,
        %mul3A_334 = arith.constant 256 : i32
        %mul3A_335 = arith.muli %add3A_158, %mul3A_334 : i32
        %add3A_336 = arith.constant 176 : i32
        %add3A_337 = arith.addi %mul3A_335, %add3A_336 : i32
        %get3A_338 = arith.index_cast %add3A_144 : i32 to index
        %get3A_339 = arith.index_cast %add3A_337 : i32 to index
        %get3A_340 = tpu.vector_load %arg11[%get3A_338, %get3A_339] {strides = array<i32>} : memref<16x2048xf32, #tpu.memory_space<vmem>>, vector<16xf32>,
        %mul3A_341 = arith.mulf %get3A_340, %gather3A_145 : vector<16xf32>
        %get3A_342 = arith.index_cast %add3A_144 : i32 to index
        %get3A_343 = arith.index_cast %add3A_337 : i32 to index
        %get3A_344 = tpu.vector_load %arg12[%get3A_342, %get3A_343] {strides = array<i32>} : memref<16x2048xf32, #tpu.memory_space<vmem>>, vector<16xf32>,
        %mul3A_345 = arith.mulf %get3A_344, %gather3A_148 : vector<16xf32>
        %add3A_346 = arith.addf %mul3A_341, %mul3A_345 : vector<16xf32>
        %swap3A_347 = arith.index_cast %add3A_144 : i32 to index
        %swap3A_348 = arith.index_cast %add3A_337 : i32 to index
        %swap3A_349 = tpu.vector_load %arg11[%swap3A_347, %swap3A_348] {strides = array<i32>} : memref<16x2048xf32, #tpu.memory_space<vmem>>, vector<16xf32>,
        tpu.vector_store %arg11[%swap3A_347, %swap3A_348], %add3A_346 {strides = array<i32>} : memref<16x2048xf32, #tpu.memory_space<vmem>>, vector<16xf32>,
        %mul3A_350 = arith.constant 256 : i32
        %mul3A_351 = arith.muli %add3A_158, %mul3A_350 : i32
        %add3A_352 = arith.constant 192 : i32
        %add3A_353 = arith.addi %mul3A_351, %add3A_352 : i32
        %get3A_354 = arith.index_cast %add3A_144 : i32 to index
        %get3A_355 = arith.index_cast %add3A_353 : i32 to index
        %get3A_356 = tpu.vector_load %arg11[%get3A_354, %get3A_355] {strides = array<i32>} : memref<16x2048xf32, #tpu.memory_space<vmem>>, vector<16xf32>,
        %mul3A_357 = arith.mulf %get3A_356, %gather3A_145 : vector<16xf32>
        %get3A_358 = arith.index_cast %add3A_144 : i32 to index
        %get3A_359 = arith.index_cast %add3A_353 : i32 to index
        %get3A_360 = tpu.vector_load %arg12[%get3A_358, %get3A_359] {strides = array<i32>} : memref<16x2048xf32, #tpu.memory_space<vmem>>, vector<16xf32>,
        %mul3A_361 = arith.mulf %get3A_360, %gather3A_148 : vector<16xf32>
        %add3A_362 = arith.addf %mul3A_357, %mul3A_361 : vector<16xf32>
        %swap3A_363 = arith.index_cast %add3A_144 : i32 to index
        %swap3A_364 = arith.index_cast %add3A_353 : i32 to index
        %swap3A_365 = tpu.vector_load %arg11[%swap3A_363, %swap3A_364] {strides = array<i32>} : memref<16x2048xf32, #tpu.memory_space<vmem>>, vector<16xf32>,
        tpu.vector_store %arg11[%swap3A_363, %swap3A_364], %add3A_362 {strides = array<i32>} : memref<16x2048xf32, #tpu.memory_space<vmem>>, vector<16xf32>,
        %mul3A_366 = arith.constant 256 : i32
        %mul3A_367 = arith.muli %add3A_158, %mul3A_366 : i32
        %add3A_368 = arith.constant 208 : i32
        %add3A_369 = arith.addi %mul3A_367, %add3A_368 : i32
        %get3A_370 = arith.index_cast %add3A_144 : i32 to index
        %get3A_371 = arith.index_cast %add3A_369 : i32 to index
        %get3A_372 = tpu.vector_load %arg11[%get3A_370, %get3A_371] {strides = array<i32>} : memref<16x2048xf32, #tpu.memory_space<vmem>>, vector<16xf32>,
        %mul3A_373 = arith.mulf %get3A_372, %gather3A_145 : vector<16xf32>
        %get3A_374 = arith.index_cast %add3A_144 : i32 to index
        %get3A_375 = arith.index_cast %add3A_369 : i32 to index
        %get3A_376 = tpu.vector_load %arg12[%get3A_374, %get3A_375] {strides = array<i32>} : memref<16x2048xf32, #tpu.memory_space<vmem>>, vector<16xf32>,
        %mul3A_377 = arith.mulf %get3A_376, %gather3A_148 : vector<16xf32>
        %add3A_378 = arith.addf %mul3A_373, %mul3A_377 : vector<16xf32>
        %swap3A_379 = arith.index_cast %add3A_144 : i32 to index
        %swap3A_380 = arith.index_cast %add3A_369 : i32 to index
        %swap3A_381 = tpu.vector_load %arg11[%swap3A_379, %swap3A_380] {strides = array<i32>} : memref<16x2048xf32, #tpu.memory_space<vmem>>, vector<16xf32>,
        tpu.vector_store %arg11[%swap3A_379, %swap3A_380], %add3A_378 {strides = array<i32>} : memref<16x2048xf32, #tpu.memory_space<vmem>>, vector<16xf32>,
        %mul3A_382 = arith.constant 256 : i32
        %mul3A_383 = arith.muli %add3A_158, %mul3A_382 : i32
        %add3A_384 = arith.constant 224 : i32
        %add3A_385 = arith.addi %mul3A_383, %add3A_384 : i32
        %get3A_386 = arith.index_cast %add3A_144 : i32 to index
        %get3A_387 = arith.index_cast %add3A_385 : i32 to index
        %get3A_388 = tpu.vector_load %arg11[%get3A_386, %get3A_387] {strides = array<i32>} : memref<16x2048xf32, #tpu.memory_space<vmem>>, vector<16xf32>,
        %mul3A_389 = arith.mulf %get3A_388, %gather3A_145 : vector<16xf32>
        %get3A_390 = arith.index_cast %add3A_144 : i32 to index
        %get3A_391 = arith.index_cast %add3A_385 : i32 to index
        %get3A_392 = tpu.vector_load %arg12[%get3A_390, %get3A_391] {strides = array<i32>} : memref<16x2048xf32, #tpu.memory_space<vmem>>, vector<16xf32>,
        %mul3A_393 = arith.mulf %get3A_392, %gather3A_148 : vector<16xf32>
        %add3A_394 = arith.addf %mul3A_389, %mul3A_393 : vector<16xf32>
        %swap3A_395 = arith.index_cast %add3A_144 : i32 to index
        %swap3A_396 = arith.index_cast %add3A_385 : i32 to index
        %swap3A_397 = tpu.vector_load %arg11[%swap3A_395, %swap3A_396] {strides = array<i32>} : memref<16x2048xf32, #tpu.memory_space<vmem>>, vector<16xf32>,
        tpu.vector_store %arg11[%swap3A_395, %swap3A_396], %add3A_394 {strides = array<i32>} : memref<16x2048xf32, #tpu.memory_space<vmem>>, vector<16xf32>,
        %mul3A_398 = arith.constant 256 : i32
        %mul3A_399 = arith.muli %add3A_158, %mul3A_398 : i32
        %add3A_400 = arith.constant 240 : i32
        %add3A_401 = arith.addi %mul3A_399, %add3A_400 : i32
        %get3A_402 = arith.index_cast %add3A_144 : i32 to index
        %get3A_403 = arith.index_cast %add3A_401 : i32 to index
        %get3A_404 = tpu.vector_load %arg11[%get3A_402, %get3A_403] {strides = array<i32>} : memref<16x2048xf32, #tpu.memory_space<vmem>>, vector<16xf32>,
        %mul3A_405 = arith.mulf %get3A_404, %gather3A_145 : vector<16xf32>
        %get3A_406 = arith.index_cast %add3A_144 : i32 to index
        %get3A_407 = arith.index_cast %add3A_401 : i32 to index
        %get3A_408 = tpu.vector_load %arg12[%get3A_406, %get3A_407] {strides = array<i32>} : memref<16x2048xf32, #tpu.memory_space<vmem>>, vector<16xf32>,
        %mul3A_409 = arith.mulf %get3A_408, %gather3A_148 : vector<16xf32>
        %add3A_410 = arith.addf %mul3A_405, %mul3A_409 : vector<16xf32>
        %swap3A_411 = arith.index_cast %add3A_144 : i32 to index
        %swap3A_412 = arith.index_cast %add3A_401 : i32 to index
        %swap3A_413 = tpu.vector_load %arg11[%swap3A_411, %swap3A_412] {strides = array<i32>} : memref<16x2048xf32, #tpu.memory_space<vmem>>, vector<16xf32>,
        tpu.vector_store %arg11[%swap3A_411, %swap3A_412], %add3A_410 {strides = array<i32>} : memref<16x2048xf32, #tpu.memory_space<vmem>>, vector<16xf32>,
      }
      %scan3A_153 = arith.constant 8 : i32
    }
    %scan3A_90 = arith.constant 16 : i32
    %add3A_91 = arith.constant 32 : i32
    %add3A_92 = arith.addi %mul3A_2, %add3A_91 : i32
    %dma_start3A_93 = arith.constant 0 : i32
    %dma_start3A_94 = tpu.memref_slice %arg6[%add3A_92, %dma_start3A_93] : memref<2048x2048xf32, #tpu.memory_space<hbm>> -> memref<16x2048xf32, #tpu.memory_space<hbm>>
    %dma_start3A_95 = arith.constant 0 : i32
    %dma_start3A_96 = tpu.memref_slice %arg6[%add3A_92, %dma_start3A_95] : memref<2048x2048xf32, #tpu.memory_space<hbm>> -> memref<16x2048xf32, #tpu.memory_space<hbm>>
    tpu.enqueue_dma source(%arg11 : memref<16x2048xf32, #tpu.memory_space<vmem>>) target(%dma_start3A_96 : memref<16x2048xf32, #tpu.memory_space<hbm>>) target_semaphore(%arg16 : memref<!tpu.dma_semaphore, #tpu.memory_space<semaphore_mem>>)
    %dma_wait3A_97 = arith.constant 0 : i32
    %dma_wait3A_98 = tpu.memref_slice %arg6[%add3A_57, %dma_wait3A_97] : memref<2048x2048xf32, #tpu.memory_space<hbm>> -> memref<16x2048xf32, #tpu.memory_space<hbm>>
    %dma_wait3A_99 = arith.constant 0 : i32
    %dma_wait3A_100 = tpu.memref_slice %arg6[%add3A_57, %dma_wait3A_99] : memref<2048x2048xf32, #tpu.memory_space<hbm>> -> memref<16x2048xf32, #tpu.memory_space<hbm>>
    tpu.wait_dma2 semaphore(%arg17 : memref<!tpu.dma_semaphore, #tpu.memory_space<semaphore_mem>>) src(%arg13 : memref<16x2048xf32, #tpu.memory_space<vmem>>) dst(%dma_wait3A_100 : memref<16x2048xf32, #tpu.memory_space<hbm>>)
    %get3A_101 = arith.constant 48 : index
    %get3A_102 = tpu.vector_load %arg7[%get3A_101] {strides = array<i32>} : memref<64xi32, #tpu.memory_space<vmem>>, vector<16xi32>,
    %get3A_103 = arith.constant 48 : index
    %get3A_104 = tpu.vector_load %arg8[%get3A_103] {strides = array<i32>} : memref<64xi32, #tpu.memory_space<vmem>>, vector<16xi32>,
    %dma_start3A_105 = arith.constant 0 : i32
    %dma_start3A_106 = arith.constant 0 : i32
    %dma_start3A_107 = tpu.memref_slice %arg2[%dma_start3A_105, %dma_start3A_106] : memref<6144x2048xf32, #tpu.memory_space<hbm>> -> memref<6144x2048xf32, #tpu.memory_space<hbm>>
    tpu.enqueue_indirect_dma source(%dma_start3A_107 : memref<6144x2048xf32, #tpu.memory_space<hbm>>) target(%arg13 : memref<16x2048xf32, #tpu.memory_space<vmem>>) offsets(%get3A_102 : vector<16xi32>) semaphore(%arg14 : memref<!tpu.dma_semaphore, #tpu.memory_space<semaphore_mem>>)
    %dma_start3A_108 = arith.constant 0 : i32
    %dma_start3A_109 = arith.constant 0 : i32
    %dma_start3A_110 = tpu.memref_slice %arg2[%dma_start3A_108, %dma_start3A_109] : memref<6144x2048xf32, #tpu.memory_space<hbm>> -> memref<6144x2048xf32, #tpu.memory_space<hbm>>
    tpu.enqueue_indirect_dma source(%dma_start3A_110 : memref<6144x2048xf32, #tpu.memory_space<hbm>>) target(%arg12 : memref<16x2048xf32, #tpu.memory_space<vmem>>) offsets(%get3A_104 : vector<16xi32>) semaphore(%arg15 : memref<!tpu.dma_semaphore, #tpu.memory_space<semaphore_mem>>)
    %dma_wait3A_111 = arith.constant 0 : i32
    %dma_wait3A_112 = arith.constant 0 : i32
    %dma_wait3A_113 = tpu.memref_slice %arg2[%dma_wait3A_111, %dma_wait3A_112] : memref<6144x2048xf32, #tpu.memory_space<hbm>> -> memref<6144x2048xf32, #tpu.memory_space<hbm>>
    tpu.wait_indirect_dma semaphore(%arg14 : memref<!tpu.dma_semaphore, #tpu.memory_space<semaphore_mem>>) src(%dma_wait3A_113 : memref<6144x2048xf32, #tpu.memory_space<hbm>>) dst(%arg13 : memref<16x2048xf32, #tpu.memory_space<vmem>>)
    %dma_wait3A_114 = arith.constant 0 : i32
    %dma_wait3A_115 = arith.constant 0 : i32
    %dma_wait3A_116 = tpu.memref_slice %arg2[%dma_wait3A_114, %dma_wait3A_115] : memref<6144x2048xf32, #tpu.memory_space<hbm>> -> memref<6144x2048xf32, #tpu.memory_space<hbm>>
    tpu.wait_indirect_dma semaphore(%arg15 : memref<!tpu.dma_semaphore, #tpu.memory_space<semaphore_mem>>) src(%dma_wait3A_116 : memref<6144x2048xf32, #tpu.memory_space<hbm>>) dst(%arg12 : memref<16x2048xf32, #tpu.memory_space<vmem>>)
    %get3A_117 = arith.constant 48 : index
    %get3A_118 = tpu.vector_load %arg9[%get3A_117] {strides = array<i32>} : memref<64xf32, #tpu.memory_space<vmem>>, vector<16xf32>,
    %get3A_119 = arith.constant 48 : index
    %get3A_120 = tpu.vector_load %arg10[%get3A_119] {strides = array<i32>} : memref<64xf32, #tpu.memory_space<vmem>>, vector<16xf32>,
    %scan3A_121 = arith.constant 0 : i32
    %scan3A_122 = arith.constant 16 : i32
    %scan3A_123 = arith.addi %scan3A_121, %scan3A_122 : i32
    %scan3A_124 = arith.constant 1 : i32
    scf.for %scan3A_140 = %scan3A_121 to %scan3A_123 step %scan3A_124  : i32 {
      %mul3A_141 = arith.constant 1 : i32
      %mul3A_142 = arith.muli %scan3A_140, %mul3A_141 : i32
      %add3A_143 = arith.constant 0 : i32
      %add3A_144 = arith.addi %add3A_143, %mul3A_142 : i32
      %broadcast_in_dim3A = vector.broadcast %add3A_144 : i32 to vector<16x1xi32>
      %gather3A = vector.shape_cast %broadcast_in_dim3A : vector<16x1xi32> to vector<16xi32>
      %gather3A_145 = tpu.dynamic_gather %get3A_118[%gather3A] in [0] : vector<16xf32>, vector<16xi32> -> vector<16xf32>
      %broadcast_in_dim3A_146 = vector.broadcast %add3A_144 : i32 to vector<16x1xi32>
      %gather3A_147 = vector.shape_cast %broadcast_in_dim3A_146 : vector<16x1xi32> to vector<16xi32>
      %gather3A_148 = tpu.dynamic_gather %get3A_120[%gather3A_147] in [0] : vector<16xf32>, vector<16xi32> -> vector<16xf32>
      %scan3A_149 = arith.constant 0 : i32
      %scan3A_150 = arith.constant 8 : i32
      %scan3A_151 = arith.addi %scan3A_149, %scan3A_150 : i32
      %scan3A_152 = arith.constant 1 : i32
      scf.for %scan3A_154 = %scan3A_149 to %scan3A_151 step %scan3A_152  : i32 {
        %mul3A_155 = arith.constant 1 : i32
        %mul3A_156 = arith.muli %scan3A_154, %mul3A_155 : i32
        %add3A_157 = arith.constant 0 : i32
        %add3A_158 = arith.addi %add3A_157, %mul3A_156 : i32
        %mul3A_159 = arith.constant 256 : i32
        %mul3A_160 = arith.muli %add3A_158, %mul3A_159 : i32
        %add3A_161 = arith.constant 0 : i32
        %add3A_162 = arith.addi %mul3A_160, %add3A_161 : i32
        %get3A_163 = arith.index_cast %add3A_144 : i32 to index
        %get3A_164 = arith.index_cast %add3A_162 : i32 to index
        %get3A_165 = tpu.vector_load %arg13[%get3A_163, %get3A_164] {strides = array<i32>} : memref<16x2048xf32, #tpu.memory_space<vmem>>, vector<16xf32>,
        %mul3A_166 = arith.mulf %get3A_165, %gather3A_145 : vector<16xf32>
        %get3A_167 = arith.index_cast %add3A_144 : i32 to index
        %get3A_168 = arith.index_cast %add3A_162 : i32 to index
        %get3A_169 = tpu.vector_load %arg12[%get3A_167, %get3A_168] {strides = array<i32>} : memref<16x2048xf32, #tpu.memory_space<vmem>>, vector<16xf32>,
        %mul3A_170 = arith.mulf %get3A_169, %gather3A_148 : vector<16xf32>
        %add3A_171 = arith.addf %mul3A_166, %mul3A_170 : vector<16xf32>
        %swap3A = arith.index_cast %add3A_144 : i32 to index
        %swap3A_172 = arith.index_cast %add3A_162 : i32 to index
        %swap3A_173 = tpu.vector_load %arg13[%swap3A, %swap3A_172] {strides = array<i32>} : memref<16x2048xf32, #tpu.memory_space<vmem>>, vector<16xf32>,
        tpu.vector_store %arg13[%swap3A, %swap3A_172], %add3A_171 {strides = array<i32>} : memref<16x2048xf32, #tpu.memory_space<vmem>>, vector<16xf32>,
        %mul3A_174 = arith.constant 256 : i32
        %mul3A_175 = arith.muli %add3A_158, %mul3A_174 : i32
        %add3A_176 = arith.constant 16 : i32
        %add3A_177 = arith.addi %mul3A_175, %add3A_176 : i32
        %get3A_178 = arith.index_cast %add3A_144 : i32 to index
        %get3A_179 = arith.index_cast %add3A_177 : i32 to index
        %get3A_180 = tpu.vector_load %arg13[%get3A_178, %get3A_179] {strides = array<i32>} : memref<16x2048xf32, #tpu.memory_space<vmem>>, vector<16xf32>,
        %mul3A_181 = arith.mulf %get3A_180, %gather3A_145 : vector<16xf32>
        %get3A_182 = arith.index_cast %add3A_144 : i32 to index
        %get3A_183 = arith.index_cast %add3A_177 : i32 to index
        %get3A_184 = tpu.vector_load %arg12[%get3A_182, %get3A_183] {strides = array<i32>} : memref<16x2048xf32, #tpu.memory_space<vmem>>, vector<16xf32>,
        %mul3A_185 = arith.mulf %get3A_184, %gather3A_148 : vector<16xf32>
        %add3A_186 = arith.addf %mul3A_181, %mul3A_185 : vector<16xf32>
        %swap3A_187 = arith.index_cast %add3A_144 : i32 to index
        %swap3A_188 = arith.index_cast %add3A_177 : i32 to index
        %swap3A_189 = tpu.vector_load %arg13[%swap3A_187, %swap3A_188] {strides = array<i32>} : memref<16x2048xf32, #tpu.memory_space<vmem>>, vector<16xf32>,
        tpu.vector_store %arg13[%swap3A_187, %swap3A_188], %add3A_186 {strides = array<i32>} : memref<16x2048xf32, #tpu.memory_space<vmem>>, vector<16xf32>,
        %mul3A_190 = arith.constant 256 : i32
        %mul3A_191 = arith.muli %add3A_158, %mul3A_190 : i32
        %add3A_192 = arith.constant 32 : i32
        %add3A_193 = arith.addi %mul3A_191, %add3A_192 : i32
        %get3A_194 = arith.index_cast %add3A_144 : i32 to index
        %get3A_195 = arith.index_cast %add3A_193 : i32 to index
        %get3A_196 = tpu.vector_load %arg13[%get3A_194, %get3A_195] {strides = array<i32>} : memref<16x2048xf32, #tpu.memory_space<vmem>>, vector<16xf32>,
        %mul3A_197 = arith.mulf %get3A_196, %gather3A_145 : vector<16xf32>
        %get3A_198 = arith.index_cast %add3A_144 : i32 to index
        %get3A_199 = arith.index_cast %add3A_193 : i32 to index
        %get3A_200 = tpu.vector_load %arg12[%get3A_198, %get3A_199] {strides = array<i32>} : memref<16x2048xf32, #tpu.memory_space<vmem>>, vector<16xf32>,
        %mul3A_201 = arith.mulf %get3A_200, %gather3A_148 : vector<16xf32>
        %add3A_202 = arith.addf %mul3A_197, %mul3A_201 : vector<16xf32>
        %swap3A_203 = arith.index_cast %add3A_144 : i32 to index
        %swap3A_204 = arith.index_cast %add3A_193 : i32 to index
        %swap3A_205 = tpu.vector_load %arg13[%swap3A_203, %swap3A_204] {strides = array<i32>} : memref<16x2048xf32, #tpu.memory_space<vmem>>, vector<16xf32>,
        tpu.vector_store %arg13[%swap3A_203, %swap3A_204], %add3A_202 {strides = array<i32>} : memref<16x2048xf32, #tpu.memory_space<vmem>>, vector<16xf32>,
        %mul3A_206 = arith.constant 256 : i32
        %mul3A_207 = arith.muli %add3A_158, %mul3A_206 : i32
        %add3A_208 = arith.constant 48 : i32
        %add3A_209 = arith.addi %mul3A_207, %add3A_208 : i32
        %get3A_210 = arith.index_cast %add3A_144 : i32 to index
        %get3A_211 = arith.index_cast %add3A_209 : i32 to index
        %get3A_212 = tpu.vector_load %arg13[%get3A_210, %get3A_211] {strides = array<i32>} : memref<16x2048xf32, #tpu.memory_space<vmem>>, vector<16xf32>,
        %mul3A_213 = arith.mulf %get3A_212, %gather3A_145 : vector<16xf32>
        %get3A_214 = arith.index_cast %add3A_144 : i32 to index
        %get3A_215 = arith.index_cast %add3A_209 : i32 to index
        %get3A_216 = tpu.vector_load %arg12[%get3A_214, %get3A_215] {strides = array<i32>} : memref<16x2048xf32, #tpu.memory_space<vmem>>, vector<16xf32>,
        %mul3A_217 = arith.mulf %get3A_216, %gather3A_148 : vector<16xf32>
        %add3A_218 = arith.addf %mul3A_213, %mul3A_217 : vector<16xf32>
        %swap3A_219 = arith.index_cast %add3A_144 : i32 to index
        %swap3A_220 = arith.index_cast %add3A_209 : i32 to index
        %swap3A_221 = tpu.vector_load %arg13[%swap3A_219, %swap3A_220] {strides = array<i32>} : memref<16x2048xf32, #tpu.memory_space<vmem>>, vector<16xf32>,
        tpu.vector_store %arg13[%swap3A_219, %swap3A_220], %add3A_218 {strides = array<i32>} : memref<16x2048xf32, #tpu.memory_space<vmem>>, vector<16xf32>,
        %mul3A_222 = arith.constant 256 : i32
        %mul3A_223 = arith.muli %add3A_158, %mul3A_222 : i32
        %add3A_224 = arith.constant 64 : i32
        %add3A_225 = arith.addi %mul3A_223, %add3A_224 : i32
        %get3A_226 = arith.index_cast %add3A_144 : i32 to index
        %get3A_227 = arith.index_cast %add3A_225 : i32 to index
        %get3A_228 = tpu.vector_load %arg13[%get3A_226, %get3A_227] {strides = array<i32>} : memref<16x2048xf32, #tpu.memory_space<vmem>>, vector<16xf32>,
        %mul3A_229 = arith.mulf %get3A_228, %gather3A_145 : vector<16xf32>
        %get3A_230 = arith.index_cast %add3A_144 : i32 to index
        %get3A_231 = arith.index_cast %add3A_225 : i32 to index
        %get3A_232 = tpu.vector_load %arg12[%get3A_230, %get3A_231] {strides = array<i32>} : memref<16x2048xf32, #tpu.memory_space<vmem>>, vector<16xf32>,
        %mul3A_233 = arith.mulf %get3A_232, %gather3A_148 : vector<16xf32>
        %add3A_234 = arith.addf %mul3A_229, %mul3A_233 : vector<16xf32>
        %swap3A_235 = arith.index_cast %add3A_144 : i32 to index
        %swap3A_236 = arith.index_cast %add3A_225 : i32 to index
        %swap3A_237 = tpu.vector_load %arg13[%swap3A_235, %swap3A_236] {strides = array<i32>} : memref<16x2048xf32, #tpu.memory_space<vmem>>, vector<16xf32>,
        tpu.vector_store %arg13[%swap3A_235, %swap3A_236], %add3A_234 {strides = array<i32>} : memref<16x2048xf32, #tpu.memory_space<vmem>>, vector<16xf32>,
        %mul3A_238 = arith.constant 256 : i32
        %mul3A_239 = arith.muli %add3A_158, %mul3A_238 : i32
        %add3A_240 = arith.constant 80 : i32
        %add3A_241 = arith.addi %mul3A_239, %add3A_240 : i32
        %get3A_242 = arith.index_cast %add3A_144 : i32 to index
        %get3A_243 = arith.index_cast %add3A_241 : i32 to index
        %get3A_244 = tpu.vector_load %arg13[%get3A_242, %get3A_243] {strides = array<i32>} : memref<16x2048xf32, #tpu.memory_space<vmem>>, vector<16xf32>,
        %mul3A_245 = arith.mulf %get3A_244, %gather3A_145 : vector<16xf32>
        %get3A_246 = arith.index_cast %add3A_144 : i32 to index
        %get3A_247 = arith.index_cast %add3A_241 : i32 to index
        %get3A_248 = tpu.vector_load %arg12[%get3A_246, %get3A_247] {strides = array<i32>} : memref<16x2048xf32, #tpu.memory_space<vmem>>, vector<16xf32>,
        %mul3A_249 = arith.mulf %get3A_248, %gather3A_148 : vector<16xf32>
        %add3A_250 = arith.addf %mul3A_245, %mul3A_249 : vector<16xf32>
        %swap3A_251 = arith.index_cast %add3A_144 : i32 to index
        %swap3A_252 = arith.index_cast %add3A_241 : i32 to index
        %swap3A_253 = tpu.vector_load %arg13[%swap3A_251, %swap3A_252] {strides = array<i32>} : memref<16x2048xf32, #tpu.memory_space<vmem>>, vector<16xf32>,
        tpu.vector_store %arg13[%swap3A_251, %swap3A_252], %add3A_250 {strides = array<i32>} : memref<16x2048xf32, #tpu.memory_space<vmem>>, vector<16xf32>,
        %mul3A_254 = arith.constant 256 : i32
        %mul3A_255 = arith.muli %add3A_158, %mul3A_254 : i32
        %add3A_256 = arith.constant 96 : i32
        %add3A_257 = arith.addi %mul3A_255, %add3A_256 : i32
        %get3A_258 = arith.index_cast %add3A_144 : i32 to index
        %get3A_259 = arith.index_cast %add3A_257 : i32 to index
        %get3A_260 = tpu.vector_load %arg13[%get3A_258, %get3A_259] {strides = array<i32>} : memref<16x2048xf32, #tpu.memory_space<vmem>>, vector<16xf32>,
        %mul3A_261 = arith.mulf %get3A_260, %gather3A_145 : vector<16xf32>
        %get3A_262 = arith.index_cast %add3A_144 : i32 to index
        %get3A_263 = arith.index_cast %add3A_257 : i32 to index
        %get3A_264 = tpu.vector_load %arg12[%get3A_262, %get3A_263] {strides = array<i32>} : memref<16x2048xf32, #tpu.memory_space<vmem>>, vector<16xf32>,
        %mul3A_265 = arith.mulf %get3A_264, %gather3A_148 : vector<16xf32>
        %add3A_266 = arith.addf %mul3A_261, %mul3A_265 : vector<16xf32>
        %swap3A_267 = arith.index_cast %add3A_144 : i32 to index
        %swap3A_268 = arith.index_cast %add3A_257 : i32 to index
        %swap3A_269 = tpu.vector_load %arg13[%swap3A_267, %swap3A_268] {strides = array<i32>} : memref<16x2048xf32, #tpu.memory_space<vmem>>, vector<16xf32>,
        tpu.vector_store %arg13[%swap3A_267, %swap3A_268], %add3A_266 {strides = array<i32>} : memref<16x2048xf32, #tpu.memory_space<vmem>>, vector<16xf32>,
        %mul3A_270 = arith.constant 256 : i32
        %mul3A_271 = arith.muli %add3A_158, %mul3A_270 : i32
        %add3A_272 = arith.constant 112 : i32
        %add3A_273 = arith.addi %mul3A_271, %add3A_272 : i32
        %get3A_274 = arith.index_cast %add3A_144 : i32 to index
        %get3A_275 = arith.index_cast %add3A_273 : i32 to index
        %get3A_276 = tpu.vector_load %arg13[%get3A_274, %get3A_275] {strides = array<i32>} : memref<16x2048xf32, #tpu.memory_space<vmem>>, vector<16xf32>,
        %mul3A_277 = arith.mulf %get3A_276, %gather3A_145 : vector<16xf32>
        %get3A_278 = arith.index_cast %add3A_144 : i32 to index
        %get3A_279 = arith.index_cast %add3A_273 : i32 to index
        %get3A_280 = tpu.vector_load %arg12[%get3A_278, %get3A_279] {strides = array<i32>} : memref<16x2048xf32, #tpu.memory_space<vmem>>, vector<16xf32>,
        %mul3A_281 = arith.mulf %get3A_280, %gather3A_148 : vector<16xf32>
        %add3A_282 = arith.addf %mul3A_277, %mul3A_281 : vector<16xf32>
        %swap3A_283 = arith.index_cast %add3A_144 : i32 to index
        %swap3A_284 = arith.index_cast %add3A_273 : i32 to index
        %swap3A_285 = tpu.vector_load %arg13[%swap3A_283, %swap3A_284] {strides = array<i32>} : memref<16x2048xf32, #tpu.memory_space<vmem>>, vector<16xf32>,
        tpu.vector_store %arg13[%swap3A_283, %swap3A_284], %add3A_282 {strides = array<i32>} : memref<16x2048xf32, #tpu.memory_space<vmem>>, vector<16xf32>,
        %mul3A_286 = arith.constant 256 : i32
        %mul3A_287 = arith.muli %add3A_158, %mul3A_286 : i32
        %add3A_288 = arith.constant 128 : i32
        %add3A_289 = arith.addi %mul3A_287, %add3A_288 : i32
        %get3A_290 = arith.index_cast %add3A_144 : i32 to index
        %get3A_291 = arith.index_cast %add3A_289 : i32 to index
        %get3A_292 = tpu.vector_load %arg13[%get3A_290, %get3A_291] {strides = array<i32>} : memref<16x2048xf32, #tpu.memory_space<vmem>>, vector<16xf32>,
        %mul3A_293 = arith.mulf %get3A_292, %gather3A_145 : vector<16xf32>
        %get3A_294 = arith.index_cast %add3A_144 : i32 to index
        %get3A_295 = arith.index_cast %add3A_289 : i32 to index
        %get3A_296 = tpu.vector_load %arg12[%get3A_294, %get3A_295] {strides = array<i32>} : memref<16x2048xf32, #tpu.memory_space<vmem>>, vector<16xf32>,
        %mul3A_297 = arith.mulf %get3A_296, %gather3A_148 : vector<16xf32>
        %add3A_298 = arith.addf %mul3A_293, %mul3A_297 : vector<16xf32>
        %swap3A_299 = arith.index_cast %add3A_144 : i32 to index
        %swap3A_300 = arith.index_cast %add3A_289 : i32 to index
        %swap3A_301 = tpu.vector_load %arg13[%swap3A_299, %swap3A_300] {strides = array<i32>} : memref<16x2048xf32, #tpu.memory_space<vmem>>, vector<16xf32>,
        tpu.vector_store %arg13[%swap3A_299, %swap3A_300], %add3A_298 {strides = array<i32>} : memref<16x2048xf32, #tpu.memory_space<vmem>>, vector<16xf32>,
        %mul3A_302 = arith.constant 256 : i32
        %mul3A_303 = arith.muli %add3A_158, %mul3A_302 : i32
        %add3A_304 = arith.constant 144 : i32
        %add3A_305 = arith.addi %mul3A_303, %add3A_304 : i32
        %get3A_306 = arith.index_cast %add3A_144 : i32 to index
        %get3A_307 = arith.index_cast %add3A_305 : i32 to index
        %get3A_308 = tpu.vector_load %arg13[%get3A_306, %get3A_307] {strides = array<i32>} : memref<16x2048xf32, #tpu.memory_space<vmem>>, vector<16xf32>,
        %mul3A_309 = arith.mulf %get3A_308, %gather3A_145 : vector<16xf32>
        %get3A_310 = arith.index_cast %add3A_144 : i32 to index
        %get3A_311 = arith.index_cast %add3A_305 : i32 to index
        %get3A_312 = tpu.vector_load %arg12[%get3A_310, %get3A_311] {strides = array<i32>} : memref<16x2048xf32, #tpu.memory_space<vmem>>, vector<16xf32>,
        %mul3A_313 = arith.mulf %get3A_312, %gather3A_148 : vector<16xf32>
        %add3A_314 = arith.addf %mul3A_309, %mul3A_313 : vector<16xf32>
        %swap3A_315 = arith.index_cast %add3A_144 : i32 to index
        %swap3A_316 = arith.index_cast %add3A_305 : i32 to index
        %swap3A_317 = tpu.vector_load %arg13[%swap3A_315, %swap3A_316] {strides = array<i32>} : memref<16x2048xf32, #tpu.memory_space<vmem>>, vector<16xf32>,
        tpu.vector_store %arg13[%swap3A_315, %swap3A_316], %add3A_314 {strides = array<i32>} : memref<16x2048xf32, #tpu.memory_space<vmem>>, vector<16xf32>,
        %mul3A_318 = arith.constant 256 : i32
        %mul3A_319 = arith.muli %add3A_158, %mul3A_318 : i32
        %add3A_320 = arith.constant 160 : i32
        %add3A_321 = arith.addi %mul3A_319, %add3A_320 : i32
        %get3A_322 = arith.index_cast %add3A_144 : i32 to index
        %get3A_323 = arith.index_cast %add3A_321 : i32 to index
        %get3A_324 = tpu.vector_load %arg13[%get3A_322, %get3A_323] {strides = array<i32>} : memref<16x2048xf32, #tpu.memory_space<vmem>>, vector<16xf32>,
        %mul3A_325 = arith.mulf %get3A_324, %gather3A_145 : vector<16xf32>
        %get3A_326 = arith.index_cast %add3A_144 : i32 to index
        %get3A_327 = arith.index_cast %add3A_321 : i32 to index
        %get3A_328 = tpu.vector_load %arg12[%get3A_326, %get3A_327] {strides = array<i32>} : memref<16x2048xf32, #tpu.memory_space<vmem>>, vector<16xf32>,
        %mul3A_329 = arith.mulf %get3A_328, %gather3A_148 : vector<16xf32>
        %add3A_330 = arith.addf %mul3A_325, %mul3A_329 : vector<16xf32>
        %swap3A_331 = arith.index_cast %add3A_144 : i32 to index
        %swap3A_332 = arith.index_cast %add3A_321 : i32 to index
        %swap3A_333 = tpu.vector_load %arg13[%swap3A_331, %swap3A_332] {strides = array<i32>} : memref<16x2048xf32, #tpu.memory_space<vmem>>, vector<16xf32>,
        tpu.vector_store %arg13[%swap3A_331, %swap3A_332], %add3A_330 {strides = array<i32>} : memref<16x2048xf32, #tpu.memory_space<vmem>>, vector<16xf32>,
        %mul3A_334 = arith.constant 256 : i32
        %mul3A_335 = arith.muli %add3A_158, %mul3A_334 : i32
        %add3A_336 = arith.constant 176 : i32
        %add3A_337 = arith.addi %mul3A_335, %add3A_336 : i32
        %get3A_338 = arith.index_cast %add3A_144 : i32 to index
        %get3A_339 = arith.index_cast %add3A_337 : i32 to index
        %get3A_340 = tpu.vector_load %arg13[%get3A_338, %get3A_339] {strides = array<i32>} : memref<16x2048xf32, #tpu.memory_space<vmem>>, vector<16xf32>,
        %mul3A_341 = arith.mulf %get3A_340, %gather3A_145 : vector<16xf32>
        %get3A_342 = arith.index_cast %add3A_144 : i32 to index
        %get3A_343 = arith.index_cast %add3A_337 : i32 to index
        %get3A_344 = tpu.vector_load %arg12[%get3A_342, %get3A_343] {strides = array<i32>} : memref<16x2048xf32, #tpu.memory_space<vmem>>, vector<16xf32>,
        %mul3A_345 = arith.mulf %get3A_344, %gather3A_148 : vector<16xf32>
        %add3A_346 = arith.addf %mul3A_341, %mul3A_345 : vector<16xf32>
        %swap3A_347 = arith.index_cast %add3A_144 : i32 to index
        %swap3A_348 = arith.index_cast %add3A_337 : i32 to index
        %swap3A_349 = tpu.vector_load %arg13[%swap3A_347, %swap3A_348] {strides = array<i32>} : memref<16x2048xf32, #tpu.memory_space<vmem>>, vector<16xf32>,
        tpu.vector_store %arg13[%swap3A_347, %swap3A_348], %add3A_346 {strides = array<i32>} : memref<16x2048xf32, #tpu.memory_space<vmem>>, vector<16xf32>,
        %mul3A_350 = arith.constant 256 : i32
        %mul3A_351 = arith.muli %add3A_158, %mul3A_350 : i32
        %add3A_352 = arith.constant 192 : i32
        %add3A_353 = arith.addi %mul3A_351, %add3A_352 : i32
        %get3A_354 = arith.index_cast %add3A_144 : i32 to index
        %get3A_355 = arith.index_cast %add3A_353 : i32 to index
        %get3A_356 = tpu.vector_load %arg13[%get3A_354, %get3A_355] {strides = array<i32>} : memref<16x2048xf32, #tpu.memory_space<vmem>>, vector<16xf32>,
        %mul3A_357 = arith.mulf %get3A_356, %gather3A_145 : vector<16xf32>
        %get3A_358 = arith.index_cast %add3A_144 : i32 to index
        %get3A_359 = arith.index_cast %add3A_353 : i32 to index
        %get3A_360 = tpu.vector_load %arg12[%get3A_358, %get3A_359] {strides = array<i32>} : memref<16x2048xf32, #tpu.memory_space<vmem>>, vector<16xf32>,
        %mul3A_361 = arith.mulf %get3A_360, %gather3A_148 : vector<16xf32>
        %add3A_362 = arith.addf %mul3A_357, %mul3A_361 : vector<16xf32>
        %swap3A_363 = arith.index_cast %add3A_144 : i32 to index
        %swap3A_364 = arith.index_cast %add3A_353 : i32 to index
        %swap3A_365 = tpu.vector_load %arg13[%swap3A_363, %swap3A_364] {strides = array<i32>} : memref<16x2048xf32, #tpu.memory_space<vmem>>, vector<16xf32>,
        tpu.vector_store %arg13[%swap3A_363, %swap3A_364], %add3A_362 {strides = array<i32>} : memref<16x2048xf32, #tpu.memory_space<vmem>>, vector<16xf32>,
        %mul3A_366 = arith.constant 256 : i32
        %mul3A_367 = arith.muli %add3A_158, %mul3A_366 : i32
        %add3A_368 = arith.constant 208 : i32
        %add3A_369 = arith.addi %mul3A_367, %add3A_368 : i32
        %get3A_370 = arith.index_cast %add3A_144 : i32 to index
        %get3A_371 = arith.index_cast %add3A_369 : i32 to index
        %get3A_372 = tpu.vector_load %arg13[%get3A_370, %get3A_371] {strides = array<i32>} : memref<16x2048xf32, #tpu.memory_space<vmem>>, vector<16xf32>,
        %mul3A_373 = arith.mulf %get3A_372, %gather3A_145 : vector<16xf32>
        %get3A_374 = arith.index_cast %add3A_144 : i32 to index
        %get3A_375 = arith.index_cast %add3A_369 : i32 to index
        %get3A_376 = tpu.vector_load %arg12[%get3A_374, %get3A_375] {strides = array<i32>} : memref<16x2048xf32, #tpu.memory_space<vmem>>, vector<16xf32>,
        %mul3A_377 = arith.mulf %get3A_376, %gather3A_148 : vector<16xf32>
        %add3A_378 = arith.addf %mul3A_373, %mul3A_377 : vector<16xf32>
        %swap3A_379 = arith.index_cast %add3A_144 : i32 to index
        %swap3A_380 = arith.index_cast %add3A_369 : i32 to index
        %swap3A_381 = tpu.vector_load %arg13[%swap3A_379, %swap3A_380] {strides = array<i32>} : memref<16x2048xf32, #tpu.memory_space<vmem>>, vector<16xf32>,
        tpu.vector_store %arg13[%swap3A_379, %swap3A_380], %add3A_378 {strides = array<i32>} : memref<16x2048xf32, #tpu.memory_space<vmem>>, vector<16xf32>,
        %mul3A_382 = arith.constant 256 : i32
        %mul3A_383 = arith.muli %add3A_158, %mul3A_382 : i32
        %add3A_384 = arith.constant 224 : i32
        %add3A_385 = arith.addi %mul3A_383, %add3A_384 : i32
        %get3A_386 = arith.index_cast %add3A_144 : i32 to index
        %get3A_387 = arith.index_cast %add3A_385 : i32 to index
        %get3A_388 = tpu.vector_load %arg13[%get3A_386, %get3A_387] {strides = array<i32>} : memref<16x2048xf32, #tpu.memory_space<vmem>>, vector<16xf32>,
        %mul3A_389 = arith.mulf %get3A_388, %gather3A_145 : vector<16xf32>
        %get3A_390 = arith.index_cast %add3A_144 : i32 to index
        %get3A_391 = arith.index_cast %add3A_385 : i32 to index
        %get3A_392 = tpu.vector_load %arg12[%get3A_390, %get3A_391] {strides = array<i32>} : memref<16x2048xf32, #tpu.memory_space<vmem>>, vector<16xf32>,
        %mul3A_393 = arith.mulf %get3A_392, %gather3A_148 : vector<16xf32>
        %add3A_394 = arith.addf %mul3A_389, %mul3A_393 : vector<16xf32>
        %swap3A_395 = arith.index_cast %add3A_144 : i32 to index
        %swap3A_396 = arith.index_cast %add3A_385 : i32 to index
        %swap3A_397 = tpu.vector_load %arg13[%swap3A_395, %swap3A_396] {strides = array<i32>} : memref<16x2048xf32, #tpu.memory_space<vmem>>, vector<16xf32>,
        tpu.vector_store %arg13[%swap3A_395, %swap3A_396], %add3A_394 {strides = array<i32>} : memref<16x2048xf32, #tpu.memory_space<vmem>>, vector<16xf32>,
        %mul3A_398 = arith.constant 256 : i32
        %mul3A_399 = arith.muli %add3A_158, %mul3A_398 : i32
        %add3A_400 = arith.constant 240 : i32
        %add3A_401 = arith.addi %mul3A_399, %add3A_400 : i32
        %get3A_402 = arith.index_cast %add3A_144 : i32 to index
        %get3A_403 = arith.index_cast %add3A_401 : i32 to index
        %get3A_404 = tpu.vector_load %arg13[%get3A_402, %get3A_403] {strides = array<i32>} : memref<16x2048xf32, #tpu.memory_space<vmem>>, vector<16xf32>,
        %mul3A_405 = arith.mulf %get3A_404, %gather3A_145 : vector<16xf32>
        %get3A_406 = arith.index_cast %add3A_144 : i32 to index
        %get3A_407 = arith.index_cast %add3A_401 : i32 to index
        %get3A_408 = tpu.vector_load %arg12[%get3A_406, %get3A_407] {strides = array<i32>} : memref<16x2048xf32, #tpu.memory_space<vmem>>, vector<16xf32>,
        %mul3A_409 = arith.mulf %get3A_408, %gather3A_148 : vector<16xf32>
        %add3A_410 = arith.addf %mul3A_405, %mul3A_409 : vector<16xf32>
        %swap3A_411 = arith.index_cast %add3A_144 : i32 to index
        %swap3A_412 = arith.index_cast %add3A_401 : i32 to index
        %swap3A_413 = tpu.vector_load %arg13[%swap3A_411, %swap3A_412] {strides = array<i32>} : memref<16x2048xf32, #tpu.memory_space<vmem>>, vector<16xf32>,
        tpu.vector_store %arg13[%swap3A_411, %swap3A_412], %add3A_410 {strides = array<i32>} : memref<16x2048xf32, #tpu.memory_space<vmem>>, vector<16xf32>,
      }
      %scan3A_153 = arith.constant 8 : i32
    }
    %scan3A_125 = arith.constant 16 : i32
    %add3A_126 = arith.constant 48 : i32
    %add3A_127 = arith.addi %mul3A_2, %add3A_126 : i32
    %dma_start3A_128 = arith.constant 0 : i32
    %dma_start3A_129 = tpu.memref_slice %arg6[%add3A_127, %dma_start3A_128] : memref<2048x2048xf32, #tpu.memory_space<hbm>> -> memref<16x2048xf32, #tpu.memory_space<hbm>>
    %dma_start3A_130 = arith.constant 0 : i32
    %dma_start3A_131 = tpu.memref_slice %arg6[%add3A_127, %dma_start3A_130] : memref<2048x2048xf32, #tpu.memory_space<hbm>> -> memref<16x2048xf32, #tpu.memory_space<hbm>>
    tpu.enqueue_dma source(%arg13 : memref<16x2048xf32, #tpu.memory_space<vmem>>) target(%dma_start3A_131 : memref<16x2048xf32, #tpu.memory_space<hbm>>) target_semaphore(%arg17 : memref<!tpu.dma_semaphore, #tpu.memory_space<semaphore_mem>>)
    %dma_wait3A_132 = arith.constant 0 : i32
    %dma_wait3A_133 = tpu.memref_slice %arg6[%add3A_92, %dma_wait3A_132] : memref<2048x2048xf32, #tpu.memory_space<hbm>> -> memref<16x2048xf32, #tpu.memory_space<hbm>>
    %dma_wait3A_134 = arith.constant 0 : i32
    %dma_wait3A_135 = tpu.memref_slice %arg6[%add3A_92, %dma_wait3A_134] : memref<2048x2048xf32, #tpu.memory_space<hbm>> -> memref<16x2048xf32, #tpu.memory_space<hbm>>
    tpu.wait_dma2 semaphore(%arg16 : memref<!tpu.dma_semaphore, #tpu.memory_space<semaphore_mem>>) src(%arg11 : memref<16x2048xf32, #tpu.memory_space<vmem>>) dst(%dma_wait3A_135 : memref<16x2048xf32, #tpu.memory_space<hbm>>)
    %dma_wait3A_136 = arith.constant 0 : i32
    %dma_wait3A_137 = tpu.memref_slice %arg6[%add3A_127, %dma_wait3A_136] : memref<2048x2048xf32, #tpu.memory_space<hbm>> -> memref<16x2048xf32, #tpu.memory_space<hbm>>
    %dma_wait3A_138 = arith.constant 0 : i32
    %dma_wait3A_139 = tpu.memref_slice %arg6[%add3A_127, %dma_wait3A_138] : memref<2048x2048xf32, #tpu.memory_space<hbm>> -> memref<16x2048xf32, #tpu.memory_space<hbm>>
    tpu.wait_dma2 semaphore(%arg17 : memref<!tpu.dma_semaphore, #tpu.memory_space<semaphore_mem>>) src(%arg13 : memref<16x2048xf32, #tpu.memory_space<vmem>>) dst(%dma_wait3A_139 : memref<16x2048xf32, #tpu.memory_space<hbm>>)
    return
  }
}

module attributes {stable_mosaic.version = 14 : i64} {
  func.func @_router_body(%arg0: i32, %arg1: memref<256x2048xf32, #tpu.memory_space<vmem>>, %arg2: memref<8x2048xf32, #tpu.memory_space<vmem>>, %arg3: memref<8x256xf32, #tpu.memory_space<vmem>>, %arg4: memref<8x256xi32, #tpu.memory_space<vmem>>) attributes {dimension_semantics = [#tpu.dimension_semantics<arbitrary>], iteration_bounds = array<i64: 8>, scalar_prefetch = 0 : i64, scratch_operands = 0 : i64, tpu.core_type = #tpu.core_type<tc>, window_params = [{transform_indices = @transform_0, window_bounds = array<i64: 256, 2048>}, {pipeline_mode = #tpu.pipeline_mode<synchronous>, transform_indices = @transform_1, window_bounds = array<i64: 8, 2048>}, {transform_indices = @transform_2, window_bounds = array<i64: 8, 256>}, {transform_indices = @transform_3, window_bounds = array<i64: 8, 256>}]} {
    %get3A = arith.constant 0 : index
    %get3A_0 = arith.constant 0 : index
    %get3A_1 = vector.load %arg1[%get3A, %get3A_0] : memref<256x2048xf32, #tpu.memory_space<vmem>>, vector<256x2048xf32>
    %get3A_2 = arith.constant 0 : index
    %get3A_3 = arith.constant 0 : index
    %get3A_4 = vector.load %arg2[%get3A_2, %get3A_3] : memref<8x2048xf32, #tpu.memory_space<vmem>>, vector<8x2048xf32>
    %dot_general3A = arith.constant dense<0.000000e+00> : vector<8x256xf32>
    %dot_general3A_5 = tpu.matmul %get3A_4, %get3A_1, %dot_general3A {dimension_numbers = #tpu.dot_dimension_numbers<[1], [1], [0], [0], [0, 0, 1, 0], [], []>, transpose_lhs_hint = false} : vector<8x2048xf32>, vector<256x2048xf32>, vector<8x256xf32> -> vector<8x256xf32>
    %iota3A = tpu.iota {dimensions = array<i32: 0>} : vector<8x256xi32>
    %reduce_max3A = arith.constant dense<0xFF800000> : vector<256xf32>
    %reduce_max3A_6 = vector.multi_reduction <maximumf>, %dot_general3A_5, %reduce_max3A [0] : vector<8x256xf32> to vector<256xf32>
    %broadcast_in_dim3A = vector.shape_cast %reduce_max3A_6 : vector<256xf32> to vector<1x256xf32>
    %sub3A = vector.broadcast %broadcast_in_dim3A : vector<1x256xf32> to vector<8x256xf32>
    %sub3A_7 = arith.subf %dot_general3A_5, %sub3A : vector<8x256xf32>
    %exp3A = math.exp %sub3A_7 : vector<8x256xf32>
    %reduce_sum3A = arith.constant dense<0.000000e+00> : vector<256xf32>
    %reduce_sum3A_8 = vector.multi_reduction <add>, %exp3A, %reduce_sum3A [0] : vector<8x256xf32> to vector<256xf32>
    %broadcast_in_dim3A_9 = vector.shape_cast %reduce_sum3A_8 : vector<256xf32> to vector<1x256xf32>
    %div3A = vector.broadcast %broadcast_in_dim3A_9 : vector<1x256xf32> to vector<8x256xf32>
    %div3A_10 = arith.divf %exp3A, %div3A : vector<8x256xf32>
    %reduce_max3A_11 = arith.constant dense<0xFF800000> : vector<256xf32>
    %reduce_max3A_12 = vector.multi_reduction <maximumf>, %div3A_10, %reduce_max3A_11 [0] : vector<8x256xf32> to vector<256xf32>
    %broadcast_in_dim3A_13 = vector.shape_cast %reduce_max3A_12 : vector<256xf32> to vector<1x256xf32>
    %eq3A = vector.broadcast %broadcast_in_dim3A_13 : vector<1x256xf32> to vector<8x256xf32>
    %eq3A_14 = arith.cmpf oeq, %div3A_10, %eq3A : vector<8x256xf32>
    %jit3A = arith.constant 8 : i32
    %broadcast_in_dim3A_15 = vector.broadcast %jit3A : i32 to vector<8x256xi32>
    %select_n3A = arith.select %eq3A_14, %iota3A, %broadcast_in_dim3A_15 : vector<8x256xi1>, vector<8x256xi32>
    %reduce_min3A = arith.constant dense<2147483647> : vector<256xi32>
    %reduce_min3A_16 = vector.multi_reduction <minsi>, %select_n3A, %reduce_min3A [0] : vector<8x256xi32> to vector<256xi32>
    %broadcast_in_dim3A_17 = vector.shape_cast %reduce_min3A_16 : vector<256xi32> to vector<1x256xi32>
    %eq3A_18 = vector.broadcast %broadcast_in_dim3A_17 : vector<1x256xi32> to vector<8x256xi32>
    %eq3A_19 = arith.cmpi eq, %iota3A, %eq3A_18 : vector<8x256xi32>
    %jit3A_20 = arith.constant -1.000000e+00 : f32
    %broadcast_in_dim3A_21 = vector.broadcast %jit3A_20 : f32 to vector<8x256xf32>
    %select_n3A_22 = arith.select %eq3A_19, %broadcast_in_dim3A_21, %div3A_10 : vector<8x256xi1>, vector<8x256xf32>
    %reduce_max3A_23 = arith.constant dense<0xFF800000> : vector<256xf32>
    %reduce_max3A_24 = vector.multi_reduction <maximumf>, %select_n3A_22, %reduce_max3A_23 [0] : vector<8x256xf32> to vector<256xf32>
    %broadcast_in_dim3A_25 = vector.shape_cast %reduce_max3A_24 : vector<256xf32> to vector<1x256xf32>
    %eq3A_26 = vector.broadcast %broadcast_in_dim3A_25 : vector<1x256xf32> to vector<8x256xf32>
    %eq3A_27 = arith.cmpf oeq, %select_n3A_22, %eq3A_26 : vector<8x256xf32>
    %jit3A_28 = arith.constant 8 : i32
    %broadcast_in_dim3A_29 = vector.broadcast %jit3A_28 : i32 to vector<8x256xi32>
    %select_n3A_30 = arith.select %eq3A_27, %iota3A, %broadcast_in_dim3A_29 : vector<8x256xi1>, vector<8x256xi32>
    %reduce_min3A_31 = arith.constant dense<2147483647> : vector<256xi32>
    %reduce_min3A_32 = vector.multi_reduction <minsi>, %select_n3A_30, %reduce_min3A_31 [0] : vector<8x256xi32> to vector<256xi32>
    %broadcast_in_dim3A_33 = vector.shape_cast %reduce_min3A_32 : vector<256xi32> to vector<1x256xi32>
    %add3A = arith.addf %broadcast_in_dim3A_13, %broadcast_in_dim3A_25 : vector<1x256xf32>
    %eq3A_34 = arith.constant 0 : i32
    %eq3A_35 = vector.broadcast %eq3A_34 : i32 to vector<8x256xi32>
    %eq3A_36 = arith.cmpi eq, %iota3A, %eq3A_35 : vector<8x256xi32>
    %div3A_37 = arith.divf %broadcast_in_dim3A_13, %add3A : vector<1x256xf32>
    %eq3A_38 = arith.constant 1 : i32
    %eq3A_39 = vector.broadcast %eq3A_38 : i32 to vector<8x256xi32>
    %eq3A_40 = arith.cmpi eq, %iota3A, %eq3A_39 : vector<8x256xi32>
    %div3A_41 = arith.divf %broadcast_in_dim3A_25, %add3A : vector<1x256xf32>
    %jit3A_42 = arith.constant 0.000000e+00 : f32
    %broadcast_in_dim3A_43 = vector.shape_cast %div3A_41 : vector<1x256xf32> to vector<1x256xf32>
    %broadcast_in_dim3A_44 = vector.broadcast %broadcast_in_dim3A_43 : vector<1x256xf32> to vector<8x256xf32>
    %broadcast_in_dim3A_45 = vector.broadcast %jit3A_42 : f32 to vector<8x256xf32>
    %select_n3A_46 = arith.select %eq3A_40, %broadcast_in_dim3A_44, %broadcast_in_dim3A_45 : vector<8x256xi1>, vector<8x256xf32>
    %broadcast_in_dim3A_47 = vector.shape_cast %div3A_37 : vector<1x256xf32> to vector<1x256xf32>
    %broadcast_in_dim3A_48 = vector.broadcast %broadcast_in_dim3A_47 : vector<1x256xf32> to vector<8x256xf32>
    %select_n3A_49 = arith.select %eq3A_36, %broadcast_in_dim3A_48, %select_n3A_46 : vector<8x256xi1>, vector<8x256xf32>
    %swap3A = arith.constant 0 : index
    %swap3A_50 = arith.constant 0 : index
    %swap3A_51 = vector.load %arg3[%swap3A, %swap3A_50] : memref<8x256xf32, #tpu.memory_space<vmem>>, vector<8x256xf32>
    tpu.vector_store %arg3[%swap3A, %swap3A_50], %select_n3A_49 {strides = array<i32>} : memref<8x256xf32, #tpu.memory_space<vmem>>, vector<8x256xf32>,
    %eq3A_52 = arith.constant 0 : i32
    %eq3A_53 = vector.broadcast %eq3A_52 : i32 to vector<8x256xi32>
    %eq3A_54 = arith.cmpi eq, %iota3A, %eq3A_53 : vector<8x256xi32>
    %eq3A_55 = arith.constant 1 : i32
    %eq3A_56 = vector.broadcast %eq3A_55 : i32 to vector<8x256xi32>
    %eq3A_57 = arith.cmpi eq, %iota3A, %eq3A_56 : vector<8x256xi32>
    %jit3A_58 = arith.constant 0 : i32
    %broadcast_in_dim3A_59 = vector.shape_cast %broadcast_in_dim3A_33 : vector<1x256xi32> to vector<1x256xi32>
    %broadcast_in_dim3A_60 = vector.broadcast %broadcast_in_dim3A_59 : vector<1x256xi32> to vector<8x256xi32>
    %broadcast_in_dim3A_61 = vector.broadcast %jit3A_58 : i32 to vector<8x256xi32>
    %select_n3A_62 = arith.select %eq3A_57, %broadcast_in_dim3A_60, %broadcast_in_dim3A_61 : vector<8x256xi1>, vector<8x256xi32>
    %broadcast_in_dim3A_63 = vector.shape_cast %broadcast_in_dim3A_17 : vector<1x256xi32> to vector<1x256xi32>
    %broadcast_in_dim3A_64 = vector.broadcast %broadcast_in_dim3A_63 : vector<1x256xi32> to vector<8x256xi32>
    %select_n3A_65 = arith.select %eq3A_54, %broadcast_in_dim3A_64, %select_n3A_62 : vector<8x256xi1>, vector<8x256xi32>
    %swap3A_66 = arith.constant 0 : index
    %swap3A_67 = arith.constant 0 : index
    %swap3A_68 = vector.load %arg4[%swap3A_66, %swap3A_67] : memref<8x256xi32, #tpu.memory_space<vmem>>, vector<8x256xi32>
    tpu.vector_store %arg4[%swap3A_66, %swap3A_67], %select_n3A_65 {strides = array<i32>} : memref<8x256xi32, #tpu.memory_space<vmem>>, vector<8x256xi32>,
    return
  }
  func.func @transform_0(%arg0: i32) -> (i32, i32) {
    %c0_i32 = arith.constant 0 : i32
    %c0_i32_0 = arith.constant 0 : i32
    return %arg0, %c0_i32 : i32, i32
  }
  func.func @transform_1(%arg0: i32) -> (i32, i32) {
    %c0_i32 = arith.constant 0 : i32
    %c0_i32_0 = arith.constant 0 : i32
    %c0_i32_1 = arith.constant 0 : i32
    return %c0_i32, %c0_i32_0 : i32, i32
  }
  func.func @transform_2(%arg0: i32) -> (i32, i32) {
    %c0_i32 = arith.constant 0 : i32
    %c0_i32_0 = arith.constant 0 : i32
    return %c0_i32, %arg0 : i32, i32
  }
  func.func @transform_3(%arg0: i32) -> (i32, i32) {
    %c0_i32 = arith.constant 0 : i32
    %c0_i32_0 = arith.constant 0 : i32
    return %c0_i32, %arg0 : i32, i32
  }
}

module attributes {stable_mosaic.version = 14 : i64} {
  func.func @_ffn_body(%arg0: i32, %arg1: memref<32xi32, #tpu.memory_space<smem>>, %arg2: memref<256x2048xf32, #tpu.memory_space<vmem>>, %arg3: memref<1x2048x2048xbf16, #tpu.memory_space<vmem>>, %arg4: memref<1x2048x2048xbf16, #tpu.memory_space<vmem>>, %arg5: memref<1x2048x2048xbf16, #tpu.memory_space<vmem>>, %arg6: memref<256x2048xf32, #tpu.memory_space<vmem>>) attributes {dimension_semantics = [#tpu.dimension_semantics<arbitrary>], iteration_bounds = array<i64: 24>, scalar_prefetch = 1 : i64, scratch_operands = 0 : i64, tpu.core_type = #tpu.core_type<tc>, window_params = [{transform_indices = @transform_0, window_bounds = array<i64: 256, 2048>}, {transform_indices = @transform_1, window_bounds = array<i64: 1, 2048, 2048>}, {transform_indices = @transform_2, window_bounds = array<i64: 1, 2048, 2048>}, {transform_indices = @transform_3, window_bounds = array<i64: 1, 2048, 2048>}, {transform_indices = @transform_4, window_bounds = array<i64: 256, 2048>}]} {
    %get3A = arith.constant 0 : index
    %get3A_0 = arith.constant 0 : index
    %get3A_1 = vector.load %arg2[%get3A, %get3A_0] : memref<256x2048xf32, #tpu.memory_space<vmem>>, vector<256x2048xf32>
    %convert_element_type3A = arith.truncf %get3A_1 : vector<256x2048xf32> to vector<256x2048xbf16>
    %get3A_2 = arith.constant 0 : index
    %get3A_3 = arith.constant 0 : index
    %get3A_4 = arith.constant 0 : index
    %get3A_5 = vector.load %arg3[%get3A_2, %get3A_3, %get3A_4] : memref<1x2048x2048xbf16, #tpu.memory_space<vmem>>, vector<1x2048x2048xbf16>
    %get3A_6 = vector.shape_cast %get3A_5 : vector<1x2048x2048xbf16> to vector<2048x2048xbf16>
    %dot_general3A = arith.constant dense<0.000000e+00> : vector<256x2048xf32>
    %dot_general3A_7 = tpu.matmul %convert_element_type3A, %get3A_6, %dot_general3A {dimension_numbers = #tpu.dot_dimension_numbers<[1], [1], [0], [0], [0, 0, 1, 0], [], []>, transpose_lhs_hint = false} : vector<256x2048xbf16>, vector<2048x2048xbf16>, vector<256x2048xf32> -> vector<256x2048xf32>
    %get3A_8 = arith.constant 0 : index
    %get3A_9 = arith.constant 0 : index
    %get3A_10 = arith.constant 0 : index
    %get3A_11 = vector.load %arg4[%get3A_8, %get3A_9, %get3A_10] : memref<1x2048x2048xbf16, #tpu.memory_space<vmem>>, vector<1x2048x2048xbf16>
    %get3A_12 = vector.shape_cast %get3A_11 : vector<1x2048x2048xbf16> to vector<2048x2048xbf16>
    %dot_general3A_13 = arith.constant dense<0.000000e+00> : vector<256x2048xf32>
    %dot_general3A_14 = tpu.matmul %convert_element_type3A, %get3A_12, %dot_general3A_13 {dimension_numbers = #tpu.dot_dimension_numbers<[1], [1], [0], [0], [0, 0, 1, 0], [], []>, transpose_lhs_hint = false} : vector<256x2048xbf16>, vector<2048x2048xbf16>, vector<256x2048xf32> -> vector<256x2048xf32>
    %logistic3A = arith.negf %dot_general3A_7 : vector<256x2048xf32>
    %logistic3A_15 = math.exp %logistic3A : vector<256x2048xf32>
    %logistic3A_16 = arith.constant 1.000000e+00 : f32
    %logistic3A_17 = vector.broadcast %logistic3A_16 : f32 to vector<256x2048xf32>
    %logistic3A_18 = arith.addf %logistic3A_17, %logistic3A_15 : vector<256x2048xf32>
    %logistic3A_19 = arith.divf %logistic3A_17, %logistic3A_18 : vector<256x2048xf32>
    %mul3A = arith.mulf %dot_general3A_7, %logistic3A_19 : vector<256x2048xf32>
    %mul3A_20 = arith.mulf %mul3A, %dot_general3A_14 : vector<256x2048xf32>
    %convert_element_type3A_21 = arith.truncf %mul3A_20 : vector<256x2048xf32> to vector<256x2048xbf16>
    %get3A_22 = arith.constant 0 : index
    %get3A_23 = arith.constant 0 : index
    %get3A_24 = arith.constant 0 : index
    %get3A_25 = vector.load %arg5[%get3A_22, %get3A_23, %get3A_24] : memref<1x2048x2048xbf16, #tpu.memory_space<vmem>>, vector<1x2048x2048xbf16>
    %get3A_26 = vector.shape_cast %get3A_25 : vector<1x2048x2048xbf16> to vector<2048x2048xbf16>
    %dot_general3A_27 = arith.constant dense<0.000000e+00> : vector<256x2048xf32>
    %dot_general3A_28 = tpu.matmul %convert_element_type3A_21, %get3A_26, %dot_general3A_27 {dimension_numbers = #tpu.dot_dimension_numbers<[1], [1], [0], [0], [0, 0, 1, 0], [], []>, transpose_lhs_hint = false} : vector<256x2048xbf16>, vector<2048x2048xbf16>, vector<256x2048xf32> -> vector<256x2048xf32>
    %swap3A = arith.constant 0 : index
    %swap3A_29 = arith.constant 0 : index
    %swap3A_30 = vector.load %arg6[%swap3A, %swap3A_29] : memref<256x2048xf32, #tpu.memory_space<vmem>>, vector<256x2048xf32>
    tpu.vector_store %arg6[%swap3A, %swap3A_29], %dot_general3A_28 {strides = array<i32>} : memref<256x2048xf32, #tpu.memory_space<vmem>>, vector<256x2048xf32>,
    return
  }
  func.func @transform_0(%arg0: i32, %arg1: memref<32xi32, #tpu.memory_space<smem>>) -> (i32, i32) {
    %c0_i32 = arith.constant 0 : i32
    %c0_i32_0 = arith.constant 0 : i32
    return %arg0, %c0_i32 : i32, i32
  }
  func.func @transform_1(%arg0: i32, %arg1: memref<32xi32, #tpu.memory_space<smem>>) -> (i32, i32, i32) {
    %get3A = arith.index_cast %arg0 : i32 to index
    %get3A_0 = memref.load %arg1[%get3A] : memref<32xi32, #tpu.memory_space<smem>>
    %c0_i32 = arith.constant 0 : i32
    %c0_i32_1 = arith.constant 0 : i32
    %c0_i32_2 = arith.constant 0 : i32
    return %get3A_0, %c0_i32, %c0_i32_1 : i32, i32, i32
  }
  func.func @transform_2(%arg0: i32, %arg1: memref<32xi32, #tpu.memory_space<smem>>) -> (i32, i32, i32) {
    %get3A = arith.index_cast %arg0 : i32 to index
    %get3A_0 = memref.load %arg1[%get3A] : memref<32xi32, #tpu.memory_space<smem>>
    %c0_i32 = arith.constant 0 : i32
    %c0_i32_1 = arith.constant 0 : i32
    %c0_i32_2 = arith.constant 0 : i32
    return %get3A_0, %c0_i32, %c0_i32_1 : i32, i32, i32
  }
  func.func @transform_3(%arg0: i32, %arg1: memref<32xi32, #tpu.memory_space<smem>>) -> (i32, i32, i32) {
    %get3A = arith.index_cast %arg0 : i32 to index
    %get3A_0 = memref.load %arg1[%get3A] : memref<32xi32, #tpu.memory_space<smem>>
    %c0_i32 = arith.constant 0 : i32
    %c0_i32_1 = arith.constant 0 : i32
    %c0_i32_2 = arith.constant 0 : i32
    return %get3A_0, %c0_i32, %c0_i32_1 : i32, i32, i32
  }
  func.func @transform_4(%arg0: i32, %arg1: memref<32xi32, #tpu.memory_space<smem>>) -> (i32, i32) {
    %c0_i32 = arith.constant 0 : i32
    %c0_i32_0 = arith.constant 0 : i32
    return %arg0, %c0_i32 : i32, i32
  }
}

</mosaic_0001>

<sc_bundles>
// kernel: kernel.6.cloned.1.call-start
scs
__scs_entry_jumppad:
0x0: {  	(pc) =	sbr.rel $0x88, $3  }
0x1: {  	(tag) =	ssettag $0x0;
	lr =	simm.s32 $0x1  }
0x2: {  	[smem:$0x3F9C] =	sst lr;
	_ =	strace $0xD0000000  }
0x3: {  	_ = 	snop  }
0x4: {  	_ = 	snop  }
0x5: {  	_ = 	snop  }
0x6: {  	_ = 	snop  }
0x7: {  	_ = 	snop  }
__scs_overlays_trampoline_lowered:
0x8: {  	[smem:$0x3FAB] =	sst s0  }
0x9: {  	[smem:$0x3FAC] =	sst s1  }
0xa: {  	[smem:$0x3FAD] =	sst s2  }
0xb: {  	[smem:$0x3FAE] =	sst s3  }
0xc: {  	[smem:$0x3FAF] =	sst s4  }
0xd: {  	[smem:$0x3FB0] =	sst s5  }
0xe: {  	[smem:$0x3FB1] =	sst s6  }
0xf: {  	[smem:$0x3FB2] =	sst s7  }
0x10: {  	[smem:$0x3FB3] =	sst s8  }
0x11: {  	[smem:$0x3FB4] =	sst s9;
	s0 =	simm.s32 @!p0 $0x0  }
0x12: {  	s1 =	sld [smem:$0x3F9A];
	s0 =	simm.s32 @p0 $0x1  }
0x13: {  	[smem:$0x3FB5] =	sst s0;
	s0 =	simm.s32 @!p1 $0x0  }
0x14: {  	s2 =	sld [smem:$0x3F99];
	s0 =	simm.s32 @p1 $0x1  }
0x15: {  	[smem:$0x3FB6] =	sst s0;
	s0 =	simm.s32 @!p2 $0x0  }
0x16: {  	s3 =	sld [smem:$0x3FDB];
	s0 =	simm.s32 @p2 $0x1  }
0x17: {  	s4 =	simm.s32 $0x1BF5;
	[smem:$0x3FB8] =	sst s0  }
0x18: {  	s0 =	sld [smem:$0x3F9B];
	_ =	swait.ge [sflag:s4], $0x0  }
0x19: {  	s7 =	sld [smem:$0x3F9C]  }
0x1a: {  	s8 =	sadd.s32 $0xFFFFE003, lr  }
0x1b: {  	s9 =	sadd.s32 $0xFFFFFEF7, lr;
	s5 =	simm.s32 $0xFFFFFFFF;
	p2 =	slt.u32 s8, $0xFFFFF086  }
0x1c: {  	p1 =	slt.u32 s9, $0xF7A;
	s5 =	simm.s32 @!p2 $0x0  }
0x1d: {  	s5 =	simm.s32 @p1 $0x1;
	p0 =	seq.s32 s7, s2  }
0x1e: {  	s7 =	smul.u32 @!p0 $0xF7A, s2;
	p2 =	seq.s32 @!p0 s5, $0x0  }
0x1f: {  	s9 =	smul.u32 $0xF7A, s1;
	s8 =	simm.s32 @!p0 $0x1BF5;
	p2 =	por !p2, p0  }
0x20: {  	[sflag:s8] =	ssyncset.s32 @!p0 $0xFFFFF086;
	s6 =	sadd.s32 @!p0 s3, s7;
	s7 =	simm.s32 @!p0 $0x108  }
0x21: {  	s3 =	sadd.s32 s3, s9;
	s6 =	sadd.s32 @!p0 $0x88, s6;
	s7 =	simm.s32 @p2 $0x1082  }
0x22: {  	[simem:s7], [sflag:s8] =	dma.local @!p0 [hbm:s6], $0xF7A  }
0x23: {  	s9 =	sor.u32 $0xD0000000, s2;
	s6 =	simm.s32 $0x108;
	_ =	swait.ge @!p0 [sflag:s8], $0x0  }
0x24: {  	s3 =	sadd.s32 $0x88, s3;
	s6 =	simm.s32 @!p1 $0x1082;
	[sflag:s4] =	ssyncset.s32 $0xFFFFF086  }
0x25: {  	[simem:s6], [sflag:s4] =	dma.local [hbm:s3], $0xF7A  }
0x26: {  	[smem:$0x3F9C] =	sst s1;
	(tag) =	ssettag s2;
	_ =	strace s9  }
0x27: {  	s1 =	sld [smem:$0x3FAC]  }
0x28: {  	s2 =	sld [smem:$0x3FAD]  }
0x29: {  	s4 =	sld [smem:$0x3FAF]  }
0x2a: {  	p0 =	seq.s32 s5, $0x0;
	s5 =	sld [smem:$0x3FB0]  }
0x2b: {  	s6 =	sld [smem:$0x3FB1]  }
0x2c: {  	s7 =	sld [smem:$0x3FB2]  }
0x2d: {  	s3 =	simm.s32 $0x108;
	s8 =	sld [smem:$0x3FB3]  }
0x2e: {  	s3 =	simm.s32 @!p0 $0x1082;
	s9 =	sld [smem:$0x3FB4]  }
0x2f: {  	lr =	sadd.s32 s0, s3;
	s0 =	sld [smem:$0x3FAB]  }
0x30: {  	s3 =	sld [smem:$0x3FAE]  }
0x31: {  	[smem:$0x3FB7] =	sst s10  }
0x32: {  	s10 =	sld [smem:$0x3FB5];
	_ =	sdelay $0x3  }
0x33: {  	p0 =	seq.s32 s10, $0x1;
	s10 =	sld [smem:$0x3FB7];
	_ =	sdelay $0x3  }
0x34: {  	[smem:$0x3FB7] =	sst s10  }
0x35: {  	s10 =	sld [smem:$0x3FB6];
	_ =	sdelay $0x3  }
0x36: {  	p1 =	seq.s32 s10, $0x1;
	s10 =	sld [smem:$0x3FB7];
	_ =	sdelay $0x3  }
0x37: {  	[smem:$0x3FB7] =	sst s10  }
0x38: {  	s10 =	sld [smem:$0x3FB8]  }
0x39: {  	_ = 	snop;
	(pc) =	sbr.ind lr, $3  }
0x3a: {  	_ = 	snop  }
0x3b: {  	_ = 	snop  }
0x3c: {  	p2 =	seq.s32 s10, $0x1;
	s10 =	sld [smem:$0x3FB7]  }
0x3d: {  	_ =	shalt  }
0x3e: {  	_ =	shalt  }
0x3f: {  	_ =	shalt  }
0x40: {  	_ =	shalt  }
0x41: {  	_ =	shalt  }
0x42: {  	_ =	shalt  }
0x43: {  	_ =	shalt  }
0x44: {  	_ =	shalt  }
0x45: {  	_ =	shalt  }
0x46: {  	_ =	shalt  }
0x47: {  	_ =	shalt  }
0x48: {  	_ =	shalt  }
0x49: {  	_ =	shalt  }
0x4a: {  	_ =	shalt  }
0x4b: {  	_ =	shalt  }
0x4c: {  	_ =	shalt  }
0x4d: {  	_ =	shalt  }
0x4e: {  	_ =	shalt  }
0x4f: {  	_ =	shalt  }
0x50: {  	_ =	shalt  }
0x51: {  	_ =	shalt  }
0x52: {  	_ =	shalt  }
0x53: {  	_ =	shalt  }
0x54: {  	_ =	shalt  }
0x55: {  	_ =	shalt  }
0x56: {  	_ =	shalt  }
0x57: {  	_ =	shalt  }
0x58: {  	_ =	shalt  }
0x59: {  	_ =	shalt  }
0x5a: {  	_ =	shalt  }
0x5b: {  	_ =	shalt  }
0x5c: {  	_ =	shalt  }
0x5d: {  	_ =	shalt  }
0x5e: {  	_ =	shalt  }
0x5f: {  	_ =	shalt  }
0x60: {  	_ =	shalt  }
0x61: {  	_ =	shalt  }
0x62: {  	_ =	shalt  }
0x63: {  	_ =	shalt  }
0x64: {  	_ =	shalt  }
0x65: {  	_ =	shalt  }
0x66: {  	_ =	shalt  }
0x67: {  	_ =	shalt  }
0x68: {  	_ =	shalt  }
0x69: {  	_ =	shalt  }
0x6a: {  	_ =	shalt  }
0x6b: {  	_ =	shalt  }
0x6c: {  	_ =	shalt  }
0x6d: {  	_ =	shalt  }
0x6e: {  	_ =	shalt  }
0x6f: {  	_ =	shalt  }
0x70: {  	_ =	shalt  }
0x71: {  	_ =	shalt  }
0x72: {  	_ =	shalt  }
0x73: {  	_ =	shalt  }
0x74: {  	_ =	shalt  }
0x75: {  	_ =	shalt  }
0x76: {  	_ =	shalt  }
0x77: {  	_ =	shalt  }
0x78: {  	_ =	shalt  }
0x79: {  	_ =	shalt  }
0x7a: {  	_ =	shalt  }
0x7b: {  	_ =	shalt  }
0x7c: {  	_ =	shalt  }
0x7d: {  	_ =	shalt  }
0x7e: {  	_ =	shalt  }
0x7f: {  	_ =	shalt  }
0x80: {  	_ =	shalt  }
0x81: {  	_ =	shalt  }
0x82: {  	_ =	shalt  }
0x83: {  	_ =	shalt  }
0x84: {  	_ =	shalt  }
0x85: {  	_ =	shalt  }
0x86: {  	_ =	shalt  }
0x87: {  	_ =	shalt  }
.Lfunc_end0:
.L_simem_size_0:
called_computation_lowered:
.L_overlay_start_0:
0x88: {  	s2 =	sld [smem:$0x3FD9]  }
0x89: {  	s3 =	sld [smem:$0x3FFE];
	_ =	sdelay $0x1  }
0x8a: {  	s1 =	srdreg.scid  }
0x8b: {  	s0 =	sand.u32 $0x1, s1  }
0x8c: {  	s17 =	sshll.u32 s0, $0xA;
	s2 =	sadd.s32 s3, s2  }
0x8d: {  	s2 =	sadd.s32 s2, s17  }
0x8e: {  	[smem:$0x3FC3] =	sst s2  }
0x8f: {  	_ = 	snop  }
0x90: {  	s2 =	sld [smem:$0x3FC9]  }
0x91: {  	s18 =	sld [smem:$0x3FD0];
	(tm) =	ssettm $0x1  }
0x92: {  	s4 =	sld [smem:$0x3FFB];
	_ =	sdelay $0x3  }
0x93: {  	_ =	strace s4  }
0x94: {  	s4 =	sld [smem:$0x3FFC];
	_ =	sdelay $0x3  }
0x95: {  	_ =	strace s4  }
0x96: {  	s4 =	sld [smem:$0x3FFD];
	_ =	sdelay $0x3  }
0x97: {  	_ =	strace s4  }
0x98: {  	_ =	strace $0x8FFFFFFF  }
0x99: {  	s19 =	sld [smem:$0x3FDB];
	_ =	sdelay $0x1  }
0x9a: {  	s5 =	simm.s32 $_scs_section_size  }
0x9b: {  	s6 =	simm.s32 $_size__tile_overlayer_lowered;
	s7 =	simm.s32 $_tile_overlayer_lowered  }
0x9c: {  	s22 =	simm.s32 $0x1BFF;
	s21 =	sshll.u32 s7, $0x1;
	s4 =	sadd.s32 s5, s19  }
0x9d: {  	s8 =	simm.s32 $0x0;
	s20 =	sshll.u32 s6, $0x1;
	s6 =	sadd.s32 s21, s4  }
0x9e: {  	[timem:s8], [sflag:s22] =	dma.local [hbm:s6], s20  }
0x9f: {  	_ =	swait.ge [sflag:s22], s20  }
0xa0: {  	s5 =	ssub.s32 $0x0, s20;
	[sflag:s22] =	ssyncset.done $0x0  }
0xa1: {  	[sflag:s22] =	ssyncadd.s32 s5;
	_ =	sdelay $0x1  }
0xa2: {  	s23 =	simm.s32 $0x1B8B  }
0xa3: {  	_ =	swait.ge [sflag:s23], $0x1  }
0xa4: {  	[sflag:s23] =	ssyncset.done $0x0  }
0xa5: {  	s25 =	simm.s32 $0x1B8E;
	s24 =	sld [smem:$0x3FFE];
	[sflag:s23] =	ssyncadd.s32 $0xFFFFFFFF  }
0xa6: {  	s26 =	simm.s32 $execute0_lowered;
	[smem:$0x3FD2] =	sst s25  }
0xa7: {  	s6 =	sshll.u32 s26, $0x1;
	_ =	strace $0x80000046;
	[dreg:$0x1] =	wrdreg $0xFFFFFFFF  }
0xa8: {  	s28 =	simm.s32 $_size_execute0_lowered;
	s4 =	sadd.s32 s4, s6;
	[dreg:$0x0] =	wrdreg $0x0  }
0xa9: {  	s6 =	sshll.u32 s28, $0x1;
	[dreg:$0x2] =	wrdreg s4  }
0xaa: {  	[dreg:$0x3] =	wrdreg s6  }
0xab: {  	[dreg:$0x4] =	wrdreg $0xC0  }
0xac: {  	_ =	task [dreg:s8], $0x5FFFF  }
0xad: {  	[dreg:$0x1] =	wrdreg $0xFFFFFFFF  }
0xae: {  	[dreg:$0x0] =	wrdreg $0x60  }
0xaf: {  	[dreg:$0x2] =	wrdreg s2  }
0xb0: {  	[dreg:$0x3] =	wrdreg s18  }
0xb1: {  	[dreg:$0x4] =	wrdreg s24  }
0xb2: {  	[dreg:$0x5] =	wrdreg $0x122800  }
0xb3: {  	[dreg:$0x6] =	wrdreg $0x9  }
0xb4: {  	_ =	task.clear_ibuf [dreg:s8], $0x7FFFF;
	_ =	strace $0x90000046  }
0xb5: {  	s29 =	simm.s32 $0x9;
	_ =	strace $0x80000048  }
0xb6: {  	_ =	swait.ge [sflag:s29], $0x1  }
0xb7: {  	[sflag:s29] =	ssyncadd.s32 $0xFFFFFFFF  }
0xb8: {  	_ =	strace $0x90000048  }
0xb9: {  	_ =	sfence  }
0xba: {  	s30 =	sld [smem:$0x0];
	_ =	sdelay $0x2  }
0xbb: {  	s31 =	sshll.u32 s1, $0xD;
	s1 =	sshrl.u32 s1, $0x2  }
0xbc: {  	s3 =	sand.u32 $0x4000, s31;
	s1 =	sadd.s32 s1, s30  }
0xbd: {  	s0 =	sor.u32 s3, s0;
	s1 =	sshll.u32 s1, $0x11  }
0xbe: {  	s0 =	sor.u32 s1, s0  }
0xbf: {  	s0 =	sadd.s32 $0x8F2B, s0  }
0xc0: {  	[sflag:s0] =	ssyncadd.remote.s32 $0x1  }
0xc1: {  	_ =	sfence.sel $0xFFFF  }
0xc2: {  	[dreg:$0x0] =	wrdreg $0xFFFFFFFF;
	(pc) =	sbr.abs _section_cstart, $3  }
0xc3: {  	[dreg:$0x1] =	wrdreg $0xFFFFFFFF  }
0xc4: {  	_ =	task.clear_ibuf [dreg:s8], $0x2FFFF;
	_ =	strace $0x9FFFFFFF  }
0xc5: {  	(tm) =	ssettm $0x7FFFFFFF  }
tec
execute0_lowered:
.L_overlay_start_1:
0x0: {  	(tag) =	ssettag $0x1  }
0x1: {  	s0 =	rddreg [dreg:$0x0]  }
0x2: {  	s11 =	rddreg [dreg:$0x1]  }
0x3: {  	s1 =	rddreg [dreg:$0x2]  }
0x4: {  	s12 =	rddreg [dreg:$0x3];
	s3 =	simm.s32 $0x0  }
0x5: {  	[smem:$0x7FF] =	sst s3;
	s2 =	sadd.s32 $0x1E00, s1  }
0x6: {  	s5 =	sadd.s32 $0x182000, s1;
	_ =	strace $0x80000047;
	[dreg:$0x11] =	wrdreg s2  }
0x7: {  	s6 =	sadd.s32 $0x182200, s1;
	[dreg:$0x5] =	wrdreg s5  }
0x8: {  	s8 =	sadd.s32 $0x181E00, s1;
	[dreg:$0x6] =	wrdreg s6  }
0x9: {  	s9 =	srdreg.scid;
	s15 =	sadd.s32 $0x10, s11;
	[dreg:$0x7] =	wrdreg s8  }
0xa: {  	s30 =	simm.s32 $0x2080;
	s16 =	sadd.s32 $0x80, s12;
	[dreg:$0x9] =	wrdreg s15  }
0xb: {  	s31 =	simm.s32 $0x2100;
	s19 =	sadd.s32 $0x1F00, s1;
	[dreg:$0xa] =	wrdreg s16  }
0xc: {  	s20 =	sadd.s32 $0x2000, s1;
	s21 =	sadd.s32 $0x2100, s1;
	[dreg:$0x12] =	wrdreg s19  }
0xd: {  	s22 =	sadd.s32 $0x2200, s1;
	s23 =	sadd.s32 $0x2300, s1;
	[dreg:$0x13] =	wrdreg s20  }
0xe: {  	s24 =	sadd.s32 $0x2400, s1;
	s25 =	sadd.s32 $0x2500, s1;
	[dreg:$0x14] =	wrdreg s21  }
0xf: {  	s5 =	stileid.u32;
	s2 =	sand.u32 $0x1, s9;
	[dreg:$0x15] =	wrdreg s22  }
0x10: {  	[dreg:$0x16] =	wrdreg s23;
	s10 =	sshll.u32 s5, $0x7;
	s7 =	sshll.u32 s2, $0x6  }
0x11: {  	[dreg:$0x17] =	wrdreg s24;
	s13 =	ssub.s32 $0x2, s2;
	s6 =	sor.u32 s7, s10  }
0x12: {  	[dreg:$0x18] =	wrdreg s25;
	s9 =	sshrl.u32 s13, $0x1;
	s10 =	sshll.u32 s6, $0x8  }
0x13: {  	s6 =	sshll.u32 s6, $0x1;
	s8 =	ssub.s32 s13, s9;
	s4 =	sadd.s32 s0, s10  }
0x14: {  	s14 =	sand.u32 $0xF00, s6;
	s29 =	smax.u32 s8, $0x1;
	[dreg:$0x8] =	wrdreg s4  }
0x15: {  	v0 =	vimm.s32 $0x0;
	v1 =	vimm.s32 $0x1;
	v2 =	vlaneseq.u32;
	s6 =	sor.u32 s6, s7;
	s18 =	sadd.s32 $0x1000, s4;
	[dreg:$0x10] =	wrdreg s29  }
.Ltmp0:
0x16: {  	vm0 =	vmmov $0xff;
	v4 =	vimm.s32 $0x2;
	v5 =	vimm.s32 $0x3;
	s26 =	sadd.s32 $0x2000, s4;
	[dreg:$0xd] =	wrdreg s18;
	(pc) =	sbr.rel .LBB2_1-.Ltmp0, $4  }
0x17: {  	v6 =	vimm.s32 $0x4;
	v7 =	vimm.s32 $0x5;
	v8 =	vimm.s32 $0x6;
	s0 =	sadd.s32 s14, s12;
	s28 =	sadd.s32 $0x3000, s4;
	[dreg:$0xe] =	wrdreg s26  }
0x18: {  	v9 =	vimm.s32 $0x7;
	vm1 =	vmmov $0xffff;
	v3 =	vadd.s32 $0x1, v2;
	s17 =	sor.u32 $0x80, s6;
	s0 =	sadd.s32 s7, s0;
	[dreg:$0xf] =	wrdreg s28  }
0x19: {  	v10 =	vor.u32 $0x10, v2;
	v11 =	vadd.s32 $0x11, v2;
	v13 =	vshrl.u32 v2, $0x3;
	p0 =	sne.s32 s5, $0x0;
	[dreg:$0xb] =	wrdreg s0;
	s0 =	sadd.s32 s17, s12  }
0x1a: {  	v12 =	vand.u32 $0x7, v2;
	v14 =	vor.u32 $0x8, v2;
	v13 =	vmul.u32 $0x8, v13;
	p1 =	sne.s32 s2, $0x0;
	s9 =	simm.s32 $0x0;
	[dreg:$0xc] =	wrdreg s0  }
.LBB2_9:
0x1b: {  	[dreg:$0x19] =	wrdreg s9  }
0x1c: {  	[bflag:$0x0] =	sbarrier.arrive $0xFFFF  }
0x1d: {  	s12 =	simm.s32 $0x12180;
	s1 =	simm.s32 $0x6;
	s0 =	rddreg [dreg:$0xb]  }
0x1e: {  	[tilespmem:s12], [sflag:$0x6] =	stream.linear.gather [spmem:s0], $0x40, $0x38;
	[tilespmem:$0x12380] =	vst v63  }
0x1f: {  	_ =	swait.ge [sflag:s1], $0x40  }
0x20: {  	[sflag:s1] =	ssyncset.done $0x0  }
0x21: {  	s19 =	simm.s32 $0x12200;
	s20 =	rddreg [dreg:$0xc];
	[sflag:s1] =	ssyncadd.s32 $0xFFFFFFC0  }
0x22: {  	[tilespmem:s19], [sflag:$0x6] =	stream.linear.gather [spmem:s20], $0x40, $0x38;
	[tilespmem:$0x12380] =	vst v63  }
0x23: {  	_ =	swait.ge [sflag:s1], $0x40  }
0x24: {  	s21 =	simm.s32 $0xA180;
	[sflag:s1] =	ssyncset.done $0x0  }
0x25: {  	s2 =	simm.s32 $0x2;
	s22 =	rddreg [dreg:$0xd];
	[sflag:s1] =	ssyncadd.s32 $0xFFFFFFC0  }
0x26: {  	[tilespmem:s21], [sflag:$0x3] =	stream.linear.gather [hbm4b:s22+s3], $0x8000, $0x38;
	[tilespmem:$0x12380] =	vst v63  }
0x27: {  	_ =	swait.ge [sflag:s2], $0x8000  }
0x28: {  	[sflag:s2] =	ssyncset.done $0x0  }
0x29: {  	[sflag:s2] =	ssyncadd.s32 $0xFFFF8000  }
0x2a: {  	v15 =	vld [tilespmem:$0x12180];
	_ =	sdelay $0x4  }
0x2b: {  	v16 =	vshll.u32 v15, $0x4  }
0x2c: {  	v15 =	vand.u32 $0x7, v15;
	v16 =	vand.u32 $0xFFFFFF80, v16  }
0x2d: {  	v15 =	vor.u32 v15, v16  }
0x2e: {  	v16 =	vperm.xlane v15, v12;
	_ =	sdelay $0x1  }
0x2f: {  	v16 =	vadd.s32 v13, v16;
	_ =	sdelay $0x3  }
0x30: {  	s23 =	simm.s32 $0x2180;
	s7 =	rddreg [dreg:$0x11]  }
0x31: {  	v17 =	vld [tilespmem:$0x12200];
	[hbm4b:s7+s3] =	stream.indirect_vreg.scatter [tilespmem:s23], [sflag:$0x4], $0x80, v16, vm1, $0xb8  }
0x32: {  	s24 =	simm.s32 $0x2980;
	s15 =	rddreg [dreg:$0x12]  }
0x33: {  	[hbm4b:s15+s3] =	stream.indirect_vreg.scatter [tilespmem:s24], [sflag:$0x4], $0x80, v16, vm1, $0xb8;
	[tilespmem:$0x12380] =	vst v63  }
0x34: {  	s25 =	simm.s32 $0x3180;
	s16 =	rddreg [dreg:$0x13]  }
0x35: {  	[hbm4b:s16+s3] =	stream.indirect_vreg.scatter [tilespmem:s25], [sflag:$0x4], $0x80, v16, vm1, $0xb8;
	[tilespmem:$0x12380] =	vst v63  }
0x36: {  	s26 =	simm.s32 $0x3980;
	s17 =	rddreg [dreg:$0x14]  }
0x37: {  	[hbm4b:s17+s3] =	stream.indirect_vreg.scatter [tilespmem:s26], [sflag:$0x4], $0x80, v16, vm1, $0xb8;
	[tilespmem:$0x12380] =	vst v63  }
0x38: {  	s28 =	simm.s32 $0x4180;
	s18 =	rddreg [dreg:$0x15]  }
0x39: {  	[hbm4b:s18+s3] =	stream.indirect_vreg.scatter [tilespmem:s28], [sflag:$0x4], $0x80, v16, vm1, $0xb8;
	[tilespmem:$0x12380] =	vst v63  }
0x3a: {  	s29 =	simm.s32 $0x4980;
	s19 =	rddreg [dreg:$0x16];
	v15 =	vperm.xlane v15, v14  }
0x3b: {  	[hbm4b:s19+s3] =	stream.indirect_vreg.scatter [tilespmem:s29], [sflag:$0x4], $0x80, v16, vm1, $0xb8;
	[tilespmem:$0x12380] =	vst v63  }
0x3c: {  	s6 =	simm.s32 $0x5180;
	s20 =	rddreg [dreg:$0x17];
	v15 =	vadd.s32 v13, v15  }
0x3d: {  	[hbm4b:s20+s3] =	stream.indirect_vreg.scatter [tilespmem:s6], [sflag:$0x4], $0x80, v16, vm1, $0xb8;
	[tilespmem:$0x12380] =	vst v63  }
0x3e: {  	s8 =	simm.s32 $0x5980;
	s6 =	rddreg [dreg:$0x18]  }
0x3f: {  	[hbm4b:s6+s3] =	stream.indirect_vreg.scatter [tilespmem:s8], [sflag:$0x4], $0x80, v16, vm1, $0xb8;
	[tilespmem:$0x12380] =	vst v63  }
0x40: {  	s10 =	simm.s32 $0x6180  }
0x41: {  	[hbm4b:s7+s3] =	stream.indirect_vreg.scatter [tilespmem:s10], [sflag:$0x4], $0x80, v15, vm1, $0xb8;
	[tilespmem:$0x12380] =	vst v63  }
0x42: {  	s11 =	simm.s32 $0x6980  }
0x43: {  	[hbm4b:s15+s3] =	stream.indirect_vreg.scatter [tilespmem:s11], [sflag:$0x4], $0x80, v15, vm1, $0xb8;
	[tilespmem:$0x12380] =	vst v63  }
0x44: {  	s13 =	simm.s32 $0x7180  }
0x45: {  	[hbm4b:s16+s3] =	stream.indirect_vreg.scatter [tilespmem:s13], [sflag:$0x4], $0x80, v15, vm1, $0xb8;
	[tilespmem:$0x12380] =	vst v63  }
0x46: {  	s21 =	simm.s32 $0x7980  }
0x47: {  	v54 =	vshll.u32 v17, $0x4;
	[hbm4b:s17+s3] =	stream.indirect_vreg.scatter [tilespmem:s21], [sflag:$0x4], $0x80, v15, vm1, $0xb8;
	[tilespmem:$0x12380] =	vst v63  }
0x48: {  	s22 =	simm.s32 $0x8180;
	v17 =	vand.u32 $0x7, v17;
	v16 =	vand.u32 $0xFFFFFF80, v54  }
0x49: {  	v16 =	vor.u32 v17, v16;
	[hbm4b:s18+s3] =	stream.indirect_vreg.scatter [tilespmem:s22], [sflag:$0x4], $0x80, v15, vm1, $0xb8;
	[tilespmem:$0x12380] =	vst v63  }
0x4a: {  	s23 =	simm.s32 $0x8980;
	v17 =	vperm.xlane v16, v12  }
0x4b: {  	[hbm4b:s19+s3] =	stream.indirect_vreg.scatter [tilespmem:s23], [sflag:$0x4], $0x80, v15, vm1, $0xb8;
	[tilespmem:$0x12380] =	vst v63  }
0x4c: {  	s25 =	simm.s32 $0x9180;
	v17 =	vadd.s32 v13, v17  }
0x4d: {  	[hbm4b:s20+s3] =	stream.indirect_vreg.scatter [tilespmem:s25], [sflag:$0x4], $0x80, v15, vm1, $0xb8;
	[tilespmem:$0x12380] =	vst v63  }
0x4e: {  	s28 =	simm.s32 $0x9980  }
0x4f: {  	[hbm4b:s6+s3] =	stream.indirect_vreg.scatter [tilespmem:s28], [sflag:$0x4], $0x80, v15, vm1, $0xb8;
	[tilespmem:$0x12380] =	vst v63  }
0x50: {  	s29 =	simm.s32 $0x2180  }
0x51: {  	[hbm4b:s7+s3] =	stream.indirect_vreg.scatter [tilespmem:s29], [sflag:$0x4], $0x80, v17, vm1, $0xb8;
	[tilespmem:$0x12380] =	vst v63  }
0x52: {  	s1 =	simm.s32 $0x2980  }
0x53: {  	[hbm4b:s15+s3] =	stream.indirect_vreg.scatter [tilespmem:s1], [sflag:$0x4], $0x80, v17, vm1, $0xb8;
	[tilespmem:$0x12380] =	vst v63  }
0x54: {  	s4 =	simm.s32 $0x3180  }
0x55: {  	[hbm4b:s16+s3] =	stream.indirect_vreg.scatter [tilespmem:s4], [sflag:$0x4], $0x80, v17, vm1, $0xb8;
	[tilespmem:$0x12380] =	vst v63  }
0x56: {  	s5 =	simm.s32 $0x3980  }
0x57: {  	[hbm4b:s17+s3] =	stream.indirect_vreg.scatter [tilespmem:s5], [sflag:$0x4], $0x80, v17, vm1, $0xb8;
	[tilespmem:$0x12380] =	vst v63  }
0x58: {  	s12 =	simm.s32 $0x4180  }
0x59: {  	[hbm4b:s18+s3] =	stream.indirect_vreg.scatter [tilespmem:s12], [sflag:$0x4], $0x80, v17, vm1, $0xb8;
	[tilespmem:$0x12380] =	vst v63  }
0x5a: {  	s9 =	simm.s32 $0x4980;
	v15 =	vperm.xlane v16, v14  }
0x5b: {  	[hbm4b:s19+s3] =	stream.indirect_vreg.scatter [tilespmem:s9], [sflag:$0x4], $0x80, v17, vm1, $0xb8;
	[tilespmem:$0x12380] =	vst v63  }
0x5c: {  	s24 =	simm.s32 $0x5180;
	v15 =	vadd.s32 v13, v15  }
0x5d: {  	[hbm4b:s20+s3] =	stream.indirect_vreg.scatter [tilespmem:s24], [sflag:$0x4], $0x80, v17, vm1, $0xb8;
	[tilespmem:$0x12380] =	vst v63  }
0x5e: {  	s26 =	simm.s32 $0x5980  }
0x5f: {  	[hbm4b:s6+s3] =	stream.indirect_vreg.scatter [tilespmem:s26], [sflag:$0x4], $0x80, v17, vm1, $0xb8;
	[tilespmem:$0x12380] =	vst v63  }
0x60: {  	s8 =	simm.s32 $0x6180  }
0x61: {  	[hbm4b:s7+s3] =	stream.indirect_vreg.scatter [tilespmem:s8], [sflag:$0x4], $0x80, v15, vm1, $0xb8;
	[tilespmem:$0x12380] =	vst v63  }
0x62: {  	s14 =	simm.s32 $0x6980  }
0x63: {  	[hbm4b:s15+s3] =	stream.indirect_vreg.scatter [tilespmem:s14], [sflag:$0x4], $0x80, v15, vm1, $0xb8;
	[tilespmem:$0x12380] =	vst v63  }
0x64: {  	s11 =	simm.s32 $0x7180  }
0x65: {  	[hbm4b:s16+s3] =	stream.indirect_vreg.scatter [tilespmem:s11], [sflag:$0x4], $0x80, v15, vm1, $0xb8;
	[tilespmem:$0x12380] =	vst v63  }
0x66: {  	s13 =	simm.s32 $0x7980  }
0x67: {  	[hbm4b:s17+s3] =	stream.indirect_vreg.scatter [tilespmem:s13], [sflag:$0x4], $0x80, v15, vm1, $0xb8;
	[tilespmem:$0x12380] =	vst v63  }
0x68: {  	s21 =	simm.s32 $0x8180  }
0x69: {  	[hbm4b:s18+s3] =	stream.indirect_vreg.scatter [tilespmem:s21], [sflag:$0x4], $0x80, v15, vm1, $0xb8;
	[tilespmem:$0x12380] =	vst v63  }
0x6a: {  	s22 =	simm.s32 $0x8980  }
0x6b: {  	[hbm4b:s19+s3] =	stream.indirect_vreg.scatter [tilespmem:s22], [sflag:$0x4], $0x80, v15, vm1, $0xb8;
	[tilespmem:$0x12380] =	vst v63  }
0x6c: {  	s23 =	simm.s32 $0x9180  }
0x6d: {  	[hbm4b:s20+s3] =	stream.indirect_vreg.scatter [tilespmem:s23], [sflag:$0x4], $0x80, v15, vm1, $0xb8;
	[tilespmem:$0x12380] =	vst v63  }
0x6e: {  	s25 =	simm.s32 $0x9980;
	s8 =	simm.s32 $0x4  }
0x6f: {  	[hbm4b:s6+s3] =	stream.indirect_vreg.scatter [tilespmem:s25], [sflag:$0x4], $0x80, v15, vm1, $0xb8;
	[tilespmem:$0x12380] =	vst v63  }
0x70: {  	_ =	swait.ge [sflag:s8], $0x8000  }
0x71: {  	[sflag:s8] =	ssyncset.done $0x0  }
0x72: {  	[sflag:s8] =	ssyncadd.s32 $0xFFFF8000  }
0x73: {  	_ =	swait.ge [sflag:s8], $0x8000  }
0x74: {  	s9 =	simm.s32 $0x2180;
	[sflag:s8] =	ssyncset.done $0x0  }
0x75: {  	s25 =	simm.s32 $0x3;
	s10 =	rddreg [dreg:$0xe];
	[sflag:s8] =	ssyncadd.s32 $0xFFFF8000  }
0x76: {  	[tilespmem:s9], [sflag:$0x2] =	stream.linear.gather [hbm4b:s10+s3], $0x8000, $0x38;
	[tilespmem:$0x12380] =	vst v63  }
0x77: {  	_ =	swait.ge [sflag:s25], $0x8000  }
0x78: {  	[sflag:s25] =	ssyncset.done $0x0  }
0x79: {  	[sflag:s25] =	ssyncadd.s32 $0xFFFF8000  }
0x7a: {  	v15 =	vld [tilespmem:$0x12190];
	_ =	sdelay $0x4  }
0x7b: {  	v55 =	vshll.u32 v15, $0x4  }
0x7c: {  	v15 =	vand.u32 $0x7, v15;
	v16 =	vand.u32 $0xFFFFFF80, v55  }
0x7d: {  	v15 =	vor.u32 v15, v16  }
0x7e: {  	v16 =	vperm.xlane v15, v12;
	_ =	sdelay $0x1  }
0x7f: {  	v16 =	vadd.s32 v13, v16;
	_ =	sdelay $0x3  }
0x80: {  	s4 =	simm.s32 $0xA180  }
0x81: {  	v56 =	vld [tilespmem:$0x12210];
	[hbm4b:s7+s3] =	stream.indirect_vreg.scatter [tilespmem:s4], [sflag:$0x5], $0x80, v16, vm1, $0xb8  }
0x82: {  	s11 =	simm.s32 $0xA980  }
0x83: {  	[hbm4b:s15+s3] =	stream.indirect_vreg.scatter [tilespmem:s11], [sflag:$0x5], $0x80, v16, vm1, $0xb8;
	[tilespmem:$0x12380] =	vst v63  }
0x84: {  	s12 =	simm.s32 $0xB180  }
0x85: {  	[hbm4b:s16+s3] =	stream.indirect_vreg.scatter [tilespmem:s12], [sflag:$0x5], $0x80, v16, vm1, $0xb8;
	[tilespmem:$0x12380] =	vst v63  }
0x86: {  	s13 =	simm.s32 $0xB980  }
0x87: {  	[hbm4b:s17+s3] =	stream.indirect_vreg.scatter [tilespmem:s13], [sflag:$0x5], $0x80, v16, vm1, $0xb8;
	[tilespmem:$0x12380] =	vst v63  }
0x88: {  	s14 =	simm.s32 $0xC180  }
0x89: {  	[hbm4b:s18+s3] =	stream.indirect_vreg.scatter [tilespmem:s14], [sflag:$0x5], $0x80, v16, vm1, $0xb8;
	[tilespmem:$0x12380] =	vst v63  }
0x8a: {  	s21 =	simm.s32 $0xC980;
	v15 =	vperm.xlane v15, v14  }
0x8b: {  	[hbm4b:s19+s3] =	stream.indirect_vreg.scatter [tilespmem:s21], [sflag:$0x5], $0x80, v16, vm1, $0xb8;
	[tilespmem:$0x12380] =	vst v63  }
0x8c: {  	s22 =	simm.s32 $0xD180;
	v15 =	vadd.s32 v13, v15  }
0x8d: {  	[hbm4b:s20+s3] =	stream.indirect_vreg.scatter [tilespmem:s22], [sflag:$0x5], $0x80, v16, vm1, $0xb8;
	[tilespmem:$0x12380] =	vst v63  }
0x8e: {  	s24 =	simm.s32 $0xD980  }
0x8f: {  	[hbm4b:s6+s3] =	stream.indirect_vreg.scatter [tilespmem:s24], [sflag:$0x5], $0x80, v16, vm1, $0xb8;
	[tilespmem:$0x12380] =	vst v63  }
0x90: {  	s0 =	simm.s32 $0xE180  }
0x91: {  	[hbm4b:s7+s3] =	stream.indirect_vreg.scatter [tilespmem:s0], [sflag:$0x5], $0x80, v15, vm1, $0xb8;
	[tilespmem:$0x12380] =	vst v63  }
0x92: {  	s9 =	simm.s32 $0xE980  }
0x93: {  	[hbm4b:s15+s3] =	stream.indirect_vreg.scatter [tilespmem:s9], [sflag:$0x5], $0x80, v15, vm1, $0xb8;
	[tilespmem:$0x12380] =	vst v63  }
0x94: {  	s10 =	simm.s32 $0xF180  }
0x95: {  	[hbm4b:s16+s3] =	stream.indirect_vreg.scatter [tilespmem:s10], [sflag:$0x5], $0x80, v15, vm1, $0xb8;
	[tilespmem:$0x12380] =	vst v63  }
0x96: {  	s11 =	simm.s32 $0xF980  }
0x97: {  	v57 =	vshll.u32 v56, $0x4;
	[hbm4b:s17+s3] =	stream.indirect_vreg.scatter [tilespmem:s11], [sflag:$0x5], $0x80, v15, vm1, $0xb8;
	[tilespmem:$0x12380] =	vst v63  }
0x98: {  	v17 =	vand.u32 $0x7, v56;
	s14 =	simm.s32 $0x10180;
	v16 =	vand.u32 $0xFFFFFF80, v57  }
0x99: {  	v16 =	vor.u32 v17, v16;
	[hbm4b:s18+s3] =	stream.indirect_vreg.scatter [tilespmem:s14], [sflag:$0x5], $0x80, v15, vm1, $0xb8;
	[tilespmem:$0x12380] =	vst v63  }
0x9a: {  	v17 =	vperm.xlane v16, v12;
	s9 =	simm.s32 $0x10980  }
0x9b: {  	[hbm4b:s19+s3] =	stream.indirect_vreg.scatter [tilespmem:s9], [sflag:$0x5], $0x80, v15, vm1, $0xb8;
	[tilespmem:$0x12380] =	vst v63  }
0x9c: {  	v17 =	vadd.s32 v13, v17;
	s11 =	simm.s32 $0x11180  }
0x9d: {  	[hbm4b:s20+s3] =	stream.indirect_vreg.scatter [tilespmem:s11], [sflag:$0x5], $0x80, v15, vm1, $0xb8;
	[tilespmem:$0x12380] =	vst v63  }
0x9e: {  	s10 =	simm.s32 $0x11980  }
0x9f: {  	[hbm4b:s6+s3] =	stream.indirect_vreg.scatter [tilespmem:s10], [sflag:$0x5], $0x80, v15, vm1, $0xb8;
	[tilespmem:$0x12380] =	vst v63  }
0xa0: {  	_ = 	snop  }
0xa1: {  	[hbm4b:s7+s3] =	stream.indirect_vreg.scatter [tilespmem:s4], [sflag:$0x5], $0x80, v17, vm1, $0xb8;
	[tilespmem:$0x12380] =	vst v63  }
0xa2: {  	s23 =	simm.s32 $0xA980  }
0xa3: {  	[hbm4b:s15+s3] =	stream.indirect_vreg.scatter [tilespmem:s23], [sflag:$0x5], $0x80, v17, vm1, $0xb8;
	[tilespmem:$0x12380] =	vst v63  }
0xa4: {  	s1 =	simm.s32 $0xB180  }
0xa5: {  	[hbm4b:s16+s3] =	stream.indirect_vreg.scatter [tilespmem:s1], [sflag:$0x5], $0x80, v17, vm1, $0xb8;
	[tilespmem:$0x12380] =	vst v63  }
0xa6: {  	s29 =	simm.s32 $0xB980  }
0xa7: {  	[hbm4b:s17+s3] =	stream.indirect_vreg.scatter [tilespmem:s29], [sflag:$0x5], $0x80, v17, vm1, $0xb8;
	[tilespmem:$0x12380] =	vst v63  }
0xa8: {  	s26 =	simm.s32 $0xC180  }
0xa9: {  	[hbm4b:s18+s3] =	stream.indirect_vreg.scatter [tilespmem:s26], [sflag:$0x5], $0x80, v17, vm1, $0xb8;
	[tilespmem:$0x12380] =	vst v63  }
0xaa: {  	s12 =	simm.s32 $0xC980;
	v15 =	vperm.xlane v16, v14  }
0xab: {  	[hbm4b:s19+s3] =	stream.indirect_vreg.scatter [tilespmem:s12], [sflag:$0x5], $0x80, v17, vm1, $0xb8;
	[tilespmem:$0x12380] =	vst v63  }
0xac: {  	s28 =	simm.s32 $0xD180;
	v15 =	vadd.s32 v13, v15  }
0xad: {  	[hbm4b:s20+s3] =	stream.indirect_vreg.scatter [tilespmem:s28], [sflag:$0x5], $0x80, v17, vm1, $0xb8;
	[tilespmem:$0x12380] =	vst v63  }
0xae: {  	s24 =	simm.s32 $0xD980  }
0xaf: {  	[hbm4b:s6+s3] =	stream.indirect_vreg.scatter [tilespmem:s24], [sflag:$0x5], $0x80, v17, vm1, $0xb8;
	[tilespmem:$0x12380] =	vst v63  }
0xb0: {  	s0 =	simm.s32 $0xE180  }
0xb1: {  	[hbm4b:s7+s3] =	stream.indirect_vreg.scatter [tilespmem:s0], [sflag:$0x5], $0x80, v15, vm1, $0xb8;
	[tilespmem:$0x12380] =	vst v63  }
0xb2: {  	s13 =	simm.s32 $0xE980  }
0xb3: {  	[hbm4b:s15+s3] =	stream.indirect_vreg.scatter [tilespmem:s13], [sflag:$0x5], $0x80, v15, vm1, $0xb8;
	[tilespmem:$0x12380] =	vst v63  }
0xb4: {  	s21 =	simm.s32 $0xF180  }
0xb5: {  	[hbm4b:s16+s3] =	stream.indirect_vreg.scatter [tilespmem:s21], [sflag:$0x5], $0x80, v15, vm1, $0xb8;
	[tilespmem:$0x12380] =	vst v63  }
0xb6: {  	s22 =	simm.s32 $0xF980  }
0xb7: {  	[hbm4b:s17+s3] =	stream.indirect_vreg.scatter [tilespmem:s22], [sflag:$0x5], $0x80, v15, vm1, $0xb8;
	[tilespmem:$0x12380] =	vst v63  }
0xb8: {  	s5 =	simm.s32 $0x10180  }
0xb9: {  	[hbm4b:s18+s3] =	stream.indirect_vreg.scatter [tilespmem:s5], [sflag:$0x5], $0x80, v15, vm1, $0xb8;
	[tilespmem:$0x12380] =	vst v63  }
0xba: {  	s14 =	simm.s32 $0x10980  }
0xbb: {  	[hbm4b:s19+s3] =	stream.indirect_vreg.scatter [tilespmem:s14], [sflag:$0x5], $0x80, v15, vm1, $0xb8;
	[tilespmem:$0x12380] =	vst v63  }
0xbc: {  	_ = 	snop  }
0xbd: {  	[hbm4b:s20+s3] =	stream.indirect_vreg.scatter [tilespmem:s11], [sflag:$0x5], $0x80, v15, vm1, $0xb8;
	[tilespmem:$0x12380] =	vst v63  }
0xbe: {  	s9 =	simm.s32 $0x11980;
	s4 =	simm.s32 $0x5  }
0xbf: {  	[hbm4b:s6+s3] =	stream.indirect_vreg.scatter [tilespmem:s9], [sflag:$0x5], $0x80, v15, vm1, $0xb8;
	[tilespmem:$0x12380] =	vst v63  }
0xc0: {  	_ =	swait.ge [sflag:s4], $0x8000  }
0xc1: {  	[sflag:s4] =	ssyncset.done $0x0  }
0xc2: {  	[sflag:s4] =	ssyncadd.s32 $0xFFFF8000  }
0xc3: {  	_ =	swait.ge [sflag:s4], $0x8000  }
0xc4: {  	[sflag:s4] =	ssyncset.done $0x0  }
0xc5: {  	s10 =	simm.s32 $0xA180;
	s28 =	rddreg [dreg:$0xf];
	[sflag:s4] =	ssyncadd.s32 $0xFFFF8000  }
0xc6: {  	[tilespmem:s10], [sflag:$0x3] =	stream.linear.gather [hbm4b:s28+s3], $0x8000, $0x38;
	[tilespmem:$0x12380] =	vst v63  }
0xc7: {  	_ =	swait.ge [sflag:s2], $0x8000  }
0xc8: {  	[sflag:s2] =	ssyncset.done $0x0  }
0xc9: {  	[sflag:s2] =	ssyncadd.s32 $0xFFFF8000  }
0xca: {  	v15 =	vld [tilespmem:$0x121A0];
	_ =	sdelay $0x4  }
0xcb: {  	v58 =	vshll.u32 v15, $0x4  }
0xcc: {  	v15 =	vand.u32 $0x7, v15;
	v16 =	vand.u32 $0xFFFFFF80, v58  }
0xcd: {  	v15 =	vor.u32 v15, v16  }
0xce: {  	v16 =	vperm.xlane v15, v12;
	_ =	sdelay $0x1  }
0xcf: {  	v16 =	vadd.s32 v13, v16;
	_ =	sdelay $0x3  }
0xd0: {  	s29 =	simm.s32 $0x2180  }
0xd1: {  	v59 =	vld [tilespmem:$0x12220];
	[hbm4b:s7+s3] =	stream.indirect_vreg.scatter [tilespmem:s29], [sflag:$0x4], $0x80, v16, vm1, $0xb8  }
0xd2: {  	s29 =	simm.s32 $0x2980  }
0xd3: {  	[hbm4b:s15+s3] =	stream.indirect_vreg.scatter [tilespmem:s29], [sflag:$0x4], $0x80, v16, vm1, $0xb8;
	[tilespmem:$0x12380] =	vst v63  }
0xd4: {  	s26 =	simm.s32 $0x3180  }
0xd5: {  	[hbm4b:s16+s3] =	stream.indirect_vreg.scatter [tilespmem:s26], [sflag:$0x4], $0x80, v16, vm1, $0xb8;
	[tilespmem:$0x12380] =	vst v63  }
0xd6: {  	s28 =	simm.s32 $0x3980  }
0xd7: {  	[hbm4b:s17+s3] =	stream.indirect_vreg.scatter [tilespmem:s28], [sflag:$0x4], $0x80, v16, vm1, $0xb8;
	[tilespmem:$0x12380] =	vst v63  }
0xd8: {  	s24 =	simm.s32 $0x4180  }
0xd9: {  	[hbm4b:s18+s3] =	stream.indirect_vreg.scatter [tilespmem:s24], [sflag:$0x4], $0x80, v16, vm1, $0xb8;
	[tilespmem:$0x12380] =	vst v63  }
0xda: {  	s1 =	simm.s32 $0x4980;
	v15 =	vperm.xlane v15, v14  }
0xdb: {  	[hbm4b:s19+s3] =	stream.indirect_vreg.scatter [tilespmem:s1], [sflag:$0x4], $0x80, v16, vm1, $0xb8;
	[tilespmem:$0x12380] =	vst v63  }
0xdc: {  	s9 =	simm.s32 $0x5180;
	v15 =	vadd.s32 v13, v15  }
0xdd: {  	[hbm4b:s20+s3] =	stream.indirect_vreg.scatter [tilespmem:s9], [sflag:$0x4], $0x80, v16, vm1, $0xb8;
	[tilespmem:$0x12380] =	vst v63  }
0xde: {  	s13 =	simm.s32 $0x5980  }
0xdf: {  	[hbm4b:s6+s3] =	stream.indirect_vreg.scatter [tilespmem:s13], [sflag:$0x4], $0x80, v16, vm1, $0xb8;
	[tilespmem:$0x12380] =	vst v63  }
0xe0: {  	s21 =	simm.s32 $0x6180  }
0xe1: {  	[hbm4b:s7+s3] =	stream.indirect_vreg.scatter [tilespmem:s21], [sflag:$0x4], $0x80, v15, vm1, $0xb8;
	[tilespmem:$0x12380] =	vst v63  }
0xe2: {  	s22 =	simm.s32 $0x6980  }
0xe3: {  	[hbm4b:s15+s3] =	stream.indirect_vreg.scatter [tilespmem:s22], [sflag:$0x4], $0x80, v15, vm1, $0xb8;
	[tilespmem:$0x12380] =	vst v63  }
0xe4: {  	s23 =	simm.s32 $0x7180  }
0xe5: {  	[hbm4b:s16+s3] =	stream.indirect_vreg.scatter [tilespmem:s23], [sflag:$0x4], $0x80, v15, vm1, $0xb8;
	[tilespmem:$0x12380] =	vst v63  }
0xe6: {  	s5 =	simm.s32 $0x7980  }
0xe7: {  	v60 =	vshll.u32 v59, $0x4;
	[hbm4b:s17+s3] =	stream.indirect_vreg.scatter [tilespmem:s5], [sflag:$0x4], $0x80, v15, vm1, $0xb8;
	[tilespmem:$0x12380] =	vst v63  }
0xe8: {  	s14 =	simm.s32 $0x8180;
	v17 =	vand.u32 $0x7, v59;
	v16 =	vand.u32 $0xFFFFFF80, v60  }
0xe9: {  	v16 =	vor.u32 v17, v16;
	[hbm4b:s18+s3] =	stream.indirect_vreg.scatter [tilespmem:s14], [sflag:$0x4], $0x80, v15, vm1, $0xb8;
	[tilespmem:$0x12380] =	vst v63  }
0xea: {  	s10 =	simm.s32 $0x8980;
	v17 =	vperm.xlane v16, v12  }
0xeb: {  	[hbm4b:s19+s3] =	stream.indirect_vreg.scatter [tilespmem:s10], [sflag:$0x4], $0x80, v15, vm1, $0xb8;
	[tilespmem:$0x12380] =	vst v63  }
0xec: {  	s0 =	simm.s32 $0x9180;
	v17 =	vadd.s32 v13, v17  }
0xed: {  	[hbm4b:s20+s3] =	stream.indirect_vreg.scatter [tilespmem:s0], [sflag:$0x4], $0x80, v15, vm1, $0xb8;
	[tilespmem:$0x12380] =	vst v63  }
0xee: {  	s12 =	simm.s32 $0x9980  }
0xef: {  	[hbm4b:s6+s3] =	stream.indirect_vreg.scatter [tilespmem:s12], [sflag:$0x4], $0x80, v15, vm1, $0xb8;
	[tilespmem:$0x12380] =	vst v63  }
0xf0: {  	s2 =	simm.s32 $0x2180  }
0xf1: {  	[hbm4b:s7+s3] =	stream.indirect_vreg.scatter [tilespmem:s2], [sflag:$0x4], $0x80, v17, vm1, $0xb8;
	[tilespmem:$0x12380] =	vst v63  }
0xf2: {  	_ = 	snop  }
0xf3: {  	[hbm4b:s15+s3] =	stream.indirect_vreg.scatter [tilespmem:s29], [sflag:$0x4], $0x80, v17, vm1, $0xb8;
	[tilespmem:$0x12380] =	vst v63  }
0xf4: {  	_ = 	snop  }
0xf5: {  	[hbm4b:s16+s3] =	stream.indirect_vreg.scatter [tilespmem:s26], [sflag:$0x4], $0x80, v17, vm1, $0xb8;
	[tilespmem:$0x12380] =	vst v63  }
0xf6: {  	_ = 	snop  }
0xf7: {  	[hbm4b:s17+s3] =	stream.indirect_vreg.scatter [tilespmem:s28], [sflag:$0x4], $0x80, v17, vm1, $0xb8;
	[tilespmem:$0x12380] =	vst v63  }
0xf8: {  	_ = 	snop  }
0xf9: {  	[hbm4b:s18+s3] =	stream.indirect_vreg.scatter [tilespmem:s24], [sflag:$0x4], $0x80, v17, vm1, $0xb8;
	[tilespmem:$0x12380] =	vst v63  }
0xfa: {  	v15 =	vperm.xlane v16, v14  }
0xfb: {  	[hbm4b:s19+s3] =	stream.indirect_vreg.scatter [tilespmem:s1], [sflag:$0x4], $0x80, v17, vm1, $0xb8;
	[tilespmem:$0x12380] =	vst v63  }
0xfc: {  	v15 =	vadd.s32 v13, v15  }
0xfd: {  	[hbm4b:s20+s3] =	stream.indirect_vreg.scatter [tilespmem:s9], [sflag:$0x4], $0x80, v17, vm1, $0xb8;
	[tilespmem:$0x12380] =	vst v63  }
0xfe: {  	_ = 	snop  }
0xff: {  	[hbm4b:s6+s3] =	stream.indirect_vreg.scatter [tilespmem:s13], [sflag:$0x4], $0x80, v17, vm1, $0xb8;
	[tilespmem:$0x12380] =	vst v63  }
0x100: {  	_ = 	snop  }
0x101: {  	[hbm4b:s7+s3] =	stream.indirect_vreg.scatter [tilespmem:s21], [sflag:$0x4], $0x80, v15, vm1, $0xb8;
	[tilespmem:$0x12380] =	vst v63  }
0x102: {  	_ = 	snop  }
0x103: {  	[hbm4b:s15+s3] =	stream.indirect_vreg.scatter [tilespmem:s22], [sflag:$0x4], $0x80, v15, vm1, $0xb8;
	[tilespmem:$0x12380] =	vst v63  }
0x104: {  	_ = 	snop  }
0x105: {  	[hbm4b:s16+s3] =	stream.indirect_vreg.scatter [tilespmem:s23], [sflag:$0x4], $0x80, v15, vm1, $0xb8;
	[tilespmem:$0x12380] =	vst v63  }
0x106: {  	_ = 	snop  }
0x107: {  	[hbm4b:s17+s3] =	stream.indirect_vreg.scatter [tilespmem:s5], [sflag:$0x4], $0x80, v15, vm1, $0xb8;
	[tilespmem:$0x12380] =	vst v63  }
0x108: {  	_ = 	snop  }
0x109: {  	[hbm4b:s18+s3] =	stream.indirect_vreg.scatter [tilespmem:s14], [sflag:$0x4], $0x80, v15, vm1, $0xb8;
	[tilespmem:$0x12380] =	vst v63  }
0x10a: {  	_ = 	snop  }
0x10b: {  	[hbm4b:s19+s3] =	stream.indirect_vreg.scatter [tilespmem:s10], [sflag:$0x4], $0x80, v15, vm1, $0xb8;
	[tilespmem:$0x12380] =	vst v63  }
0x10c: {  	_ = 	snop  }
0x10d: {  	[hbm4b:s20+s3] =	stream.indirect_vreg.scatter [tilespmem:s0], [sflag:$0x4], $0x80, v15, vm1, $0xb8;
	[tilespmem:$0x12380] =	vst v63  }
0x10e: {  	_ = 	snop  }
0x10f: {  	[hbm4b:s6+s3] =	stream.indirect_vreg.scatter [tilespmem:s12], [sflag:$0x4], $0x80, v15, vm1, $0xb8;
	[tilespmem:$0x12380] =	vst v63  }
0x110: {  	_ =	swait.ge [sflag:s25], $0x8000  }
0x111: {  	[sflag:s25] =	ssyncset.done $0x0  }
0x112: {  	[sflag:s25] =	ssyncadd.s32 $0xFFFF8000  }
0x113: {  	v15 =	vld [tilespmem:$0x121B0];
	_ =	sdelay $0x4  }
0x114: {  	v61 =	vshll.u32 v15, $0x4  }
0x115: {  	v15 =	vand.u32 $0x7, v15;
	v16 =	vand.u32 $0xFFFFFF80, v61  }
0x116: {  	v15 =	vor.u32 v15, v16  }
0x117: {  	v16 =	vperm.xlane v15, v12;
	_ =	sdelay $0x1  }
0x118: {  	v16 =	vadd.s32 v13, v16;
	_ =	sdelay $0x3  }
0x119: {  	s0 =	simm.s32 $0xA180  }
0x11a: {  	v62 =	vld [tilespmem:$0x12230];
	[hbm4b:s7+s3] =	stream.indirect_vreg.scatter [tilespmem:s0], [sflag:$0x5], $0x80, v16, vm1, $0xb8  }
0x11b: {  	s1 =	simm.s32 $0xA980  }
0x11c: {  	[hbm4b:s15+s3] =	stream.indirect_vreg.scatter [tilespmem:s1], [sflag:$0x5], $0x80, v16, vm1, $0xb8;
	[tilespmem:$0x12380] =	vst v63  }
0x11d: {  	s2 =	simm.s32 $0xB180  }
0x11e: {  	[hbm4b:s16+s3] =	stream.indirect_vreg.scatter [tilespmem:s2], [sflag:$0x5], $0x80, v16, vm1, $0xb8;
	[tilespmem:$0x12380] =	vst v63  }
0x11f: {  	s12 =	simm.s32 $0xB980  }
0x120: {  	[hbm4b:s17+s3] =	stream.indirect_vreg.scatter [tilespmem:s12], [sflag:$0x5], $0x80, v16, vm1, $0xb8;
	[tilespmem:$0x12380] =	vst v63  }
0x121: {  	s24 =	simm.s32 $0xC180  }
0x122: {  	[hbm4b:s18+s3] =	stream.indirect_vreg.scatter [tilespmem:s24], [sflag:$0x5], $0x80, v16, vm1, $0xb8;
	[tilespmem:$0x12380] =	vst v63  }
0x123: {  	s26 =	simm.s32 $0xC980;
	v15 =	vperm.xlane v15, v14  }
0x124: {  	[hbm4b:s19+s3] =	stream.indirect_vreg.scatter [tilespmem:s26], [sflag:$0x5], $0x80, v16, vm1, $0xb8;
	[tilespmem:$0x12380] =	vst v63  }
0x125: {  	s9 =	simm.s32 $0xD180;
	v15 =	vadd.s32 v13, v15  }
0x126: {  	[hbm4b:s20+s3] =	stream.indirect_vreg.scatter [tilespmem:s9], [sflag:$0x5], $0x80, v16, vm1, $0xb8;
	[tilespmem:$0x12380] =	vst v63  }
0x127: {  	s13 =	simm.s32 $0xD980  }
0x128: {  	[hbm4b:s6+s3] =	stream.indirect_vreg.scatter [tilespmem:s13], [sflag:$0x5], $0x80, v16, vm1, $0xb8;
	[tilespmem:$0x12380] =	vst v63  }
0x129: {  	s21 =	simm.s32 $0xE180  }
0x12a: {  	[hbm4b:s7+s3] =	stream.indirect_vreg.scatter [tilespmem:s21], [sflag:$0x5], $0x80, v15, vm1, $0xb8;
	[tilespmem:$0x12380] =	vst v63  }
0x12b: {  	s22 =	simm.s32 $0xE980  }
0x12c: {  	[hbm4b:s15+s3] =	stream.indirect_vreg.scatter [tilespmem:s22], [sflag:$0x5], $0x80, v15, vm1, $0xb8;
	[tilespmem:$0x12380] =	vst v63  }
0x12d: {  	s5 =	simm.s32 $0xF180  }
0x12e: {  	[hbm4b:s16+s3] =	stream.indirect_vreg.scatter [tilespmem:s5], [sflag:$0x5], $0x80, v15, vm1, $0xb8;
	[tilespmem:$0x12380] =	vst v63  }
0x12f: {  	s10 =	simm.s32 $0xF980  }
0x130: {  	v63 =	vshll.u32 v62, $0x4;
	[hbm4b:s17+s3] =	stream.indirect_vreg.scatter [tilespmem:s10], [sflag:$0x5], $0x80, v15, vm1, $0xb8;
	[tilespmem:$0x12380] =	vst v63  }
0x131: {  	s14 =	simm.s32 $0x10180;
	v17 =	vand.u32 $0x7, v62;
	v16 =	vand.u32 $0xFFFFFF80, v63  }
0x132: {  	v16 =	vor.u32 v17, v16;
	[hbm4b:s18+s3] =	stream.indirect_vreg.scatter [tilespmem:s14], [sflag:$0x5], $0x80, v15, vm1, $0xb8;
	[tilespmem:$0x12380] =	vst v63  }
0x133: {  	s28 =	simm.s32 $0x10980;
	v17 =	vperm.xlane v16, v12  }
0x134: {  	[hbm4b:s19+s3] =	stream.indirect_vreg.scatter [tilespmem:s28], [sflag:$0x5], $0x80, v15, vm1, $0xb8;
	[tilespmem:$0x12380] =	vst v63  }
0x135: {  	v17 =	vadd.s32 v13, v17  }
0x136: {  	[hbm4b:s20+s3] =	stream.indirect_vreg.scatter [tilespmem:s11], [sflag:$0x5], $0x80, v15, vm1, $0xb8;
	[tilespmem:$0x12380] =	vst v63  }
0x137: {  	s29 =	simm.s32 $0x11980  }
0x138: {  	[hbm4b:s6+s3] =	stream.indirect_vreg.scatter [tilespmem:s29], [sflag:$0x5], $0x80, v15, vm1, $0xb8;
	[tilespmem:$0x12380] =	vst v63  }
0x139: {  	_ = 	snop  }
0x13a: {  	[hbm4b:s7+s3] =	stream.indirect_vreg.scatter [tilespmem:s0], [sflag:$0x5], $0x80, v17, vm1, $0xb8;
	[tilespmem:$0x12380] =	vst v63  }
0x13b: {  	_ = 	snop  }
0x13c: {  	[hbm4b:s15+s3] =	stream.indirect_vreg.scatter [tilespmem:s1], [sflag:$0x5], $0x80, v17, vm1, $0xb8;
	[tilespmem:$0x12380] =	vst v63  }
0x13d: {  	_ = 	snop  }
0x13e: {  	[hbm4b:s16+s3] =	stream.indirect_vreg.scatter [tilespmem:s2], [sflag:$0x5], $0x80, v17, vm1, $0xb8;
	[tilespmem:$0x12380] =	vst v63  }
0x13f: {  	_ = 	snop  }
0x140: {  	[hbm4b:s17+s3] =	stream.indirect_vreg.scatter [tilespmem:s12], [sflag:$0x5], $0x80, v17, vm1, $0xb8;
	[tilespmem:$0x12380] =	vst v63  }
0x141: {  	_ = 	snop  }
0x142: {  	[hbm4b:s18+s3] =	stream.indirect_vreg.scatter [tilespmem:s24], [sflag:$0x5], $0x80, v17, vm1, $0xb8;
	[tilespmem:$0x12380] =	vst v63  }
0x143: {  	v15 =	vperm.xlane v16, v14  }
0x144: {  	[hbm4b:s19+s3] =	stream.indirect_vreg.scatter [tilespmem:s26], [sflag:$0x5], $0x80, v17, vm1, $0xb8;
	[tilespmem:$0x12380] =	vst v63  }
0x145: {  	v15 =	vadd.s32 v13, v15  }
0x146: {  	[hbm4b:s20+s3] =	stream.indirect_vreg.scatter [tilespmem:s9], [sflag:$0x5], $0x80, v17, vm1, $0xb8;
	[tilespmem:$0x12380] =	vst v63  }
0x147: {  	_ = 	snop  }
0x148: {  	[hbm4b:s6+s3] =	stream.indirect_vreg.scatter [tilespmem:s13], [sflag:$0x5], $0x80, v17, vm1, $0xb8;
	[tilespmem:$0x12380] =	vst v63  }
0x149: {  	_ = 	snop  }
0x14a: {  	[hbm4b:s7+s3] =	stream.indirect_vreg.scatter [tilespmem:s21], [sflag:$0x5], $0x80, v15, vm1, $0xb8;
	[tilespmem:$0x12380] =	vst v63  }
0x14b: {  	_ = 	snop  }
0x14c: {  	[hbm4b:s15+s3] =	stream.indirect_vreg.scatter [tilespmem:s22], [sflag:$0x5], $0x80, v15, vm1, $0xb8;
	[tilespmem:$0x12380] =	vst v63  }
0x14d: {  	_ = 	snop  }
0x14e: {  	[hbm4b:s16+s3] =	stream.indirect_vreg.scatter [tilespmem:s5], [sflag:$0x5], $0x80, v15, vm1, $0xb8;
	[tilespmem:$0x12380] =	vst v63  }
0x14f: {  	_ = 	snop  }
0x150: {  	[hbm4b:s17+s3] =	stream.indirect_vreg.scatter [tilespmem:s10], [sflag:$0x5], $0x80, v15, vm1, $0xb8;
	[tilespmem:$0x12380] =	vst v63  }
0x151: {  	_ = 	snop  }
0x152: {  	[hbm4b:s18+s3] =	stream.indirect_vreg.scatter [tilespmem:s14], [sflag:$0x5], $0x80, v15, vm1, $0xb8;
	[tilespmem:$0x12380] =	vst v63  }
0x153: {  	_ = 	snop  }
0x154: {  	[hbm4b:s19+s3] =	stream.indirect_vreg.scatter [tilespmem:s28], [sflag:$0x5], $0x80, v15, vm1, $0xb8;
	[tilespmem:$0x12380] =	vst v63  }
0x155: {  	_ = 	snop  }
0x156: {  	[hbm4b:s20+s3] =	stream.indirect_vreg.scatter [tilespmem:s11], [sflag:$0x5], $0x80, v15, vm1, $0xb8;
	[tilespmem:$0x12380] =	vst v63  }
0x157: {  	_ = 	snop  }
0x158: {  	[hbm4b:s6+s3] =	stream.indirect_vreg.scatter [tilespmem:s29], [sflag:$0x5], $0x80, v15, vm1, $0xb8;
	[tilespmem:$0x12380] =	vst v63  }
0x159: {  	_ =	swait.ge [sflag:s8], $0x8000  }
0x15a: {  	[sflag:s8] =	ssyncset.done $0x0  }
0x15b: {  	[sflag:s8] =	ssyncadd.s32 $0xFFFF8000  }
0x15c: {  	_ =	swait.ge [sflag:s8], $0x8000  }
0x15d: {  	[sflag:s8] =	ssyncset.done $0x0  }
0x15e: {  	[sflag:s8] =	ssyncadd.s32 $0xFFFF8000  }
0x15f: {  	_ =	swait.ge [sflag:s4], $0x8000  }
0x160: {  	[sflag:s4] =	ssyncset.done $0x0  }
0x161: {  	[sflag:s4] =	ssyncadd.s32 $0xFFFF8000  }
0x162: {  	_ =	swait.ge [sflag:s4], $0x8000  }
0x163: {  	s28 =	rddreg [dreg:$0x19]  }
0x164: {  	s29 =	rddreg [dreg:$0x10];
	s9 =	sadd.s32 $0x1, s28  }
0x165: {  	p2 =	sne.s32 s9, s29  }
.Ltmp1:
0x166: {  	_ = 	snop;
	(pc) =	sbr.rel @!p2 .LBB2_10-.Ltmp1, $3  }
0x167: {  	_ =	sdelay $0x1  }
0x168: {  	[sflag:s4] =	ssyncset.done $0x0  }
0x169: {  	[sflag:s4] =	ssyncadd.s32 $0xFFFF8000  }
.LBB2_1:
.Ltmp2:
0x16a: {  	(pc) =	sbr.rel @p0 .LBB2_9-.Ltmp2, $3  }
0x16b: {  	_ =	sdelay $0x1  }
0x16c: {  	s0 =	simm.s32 $0x2180;
	s1 =	rddreg [dreg:$0x8]  }
0x16d: {  	[tilespmem:s0], [sflag:$0x2] =	stream.linear.gather [hbm4b:s1+s3], $0x8000, $0x38;
	[tilespmem:$0x12380] =	vst v63  }
0x16e: {  	s1 =	simm.s32 $0x0;
	s2 =	rddreg [dreg:$0x1]  }
0x16f: {  	s10 =	simm.s32 $0x80;
	s11 =	simm.s32 $0x400;
	s28 =	simm.s32 $0x1  }
0x170: {  	[tilespmem:s1], [sflag:$0x1] =	stream.strided.gather [hbm4b:s2+s10], $0x800, s11, s10, $0x38;
	[tilespmem:$0x12380] =	vst v63  }
0x171: {  	_ =	swait.ge [sflag:s28], $0x800  }
0x172: {  	[sflag:s28] =	ssyncset.done $0x0  }
0x173: {  	s12 =	simm.s32 $0x800;
	s29 =	rddreg [dreg:$0x9];
	[sflag:s28] =	ssyncadd.s32 $0xFFFFF800  }
0x174: {  	[tilespmem:s12], [sflag:$0x1] =	stream.strided.gather [hbm4b:s29+s10], $0x800, s11, s10, $0x38;
	[tilespmem:$0x12380] =	vst v63  }
0x175: {  	_ =	swait.ge [sflag:s28], $0x800  }
0x176: {  	[sflag:s28] =	ssyncset.done $0x0  }
0x177: {  	[sflag:s28] =	ssyncadd.s32 $0xFFFFF800  }
0x178: {  	s0 =	smov.u32 s9;
	s2 =	simm.s32 $0x0;
	s1 =	simm.s32 $0x40;
	[tilespmem:$0x2080] =	vst v0  }
.LBB2_3:
0x179: {  	p2 =	sne.s32 s1, $0x1FC0;
	v15 =	vld [tilespmem:s2+$0x0];
	_ =	sdelay $0x7  }
0x17a: {  	[tilespmem:v15+s30+$0x0] =	vst.idx.add.s32.msk $0xffff, v1  }
0x17b: {  	v15 =	vld [tilespmem:s2+$0x800];
	_ =	sdelay $0x3  }
.Ltmp3:
0x17c: {  	(pc) =	sbr.rel @p2 .LBB2_3-.Ltmp3, $2  }
0x17d: {  	_ =	sdelay $0x2  }
0x17e: {  	s2 =	sshra.s32 s1, $0x2;
	s1 =	sadd.s32 $0x40, s1;
	[tilespmem:v15+s30+$0x0] =	vst.idx.add.s32.msk $0xffff, v1  }
0x17f: {  	v15 =	vld [tilespmem:s2+$0x0];
	_ =	sdelay $0x7  }
0x180: {  	[tilespmem:v15+s30+$0x0] =	vst.idx.add.s32.msk $0xffff, v1  }
0x181: {  	v15 =	vld [tilespmem:s2+$0x800];
	_ =	sdelay $0x7  }
0x182: {  	[tilespmem:v15+s30+$0x0] =	vst.idx.add.s32.msk $0xffff, v1  }
0x183: {  	v15 =	vld [tilespmem:$0x2080];
	_ =	sdelay $0x4  }
0x184: {  	v15 =	vadd.s32 $0xFF, v15  }
0x185: {  	v16 =	vshra.s32 v15, $0x1F;
	v17 =	vand.u32 $0xFF, v15  }
0x186: {  	vm2 =	vlt.s32 v15, $0x1;
	v16 =	vshrl.u32 v16, $0x18;
	vm3 =	vne.s32 v17, $0x0  }
0x187: {  	v15 =	vadd.s32 v16, v15;
	vm2 =	vmand vm2, vm3  }
0x188: {  	v15 =	vshra.s32 v15, $0x8;
	v16 =	vsel vm2, $0xFFFFFFFF, v0  }
0x189: {  	v15 =	vadd.s32 v16, v15  }
0x18a: {  	v15 =	vnsel vm0, $0x0, v15  }
0x18b: {  	(xrf0) =	vadd.scan.msk.s32 $0xffff, v15;
	_ =	sdelay $0x5  }
0x18c: {  	v16, _, _ =	vpop (xrf0)  }
0x18d: {  	v15 =	vsub.s32 v16, v15  }
0x18e: {  	v16 =	vperm.xlane v15, v0;
	v17 =	vperm.xlane v15, v1  }
0x18f: {  	v18 =	vperm.xlane v15, v4;
	v21 =	vperm.xlane v15, v5  }
0x190: {  	v22 =	vperm.xlane v15, v6;
	v53 =	vperm.xlane v15, v7  }
0x191: {  	v24 =	vperm.xlane v15, v8;
	vm2 =	vgt.s32 v16, v2;
	vm3 =	vlt.s32 v17, v11  }
0x192: {  	v19 =	vsel vm2, $0xFFFFFFFF, v0;
	vm2 =	vlt.s32 v17, v3;
	v58 =	vsel vm3, $0x1, v0  }
0x193: {  	vm3 =	vlt.s32 v18, v11;
	v20 =	vsel vm2, $0x1, v0;
	vm2 =	vlt.s32 v18, v3  }
0x194: {  	v19 =	vadd.s32 v19, v20;
	v52 =	vsel vm2, $0x1, v0;
	vm2 =	vlt.s32 v21, v3  }
0x195: {  	v19 =	vadd.s32 v52, v19;
	v23 =	vsel vm2, $0x1, v0;
	vm2 =	vlt.s32 v22, v3  }
0x196: {  	v19 =	vadd.s32 v23, v19;
	v54 =	vsel vm2, $0x1, v0;
	vm2 =	vlt.s32 v53, v3  }
0x197: {  	v19 =	vadd.s32 v54, v19;
	v55 =	vsel vm2, $0x1, v0;
	vm2 =	vlt.s32 v24, v3  }
0x198: {  	v56 =	vsel vm2, $0x1, v0;
	vm2 =	vgt.s32 v16, v10;
	v16 =	vperm.xlane v15, v9  }
0x199: {  	v60 =	vsel vm3, $0x1, v0;
	v19 =	vadd.s32 v55, v19  }
0x19a: {  	v17 =	vadd.s32 v56, v19;
	v57 =	vsel vm2, $0xFFFFFFFF, v0;
	vm2 =	vlt.s32 v16, v3  }
0x19b: {  	v19 =	vadd.s32 v57, v58;
	v59 =	vsel vm2, $0x1, v0;
	vm2 =	vlt.s32 v21, v11  }
0x19c: {  	v19 =	vadd.s32 v60, v19;
	v21 =	vsel vm2, $0x1, v0;
	vm2 =	vlt.s32 v22, v11  }
0x19d: {  	v19 =	vadd.s32 v21, v19;
	v61 =	vsel vm2, $0x1, v0;
	vm2 =	vlt.s32 v53, v11  }
0x19e: {  	v19 =	vadd.s32 v61, v19;
	v20 =	vsel vm2, $0x1, v0;
	vm2 =	vlt.s32 v24, v11  }
0x19f: {  	v19 =	vadd.s32 v20, v19;
	v62 =	vsel vm2, $0x1, v0;
	vm2 =	vlt.s32 v16, v11  }
0x1a0: {  	v16 =	vadd.s32 v59, v17;
	v17 =	vadd.s32 v62, v19;
	v63 =	vsel vm2, $0x1, v0  }
0x1a1: {  	v15 =	vshll.u32 v15, $0x8;
	vm2 =	vgt.s32 v16, $0x0;
	v17 =	vadd.s32 v63, v17  }
0x1a2: {  	[tilespmem:$0x2100] =	vst v15;
	v15 =	vnsel vm2, $0x0, v16;
	vm2 =	vgt.s32 v17, $0x0  }
0x1a3: {  	[tilespmem:$0x2000] =	vst v15;
	v15 =	vnsel vm2, $0x0, v17  }
0x1a4: {  	s1 =	simm.s32 $0x0;
	[tilespmem:$0x2010] =	vst v15  }
0x1a5: {  	v15 =	vld [tilespmem:s1+$0x0];
	_ =	sdelay $0x4  }
0x1a6: {  	(xrf1) =	vunique.msk.u32 $0xffff, v15;
	_ =	sdelay $0x9  }
0x1a7: {  	v16 =	vld.idx.msk [tilespmem:v15+s31+$0x0], $0xffff;
	_ =	sdelay $0x3  }
0x1a8: {  	_, v17, _ =	vpop (xrf1)  }
0x1a9: {  	v16 =	vadd.s32 v17, v16  }
0x1aa: {  	v16 =	vadd.s32 $0xFFFFFFFF, v16  }
0x1ab: {  	s10 =	simm.s32 $0x40;
	s25 =	simm.s32 $0x40;
	s2 =	simm.s32 $0x80;
	[tilespmem:s1+$0x1000] =	vst v16  }
.LBB2_5:
0x1ac: {  	p2 =	sne.s32 s2, $0x1FC0  }
0x1ad: {  	s11 =	sshra.s32 s25, $0x2;
	[tilespmem:v15+s31+$0x0] =	vst.idx.add.s32.msk $0xffff, v1;
	s25 =	smov.u32 s2;
	s2 =	sadd.s32 $0x40, s2  }
0x1ae: {  	v15 =	vld [tilespmem:s11+$0x0];
	_ =	sdelay $0x4  }
0x1af: {  	(xrf1) =	vunique.msk.u32 $0xffff, v15;
	_ =	sdelay $0x8  }
0x1b0: {  	v16 =	vld.idx.msk [tilespmem:v15+s31+$0x0], $0xffff;
	_ =	sdelay $0x3  }
.Ltmp4:
0x1b1: {  	(pc) =	sbr.rel @p2 .LBB2_5-.Ltmp4, $4  }
0x1b2: {  	_, v17, _ =	vpop (xrf1)  }
0x1b3: {  	v16 =	vadd.s32 v17, v16  }
0x1b4: {  	v16 =	vadd.s32 $0xFFFFFFFF, v16  }
0x1b5: {  	[tilespmem:s11+$0x1000] =	vst v16  }
0x1b6: {  	_ =	sdelay $0x3  }
0x1b7: {  	s2 =	sshra.s32 s25, $0x2;
	[tilespmem:v15+s31+$0x0] =	vst.idx.add.s32.msk $0xffff, v1  }
0x1b8: {  	v15 =	vld [tilespmem:s2+$0x0];
	_ =	sdelay $0x4  }
0x1b9: {  	(xrf1) =	vunique.msk.u32 $0xffff, v15;
	_ =	sdelay $0x9  }
0x1ba: {  	v16 =	vld.idx.msk [tilespmem:v15+s31+$0x0], $0xffff;
	_ =	sdelay $0x3  }
0x1bb: {  	_, v17, _ =	vpop (xrf1)  }
0x1bc: {  	v16 =	vadd.s32 v17, v16  }
0x1bd: {  	v16 =	vadd.s32 $0xFFFFFFFF, v16  }
0x1be: {  	[tilespmem:s2+$0x1000] =	vst v16  }
0x1bf: {  	[tilespmem:v15+s31+$0x0] =	vst.idx.add.s32.msk $0xffff, v1  }
0x1c0: {  	v15 =	vld [tilespmem:s1+$0x800];
	_ =	sdelay $0x4  }
0x1c1: {  	(xrf1) =	vunique.msk.u32 $0xffff, v15;
	_ =	sdelay $0x9  }
0x1c2: {  	v16 =	vld.idx.msk [tilespmem:v15+s31+$0x0], $0xffff;
	_ =	sdelay $0x3  }
0x1c3: {  	_, v17, _ =	vpop (xrf1)  }
0x1c4: {  	v16 =	vadd.s32 v17, v16  }
0x1c5: {  	v16 =	vadd.s32 $0xFFFFFFFF, v16  }
0x1c6: {  	s2 =	simm.s32 $0x80;
	[tilespmem:s1+$0x1800] =	vst v16  }
.LBB2_7:
0x1c7: {  	p2 =	sne.s32 s2, $0x1FC0  }
0x1c8: {  	s1 =	sshra.s32 s10, $0x2;
	[tilespmem:v15+s31+$0x0] =	vst.idx.add.s32.msk $0xffff, v1;
	s10 =	smov.u32 s2;
	s2 =	sadd.s32 $0x40, s2  }
0x1c9: {  	v15 =	vld [tilespmem:s1+$0x800];
	_ =	sdelay $0x4  }
0x1ca: {  	(xrf1) =	vunique.msk.u32 $0xffff, v15;
	_ =	sdelay $0x8  }
0x1cb: {  	v16 =	vld.idx.msk [tilespmem:v15+s31+$0x0], $0xffff;
	_ =	sdelay $0x3  }
.Ltmp5:
0x1cc: {  	(pc) =	sbr.rel @p2 .LBB2_7-.Ltmp5, $4  }
0x1cd: {  	_, v17, _ =	vpop (xrf1)  }
0x1ce: {  	v16 =	vadd.s32 v17, v16  }
0x1cf: {  	v16 =	vadd.s32 $0xFFFFFFFF, v16  }
0x1d0: {  	[tilespmem:s1+$0x1800] =	vst v16  }
0x1d1: {  	_ =	sdelay $0x3  }
0x1d2: {  	s1 =	sshra.s32 s10, $0x2;
	[tilespmem:v15+s31+$0x0] =	vst.idx.add.s32.msk $0xffff, v1  }
0x1d3: {  	v15 =	vld [tilespmem:s1+$0x800];
	_ =	sdelay $0x4  }
0x1d4: {  	(xrf1) =	vunique.msk.u32 $0xffff, v15;
	_ =	sdelay $0x9  }
0x1d5: {  	v16 =	vld.idx.msk [tilespmem:v15+s31+$0x0], $0xffff;
	_ =	sdelay $0x3  }
0x1d6: {  	_, v17, _ =	vpop (xrf1)  }
0x1d7: {  	v16 =	vadd.s32 v17, v16  }
0x1d8: {  	v16 =	vadd.s32 $0xFFFFFFFF, v16  }
0x1d9: {  	s25 =	rddreg [dreg:$0x3];
	s2 =	simm.s32 $0x80;
	[tilespmem:s1+$0x1800] =	vst v16  }
0x1da: {  	s26 =	simm.s32 $0x100;
	s11 =	simm.s32 $0x1000;
	s5 =	simm.s32 $0x6;
	[tilespmem:v15+s31+$0x0] =	vst.idx.add.s32.msk $0xffff, v1  }
0x1db: {  	[spmem:s25] =	stream.strided.scatter [tilespmem:s11], [sflag:$0x6], $0x800, s26, s2, $0x38;
	[tilespmem:$0x12380] =	vst v63  }
0x1dc: {  	_ =	swait.ge [sflag:s5], $0x800  }
0x1dd: {  	[sflag:s5] =	ssyncset.done $0x0  }
0x1de: {  	s29 =	simm.s32 $0x1800;
	s28 =	rddreg [dreg:$0xa];
	[sflag:s5] =	ssyncadd.s32 $0xFFFFF800  }
0x1df: {  	[spmem:s28] =	stream.strided.scatter [tilespmem:s29], [sflag:$0x6], $0x800, s26, s2, $0x38;
	[tilespmem:$0x12380] =	vst v63  }
0x1e0: {  	_ =	swait.ge [sflag:s5], $0x800  }
0x1e1: {  	s1 =	simm.s32 @!p1 $0x0;
	[sflag:s5] =	ssyncset.done $0x0  }
0x1e2: {  	s2 =	simm.s32 @!p1 $0x1000;
	s10 =	rddreg [dreg:$0x5];
	[sflag:s5] =	ssyncadd.s32 $0xFFFFF800  }
0x1e3: {  	[hbm4b:s10+s1] =	stream.linear.scatter @!p1 [tilespmem:s2], [sflag:$0x1], $0x800, $0x38;
	[tilespmem:$0x12380] =	vst v63  }
0x1e4: {  	s2 =	simm.s32 @!p1 $0x1  }
0x1e5: {  	_ =	swait.ge @!p1 [sflag:s2], $0x800  }
0x1e6: {  	[sflag:s2] =	ssyncset.done @!p1 $0x0  }
0x1e7: {  	s10 =	simm.s32 @!p1 $0x1800;
	s11 =	rddreg [dreg:$0x6];
	[sflag:s2] =	ssyncadd.s32 @!p1 $0xFFFFF800  }
0x1e8: {  	[hbm4b:s11+s1] =	stream.linear.scatter @!p1 [tilespmem:s10], [sflag:$0x1], $0x800, $0x38;
	[tilespmem:$0x12380] =	vst v63  }
0x1e9: {  	_ =	swait.ge @!p1 [sflag:s2], $0x800  }
0x1ea: {  	s10 =	simm.s32 @!p1 $0x2000;
	[sflag:s2] =	ssyncset.done @!p1 $0x0  }
.Ltmp6:
0x1eb: {  	s11 =	rddreg [dreg:$0x7];
	[sflag:s2] =	ssyncadd.s32 @!p1 $0xFFFFF800;
	(pc) =	sbr.rel .LBB2_9-.Ltmp6, $4  }
0x1ec: {  	[hbm4b:s11+s1] =	stream.linear.scatter @!p1 [tilespmem:s10], [sflag:$0x1], $0x80, $0x38;
	[tilespmem:$0x12380] =	vst v63  }
0x1ed: {  	_ =	swait.ge @!p1 [sflag:s2], $0x80  }
0x1ee: {  	[sflag:s2] =	ssyncset.done @!p1 $0x0  }
0x1ef: {  	s9 =	smov.u32 s0;
	[sflag:s2] =	ssyncadd.s32 @!p1 $0xFFFFFF80  }
.LBB2_10:
0x1f0: {  	_ =	sfence.sel $0x180000  }
0x1f1: {  	[bflag:$0x0] =	sbarrier.arrive $0xFFFF  }
0x1f2: {  	_ =	strace $0x90000047  }
0x1f3: {  	[bflag:$0x2] =	sbarrier.arrive $0xFFFF  }
0x1f4: {  	s0 =	rddreg [dreg:$0x4]  }
0x1f5: {  	s0 =	sadd.s32 @!p0 $0x100000, s0  }
0x1f6: {  	[sflag:s0] =	ssyncadd.tile.s32 @!p0 $0x1;
	_ =	shalt  }
.Lfunc_end2:
_tile_overlayer_lowered:
.L_overlay_start_2:
0x1f7: {  	(tag) =	ssettag $0x2  }
0x1f8: {  	s0 =	rddreg [dreg:$0x0];
	s2 =	stileid.u32  }
0x1f9: {  	s1 =	rddreg [dreg:$0x1];
	p0 =	sne.s32 s2, $0x0  }
0x1fa: {  	s3 =	rddreg [dreg:$0x2];
	[bflag:$0x3] =	sbarrier.arrive $0xFFFF;
	s2 =	simm.s32 @!p0 $0x1C06  }
0x1fb: {  	[timem:s3], [sflag:s2] =	dma.local @!p0 [hbm:s0], s1  }
0x1fc: {  	s0 =	simm.s32 @!p0 $0x6  }
0x1fd: {  	_ =	swait.ge @!p0 [sflag:s0], s1  }
0x1fe: {  	s1 =	ssub.s32 @!p0 $0x0, s1;
	[sflag:s0] =	ssyncset.done @!p0 $0x0  }
0x1ff: {  	[sflag:s0] =	ssyncadd.s32 @!p0 s1  }
0x200: {  	[bflag:$0x3] =	sbarrier.arrive $0xFFFF  }
0x201: {  	_ =	shalt  }

// kernel: kernel.9.cloned.1.call-start
scs
__scs_entry_jumppad:
0x0: {  	(pc) =	sbr.rel $0x88, $3  }
0x1: {  	(tag) =	ssettag $0x0;
	lr =	simm.s32 $0x1  }
0x2: {  	[smem:$0x3F9C] =	sst lr;
	_ =	strace $0xD0000000  }
0x3: {  	_ = 	snop  }
0x4: {  	_ = 	snop  }
0x5: {  	_ = 	snop  }
0x6: {  	_ = 	snop  }
0x7: {  	_ = 	snop  }
__scs_overlays_trampoline_lowered:
0x8: {  	[smem:$0x3FAB] =	sst s0  }
0x9: {  	[smem:$0x3FAC] =	sst s1  }
0xa: {  	[smem:$0x3FAD] =	sst s2  }
0xb: {  	[smem:$0x3FAE] =	sst s3  }
0xc: {  	[smem:$0x3FAF] =	sst s4  }
0xd: {  	[smem:$0x3FB0] =	sst s5  }
0xe: {  	[smem:$0x3FB1] =	sst s6  }
0xf: {  	[smem:$0x3FB2] =	sst s7  }
0x10: {  	[smem:$0x3FB3] =	sst s8  }
0x11: {  	[smem:$0x3FB4] =	sst s9;
	s0 =	simm.s32 @!p0 $0x0  }
0x12: {  	s1 =	sld [smem:$0x3F9A];
	s0 =	simm.s32 @p0 $0x1  }
0x13: {  	[smem:$0x3FB5] =	sst s0;
	s0 =	simm.s32 @!p1 $0x0  }
0x14: {  	s2 =	sld [smem:$0x3F99];
	s0 =	simm.s32 @p1 $0x1  }
0x15: {  	[smem:$0x3FB6] =	sst s0;
	s0 =	simm.s32 @!p2 $0x0  }
0x16: {  	s3 =	sld [smem:$0x3FDB];
	s0 =	simm.s32 @p2 $0x1  }
0x17: {  	s4 =	simm.s32 $0x1BF5;
	[smem:$0x3FB8] =	sst s0  }
0x18: {  	s0 =	sld [smem:$0x3F9B];
	_ =	swait.ge [sflag:s4], $0x0  }
0x19: {  	s7 =	sld [smem:$0x3F9C]  }
0x1a: {  	s8 =	sadd.s32 $0xFFFFE003, lr  }
0x1b: {  	s9 =	sadd.s32 $0xFFFFFEF7, lr;
	s5 =	simm.s32 $0xFFFFFFFF;
	p2 =	slt.u32 s8, $0xFFFFF086  }
0x1c: {  	p1 =	slt.u32 s9, $0xF7A;
	s5 =	simm.s32 @!p2 $0x0  }
0x1d: {  	s5 =	simm.s32 @p1 $0x1;
	p0 =	seq.s32 s7, s2  }
0x1e: {  	s7 =	smul.u32 @!p0 $0xF7A, s2;
	p2 =	seq.s32 @!p0 s5, $0x0  }
0x1f: {  	s9 =	smul.u32 $0xF7A, s1;
	s8 =	simm.s32 @!p0 $0x1BF5;
	p2 =	por !p2, p0  }
0x20: {  	[sflag:s8] =	ssyncset.s32 @!p0 $0xFFFFF086;
	s6 =	sadd.s32 @!p0 s3, s7;
	s7 =	simm.s32 @!p0 $0x108  }
0x21: {  	s3 =	sadd.s32 s3, s9;
	s6 =	sadd.s32 @!p0 $0x88, s6;
	s7 =	simm.s32 @p2 $0x1082  }
0x22: {  	[simem:s7], [sflag:s8] =	dma.local @!p0 [hbm:s6], $0xF7A  }
0x23: {  	s9 =	sor.u32 $0xD0000000, s2;
	s6 =	simm.s32 $0x108;
	_ =	swait.ge @!p0 [sflag:s8], $0x0  }
0x24: {  	s3 =	sadd.s32 $0x88, s3;
	s6 =	simm.s32 @!p1 $0x1082;
	[sflag:s4] =	ssyncset.s32 $0xFFFFF086  }
0x25: {  	[simem:s6], [sflag:s4] =	dma.local [hbm:s3], $0xF7A  }
0x26: {  	[smem:$0x3F9C] =	sst s1;
	(tag) =	ssettag s2;
	_ =	strace s9  }
0x27: {  	s1 =	sld [smem:$0x3FAC]  }
0x28: {  	s2 =	sld [smem:$0x3FAD]  }
0x29: {  	s4 =	sld [smem:$0x3FAF]  }
0x2a: {  	p0 =	seq.s32 s5, $0x0;
	s5 =	sld [smem:$0x3FB0]  }
0x2b: {  	s6 =	sld [smem:$0x3FB1]  }
0x2c: {  	s7 =	sld [smem:$0x3FB2]  }
0x2d: {  	s3 =	simm.s32 $0x108;
	s8 =	sld [smem:$0x3FB3]  }
0x2e: {  	s3 =	simm.s32 @!p0 $0x1082;
	s9 =	sld [smem:$0x3FB4]  }
0x2f: {  	lr =	sadd.s32 s0, s3;
	s0 =	sld [smem:$0x3FAB]  }
0x30: {  	s3 =	sld [smem:$0x3FAE]  }
0x31: {  	[smem:$0x3FB7] =	sst s10  }
0x32: {  	s10 =	sld [smem:$0x3FB5];
	_ =	sdelay $0x3  }
0x33: {  	p0 =	seq.s32 s10, $0x1;
	s10 =	sld [smem:$0x3FB7];
	_ =	sdelay $0x3  }
0x34: {  	[smem:$0x3FB7] =	sst s10  }
0x35: {  	s10 =	sld [smem:$0x3FB6];
	_ =	sdelay $0x3  }
0x36: {  	p1 =	seq.s32 s10, $0x1;
	s10 =	sld [smem:$0x3FB7];
	_ =	sdelay $0x3  }
0x37: {  	[smem:$0x3FB7] =	sst s10  }
0x38: {  	s10 =	sld [smem:$0x3FB8]  }
0x39: {  	_ = 	snop;
	(pc) =	sbr.ind lr, $3  }
0x3a: {  	_ = 	snop  }
0x3b: {  	_ = 	snop  }
0x3c: {  	p2 =	seq.s32 s10, $0x1;
	s10 =	sld [smem:$0x3FB7]  }
0x3d: {  	_ =	shalt  }
0x3e: {  	_ =	shalt  }
0x3f: {  	_ =	shalt  }
0x40: {  	_ =	shalt  }
0x41: {  	_ =	shalt  }
0x42: {  	_ =	shalt  }
0x43: {  	_ =	shalt  }
0x44: {  	_ =	shalt  }
0x45: {  	_ =	shalt  }
0x46: {  	_ =	shalt  }
0x47: {  	_ =	shalt  }
0x48: {  	_ =	shalt  }
0x49: {  	_ =	shalt  }
0x4a: {  	_ =	shalt  }
0x4b: {  	_ =	shalt  }
0x4c: {  	_ =	shalt  }
0x4d: {  	_ =	shalt  }
0x4e: {  	_ =	shalt  }
0x4f: {  	_ =	shalt  }
0x50: {  	_ =	shalt  }
0x51: {  	_ =	shalt  }
0x52: {  	_ =	shalt  }
0x53: {  	_ =	shalt  }
0x54: {  	_ =	shalt  }
0x55: {  	_ =	shalt  }
0x56: {  	_ =	shalt  }
0x57: {  	_ =	shalt  }
0x58: {  	_ =	shalt  }
0x59: {  	_ =	shalt  }
0x5a: {  	_ =	shalt  }
0x5b: {  	_ =	shalt  }
0x5c: {  	_ =	shalt  }
0x5d: {  	_ =	shalt  }
0x5e: {  	_ =	shalt  }
0x5f: {  	_ =	shalt  }
0x60: {  	_ =	shalt  }
0x61: {  	_ =	shalt  }
0x62: {  	_ =	shalt  }
0x63: {  	_ =	shalt  }
0x64: {  	_ =	shalt  }
0x65: {  	_ =	shalt  }
0x66: {  	_ =	shalt  }
0x67: {  	_ =	shalt  }
0x68: {  	_ =	shalt  }
0x69: {  	_ =	shalt  }
0x6a: {  	_ =	shalt  }
0x6b: {  	_ =	shalt  }
0x6c: {  	_ =	shalt  }
0x6d: {  	_ =	shalt  }
0x6e: {  	_ =	shalt  }
0x6f: {  	_ =	shalt  }
0x70: {  	_ =	shalt  }
0x71: {  	_ =	shalt  }
0x72: {  	_ =	shalt  }
0x73: {  	_ =	shalt  }
0x74: {  	_ =	shalt  }
0x75: {  	_ =	shalt  }
0x76: {  	_ =	shalt  }
0x77: {  	_ =	shalt  }
0x78: {  	_ =	shalt  }
0x79: {  	_ =	shalt  }
0x7a: {  	_ =	shalt  }
0x7b: {  	_ =	shalt  }
0x7c: {  	_ =	shalt  }
0x7d: {  	_ =	shalt  }
0x7e: {  	_ =	shalt  }
0x7f: {  	_ =	shalt  }
0x80: {  	_ =	shalt  }
0x81: {  	_ =	shalt  }
0x82: {  	_ =	shalt  }
0x83: {  	_ =	shalt  }
0x84: {  	_ =	shalt  }
0x85: {  	_ =	shalt  }
0x86: {  	_ =	shalt  }
0x87: {  	_ =	shalt  }
.Lfunc_end0:
.L_simem_size_0:
called_computation.1_lowered:
.L_overlay_start_0:
0x88: {  	s2 =	sld [smem:$0x3FD9]  }
0x89: {  	s3 =	sld [smem:$0x3FFE];
	_ =	sdelay $0x1  }
0x8a: {  	s1 =	srdreg.scid  }
0x8b: {  	s0 =	sand.u32 $0x1, s1  }
0x8c: {  	s17 =	sshll.u32 s0, $0xA;
	s2 =	sadd.s32 s3, s2  }
0x8d: {  	s2 =	sadd.s32 s2, s17  }
0x8e: {  	[smem:$0x3FC3] =	sst s2  }
0x8f: {  	_ = 	snop  }
0x90: {  	s2 =	sld [smem:$0x3FD0];
	(tm) =	ssettm $0x1  }
0x91: {  	s18 =	sld [smem:$0x3FFB];
	_ =	sdelay $0x3  }
0x92: {  	_ =	strace s18  }
0x93: {  	s3 =	sld [smem:$0x3FFC];
	_ =	sdelay $0x3  }
0x94: {  	_ =	strace s3  }
0x95: {  	s3 =	sld [smem:$0x3FFD];
	_ =	sdelay $0x3  }
0x96: {  	_ =	strace s3  }
0x97: {  	_ =	strace $0x8FFFFFFF  }
0x98: {  	s19 =	sld [smem:$0x3FDB];
	_ =	sdelay $0x1  }
0x99: {  	s4 =	simm.s32 $_scs_section_size  }
0x9a: {  	s5 =	simm.s32 $_size__tile_overlayer_lowered;
	s6 =	simm.s32 $_tile_overlayer_lowered  }
0x9b: {  	s22 =	simm.s32 $0x1BFF;
	s21 =	sshll.u32 s6, $0x1;
	s3 =	sadd.s32 s4, s19  }
0x9c: {  	s7 =	simm.s32 $0x0;
	s20 =	sshll.u32 s5, $0x1;
	s5 =	sadd.s32 s21, s3  }
0x9d: {  	[timem:s7], [sflag:s22] =	dma.local [hbm:s5], s20  }
0x9e: {  	_ =	swait.ge [sflag:s22], s20  }
0x9f: {  	s4 =	ssub.s32 $0x0, s20;
	[sflag:s22] =	ssyncset.done $0x0  }
0xa0: {  	[sflag:s22] =	ssyncadd.s32 s4;
	_ =	sdelay $0x1  }
0xa1: {  	s23 =	simm.s32 $0x1B8B  }
0xa2: {  	_ =	swait.ge [sflag:s23], $0x1  }
0xa3: {  	[sflag:s23] =	ssyncset.done $0x0  }
0xa4: {  	s25 =	simm.s32 $0x1B8E;
	s24 =	sld [smem:$0x3FFE];
	[sflag:s23] =	ssyncadd.s32 $0xFFFFFFFF  }
0xa5: {  	s26 =	simm.s32 $execute0_lowered;
	[smem:$0x3FD2] =	sst s25  }
0xa6: {  	s5 =	sshll.u32 s26, $0x1;
	_ =	strace $0x80000049;
	[dreg:$0x1] =	wrdreg $0xFFFFFFFF  }
0xa7: {  	s28 =	simm.s32 $_size_execute0_lowered;
	s3 =	sadd.s32 s3, s5;
	[dreg:$0x0] =	wrdreg $0x0  }
0xa8: {  	s5 =	sshll.u32 s28, $0x1;
	[dreg:$0x2] =	wrdreg s3  }
0xa9: {  	[dreg:$0x3] =	wrdreg s5  }
0xaa: {  	[dreg:$0x4] =	wrdreg $0xC0  }
0xab: {  	_ =	task [dreg:s7], $0x5FFFF  }
0xac: {  	[dreg:$0x1] =	wrdreg $0xFFFFFFFF  }
0xad: {  	[dreg:$0x0] =	wrdreg $0x60  }
0xae: {  	[dreg:$0x2] =	wrdreg s24  }
0xaf: {  	[dreg:$0x3] =	wrdreg s2  }
0xb0: {  	[dreg:$0x4] =	wrdreg $0x9  }
0xb1: {  	_ =	task.clear_ibuf [dreg:s7], $0x5FFFF;
	_ =	strace $0x90000049  }
0xb2: {  	s29 =	simm.s32 $0x9;
	_ =	strace $0x8000004B  }
0xb3: {  	_ =	swait.ge [sflag:s29], $0x1  }
0xb4: {  	[sflag:s29] =	ssyncadd.s32 $0xFFFFFFFF  }
0xb5: {  	_ =	strace $0x9000004B  }
0xb6: {  	_ =	sfence  }
0xb7: {  	s30 =	sld [smem:$0x0];
	_ =	sdelay $0x2  }
0xb8: {  	s31 =	sshll.u32 s1, $0xD;
	s1 =	sshrl.u32 s1, $0x2  }
0xb9: {  	s3 =	sand.u32 $0x4000, s31;
	s1 =	sadd.s32 s1, s30  }
0xba: {  	s0 =	sor.u32 s3, s0;
	s1 =	sshll.u32 s1, $0x11  }
0xbb: {  	s0 =	sor.u32 s1, s0  }
0xbc: {  	s0 =	sadd.s32 $0x8F2B, s0  }
0xbd: {  	[sflag:s0] =	ssyncadd.remote.s32 $0x1  }
0xbe: {  	_ =	sfence.sel $0xFFFF  }
0xbf: {  	[dreg:$0x0] =	wrdreg $0xFFFFFFFF;
	(pc) =	sbr.abs _section_cstart, $3  }
0xc0: {  	[dreg:$0x1] =	wrdreg $0xFFFFFFFF  }
0xc1: {  	_ =	task.clear_ibuf [dreg:s7], $0x2FFFF;
	_ =	strace $0x9FFFFFFF  }
0xc2: {  	(tm) =	ssettm $0x7FFFFFFF  }
0xc3: {  	_ =	shalt  }
tec
execute0_lowered:
.L_overlay_start_1:
0x0: {  	(tag) =	ssettag $0x1  }
0x1: {  	s0 =	rddreg [dreg:$0x0]  }
0x2: {  	s1 =	rddreg [dreg:$0x1];
	s2 =	simm.s32 $0x0  }
0x3: {  	s3 =	srdreg.scid;
	s7 =	stileid.u32;
	s20 =	simm.s32 $0x5  }
0x4: {  	s28 =	simm.s32 $0xE200;
	s29 =	simm.s32 $0xEA00;
	s14 =	simm.s32 $0xF200  }
0x5: {  	s16 =	simm.s32 $0xFA00;
	s17 =	simm.s32 $0x1;
	s18 =	simm.s32 $0x2  }
0x6: {  	s19 =	simm.s32 $0x10200;
	s13 =	simm.s32 $0x3;
	s30 =	simm.s32 $0x0  }
0x7: {  	[smem:$0x7FF] =	sst s2;
	s4 =	sand.u32 $0x1, s3;
	s6 =	sshll.u32 s7, $0xA  }
0x8: {  	s7 =	sshll.u32 s7, $0x7;
	s3 =	sadd.s32 $0x782400, s0;
	s10 =	sadd.s32 $0x782800, s0  }
0x9: {  	s11 =	sadd.s32 $0x782900, s0;
	s12 =	sadd.s32 $0x782A00, s0;
	s5 =	sshll.u32 s4, $0x6  }
0xa: {  	s4 =	ssub.s32 $0x2, s4;
	s6 =	sor.u32 s5, s6;
	s5 =	sor.u32 s5, s7  }
0xb: {  	s8 =	sshrl.u32 s4, $0x1;
	s7 =	sshrl.u32 s5, $0x3;
	s5 =	sshll.u32 s5, $0x8  }
0xc: {  	_ =	strace $0x8000004A;
	s4 =	ssub.s32 s4, s8;
	s1 =	sadd.s32 s1, s5  }
0xd: {  	s7 =	sadd.s32 s7, s0;
	s31 =	smax.u32 s4, $0x1;
	[dreg:$0x6] =	wrdreg s1  }
0xe: {  	s6 =	sshrl.u32 s6, $0x3;
	s9 =	sadd.s32 $0x182000, s7;
	[dreg:$0xb] =	wrdreg s31  }
0xf: {  	s6 =	sadd.s32 s6, s0;
	s7 =	sadd.s32 $0x182200, s7;
	[dreg:$0x3] =	wrdreg s9  }
0x10: {  	s15 =	sadd.s32 $0x782B00, s0;
	s22 =	sadd.s32 $0x1600, s6;
	[dreg:$0x4] =	wrdreg s7  }
0x11: {  	s8 =	sadd.s32 $0x782600, s0;
	s23 =	sadd.s32 $0x1610, s6;
	[dreg:$0x5] =	wrdreg s22  }
0x12: {  	s24 =	sadd.s32 $0x1000, s1;
	s25 =	sadd.s32 $0x2000, s1;
	[dreg:$0x7] =	wrdreg s23  }
0x13: {  	s26 =	sadd.s32 $0x3000, s1;
	s6 =	simm.s32 $0xC200;
	[dreg:$0x8] =	wrdreg s24  }
0x14: {  	v2 =	vlaneseq.u32;
	s7 =	sadd.s32 $0x782500, s0;
	s9 =	sadd.s32 $0x782700, s0;
	[dreg:$0x9] =	wrdreg s25  }
0x15: {  	vm0 =	vmmov $0xffff;
	v1 =	vshrl.u32 v2, $0x3;
	[dreg:$0xa] =	wrdreg s26;
	s22 =	simm.s32 $0xBA00;
	s23 =	simm.s32 $0xCA00  }
0x16: {  	v0 =	vand.u32 $0x7, v2;
	v2 =	vor.u32 $0x8, v2;
	v1 =	vmul.u32 $0x8, v1;
	s25 =	simm.s32 $0xD200;
	s26 =	simm.s32 $0xDA00;
	s24 =	simm.s32 $0x4  }
.LBB2_1:
0x17: {  	s0 =	rddreg [dreg:$0x3]  }
0x18: {  	[tilespmem:s2], [sflag:$0x5] =	stream.linear.gather [hbm4b:s0+s2], $0x40, $0x38;
	[tilespmem:$0x18200] =	vst v63  }
0x19: {  	_ =	swait.ge [sflag:s20], $0x40  }
0x1a: {  	[sflag:s20] =	ssyncset.done $0x0  }
0x1b: {  	s1 =	simm.s32 $0x80;
	s21 =	rddreg [dreg:$0x4];
	[sflag:s20] =	ssyncadd.s32 $0xFFFFFFC0  }
0x1c: {  	[tilespmem:s1], [sflag:$0x5] =	stream.linear.gather [hbm4b:s21+s2], $0x40, $0x38;
	[tilespmem:$0x18200] =	vst v63  }
0x1d: {  	_ =	swait.ge [sflag:s20], $0x40  }
0x1e: {  	[sflag:s20] =	ssyncset.done $0x0  }
0x1f: {  	s4 =	simm.s32 $0x100;
	s1 =	rddreg [dreg:$0x5];
	[sflag:s20] =	ssyncadd.s32 $0xFFFFFFC0  }
0x20: {  	[tilespmem:s4], [sflag:$0x5] =	stream.linear.gather [hbm4b:s1+s2], $0x40, $0x38;
	[tilespmem:$0x18200] =	vst v63  }
0x21: {  	_ =	swait.ge [sflag:s20], $0x40  }
0x22: {  	[sflag:s20] =	ssyncset.done $0x0  }
0x23: {  	s21 =	simm.s32 $0x180;
	s5 =	rddreg [dreg:$0x7];
	[sflag:s20] =	ssyncadd.s32 $0xFFFFFFC0  }
0x24: {  	[tilespmem:s21], [sflag:$0x5] =	stream.linear.gather [hbm4b:s5+s2], $0x40, $0x38;
	[tilespmem:$0x18200] =	vst v63  }
0x25: {  	_ =	swait.ge [sflag:s20], $0x40  }
0x26: {  	[sflag:s20] =	ssyncset.done $0x0  }
0x27: {  	[sflag:s20] =	ssyncadd.s32 $0xFFFFFFC0  }
0x28: {  	v3 =	vld [tilespmem:$0x0];
	_ =	sdelay $0x4  }
0x29: {  	v4 =	vshll.u32 v3, $0x4  }
0x2a: {  	v3 =	vand.u32 $0x7, v3;
	v4 =	vand.u32 $0xFFFFFF80, v4  }
0x2b: {  	v3 =	vor.u32 v3, v4  }
0x2c: {  	v4 =	vperm.xlane v3, v0;
	_ =	sdelay $0x1  }
0x2d: {  	v4 =	vadd.s32 v1, v4;
	_ =	sdelay $0x3  }
0x2e: {  	s4 =	simm.s32 $0x200  }
0x2f: {  	v5 =	vld [tilespmem:$0x80];
	[tilespmem:s4], [sflag:$0x1] =	stream.indirect_vreg.gather [hbm4b:s3+s2], $0x80, v4, vm0, $0xb8  }
0x30: {  	s5 =	simm.s32 $0xA00  }
0x31: {  	[tilespmem:s5], [sflag:$0x1] =	stream.indirect_vreg.gather [hbm4b:s7+s2], $0x80, v4, vm0, $0xb8;
	[tilespmem:$0x18200] =	vst v63  }
0x32: {  	s21 =	simm.s32 $0x1200  }
0x33: {  	[tilespmem:s21], [sflag:$0x1] =	stream.indirect_vreg.gather [hbm4b:s8+s2], $0x80, v4, vm0, $0xb8;
	[tilespmem:$0x18200] =	vst v63  }
0x34: {  	s1 =	simm.s32 $0x1A00  }
0x35: {  	[tilespmem:s1], [sflag:$0x1] =	stream.indirect_vreg.gather [hbm4b:s9+s2], $0x80, v4, vm0, $0xb8;
	[tilespmem:$0x18200] =	vst v63  }
0x36: {  	s4 =	simm.s32 $0x2200  }
0x37: {  	[tilespmem:s4], [sflag:$0x1] =	stream.indirect_vreg.gather [hbm4b:s10+s2], $0x80, v4, vm0, $0xb8;
	[tilespmem:$0x18200] =	vst v63  }
0x38: {  	v3 =	vperm.xlane v3, v2;
	s5 =	simm.s32 $0x2A00  }
0x39: {  	[tilespmem:s5], [sflag:$0x1] =	stream.indirect_vreg.gather [hbm4b:s11+s2], $0x80, v4, vm0, $0xb8;
	[tilespmem:$0x18200] =	vst v63  }
0x3a: {  	v3 =	vadd.s32 v1, v3;
	s21 =	simm.s32 $0x3200  }
0x3b: {  	[tilespmem:s21], [sflag:$0x1] =	stream.indirect_vreg.gather [hbm4b:s12+s2], $0x80, v4, vm0, $0xb8;
	[tilespmem:$0x18200] =	vst v63  }
0x3c: {  	s1 =	simm.s32 $0x3A00  }
0x3d: {  	[tilespmem:s1], [sflag:$0x1] =	stream.indirect_vreg.gather [hbm4b:s15+s2], $0x80, v4, vm0, $0xb8;
	[tilespmem:$0x18200] =	vst v63  }
0x3e: {  	s4 =	simm.s32 $0x4200  }
0x3f: {  	[tilespmem:s4], [sflag:$0x1] =	stream.indirect_vreg.gather [hbm4b:s3+s2], $0x80, v3, vm0, $0xb8;
	[tilespmem:$0x18200] =	vst v63  }
0x40: {  	s5 =	simm.s32 $0x4A00  }
0x41: {  	[tilespmem:s5], [sflag:$0x1] =	stream.indirect_vreg.gather [hbm4b:s7+s2], $0x80, v3, vm0, $0xb8;
	[tilespmem:$0x18200] =	vst v63  }
0x42: {  	s21 =	simm.s32 $0x5200  }
0x43: {  	[tilespmem:s21], [sflag:$0x1] =	stream.indirect_vreg.gather [hbm4b:s8+s2], $0x80, v3, vm0, $0xb8;
	[tilespmem:$0x18200] =	vst v63  }
0x44: {  	s1 =	simm.s32 $0x5A00  }
0x45: {  	v4 =	vshll.u32 v5, $0x4;
	[tilespmem:s1], [sflag:$0x1] =	stream.indirect_vreg.gather [hbm4b:s9+s2], $0x80, v3, vm0, $0xb8;
	[tilespmem:$0x18200] =	vst v63  }
0x46: {  	v5 =	vand.u32 $0x7, v5;
	v4 =	vand.u32 $0xFFFFFF80, v4;
	s4 =	simm.s32 $0x6200  }
0x47: {  	v4 =	vor.u32 v5, v4;
	[tilespmem:s4], [sflag:$0x1] =	stream.indirect_vreg.gather [hbm4b:s10+s2], $0x80, v3, vm0, $0xb8;
	[tilespmem:$0x18200] =	vst v63  }
0x48: {  	v5 =	vperm.xlane v4, v0;
	s5 =	simm.s32 $0x6A00  }
0x49: {  	[tilespmem:s5], [sflag:$0x1] =	stream.indirect_vreg.gather [hbm4b:s11+s2], $0x80, v3, vm0, $0xb8;
	[tilespmem:$0x18200] =	vst v63  }
0x4a: {  	v5 =	vadd.s32 v1, v5;
	s21 =	simm.s32 $0x7200  }
0x4b: {  	[tilespmem:s21], [sflag:$0x1] =	stream.indirect_vreg.gather [hbm4b:s12+s2], $0x80, v3, vm0, $0xb8;
	[tilespmem:$0x18200] =	vst v63  }
0x4c: {  	s1 =	simm.s32 $0x7A00  }
0x4d: {  	[tilespmem:s1], [sflag:$0x1] =	stream.indirect_vreg.gather [hbm4b:s15+s2], $0x80, v3, vm0, $0xb8;
	[tilespmem:$0x18200] =	vst v63  }
0x4e: {  	s4 =	simm.s32 $0x8200  }
0x4f: {  	[tilespmem:s4], [sflag:$0x2] =	stream.indirect_vreg.gather [hbm4b:s3+s2], $0x80, v5, vm0, $0xb8;
	[tilespmem:$0x18200] =	vst v63  }
0x50: {  	s5 =	simm.s32 $0x8A00  }
0x51: {  	[tilespmem:s5], [sflag:$0x2] =	stream.indirect_vreg.gather [hbm4b:s7+s2], $0x80, v5, vm0, $0xb8;
	[tilespmem:$0x18200] =	vst v63  }
0x52: {  	s21 =	simm.s32 $0x9200  }
0x53: {  	[tilespmem:s21], [sflag:$0x2] =	stream.indirect_vreg.gather [hbm4b:s8+s2], $0x80, v5, vm0, $0xb8;
	[tilespmem:$0x18200] =	vst v63  }
0x54: {  	s1 =	simm.s32 $0x9A00  }
0x55: {  	[tilespmem:s1], [sflag:$0x2] =	stream.indirect_vreg.gather [hbm4b:s9+s2], $0x80, v5, vm0, $0xb8;
	[tilespmem:$0x18200] =	vst v63  }
0x56: {  	s4 =	simm.s32 $0xA200  }
0x57: {  	[tilespmem:s4], [sflag:$0x2] =	stream.indirect_vreg.gather [hbm4b:s10+s2], $0x80, v5, vm0, $0xb8;
	[tilespmem:$0x18200] =	vst v63  }
0x58: {  	v3 =	vperm.xlane v4, v2;
	s5 =	simm.s32 $0xAA00  }
0x59: {  	[tilespmem:s5], [sflag:$0x2] =	stream.indirect_vreg.gather [hbm4b:s11+s2], $0x80, v5, vm0, $0xb8;
	[tilespmem:$0x18200] =	vst v63  }
0x5a: {  	v3 =	vadd.s32 v1, v3;
	s21 =	simm.s32 $0xB200  }
0x5b: {  	[tilespmem:s21], [sflag:$0x2] =	stream.indirect_vreg.gather [hbm4b:s12+s2], $0x80, v5, vm0, $0xb8;
	[tilespmem:$0x18200] =	vst v63  }
0x5c: {  	_ = 	snop  }
0x5d: {  	[tilespmem:s22], [sflag:$0x2] =	stream.indirect_vreg.gather [hbm4b:s15+s2], $0x80, v5, vm0, $0xb8;
	[tilespmem:$0x18200] =	vst v63  }
0x5e: {  	_ = 	snop  }
0x5f: {  	[tilespmem:s6], [sflag:$0x2] =	stream.indirect_vreg.gather [hbm4b:s3+s2], $0x80, v3, vm0, $0xb8;
	[tilespmem:$0x18200] =	vst v63  }
0x60: {  	_ = 	snop  }
0x61: {  	[tilespmem:s23], [sflag:$0x2] =	stream.indirect_vreg.gather [hbm4b:s7+s2], $0x80, v3, vm0, $0xb8;
	[tilespmem:$0x18200] =	vst v63  }
0x62: {  	_ = 	snop  }
0x63: {  	[tilespmem:s25], [sflag:$0x2] =	stream.indirect_vreg.gather [hbm4b:s8+s2], $0x80, v3, vm0, $0xb8;
	[tilespmem:$0x18200] =	vst v63  }
0x64: {  	_ = 	snop  }
0x65: {  	[tilespmem:s26], [sflag:$0x2] =	stream.indirect_vreg.gather [hbm4b:s9+s2], $0x80, v3, vm0, $0xb8;
	[tilespmem:$0x18200] =	vst v63  }
0x66: {  	_ = 	snop  }
0x67: {  	[tilespmem:s28], [sflag:$0x2] =	stream.indirect_vreg.gather [hbm4b:s10+s2], $0x80, v3, vm0, $0xb8;
	[tilespmem:$0x18200] =	vst v63  }
0x68: {  	_ = 	snop  }
0x69: {  	[tilespmem:s29], [sflag:$0x2] =	stream.indirect_vreg.gather [hbm4b:s11+s2], $0x80, v3, vm0, $0xb8;
	[tilespmem:$0x18200] =	vst v63  }
0x6a: {  	_ = 	snop  }
0x6b: {  	[tilespmem:s14], [sflag:$0x2] =	stream.indirect_vreg.gather [hbm4b:s12+s2], $0x80, v3, vm0, $0xb8;
	[tilespmem:$0x18200] =	vst v63  }
0x6c: {  	_ = 	snop  }
0x6d: {  	[tilespmem:s16], [sflag:$0x2] =	stream.indirect_vreg.gather [hbm4b:s15+s2], $0x80, v3, vm0, $0xb8;
	[tilespmem:$0x18200] =	vst v63  }
0x6e: {  	_ =	swait.ge [sflag:s17], $0x8000  }
0x6f: {  	[sflag:s17] =	ssyncset.done $0x0  }
0x70: {  	[sflag:s17] =	ssyncadd.s32 $0xFFFF8000  }
0x71: {  	_ =	swait.ge [sflag:s18], $0x8000  }
0x72: {  	[sflag:s18] =	ssyncset.done $0x0  }
0x73: {  	[sflag:s18] =	ssyncadd.s32 $0xFFFF8000  }
0x74: {  	v3 =	vld [tilespmem:$0x100]  }
0x75: {  	s31 =	simm.s32 $0x0;
	s0 =	simm.s32 $0x0;
	s1 =	simm.s32 $0x0;
	v4 =	vld [tilespmem:$0x180]  }
.LBB2_2:
0x76: {  	s4 =	sshll.u32 s0, $0x2;
	s21 =	sand.u32 $0x7, s31  }
0x77: {  	s4 =	sand.u32 $0xFFFF0000, s4;
	s21 =	sshll.u32 s21, $0x9  }
0x78: {  	s4 =	sor.u32 s21, s4  }
0x79: {  	s4 =	sshrl.u32 s4, $0x2  }
0x7a: {  	s5 =	sadd.s32 $0x670, s4  }
0x7b: {  	s4 =	sadd.s32 $0x8670, s4;
	v5 =	vmov s5  }
0x7c: {  	v6 =	vmov s4;
	_ =	sdelay $0x2  }
0x7d: {  	s4 =	simm.s32 $0x0  }
0x7e: {  	v9 =	vld.idx.msk [tilespmem:v5+s4+$0xFFFFFB90 ss:$0x1], $0xffff  }
0x7f: {  	v10 =	vld.idx.msk [tilespmem:v6+s4+$0xFFFFFB90 ss:$0x1], $0xffff;
	_ =	sdelay $0x1  }
0x80: {  	v8 =	vmov s1  }
0x81: {  	v7 =	vperm.xlane v3, v8;
	v8 =	vperm.xlane v4, v8;
	_ =	sdelay $0x1  }
0x82: {  	v9 =	vmul.f32 v9, v7;
	v10 =	vmul.f32 v10, v8;
	_ =	sdelay $0x1  }
0x83: {  	v9 =	vadd.f32 v10, v9;
	_ =	sdelay $0x1  }
0x84: {  	[tilespmem:v5+s4+$0xFFFFFB90 ss:$0x1] =	vst.idx.msk $0xffff, v9  }
0x85: {  	v9 =	vld.idx.msk [tilespmem:v5+s4+$0xFFFFFBA0 ss:$0x1], $0xffff  }
0x86: {  	v10 =	vld.idx.msk [tilespmem:v6+s4+$0xFFFFFBA0 ss:$0x1], $0xffff;
	_ =	sdelay $0x4  }
0x87: {  	v9 =	vmul.f32 v9, v7;
	v10 =	vmul.f32 v10, v8;
	_ =	sdelay $0x1  }
0x88: {  	v9 =	vadd.f32 v10, v9;
	_ =	sdelay $0x1  }
0x89: {  	[tilespmem:v5+s4+$0xFFFFFBA0 ss:$0x1] =	vst.idx.msk $0xffff, v9  }
0x8a: {  	v9 =	vld.idx.msk [tilespmem:v5+s4+$0xFFFFFBB0 ss:$0x1], $0xffff  }
0x8b: {  	v10 =	vld.idx.msk [tilespmem:v6+s4+$0xFFFFFBB0 ss:$0x1], $0xffff;
	_ =	sdelay $0x4  }
0x8c: {  	v9 =	vmul.f32 v9, v7;
	v10 =	vmul.f32 v10, v8;
	_ =	sdelay $0x1  }
0x8d: {  	v9 =	vadd.f32 v10, v9;
	_ =	sdelay $0x1  }
0x8e: {  	[tilespmem:v5+s4+$0xFFFFFBB0 ss:$0x1] =	vst.idx.msk $0xffff, v9  }
0x8f: {  	v9 =	vld.idx.msk [tilespmem:v5+s4+$0xFFFFFBC0 ss:$0x1], $0xffff  }
0x90: {  	v10 =	vld.idx.msk [tilespmem:v6+s4+$0xFFFFFBC0 ss:$0x1], $0xffff;
	_ =	sdelay $0x4  }
0x91: {  	v9 =	vmul.f32 v9, v7;
	v10 =	vmul.f32 v10, v8;
	_ =	sdelay $0x1  }
0x92: {  	v9 =	vadd.f32 v10, v9;
	_ =	sdelay $0x1  }
0x93: {  	[tilespmem:v5+s4+$0xFFFFFBC0 ss:$0x1] =	vst.idx.msk $0xffff, v9  }
0x94: {  	v9 =	vld.idx.msk [tilespmem:v5+s4+$0xFFFFFBD0 ss:$0x1], $0xffff  }
0x95: {  	v10 =	vld.idx.msk [tilespmem:v6+s4+$0xFFFFFBD0 ss:$0x1], $0xffff;
	_ =	sdelay $0x4  }
0x96: {  	v9 =	vmul.f32 v9, v7;
	v10 =	vmul.f32 v10, v8;
	_ =	sdelay $0x1  }
0x97: {  	v9 =	vadd.f32 v10, v9;
	_ =	sdelay $0x1  }
0x98: {  	[tilespmem:v5+s4+$0xFFFFFBD0 ss:$0x1] =	vst.idx.msk $0xffff, v9  }
0x99: {  	v9 =	vld.idx.msk [tilespmem:v5+s4+$0xFFFFFBE0 ss:$0x1], $0xffff  }
0x9a: {  	v10 =	vld.idx.msk [tilespmem:v6+s4+$0xFFFFFBE0 ss:$0x1], $0xffff;
	_ =	sdelay $0x4  }
0x9b: {  	v9 =	vmul.f32 v9, v7;
	v10 =	vmul.f32 v10, v8;
	_ =	sdelay $0x1  }
0x9c: {  	v9 =	vadd.f32 v10, v9;
	_ =	sdelay $0x1  }
0x9d: {  	[tilespmem:v5+s4+$0xFFFFFBE0 ss:$0x1] =	vst.idx.msk $0xffff, v9  }
0x9e: {  	v9 =	vld.idx.msk [tilespmem:v5+s4+$0xFFFFFBF0 ss:$0x1], $0xffff  }
0x9f: {  	v10 =	vld.idx.msk [tilespmem:v6+s4+$0xFFFFFBF0 ss:$0x1], $0xffff;
	_ =	sdelay $0x4  }
0xa0: {  	v9 =	vmul.f32 v9, v7;
	v10 =	vmul.f32 v10, v8;
	_ =	sdelay $0x1  }
0xa1: {  	v9 =	vadd.f32 v10, v9;
	_ =	sdelay $0x1  }
0xa2: {  	[tilespmem:v5+s4+$0xFFFFFBF0 ss:$0x1] =	vst.idx.msk $0xffff, v9  }
0xa3: {  	v9 =	vld.idx.msk [tilespmem:v5+s4+$0xFFFFFC00 ss:$0x1], $0xffff  }
0xa4: {  	v10 =	vld.idx.msk [tilespmem:v6+s4+$0xFFFFFC00 ss:$0x1], $0xffff;
	_ =	sdelay $0x4  }
0xa5: {  	v9 =	vmul.f32 v9, v7;
	v10 =	vmul.f32 v10, v8;
	_ =	sdelay $0x1  }
0xa6: {  	v9 =	vadd.f32 v10, v9;
	_ =	sdelay $0x1  }
0xa7: {  	v10 =	vld.idx.msk [tilespmem:v5+s4+$0xFFFFFF90 ss:$0x1], $0xffff;
	[tilespmem:v5+s4+$0xFFFFFC00 ss:$0x1] =	vst.idx.msk $0xffff, v9  }
0xa8: {  	v9 =	vld.idx.msk [tilespmem:v6+s4+$0xFFFFFF90 ss:$0x1], $0xffff;
	_ =	sdelay $0x4  }
0xa9: {  	v10 =	vmul.f32 v10, v7;
	v9 =	vmul.f32 v9, v8;
	_ =	sdelay $0x1  }
0xaa: {  	v9 =	vadd.f32 v9, v10;
	_ =	sdelay $0x1  }
0xab: {  	[tilespmem:v5+s4+$0xFFFFFF90 ss:$0x1] =	vst.idx.msk $0xffff, v9  }
0xac: {  	v9 =	vld.idx.msk [tilespmem:v5+s4+$0xFFFFFFA0 ss:$0x1], $0xffff  }
0xad: {  	v10 =	vld.idx.msk [tilespmem:v6+s4+$0xFFFFFFA0 ss:$0x1], $0xffff;
	_ =	sdelay $0x4  }
0xae: {  	v9 =	vmul.f32 v9, v7;
	v10 =	vmul.f32 v10, v8;
	_ =	sdelay $0x1  }
0xaf: {  	v9 =	vadd.f32 v10, v9;
	_ =	sdelay $0x1  }
0xb0: {  	[tilespmem:v5+s4+$0xFFFFFFA0 ss:$0x1] =	vst.idx.msk $0xffff, v9  }
0xb1: {  	v9 =	vld.idx.msk [tilespmem:v5+s4+$0xFFFFFFB0 ss:$0x1], $0xffff  }
0xb2: {  	v10 =	vld.idx.msk [tilespmem:v6+s4+$0xFFFFFFB0 ss:$0x1], $0xffff;
	_ =	sdelay $0x4  }
0xb3: {  	v9 =	vmul.f32 v9, v7;
	v10 =	vmul.f32 v10, v8;
	_ =	sdelay $0x1  }
0xb4: {  	v9 =	vadd.f32 v10, v9;
	_ =	sdelay $0x1  }
0xb5: {  	[tilespmem:v5+s4+$0xFFFFFFB0 ss:$0x1] =	vst.idx.msk $0xffff, v9  }
0xb6: {  	v9 =	vld.idx.msk [tilespmem:v5+s4+$0xFFFFFFC0 ss:$0x1], $0xffff  }
0xb7: {  	v10 =	vld.idx.msk [tilespmem:v6+s4+$0xFFFFFFC0 ss:$0x1], $0xffff;
	_ =	sdelay $0x4  }
0xb8: {  	v9 =	vmul.f32 v9, v7;
	v10 =	vmul.f32 v10, v8;
	_ =	sdelay $0x1  }
0xb9: {  	v9 =	vadd.f32 v10, v9;
	_ =	sdelay $0x1  }
0xba: {  	[tilespmem:v5+s4+$0xFFFFFFC0 ss:$0x1] =	vst.idx.msk $0xffff, v9  }
0xbb: {  	v9 =	vld.idx.msk [tilespmem:v5+s4+$0xFFFFFFD0 ss:$0x1], $0xffff  }
0xbc: {  	v10 =	vld.idx.msk [tilespmem:v6+s4+$0xFFFFFFD0 ss:$0x1], $0xffff;
	_ =	sdelay $0x4  }
0xbd: {  	v9 =	vmul.f32 v9, v7;
	v10 =	vmul.f32 v10, v8;
	_ =	sdelay $0x1  }
0xbe: {  	v9 =	vadd.f32 v10, v9;
	_ =	sdelay $0x1  }
0xbf: {  	[tilespmem:v5+s4+$0xFFFFFFD0 ss:$0x1] =	vst.idx.msk $0xffff, v9  }
0xc0: {  	v9 =	vld.idx.msk [tilespmem:v5+s4+$0xFFFFFFE0 ss:$0x1], $0xffff  }
0xc1: {  	v10 =	vld.idx.msk [tilespmem:v6+s4+$0xFFFFFFE0 ss:$0x1], $0xffff;
	_ =	sdelay $0x4  }
0xc2: {  	v9 =	vmul.f32 v9, v7;
	v10 =	vmul.f32 v10, v8;
	_ =	sdelay $0x1  }
0xc3: {  	v9 =	vadd.f32 v10, v9;
	_ =	sdelay $0x1  }
0xc4: {  	[tilespmem:v5+s4+$0xFFFFFFE0 ss:$0x1] =	vst.idx.msk $0xffff, v9  }
0xc5: {  	v9 =	vld.idx.msk [tilespmem:v5+s4+$0xFFFFFFF0 ss:$0x1], $0xffff  }
0xc6: {  	v10 =	vld.idx.msk [tilespmem:v6+s4+$0xFFFFFFF0 ss:$0x1], $0xffff;
	_ =	sdelay $0x4  }
0xc7: {  	s21 =	simm.s32 $0x2000;
	v9 =	vmul.f32 v9, v7;
	v10 =	vmul.f32 v10, v8  }
.LBB2_3:
0xc8: {  	p0 =	sne.s32 s21, $0xE000;
	s5 =	smov.u32 s21;
	s21 =	sadd.s32 $0x2000, s21  }
0xc9: {  	v9 =	vadd.f32 v10, v9;
	_ =	sdelay $0x1  }
0xca: {  	[tilespmem:v5+s4+$0xFFFFFFF0 ss:$0x1] =	vst.idx.msk $0xffff, v9  }
0xcb: {  	v9 =	vld.idx.msk [tilespmem:v5+s4+$0x0 ss:$0x1], $0xffff  }
0xcc: {  	v10 =	vld.idx.msk [tilespmem:v6+s4+$0x0 ss:$0x1], $0xffff;
	_ =	sdelay $0x4  }
0xcd: {  	v9 =	vmul.f32 v9, v7  }
0xce: {  	v10 =	vmul.f32 v10, v8;
	_ =	sdelay $0x1  }
0xcf: {  	v9 =	vadd.f32 v10, v9  }
0xd0: {  	s5 =	sshra.s32 s5, $0x2  }
0xd1: {  	v10 =	vld.idx.msk [tilespmem:v5+s5+$0xFFFFFB90 ss:$0x1], $0xffff;
	[tilespmem:v5+s4+$0x0 ss:$0x1] =	vst.idx.msk $0xffff, v9;
	s4 =	smov.u32 s5  }
0xd2: {  	v9 =	vld.idx.msk [tilespmem:v6+s4+$0xFFFFFB90 ss:$0x1], $0xffff;
	_ =	sdelay $0x4  }
0xd3: {  	v10 =	vmul.f32 v10, v7  }
0xd4: {  	v9 =	vmul.f32 v9, v8;
	_ =	sdelay $0x1  }
0xd5: {  	v9 =	vadd.f32 v9, v10;
	_ =	sdelay $0x1  }
0xd6: {  	[tilespmem:v5+s4+$0xFFFFFB90 ss:$0x1] =	vst.idx.msk $0xffff, v9  }
0xd7: {  	v9 =	vld.idx.msk [tilespmem:v5+s4+$0xFFFFFBA0 ss:$0x1], $0xffff  }
0xd8: {  	v10 =	vld.idx.msk [tilespmem:v6+s4+$0xFFFFFBA0 ss:$0x1], $0xffff;
	_ =	sdelay $0x4  }
0xd9: {  	v9 =	vmul.f32 v9, v7  }
0xda: {  	v10 =	vmul.f32 v10, v8;
	_ =	sdelay $0x1  }
0xdb: {  	v9 =	vadd.f32 v10, v9;
	_ =	sdelay $0x1  }
0xdc: {  	[tilespmem:v5+s4+$0xFFFFFBA0 ss:$0x1] =	vst.idx.msk $0xffff, v9  }
0xdd: {  	v9 =	vld.idx.msk [tilespmem:v5+s4+$0xFFFFFBB0 ss:$0x1], $0xffff  }
0xde: {  	v10 =	vld.idx.msk [tilespmem:v6+s4+$0xFFFFFBB0 ss:$0x1], $0xffff;
	_ =	sdelay $0x4  }
0xdf: {  	v9 =	vmul.f32 v9, v7  }
0xe0: {  	v10 =	vmul.f32 v10, v8;
	_ =	sdelay $0x1  }
0xe1: {  	v9 =	vadd.f32 v10, v9;
	_ =	sdelay $0x1  }
0xe2: {  	[tilespmem:v5+s4+$0xFFFFFBB0 ss:$0x1] =	vst.idx.msk $0xffff, v9  }
0xe3: {  	v9 =	vld.idx.msk [tilespmem:v5+s4+$0xFFFFFBC0 ss:$0x1], $0xffff  }
0xe4: {  	v10 =	vld.idx.msk [tilespmem:v6+s4+$0xFFFFFBC0 ss:$0x1], $0xffff;
	_ =	sdelay $0x4  }
0xe5: {  	v9 =	vmul.f32 v9, v7  }
0xe6: {  	v10 =	vmul.f32 v10, v8;
	_ =	sdelay $0x1  }
0xe7: {  	v9 =	vadd.f32 v10, v9;
	_ =	sdelay $0x1  }
0xe8: {  	[tilespmem:v5+s4+$0xFFFFFBC0 ss:$0x1] =	vst.idx.msk $0xffff, v9  }
0xe9: {  	v9 =	vld.idx.msk [tilespmem:v5+s4+$0xFFFFFBD0 ss:$0x1], $0xffff  }
0xea: {  	v10 =	vld.idx.msk [tilespmem:v6+s4+$0xFFFFFBD0 ss:$0x1], $0xffff;
	_ =	sdelay $0x4  }
0xeb: {  	v9 =	vmul.f32 v9, v7  }
0xec: {  	v10 =	vmul.f32 v10, v8;
	_ =	sdelay $0x1  }
0xed: {  	v9 =	vadd.f32 v10, v9;
	_ =	sdelay $0x1  }
0xee: {  	[tilespmem:v5+s4+$0xFFFFFBD0 ss:$0x1] =	vst.idx.msk $0xffff, v9  }
0xef: {  	v9 =	vld.idx.msk [tilespmem:v5+s4+$0xFFFFFBE0 ss:$0x1], $0xffff  }
0xf0: {  	v10 =	vld.idx.msk [tilespmem:v6+s4+$0xFFFFFBE0 ss:$0x1], $0xffff;
	_ =	sdelay $0x4  }
0xf1: {  	v9 =	vmul.f32 v9, v7  }
0xf2: {  	v10 =	vmul.f32 v10, v8;
	_ =	sdelay $0x1  }
0xf3: {  	v9 =	vadd.f32 v10, v9;
	_ =	sdelay $0x1  }
0xf4: {  	[tilespmem:v5+s4+$0xFFFFFBE0 ss:$0x1] =	vst.idx.msk $0xffff, v9  }
0xf5: {  	v9 =	vld.idx.msk [tilespmem:v5+s4+$0xFFFFFBF0 ss:$0x1], $0xffff  }
0xf6: {  	v10 =	vld.idx.msk [tilespmem:v6+s4+$0xFFFFFBF0 ss:$0x1], $0xffff;
	_ =	sdelay $0x4  }
0xf7: {  	v9 =	vmul.f32 v9, v7  }
0xf8: {  	v10 =	vmul.f32 v10, v8;
	_ =	sdelay $0x1  }
0xf9: {  	v9 =	vadd.f32 v10, v9;
	_ =	sdelay $0x1  }
0xfa: {  	[tilespmem:v5+s4+$0xFFFFFBF0 ss:$0x1] =	vst.idx.msk $0xffff, v9  }
0xfb: {  	v9 =	vld.idx.msk [tilespmem:v5+s4+$0xFFFFFC00 ss:$0x1], $0xffff  }
0xfc: {  	v10 =	vld.idx.msk [tilespmem:v6+s4+$0xFFFFFC00 ss:$0x1], $0xffff;
	_ =	sdelay $0x2  }
0xfd: {  	v11 =	vld.idx.msk [tilespmem:v5+s4+$0xFFFFFF90 ss:$0x1], $0xffff;
	_ =	sdelay $0x1  }
0xfe: {  	v9 =	vmul.f32 v9, v7  }
0xff: {  	v10 =	vmul.f32 v10, v8;
	_ =	sdelay $0x1  }
0x100: {  	v9 =	vadd.f32 v10, v9  }
0x101: {  	v10 =	vmul.f32 v11, v7  }
0x102: {  	[tilespmem:v5+s4+$0xFFFFFC00 ss:$0x1] =	vst.idx.msk $0xffff, v9  }
0x103: {  	v9 =	vld.idx.msk [tilespmem:v6+s4+$0xFFFFFF90 ss:$0x1], $0xffff;
	_ =	sdelay $0x5  }
0x104: {  	v9 =	vmul.f32 v9, v8;
	_ =	sdelay $0x1  }
0x105: {  	v9 =	vadd.f32 v9, v10;
	_ =	sdelay $0x1  }
0x106: {  	[tilespmem:v5+s4+$0xFFFFFF90 ss:$0x1] =	vst.idx.msk $0xffff, v9  }
0x107: {  	v9 =	vld.idx.msk [tilespmem:v5+s4+$0xFFFFFFA0 ss:$0x1], $0xffff  }
0x108: {  	v10 =	vld.idx.msk [tilespmem:v6+s4+$0xFFFFFFA0 ss:$0x1], $0xffff;
	_ =	sdelay $0x4  }
0x109: {  	v9 =	vmul.f32 v9, v7  }
0x10a: {  	v10 =	vmul.f32 v10, v8;
	_ =	sdelay $0x1  }
0x10b: {  	v9 =	vadd.f32 v10, v9;
	_ =	sdelay $0x1  }
0x10c: {  	[tilespmem:v5+s4+$0xFFFFFFA0 ss:$0x1] =	vst.idx.msk $0xffff, v9  }
0x10d: {  	v9 =	vld.idx.msk [tilespmem:v5+s4+$0xFFFFFFB0 ss:$0x1], $0xffff  }
0x10e: {  	v10 =	vld.idx.msk [tilespmem:v6+s4+$0xFFFFFFB0 ss:$0x1], $0xffff;
	_ =	sdelay $0x4  }
0x10f: {  	v9 =	vmul.f32 v9, v7  }
0x110: {  	v10 =	vmul.f32 v10, v8;
	_ =	sdelay $0x1  }
0x111: {  	v9 =	vadd.f32 v10, v9;
	_ =	sdelay $0x1  }
0x112: {  	[tilespmem:v5+s4+$0xFFFFFFB0 ss:$0x1] =	vst.idx.msk $0xffff, v9  }
0x113: {  	v9 =	vld.idx.msk [tilespmem:v5+s4+$0xFFFFFFC0 ss:$0x1], $0xffff  }
0x114: {  	v10 =	vld.idx.msk [tilespmem:v6+s4+$0xFFFFFFC0 ss:$0x1], $0xffff;
	_ =	sdelay $0x4  }
0x115: {  	v9 =	vmul.f32 v9, v7  }
0x116: {  	v10 =	vmul.f32 v10, v8;
	_ =	sdelay $0x1  }
0x117: {  	v9 =	vadd.f32 v10, v9;
	_ =	sdelay $0x1  }
0x118: {  	[tilespmem:v5+s4+$0xFFFFFFC0 ss:$0x1] =	vst.idx.msk $0xffff, v9  }
0x119: {  	v9 =	vld.idx.msk [tilespmem:v5+s4+$0xFFFFFFD0 ss:$0x1], $0xffff  }
0x11a: {  	v10 =	vld.idx.msk [tilespmem:v6+s4+$0xFFFFFFD0 ss:$0x1], $0xffff;
	_ =	sdelay $0x4  }
0x11b: {  	v9 =	vmul.f32 v9, v7  }
0x11c: {  	v10 =	vmul.f32 v10, v8;
	_ =	sdelay $0x1  }
0x11d: {  	v9 =	vadd.f32 v10, v9;
	_ =	sdelay $0x1  }
0x11e: {  	[tilespmem:v5+s4+$0xFFFFFFD0 ss:$0x1] =	vst.idx.msk $0xffff, v9  }
0x11f: {  	v9 =	vld.idx.msk [tilespmem:v5+s4+$0xFFFFFFE0 ss:$0x1], $0xffff  }
0x120: {  	v10 =	vld.idx.msk [tilespmem:v6+s4+$0xFFFFFFE0 ss:$0x1], $0xffff;
	_ =	sdelay $0x4  }
0x121: {  	v9 =	vmul.f32 v9, v7  }
0x122: {  	v10 =	vmul.f32 v10, v8;
	_ =	sdelay $0x1  }
0x123: {  	v9 =	vadd.f32 v10, v9;
	_ =	sdelay $0x1  }
0x124: {  	[tilespmem:v5+s4+$0xFFFFFFE0 ss:$0x1] =	vst.idx.msk $0xffff, v9  }
0x125: {  	v9 =	vld.idx.msk [tilespmem:v5+s4+$0xFFFFFFF0 ss:$0x1], $0xffff  }
0x126: {  	v10 =	vld.idx.msk [tilespmem:v6+s4+$0xFFFFFFF0 ss:$0x1], $0xffff;
	_ =	sdelay $0x1  }
.Ltmp0:
0x127: {  	(pc) =	sbr.rel @p0 .LBB2_3-.Ltmp0, $3  }
0x128: {  	_ =	sdelay $0x1  }
0x129: {  	v9 =	vmul.f32 v9, v7  }
0x12a: {  	v10 =	vmul.f32 v10, v8  }
0x12b: {  	_ =	sdelay $0x1  }
0x12c: {  	v9 =	vadd.f32 v10, v9;
	_ =	sdelay $0x1  }
0x12d: {  	[tilespmem:v5+s4+$0xFFFFFFF0 ss:$0x1] =	vst.idx.msk $0xffff, v9  }
0x12e: {  	v9 =	vld.idx.msk [tilespmem:v5+s4+$0x0 ss:$0x1], $0xffff  }
0x12f: {  	v6 =	vld.idx.msk [tilespmem:v6+s4+$0x0 ss:$0x1], $0xffff;
	_ =	sdelay $0x2  }
0x130: {  	s1 =	sadd.s32 $0x1, s1  }
0x131: {  	p0 =	sne.s32 s1, $0x10  }
.Ltmp1:
0x132: {  	v7 =	vmul.f32 v9, v7;
	v6 =	vmul.f32 v6, v8;
	(pc) =	sbr.rel @p0 .LBB2_2-.Ltmp1, $3  }
0x133: {  	_ = 	snop  }
0x134: {  	v6 =	vadd.f32 v6, v7;
	_ =	sdelay $0x1  }
0x135: {  	s0 =	sadd.s32 $0x800, s0;
	s31 =	sadd.s32 $0x1, s31;
	[tilespmem:v5+s4+$0x0 ss:$0x1] =	vst.idx.msk $0xffff, v6  }
0x136: {  	s31 =	simm.s32 $0x0;
	s0 =	rddreg [dreg:$0x6];
	s1 =	simm.s32 $0x200  }
0x137: {  	[hbm4b:s0+s31] =	stream.linear.scatter [tilespmem:s1], [sflag:$0x3], $0x8000, $0x38;
	[tilespmem:$0x18200] =	vst v63  }
0x138: {  	v3 =	vld [tilespmem:$0x10];
	_ =	sdelay $0x4  }
0x139: {  	v4 =	vshll.u32 v3, $0x4  }
0x13a: {  	v3 =	vand.u32 $0x7, v3;
	v4 =	vand.u32 $0xFFFFFF80, v4  }
0x13b: {  	v3 =	vor.u32 v3, v4  }
0x13c: {  	v4 =	vperm.xlane v3, v0;
	_ =	sdelay $0x1  }
0x13d: {  	v4 =	vadd.s32 v1, v4;
	_ =	sdelay $0x4  }
0x13e: {  	v5 =	vld [tilespmem:$0x90];
	[tilespmem:s19], [sflag:$0x1] =	stream.indirect_vreg.gather [hbm4b:s3+s31], $0x80, v4, vm0, $0xb8  }
0x13f: {  	s5 =	simm.s32 $0x10A00  }
0x140: {  	[tilespmem:s5], [sflag:$0x1] =	stream.indirect_vreg.gather [hbm4b:s7+s31], $0x80, v4, vm0, $0xb8;
	[tilespmem:$0x18200] =	vst v63  }
0x141: {  	s21 =	simm.s32 $0x11200  }
0x142: {  	[tilespmem:s21], [sflag:$0x1] =	stream.indirect_vreg.gather [hbm4b:s8+s31], $0x80, v4, vm0, $0xb8;
	[tilespmem:$0x18200] =	vst v63  }
0x143: {  	s1 =	simm.s32 $0x11A00  }
0x144: {  	[tilespmem:s1], [sflag:$0x1] =	stream.indirect_vreg.gather [hbm4b:s9+s31], $0x80, v4, vm0, $0xb8;
	[tilespmem:$0x18200] =	vst v63  }
0x145: {  	s4 =	simm.s32 $0x12200  }
0x146: {  	[tilespmem:s4], [sflag:$0x1] =	stream.indirect_vreg.gather [hbm4b:s10+s31], $0x80, v4, vm0, $0xb8;
	[tilespmem:$0x18200] =	vst v63  }
0x147: {  	v3 =	vperm.xlane v3, v2;
	s5 =	simm.s32 $0x12A00  }
0x148: {  	[tilespmem:s5], [sflag:$0x1] =	stream.indirect_vreg.gather [hbm4b:s11+s31], $0x80, v4, vm0, $0xb8;
	[tilespmem:$0x18200] =	vst v63  }
0x149: {  	v3 =	vadd.s32 v1, v3;
	s21 =	simm.s32 $0x13200  }
0x14a: {  	[tilespmem:s21], [sflag:$0x1] =	stream.indirect_vreg.gather [hbm4b:s12+s31], $0x80, v4, vm0, $0xb8;
	[tilespmem:$0x18200] =	vst v63  }
0x14b: {  	s1 =	simm.s32 $0x13A00  }
0x14c: {  	[tilespmem:s1], [sflag:$0x1] =	stream.indirect_vreg.gather [hbm4b:s15+s31], $0x80, v4, vm0, $0xb8;
	[tilespmem:$0x18200] =	vst v63  }
0x14d: {  	s4 =	simm.s32 $0x14200  }
0x14e: {  	[tilespmem:s4], [sflag:$0x1] =	stream.indirect_vreg.gather [hbm4b:s3+s31], $0x80, v3, vm0, $0xb8;
	[tilespmem:$0x18200] =	vst v63  }
0x14f: {  	s5 =	simm.s32 $0x14A00  }
0x150: {  	[tilespmem:s5], [sflag:$0x1] =	stream.indirect_vreg.gather [hbm4b:s7+s31], $0x80, v3, vm0, $0xb8;
	[tilespmem:$0x18200] =	vst v63  }
0x151: {  	s21 =	simm.s32 $0x15200  }
0x152: {  	[tilespmem:s21], [sflag:$0x1] =	stream.indirect_vreg.gather [hbm4b:s8+s31], $0x80, v3, vm0, $0xb8;
	[tilespmem:$0x18200] =	vst v63  }
0x153: {  	s1 =	simm.s32 $0x15A00  }
0x154: {  	v4 =	vshll.u32 v5, $0x4;
	[tilespmem:s1], [sflag:$0x1] =	stream.indirect_vreg.gather [hbm4b:s9+s31], $0x80, v3, vm0, $0xb8;
	[tilespmem:$0x18200] =	vst v63  }
0x155: {  	v5 =	vand.u32 $0x7, v5;
	v4 =	vand.u32 $0xFFFFFF80, v4;
	s4 =	simm.s32 $0x16200  }
0x156: {  	v4 =	vor.u32 v5, v4;
	[tilespmem:s4], [sflag:$0x1] =	stream.indirect_vreg.gather [hbm4b:s10+s31], $0x80, v3, vm0, $0xb8;
	[tilespmem:$0x18200] =	vst v63  }
0x157: {  	v5 =	vperm.xlane v4, v0;
	s5 =	simm.s32 $0x16A00  }
0x158: {  	[tilespmem:s5], [sflag:$0x1] =	stream.indirect_vreg.gather [hbm4b:s11+s31], $0x80, v3, vm0, $0xb8;
	[tilespmem:$0x18200] =	vst v63  }
0x159: {  	v5 =	vadd.s32 v1, v5;
	s21 =	simm.s32 $0x17200  }
0x15a: {  	[tilespmem:s21], [sflag:$0x1] =	stream.indirect_vreg.gather [hbm4b:s12+s31], $0x80, v3, vm0, $0xb8;
	[tilespmem:$0x18200] =	vst v63  }
0x15b: {  	s1 =	simm.s32 $0x17A00  }
0x15c: {  	[tilespmem:s1], [sflag:$0x1] =	stream.indirect_vreg.gather [hbm4b:s15+s31], $0x80, v3, vm0, $0xb8;
	[tilespmem:$0x18200] =	vst v63  }
0x15d: {  	s4 =	simm.s32 $0x8200  }
0x15e: {  	[tilespmem:s4], [sflag:$0x2] =	stream.indirect_vreg.gather [hbm4b:s3+s31], $0x80, v5, vm0, $0xb8;
	[tilespmem:$0x18200] =	vst v63  }
0x15f: {  	s5 =	simm.s32 $0x8A00  }
0x160: {  	[tilespmem:s5], [sflag:$0x2] =	stream.indirect_vreg.gather [hbm4b:s7+s31], $0x80, v5, vm0, $0xb8;
	[tilespmem:$0x18200] =	vst v63  }
0x161: {  	s21 =	simm.s32 $0x9200  }
0x162: {  	[tilespmem:s21], [sflag:$0x2] =	stream.indirect_vreg.gather [hbm4b:s8+s31], $0x80, v5, vm0, $0xb8;
	[tilespmem:$0x18200] =	vst v63  }
0x163: {  	s1 =	simm.s32 $0x9A00  }
0x164: {  	[tilespmem:s1], [sflag:$0x2] =	stream.indirect_vreg.gather [hbm4b:s9+s31], $0x80, v5, vm0, $0xb8;
	[tilespmem:$0x18200] =	vst v63  }
0x165: {  	s4 =	simm.s32 $0xA200  }
0x166: {  	[tilespmem:s4], [sflag:$0x2] =	stream.indirect_vreg.gather [hbm4b:s10+s31], $0x80, v5, vm0, $0xb8;
	[tilespmem:$0x18200] =	vst v63  }
0x167: {  	v3 =	vperm.xlane v4, v2;
	s5 =	simm.s32 $0xAA00  }
0x168: {  	[tilespmem:s5], [sflag:$0x2] =	stream.indirect_vreg.gather [hbm4b:s11+s31], $0x80, v5, vm0, $0xb8;
	[tilespmem:$0x18200] =	vst v63  }
0x169: {  	v3 =	vadd.s32 v1, v3;
	s21 =	simm.s32 $0xB200  }
0x16a: {  	[tilespmem:s21], [sflag:$0x2] =	stream.indirect_vreg.gather [hbm4b:s12+s31], $0x80, v5, vm0, $0xb8;
	[tilespmem:$0x18200] =	vst v63  }
0x16b: {  	_ = 	snop  }
0x16c: {  	[tilespmem:s22], [sflag:$0x2] =	stream.indirect_vreg.gather [hbm4b:s15+s31], $0x80, v5, vm0, $0xb8;
	[tilespmem:$0x18200] =	vst v63  }
0x16d: {  	_ = 	snop  }
0x16e: {  	[tilespmem:s6], [sflag:$0x2] =	stream.indirect_vreg.gather [hbm4b:s3+s31], $0x80, v3, vm0, $0xb8;
	[tilespmem:$0x18200] =	vst v63  }
0x16f: {  	_ = 	snop  }
0x170: {  	[tilespmem:s23], [sflag:$0x2] =	stream.indirect_vreg.gather [hbm4b:s7+s31], $0x80, v3, vm0, $0xb8;
	[tilespmem:$0x18200] =	vst v63  }
0x171: {  	_ = 	snop  }
0x172: {  	[tilespmem:s25], [sflag:$0x2] =	stream.indirect_vreg.gather [hbm4b:s8+s31], $0x80, v3, vm0, $0xb8;
	[tilespmem:$0x18200] =	vst v63  }
0x173: {  	_ = 	snop  }
0x174: {  	[tilespmem:s26], [sflag:$0x2] =	stream.indirect_vreg.gather [hbm4b:s9+s31], $0x80, v3, vm0, $0xb8;
	[tilespmem:$0x18200] =	vst v63  }
0x175: {  	_ = 	snop  }
0x176: {  	[tilespmem:s28], [sflag:$0x2] =	stream.indirect_vreg.gather [hbm4b:s10+s31], $0x80, v3, vm0, $0xb8;
	[tilespmem:$0x18200] =	vst v63  }
0x177: {  	_ = 	snop  }
0x178: {  	[tilespmem:s29], [sflag:$0x2] =	stream.indirect_vreg.gather [hbm4b:s11+s31], $0x80, v3, vm0, $0xb8;
	[tilespmem:$0x18200] =	vst v63  }
0x179: {  	_ = 	snop  }
0x17a: {  	[tilespmem:s14], [sflag:$0x2] =	stream.indirect_vreg.gather [hbm4b:s12+s31], $0x80, v3, vm0, $0xb8;
	[tilespmem:$0x18200] =	vst v63  }
0x17b: {  	_ = 	snop  }
0x17c: {  	[tilespmem:s16], [sflag:$0x2] =	stream.indirect_vreg.gather [hbm4b:s15+s31], $0x80, v3, vm0, $0xb8;
	[tilespmem:$0x18200] =	vst v63  }
0x17d: {  	_ =	swait.ge [sflag:s17], $0x8000  }
0x17e: {  	[sflag:s17] =	ssyncset.done $0x0  }
0x17f: {  	[sflag:s17] =	ssyncadd.s32 $0xFFFF8000  }
0x180: {  	_ =	swait.ge [sflag:s18], $0x8000  }
0x181: {  	[sflag:s18] =	ssyncset.done $0x0  }
0x182: {  	[sflag:s18] =	ssyncadd.s32 $0xFFFF8000  }
0x183: {  	v3 =	vld [tilespmem:$0x110]  }
0x184: {  	s0 =	simm.s32 $0x0;
	s1 =	simm.s32 $0x0;
	v4 =	vld [tilespmem:$0x190]  }
.LBB2_6:
0x185: {  	s4 =	sshll.u32 s0, $0x2;
	s5 =	sand.u32 $0x7, s31  }
0x186: {  	s4 =	sand.u32 $0xFFFF0000, s4;
	s5 =	sshll.u32 s5, $0x9  }
0x187: {  	s4 =	sor.u32 s5, s4  }
0x188: {  	s4 =	sshrl.u32 s4, $0x2  }
0x189: {  	s21 =	sadd.s32 $0x10670, s4  }
0x18a: {  	s4 =	sadd.s32 $0x8670, s4;
	v5 =	vmov s21  }
0x18b: {  	v6 =	vmov s4;
	_ =	sdelay $0x2  }
0x18c: {  	s4 =	simm.s32 $0x0  }
0x18d: {  	v9 =	vld.idx.msk [tilespmem:v5+s4+$0xFFFFFB90 ss:$0x1], $0xffff  }
0x18e: {  	v10 =	vld.idx.msk [tilespmem:v6+s4+$0xFFFFFB90 ss:$0x1], $0xffff;
	_ =	sdelay $0x1  }
0x18f: {  	v8 =	vmov s1  }
0x190: {  	v7 =	vperm.xlane v3, v8;
	v8 =	vperm.xlane v4, v8;
	_ =	sdelay $0x1  }
0x191: {  	v9 =	vmul.f32 v9, v7;
	v10 =	vmul.f32 v10, v8;
	_ =	sdelay $0x1  }
0x192: {  	v9 =	vadd.f32 v10, v9;
	_ =	sdelay $0x1  }
0x193: {  	[tilespmem:v5+s4+$0xFFFFFB90 ss:$0x1] =	vst.idx.msk $0xffff, v9  }
0x194: {  	v9 =	vld.idx.msk [tilespmem:v5+s4+$0xFFFFFBA0 ss:$0x1], $0xffff  }
0x195: {  	v10 =	vld.idx.msk [tilespmem:v6+s4+$0xFFFFFBA0 ss:$0x1], $0xffff;
	_ =	sdelay $0x4  }
0x196: {  	v9 =	vmul.f32 v9, v7;
	v10 =	vmul.f32 v10, v8;
	_ =	sdelay $0x1  }
0x197: {  	v9 =	vadd.f32 v10, v9;
	_ =	sdelay $0x1  }
0x198: {  	[tilespmem:v5+s4+$0xFFFFFBA0 ss:$0x1] =	vst.idx.msk $0xffff, v9  }
0x199: {  	v9 =	vld.idx.msk [tilespmem:v5+s4+$0xFFFFFBB0 ss:$0x1], $0xffff  }
0x19a: {  	v10 =	vld.idx.msk [tilespmem:v6+s4+$0xFFFFFBB0 ss:$0x1], $0xffff;
	_ =	sdelay $0x4  }
0x19b: {  	v9 =	vmul.f32 v9, v7;
	v10 =	vmul.f32 v10, v8;
	_ =	sdelay $0x1  }
0x19c: {  	v9 =	vadd.f32 v10, v9;
	_ =	sdelay $0x1  }
0x19d: {  	[tilespmem:v5+s4+$0xFFFFFBB0 ss:$0x1] =	vst.idx.msk $0xffff, v9  }
0x19e: {  	v9 =	vld.idx.msk [tilespmem:v5+s4+$0xFFFFFBC0 ss:$0x1], $0xffff  }
0x19f: {  	v10 =	vld.idx.msk [tilespmem:v6+s4+$0xFFFFFBC0 ss:$0x1], $0xffff;
	_ =	sdelay $0x4  }
0x1a0: {  	v9 =	vmul.f32 v9, v7;
	v10 =	vmul.f32 v10, v8;
	_ =	sdelay $0x1  }
0x1a1: {  	v9 =	vadd.f32 v10, v9;
	_ =	sdelay $0x1  }
0x1a2: {  	[tilespmem:v5+s4+$0xFFFFFBC0 ss:$0x1] =	vst.idx.msk $0xffff, v9  }
0x1a3: {  	v9 =	vld.idx.msk [tilespmem:v5+s4+$0xFFFFFBD0 ss:$0x1], $0xffff  }
0x1a4: {  	v10 =	vld.idx.msk [tilespmem:v6+s4+$0xFFFFFBD0 ss:$0x1], $0xffff;
	_ =	sdelay $0x4  }
0x1a5: {  	v9 =	vmul.f32 v9, v7;
	v10 =	vmul.f32 v10, v8;
	_ =	sdelay $0x1  }
0x1a6: {  	v9 =	vadd.f32 v10, v9;
	_ =	sdelay $0x1  }
0x1a7: {  	[tilespmem:v5+s4+$0xFFFFFBD0 ss:$0x1] =	vst.idx.msk $0xffff, v9  }
0x1a8: {  	v9 =	vld.idx.msk [tilespmem:v5+s4+$0xFFFFFBE0 ss:$0x1], $0xffff  }
0x1a9: {  	v10 =	vld.idx.msk [tilespmem:v6+s4+$0xFFFFFBE0 ss:$0x1], $0xffff;
	_ =	sdelay $0x4  }
0x1aa: {  	v9 =	vmul.f32 v9, v7;
	v10 =	vmul.f32 v10, v8;
	_ =	sdelay $0x1  }
0x1ab: {  	v9 =	vadd.f32 v10, v9;
	_ =	sdelay $0x1  }
0x1ac: {  	[tilespmem:v5+s4+$0xFFFFFBE0 ss:$0x1] =	vst.idx.msk $0xffff, v9  }
0x1ad: {  	v9 =	vld.idx.msk [tilespmem:v5+s4+$0xFFFFFBF0 ss:$0x1], $0xffff  }
0x1ae: {  	v10 =	vld.idx.msk [tilespmem:v6+s4+$0xFFFFFBF0 ss:$0x1], $0xffff;
	_ =	sdelay $0x4  }
0x1af: {  	v9 =	vmul.f32 v9, v7;
	v10 =	vmul.f32 v10, v8;
	_ =	sdelay $0x1  }
0x1b0: {  	v9 =	vadd.f32 v10, v9;
	_ =	sdelay $0x1  }
0x1b1: {  	[tilespmem:v5+s4+$0xFFFFFBF0 ss:$0x1] =	vst.idx.msk $0xffff, v9  }
0x1b2: {  	v9 =	vld.idx.msk [tilespmem:v5+s4+$0xFFFFFC00 ss:$0x1], $0xffff  }
0x1b3: {  	v10 =	vld.idx.msk [tilespmem:v6+s4+$0xFFFFFC00 ss:$0x1], $0xffff;
	_ =	sdelay $0x4  }
0x1b4: {  	v9 =	vmul.f32 v9, v7;
	v10 =	vmul.f32 v10, v8;
	_ =	sdelay $0x1  }
0x1b5: {  	v9 =	vadd.f32 v10, v9;
	_ =	sdelay $0x1  }
0x1b6: {  	v10 =	vld.idx.msk [tilespmem:v5+s4+$0xFFFFFF90 ss:$0x1], $0xffff;
	[tilespmem:v5+s4+$0xFFFFFC00 ss:$0x1] =	vst.idx.msk $0xffff, v9  }
0x1b7: {  	v9 =	vld.idx.msk [tilespmem:v6+s4+$0xFFFFFF90 ss:$0x1], $0xffff;
	_ =	sdelay $0x4  }
0x1b8: {  	v10 =	vmul.f32 v10, v7;
	v9 =	vmul.f32 v9, v8;
	_ =	sdelay $0x1  }
0x1b9: {  	v9 =	vadd.f32 v9, v10;
	_ =	sdelay $0x1  }
0x1ba: {  	[tilespmem:v5+s4+$0xFFFFFF90 ss:$0x1] =	vst.idx.msk $0xffff, v9  }
0x1bb: {  	v9 =	vld.idx.msk [tilespmem:v5+s4+$0xFFFFFFA0 ss:$0x1], $0xffff  }
0x1bc: {  	v10 =	vld.idx.msk [tilespmem:v6+s4+$0xFFFFFFA0 ss:$0x1], $0xffff;
	_ =	sdelay $0x4  }
0x1bd: {  	v9 =	vmul.f32 v9, v7;
	v10 =	vmul.f32 v10, v8;
	_ =	sdelay $0x1  }
0x1be: {  	v9 =	vadd.f32 v10, v9;
	_ =	sdelay $0x1  }
0x1bf: {  	[tilespmem:v5+s4+$0xFFFFFFA0 ss:$0x1] =	vst.idx.msk $0xffff, v9  }
0x1c0: {  	v9 =	vld.idx.msk [tilespmem:v5+s4+$0xFFFFFFB0 ss:$0x1], $0xffff  }
0x1c1: {  	v10 =	vld.idx.msk [tilespmem:v6+s4+$0xFFFFFFB0 ss:$0x1], $0xffff;
	_ =	sdelay $0x4  }
0x1c2: {  	v9 =	vmul.f32 v9, v7;
	v10 =	vmul.f32 v10, v8;
	_ =	sdelay $0x1  }
0x1c3: {  	v9 =	vadd.f32 v10, v9;
	_ =	sdelay $0x1  }
0x1c4: {  	[tilespmem:v5+s4+$0xFFFFFFB0 ss:$0x1] =	vst.idx.msk $0xffff, v9  }
0x1c5: {  	v9 =	vld.idx.msk [tilespmem:v5+s4+$0xFFFFFFC0 ss:$0x1], $0xffff  }
0x1c6: {  	v10 =	vld.idx.msk [tilespmem:v6+s4+$0xFFFFFFC0 ss:$0x1], $0xffff;
	_ =	sdelay $0x4  }
0x1c7: {  	v9 =	vmul.f32 v9, v7;
	v10 =	vmul.f32 v10, v8;
	_ =	sdelay $0x1  }
0x1c8: {  	v9 =	vadd.f32 v10, v9;
	_ =	sdelay $0x1  }
0x1c9: {  	[tilespmem:v5+s4+$0xFFFFFFC0 ss:$0x1] =	vst.idx.msk $0xffff, v9  }
0x1ca: {  	v9 =	vld.idx.msk [tilespmem:v5+s4+$0xFFFFFFD0 ss:$0x1], $0xffff  }
0x1cb: {  	v10 =	vld.idx.msk [tilespmem:v6+s4+$0xFFFFFFD0 ss:$0x1], $0xffff;
	_ =	sdelay $0x4  }
0x1cc: {  	v9 =	vmul.f32 v9, v7;
	v10 =	vmul.f32 v10, v8;
	_ =	sdelay $0x1  }
0x1cd: {  	v9 =	vadd.f32 v10, v9;
	_ =	sdelay $0x1  }
0x1ce: {  	[tilespmem:v5+s4+$0xFFFFFFD0 ss:$0x1] =	vst.idx.msk $0xffff, v9  }
0x1cf: {  	v9 =	vld.idx.msk [tilespmem:v5+s4+$0xFFFFFFE0 ss:$0x1], $0xffff  }
0x1d0: {  	v10 =	vld.idx.msk [tilespmem:v6+s4+$0xFFFFFFE0 ss:$0x1], $0xffff;
	_ =	sdelay $0x4  }
0x1d1: {  	v9 =	vmul.f32 v9, v7;
	v10 =	vmul.f32 v10, v8;
	_ =	sdelay $0x1  }
0x1d2: {  	v9 =	vadd.f32 v10, v9;
	_ =	sdelay $0x1  }
0x1d3: {  	[tilespmem:v5+s4+$0xFFFFFFE0 ss:$0x1] =	vst.idx.msk $0xffff, v9  }
0x1d4: {  	v9 =	vld.idx.msk [tilespmem:v5+s4+$0xFFFFFFF0 ss:$0x1], $0xffff  }
0x1d5: {  	v10 =	vld.idx.msk [tilespmem:v6+s4+$0xFFFFFFF0 ss:$0x1], $0xffff;
	_ =	sdelay $0x4  }
0x1d6: {  	s21 =	simm.s32 $0x2000;
	v9 =	vmul.f32 v9, v7;
	v10 =	vmul.f32 v10, v8  }
.LBB2_7:
0x1d7: {  	p0 =	sne.s32 s21, $0xE000;
	s5 =	smov.u32 s21;
	s21 =	sadd.s32 $0x2000, s21  }
0x1d8: {  	v9 =	vadd.f32 v10, v9;
	_ =	sdelay $0x1  }
0x1d9: {  	[tilespmem:v5+s4+$0xFFFFFFF0 ss:$0x1] =	vst.idx.msk $0xffff, v9  }
0x1da: {  	v9 =	vld.idx.msk [tilespmem:v5+s4+$0x0 ss:$0x1], $0xffff  }
0x1db: {  	v10 =	vld.idx.msk [tilespmem:v6+s4+$0x0 ss:$0x1], $0xffff;
	_ =	sdelay $0x4  }
0x1dc: {  	v9 =	vmul.f32 v9, v7  }
0x1dd: {  	v10 =	vmul.f32 v10, v8;
	_ =	sdelay $0x1  }
0x1de: {  	v9 =	vadd.f32 v10, v9  }
0x1df: {  	s5 =	sshra.s32 s5, $0x2  }
0x1e0: {  	v10 =	vld.idx.msk [tilespmem:v5+s5+$0xFFFFFB90 ss:$0x1], $0xffff;
	[tilespmem:v5+s4+$0x0 ss:$0x1] =	vst.idx.msk $0xffff, v9;
	s4 =	smov.u32 s5  }
0x1e1: {  	v9 =	vld.idx.msk [tilespmem:v6+s4+$0xFFFFFB90 ss:$0x1], $0xffff;
	_ =	sdelay $0x4  }
0x1e2: {  	v10 =	vmul.f32 v10, v7  }
0x1e3: {  	v9 =	vmul.f32 v9, v8;
	_ =	sdelay $0x1  }
0x1e4: {  	v9 =	vadd.f32 v9, v10;
	_ =	sdelay $0x1  }
0x1e5: {  	[tilespmem:v5+s4+$0xFFFFFB90 ss:$0x1] =	vst.idx.msk $0xffff, v9  }
0x1e6: {  	v9 =	vld.idx.msk [tilespmem:v5+s4+$0xFFFFFBA0 ss:$0x1], $0xffff  }
0x1e7: {  	v10 =	vld.idx.msk [tilespmem:v6+s4+$0xFFFFFBA0 ss:$0x1], $0xffff;
	_ =	sdelay $0x4  }
0x1e8: {  	v9 =	vmul.f32 v9, v7  }
0x1e9: {  	v10 =	vmul.f32 v10, v8;
	_ =	sdelay $0x1  }
0x1ea: {  	v9 =	vadd.f32 v10, v9;
	_ =	sdelay $0x1  }
0x1eb: {  	[tilespmem:v5+s4+$0xFFFFFBA0 ss:$0x1] =	vst.idx.msk $0xffff, v9  }
0x1ec: {  	v9 =	vld.idx.msk [tilespmem:v5+s4+$0xFFFFFBB0 ss:$0x1], $0xffff  }
0x1ed: {  	v10 =	vld.idx.msk [tilespmem:v6+s4+$0xFFFFFBB0 ss:$0x1], $0xffff;
	_ =	sdelay $0x4  }
0x1ee: {  	v9 =	vmul.f32 v9, v7  }
0x1ef: {  	v10 =	vmul.f32 v10, v8;
	_ =	sdelay $0x1  }
0x1f0: {  	v9 =	vadd.f32 v10, v9;
	_ =	sdelay $0x1  }
0x1f1: {  	[tilespmem:v5+s4+$0xFFFFFBB0 ss:$0x1] =	vst.idx.msk $0xffff, v9  }
0x1f2: {  	v9 =	vld.idx.msk [tilespmem:v5+s4+$0xFFFFFBC0 ss:$0x1], $0xffff  }
0x1f3: {  	v10 =	vld.idx.msk [tilespmem:v6+s4+$0xFFFFFBC0 ss:$0x1], $0xffff;
	_ =	sdelay $0x4  }
0x1f4: {  	v9 =	vmul.f32 v9, v7  }
0x1f5: {  	v10 =	vmul.f32 v10, v8;
	_ =	sdelay $0x1  }
0x1f6: {  	v9 =	vadd.f32 v10, v9;
	_ =	sdelay $0x1  }
0x1f7: {  	[tilespmem:v5+s4+$0xFFFFFBC0 ss:$0x1] =	vst.idx.msk $0xffff, v9  }
0x1f8: {  	v9 =	vld.idx.msk [tilespmem:v5+s4+$0xFFFFFBD0 ss:$0x1], $0xffff  }
0x1f9: {  	v10 =	vld.idx.msk [tilespmem:v6+s4+$0xFFFFFBD0 ss:$0x1], $0xffff;
	_ =	sdelay $0x4  }
0x1fa: {  	v9 =	vmul.f32 v9, v7  }
0x1fb: {  	v10 =	vmul.f32 v10, v8;
	_ =	sdelay $0x1  }
0x1fc: {  	v9 =	vadd.f32 v10, v9;
	_ =	sdelay $0x1  }
0x1fd: {  	[tilespmem:v5+s4+$0xFFFFFBD0 ss:$0x1] =	vst.idx.msk $0xffff, v9  }
0x1fe: {  	v9 =	vld.idx.msk [tilespmem:v5+s4+$0xFFFFFBE0 ss:$0x1], $0xffff  }
0x1ff: {  	v10 =	vld.idx.msk [tilespmem:v6+s4+$0xFFFFFBE0 ss:$0x1], $0xffff;
	_ =	sdelay $0x4  }
0x200: {  	v9 =	vmul.f32 v9, v7  }
0x201: {  	v10 =	vmul.f32 v10, v8;
	_ =	sdelay $0x1  }
0x202: {  	v9 =	vadd.f32 v10, v9;
	_ =	sdelay $0x1  }
0x203: {  	[tilespmem:v5+s4+$0xFFFFFBE0 ss:$0x1] =	vst.idx.msk $0xffff, v9  }
0x204: {  	v9 =	vld.idx.msk [tilespmem:v5+s4+$0xFFFFFBF0 ss:$0x1], $0xffff  }
0x205: {  	v10 =	vld.idx.msk [tilespmem:v6+s4+$0xFFFFFBF0 ss:$0x1], $0xffff;
	_ =	sdelay $0x4  }
0x206: {  	v9 =	vmul.f32 v9, v7  }
0x207: {  	v10 =	vmul.f32 v10, v8;
	_ =	sdelay $0x1  }
0x208: {  	v9 =	vadd.f32 v10, v9;
	_ =	sdelay $0x1  }
0x209: {  	[tilespmem:v5+s4+$0xFFFFFBF0 ss:$0x1] =	vst.idx.msk $0xffff, v9  }
0x20a: {  	v9 =	vld.idx.msk [tilespmem:v5+s4+$0xFFFFFC00 ss:$0x1], $0xffff  }
0x20b: {  	v10 =	vld.idx.msk [tilespmem:v6+s4+$0xFFFFFC00 ss:$0x1], $0xffff;
	_ =	sdelay $0x2  }
0x20c: {  	v11 =	vld.idx.msk [tilespmem:v5+s4+$0xFFFFFF90 ss:$0x1], $0xffff;
	_ =	sdelay $0x1  }
0x20d: {  	v9 =	vmul.f32 v9, v7  }
0x20e: {  	v10 =	vmul.f32 v10, v8;
	_ =	sdelay $0x1  }
0x20f: {  	v9 =	vadd.f32 v10, v9  }
0x210: {  	v10 =	vmul.f32 v11, v7  }
0x211: {  	[tilespmem:v5+s4+$0xFFFFFC00 ss:$0x1] =	vst.idx.msk $0xffff, v9  }
0x212: {  	v9 =	vld.idx.msk [tilespmem:v6+s4+$0xFFFFFF90 ss:$0x1], $0xffff;
	_ =	sdelay $0x5  }
0x213: {  	v9 =	vmul.f32 v9, v8;
	_ =	sdelay $0x1  }
0x214: {  	v9 =	vadd.f32 v9, v10;
	_ =	sdelay $0x1  }
0x215: {  	[tilespmem:v5+s4+$0xFFFFFF90 ss:$0x1] =	vst.idx.msk $0xffff, v9  }
0x216: {  	v9 =	vld.idx.msk [tilespmem:v5+s4+$0xFFFFFFA0 ss:$0x1], $0xffff  }
0x217: {  	v10 =	vld.idx.msk [tilespmem:v6+s4+$0xFFFFFFA0 ss:$0x1], $0xffff;
	_ =	sdelay $0x4  }
0x218: {  	v9 =	vmul.f32 v9, v7  }
0x219: {  	v10 =	vmul.f32 v10, v8;
	_ =	sdelay $0x1  }
0x21a: {  	v9 =	vadd.f32 v10, v9;
	_ =	sdelay $0x1  }
0x21b: {  	[tilespmem:v5+s4+$0xFFFFFFA0 ss:$0x1] =	vst.idx.msk $0xffff, v9  }
0x21c: {  	v9 =	vld.idx.msk [tilespmem:v5+s4+$0xFFFFFFB0 ss:$0x1], $0xffff  }
0x21d: {  	v10 =	vld.idx.msk [tilespmem:v6+s4+$0xFFFFFFB0 ss:$0x1], $0xffff;
	_ =	sdelay $0x4  }
0x21e: {  	v9 =	vmul.f32 v9, v7  }
0x21f: {  	v10 =	vmul.f32 v10, v8;
	_ =	sdelay $0x1  }
0x220: {  	v9 =	vadd.f32 v10, v9;
	_ =	sdelay $0x1  }
0x221: {  	[tilespmem:v5+s4+$0xFFFFFFB0 ss:$0x1] =	vst.idx.msk $0xffff, v9  }
0x222: {  	v9 =	vld.idx.msk [tilespmem:v5+s4+$0xFFFFFFC0 ss:$0x1], $0xffff  }
0x223: {  	v10 =	vld.idx.msk [tilespmem:v6+s4+$0xFFFFFFC0 ss:$0x1], $0xffff;
	_ =	sdelay $0x4  }
0x224: {  	v9 =	vmul.f32 v9, v7  }
0x225: {  	v10 =	vmul.f32 v10, v8;
	_ =	sdelay $0x1  }
0x226: {  	v9 =	vadd.f32 v10, v9;
	_ =	sdelay $0x1  }
0x227: {  	[tilespmem:v5+s4+$0xFFFFFFC0 ss:$0x1] =	vst.idx.msk $0xffff, v9  }
0x228: {  	v9 =	vld.idx.msk [tilespmem:v5+s4+$0xFFFFFFD0 ss:$0x1], $0xffff  }
0x229: {  	v10 =	vld.idx.msk [tilespmem:v6+s4+$0xFFFFFFD0 ss:$0x1], $0xffff;
	_ =	sdelay $0x4  }
0x22a: {  	v9 =	vmul.f32 v9, v7  }
0x22b: {  	v10 =	vmul.f32 v10, v8;
	_ =	sdelay $0x1  }
0x22c: {  	v9 =	vadd.f32 v10, v9;
	_ =	sdelay $0x1  }
0x22d: {  	[tilespmem:v5+s4+$0xFFFFFFD0 ss:$0x1] =	vst.idx.msk $0xffff, v9  }
0x22e: {  	v9 =	vld.idx.msk [tilespmem:v5+s4+$0xFFFFFFE0 ss:$0x1], $0xffff  }
0x22f: {  	v10 =	vld.idx.msk [tilespmem:v6+s4+$0xFFFFFFE0 ss:$0x1], $0xffff;
	_ =	sdelay $0x4  }
0x230: {  	v9 =	vmul.f32 v9, v7  }
0x231: {  	v10 =	vmul.f32 v10, v8;
	_ =	sdelay $0x1  }
0x232: {  	v9 =	vadd.f32 v10, v9;
	_ =	sdelay $0x1  }
0x233: {  	[tilespmem:v5+s4+$0xFFFFFFE0 ss:$0x1] =	vst.idx.msk $0xffff, v9  }
0x234: {  	v9 =	vld.idx.msk [tilespmem:v5+s4+$0xFFFFFFF0 ss:$0x1], $0xffff  }
0x235: {  	v10 =	vld.idx.msk [tilespmem:v6+s4+$0xFFFFFFF0 ss:$0x1], $0xffff;
	_ =	sdelay $0x1  }
.Ltmp2:
0x236: {  	(pc) =	sbr.rel @p0 .LBB2_7-.Ltmp2, $3  }
0x237: {  	_ =	sdelay $0x1  }
0x238: {  	v9 =	vmul.f32 v9, v7  }
0x239: {  	v10 =	vmul.f32 v10, v8  }
0x23a: {  	_ =	sdelay $0x1  }
0x23b: {  	v9 =	vadd.f32 v10, v9;
	_ =	sdelay $0x1  }
0x23c: {  	[tilespmem:v5+s4+$0xFFFFFFF0 ss:$0x1] =	vst.idx.msk $0xffff, v9  }
0x23d: {  	v9 =	vld.idx.msk [tilespmem:v5+s4+$0x0 ss:$0x1], $0xffff  }
0x23e: {  	v6 =	vld.idx.msk [tilespmem:v6+s4+$0x0 ss:$0x1], $0xffff;
	_ =	sdelay $0x2  }
0x23f: {  	s1 =	sadd.s32 $0x1, s1  }
0x240: {  	p0 =	sne.s32 s1, $0x10  }
.Ltmp3:
0x241: {  	v7 =	vmul.f32 v9, v7;
	v6 =	vmul.f32 v6, v8;
	(pc) =	sbr.rel @p0 .LBB2_6-.Ltmp3, $3  }
0x242: {  	_ = 	snop  }
0x243: {  	v6 =	vadd.f32 v6, v7;
	_ =	sdelay $0x1  }
0x244: {  	s0 =	sadd.s32 $0x800, s0;
	s31 =	sadd.s32 $0x1, s31;
	[tilespmem:v5+s4+$0x0 ss:$0x1] =	vst.idx.msk $0xffff, v6  }
0x245: {  	s31 =	simm.s32 $0x0;
	s0 =	rddreg [dreg:$0x8]  }
0x246: {  	[hbm4b:s0+s31] =	stream.linear.scatter [tilespmem:s19], [sflag:$0x4], $0x8000, $0x38;
	[tilespmem:$0x18200] =	vst v63  }
0x247: {  	_ =	swait.ge [sflag:s13], $0x8000  }
0x248: {  	[sflag:s13] =	ssyncset.done $0x0  }
0x249: {  	[sflag:s13] =	ssyncadd.s32 $0xFFFF8000  }
0x24a: {  	v3 =	vld [tilespmem:$0x20];
	_ =	sdelay $0x4  }
0x24b: {  	v4 =	vshll.u32 v3, $0x4  }
0x24c: {  	v3 =	vand.u32 $0x7, v3;
	v4 =	vand.u32 $0xFFFFFF80, v4  }
0x24d: {  	v3 =	vor.u32 v3, v4  }
0x24e: {  	v4 =	vperm.xlane v3, v0;
	_ =	sdelay $0x1  }
0x24f: {  	v4 =	vadd.s32 v1, v4;
	_ =	sdelay $0x3  }
0x250: {  	s4 =	simm.s32 $0x200  }
0x251: {  	v5 =	vld [tilespmem:$0xA0];
	[tilespmem:s4], [sflag:$0x1] =	stream.indirect_vreg.gather [hbm4b:s3+s31], $0x80, v4, vm0, $0xb8  }
0x252: {  	s5 =	simm.s32 $0xA00  }
0x253: {  	[tilespmem:s5], [sflag:$0x1] =	stream.indirect_vreg.gather [hbm4b:s7+s31], $0x80, v4, vm0, $0xb8;
	[tilespmem:$0x18200] =	vst v63  }
0x254: {  	s21 =	simm.s32 $0x1200  }
0x255: {  	[tilespmem:s21], [sflag:$0x1] =	stream.indirect_vreg.gather [hbm4b:s8+s31], $0x80, v4, vm0, $0xb8;
	[tilespmem:$0x18200] =	vst v63  }
0x256: {  	s1 =	simm.s32 $0x1A00  }
0x257: {  	[tilespmem:s1], [sflag:$0x1] =	stream.indirect_vreg.gather [hbm4b:s9+s31], $0x80, v4, vm0, $0xb8;
	[tilespmem:$0x18200] =	vst v63  }
0x258: {  	s4 =	simm.s32 $0x2200  }
0x259: {  	[tilespmem:s4], [sflag:$0x1] =	stream.indirect_vreg.gather [hbm4b:s10+s31], $0x80, v4, vm0, $0xb8;
	[tilespmem:$0x18200] =	vst v63  }
0x25a: {  	v3 =	vperm.xlane v3, v2;
	s5 =	simm.s32 $0x2A00  }
0x25b: {  	[tilespmem:s5], [sflag:$0x1] =	stream.indirect_vreg.gather [hbm4b:s11+s31], $0x80, v4, vm0, $0xb8;
	[tilespmem:$0x18200] =	vst v63  }
0x25c: {  	v3 =	vadd.s32 v1, v3;
	s21 =	simm.s32 $0x3200  }
0x25d: {  	[tilespmem:s21], [sflag:$0x1] =	stream.indirect_vreg.gather [hbm4b:s12+s31], $0x80, v4, vm0, $0xb8;
	[tilespmem:$0x18200] =	vst v63  }
0x25e: {  	s1 =	simm.s32 $0x3A00  }
0x25f: {  	[tilespmem:s1], [sflag:$0x1] =	stream.indirect_vreg.gather [hbm4b:s15+s31], $0x80, v4, vm0, $0xb8;
	[tilespmem:$0x18200] =	vst v63  }
0x260: {  	s4 =	simm.s32 $0x4200  }
0x261: {  	[tilespmem:s4], [sflag:$0x1] =	stream.indirect_vreg.gather [hbm4b:s3+s31], $0x80, v3, vm0, $0xb8;
	[tilespmem:$0x18200] =	vst v63  }
0x262: {  	s5 =	simm.s32 $0x4A00  }
0x263: {  	[tilespmem:s5], [sflag:$0x1] =	stream.indirect_vreg.gather [hbm4b:s7+s31], $0x80, v3, vm0, $0xb8;
	[tilespmem:$0x18200] =	vst v63  }
0x264: {  	s21 =	simm.s32 $0x5200  }
0x265: {  	[tilespmem:s21], [sflag:$0x1] =	stream.indirect_vreg.gather [hbm4b:s8+s31], $0x80, v3, vm0, $0xb8;
	[tilespmem:$0x18200] =	vst v63  }
0x266: {  	s1 =	simm.s32 $0x5A00  }
0x267: {  	v4 =	vshll.u32 v5, $0x4;
	[tilespmem:s1], [sflag:$0x1] =	stream.indirect_vreg.gather [hbm4b:s9+s31], $0x80, v3, vm0, $0xb8;
	[tilespmem:$0x18200] =	vst v63  }
0x268: {  	v5 =	vand.u32 $0x7, v5;
	v4 =	vand.u32 $0xFFFFFF80, v4;
	s4 =	simm.s32 $0x6200  }
0x269: {  	v4 =	vor.u32 v5, v4;
	[tilespmem:s4], [sflag:$0x1] =	stream.indirect_vreg.gather [hbm4b:s10+s31], $0x80, v3, vm0, $0xb8;
	[tilespmem:$0x18200] =	vst v63  }
0x26a: {  	v5 =	vperm.xlane v4, v0;
	s5 =	simm.s32 $0x6A00  }
0x26b: {  	[tilespmem:s5], [sflag:$0x1] =	stream.indirect_vreg.gather [hbm4b:s11+s31], $0x80, v3, vm0, $0xb8;
	[tilespmem:$0x18200] =	vst v63  }
0x26c: {  	v5 =	vadd.s32 v1, v5;
	s21 =	simm.s32 $0x7200  }
0x26d: {  	[tilespmem:s21], [sflag:$0x1] =	stream.indirect_vreg.gather [hbm4b:s12+s31], $0x80, v3, vm0, $0xb8;
	[tilespmem:$0x18200] =	vst v63  }
0x26e: {  	s1 =	simm.s32 $0x7A00  }
0x26f: {  	[tilespmem:s1], [sflag:$0x1] =	stream.indirect_vreg.gather [hbm4b:s15+s31], $0x80, v3, vm0, $0xb8;
	[tilespmem:$0x18200] =	vst v63  }
0x270: {  	s4 =	simm.s32 $0x8200  }
0x271: {  	[tilespmem:s4], [sflag:$0x2] =	stream.indirect_vreg.gather [hbm4b:s3+s31], $0x80, v5, vm0, $0xb8;
	[tilespmem:$0x18200] =	vst v63  }
0x272: {  	s5 =	simm.s32 $0x8A00  }
0x273: {  	[tilespmem:s5], [sflag:$0x2] =	stream.indirect_vreg.gather [hbm4b:s7+s31], $0x80, v5, vm0, $0xb8;
	[tilespmem:$0x18200] =	vst v63  }
0x274: {  	s21 =	simm.s32 $0x9200  }
0x275: {  	[tilespmem:s21], [sflag:$0x2] =	stream.indirect_vreg.gather [hbm4b:s8+s31], $0x80, v5, vm0, $0xb8;
	[tilespmem:$0x18200] =	vst v63  }
0x276: {  	s1 =	simm.s32 $0x9A00  }
0x277: {  	[tilespmem:s1], [sflag:$0x2] =	stream.indirect_vreg.gather [hbm4b:s9+s31], $0x80, v5, vm0, $0xb8;
	[tilespmem:$0x18200] =	vst v63  }
0x278: {  	s4 =	simm.s32 $0xA200  }
0x279: {  	[tilespmem:s4], [sflag:$0x2] =	stream.indirect_vreg.gather [hbm4b:s10+s31], $0x80, v5, vm0, $0xb8;
	[tilespmem:$0x18200] =	vst v63  }
0x27a: {  	v3 =	vperm.xlane v4, v2;
	s5 =	simm.s32 $0xAA00  }
0x27b: {  	[tilespmem:s5], [sflag:$0x2] =	stream.indirect_vreg.gather [hbm4b:s11+s31], $0x80, v5, vm0, $0xb8;
	[tilespmem:$0x18200] =	vst v63  }
0x27c: {  	v3 =	vadd.s32 v1, v3;
	s21 =	simm.s32 $0xB200  }
0x27d: {  	[tilespmem:s21], [sflag:$0x2] =	stream.indirect_vreg.gather [hbm4b:s12+s31], $0x80, v5, vm0, $0xb8;
	[tilespmem:$0x18200] =	vst v63  }
0x27e: {  	_ = 	snop  }
0x27f: {  	[tilespmem:s22], [sflag:$0x2] =	stream.indirect_vreg.gather [hbm4b:s15+s31], $0x80, v5, vm0, $0xb8;
	[tilespmem:$0x18200] =	vst v63  }
0x280: {  	_ = 	snop  }
0x281: {  	[tilespmem:s6], [sflag:$0x2] =	stream.indirect_vreg.gather [hbm4b:s3+s31], $0x80, v3, vm0, $0xb8;
	[tilespmem:$0x18200] =	vst v63  }
0x282: {  	_ = 	snop  }
0x283: {  	[tilespmem:s23], [sflag:$0x2] =	stream.indirect_vreg.gather [hbm4b:s7+s31], $0x80, v3, vm0, $0xb8;
	[tilespmem:$0x18200] =	vst v63  }
0x284: {  	_ = 	snop  }
0x285: {  	[tilespmem:s25], [sflag:$0x2] =	stream.indirect_vreg.gather [hbm4b:s8+s31], $0x80, v3, vm0, $0xb8;
	[tilespmem:$0x18200] =	vst v63  }
0x286: {  	_ = 	snop  }
0x287: {  	[tilespmem:s26], [sflag:$0x2] =	stream.indirect_vreg.gather [hbm4b:s9+s31], $0x80, v3, vm0, $0xb8;
	[tilespmem:$0x18200] =	vst v63  }
0x288: {  	_ = 	snop  }
0x289: {  	[tilespmem:s28], [sflag:$0x2] =	stream.indirect_vreg.gather [hbm4b:s10+s31], $0x80, v3, vm0, $0xb8;
	[tilespmem:$0x18200] =	vst v63  }
0x28a: {  	_ = 	snop  }
0x28b: {  	[tilespmem:s29], [sflag:$0x2] =	stream.indirect_vreg.gather [hbm4b:s11+s31], $0x80, v3, vm0, $0xb8;
	[tilespmem:$0x18200] =	vst v63  }
0x28c: {  	_ = 	snop  }
0x28d: {  	[tilespmem:s14], [sflag:$0x2] =	stream.indirect_vreg.gather [hbm4b:s12+s31], $0x80, v3, vm0, $0xb8;
	[tilespmem:$0x18200] =	vst v63  }
0x28e: {  	_ = 	snop  }
0x28f: {  	[tilespmem:s16], [sflag:$0x2] =	stream.indirect_vreg.gather [hbm4b:s15+s31], $0x80, v3, vm0, $0xb8;
	[tilespmem:$0x18200] =	vst v63  }
0x290: {  	_ =	swait.ge [sflag:s17], $0x8000  }
0x291: {  	[sflag:s17] =	ssyncset.done $0x0  }
0x292: {  	[sflag:s17] =	ssyncadd.s32 $0xFFFF8000  }
0x293: {  	_ =	swait.ge [sflag:s18], $0x8000  }
0x294: {  	[sflag:s18] =	ssyncset.done $0x0  }
0x295: {  	[sflag:s18] =	ssyncadd.s32 $0xFFFF8000  }
0x296: {  	v3 =	vld [tilespmem:$0x120]  }
0x297: {  	s0 =	simm.s32 $0x0;
	s1 =	simm.s32 $0x0;
	v4 =	vld [tilespmem:$0x1A0]  }
.LBB2_10:
0x298: {  	s4 =	sshll.u32 s0, $0x2;
	s5 =	sand.u32 $0x7, s31  }
0x299: {  	s4 =	sand.u32 $0xFFFF0000, s4;
	s5 =	sshll.u32 s5, $0x9  }
0x29a: {  	s4 =	sor.u32 s5, s4  }
0x29b: {  	s4 =	sshrl.u32 s4, $0x2  }
0x29c: {  	s21 =	sadd.s32 $0x670, s4  }
0x29d: {  	s4 =	sadd.s32 $0x8670, s4;
	v5 =	vmov s21  }
0x29e: {  	v6 =	vmov s4;
	_ =	sdelay $0x2  }
0x29f: {  	s4 =	simm.s32 $0x0  }
0x2a0: {  	v9 =	vld.idx.msk [tilespmem:v5+s4+$0xFFFFFB90 ss:$0x1], $0xffff  }
0x2a1: {  	v10 =	vld.idx.msk [tilespmem:v6+s4+$0xFFFFFB90 ss:$0x1], $0xffff;
	_ =	sdelay $0x1  }
0x2a2: {  	v8 =	vmov s1  }
0x2a3: {  	v7 =	vperm.xlane v3, v8;
	v8 =	vperm.xlane v4, v8;
	_ =	sdelay $0x1  }
0x2a4: {  	v9 =	vmul.f32 v9, v7;
	v10 =	vmul.f32 v10, v8;
	_ =	sdelay $0x1  }
0x2a5: {  	v9 =	vadd.f32 v10, v9;
	_ =	sdelay $0x1  }
0x2a6: {  	[tilespmem:v5+s4+$0xFFFFFB90 ss:$0x1] =	vst.idx.msk $0xffff, v9  }
0x2a7: {  	v9 =	vld.idx.msk [tilespmem:v5+s4+$0xFFFFFBA0 ss:$0x1], $0xffff  }
0x2a8: {  	v10 =	vld.idx.msk [tilespmem:v6+s4+$0xFFFFFBA0 ss:$0x1], $0xffff;
	_ =	sdelay $0x4  }
0x2a9: {  	v9 =	vmul.f32 v9, v7;
	v10 =	vmul.f32 v10, v8;
	_ =	sdelay $0x1  }
0x2aa: {  	v9 =	vadd.f32 v10, v9;
	_ =	sdelay $0x1  }
0x2ab: {  	[tilespmem:v5+s4+$0xFFFFFBA0 ss:$0x1] =	vst.idx.msk $0xffff, v9  }
0x2ac: {  	v9 =	vld.idx.msk [tilespmem:v5+s4+$0xFFFFFBB0 ss:$0x1], $0xffff  }
0x2ad: {  	v10 =	vld.idx.msk [tilespmem:v6+s4+$0xFFFFFBB0 ss:$0x1], $0xffff;
	_ =	sdelay $0x4  }
0x2ae: {  	v9 =	vmul.f32 v9, v7;
	v10 =	vmul.f32 v10, v8;
	_ =	sdelay $0x1  }
0x2af: {  	v9 =	vadd.f32 v10, v9;
	_ =	sdelay $0x1  }
0x2b0: {  	[tilespmem:v5+s4+$0xFFFFFBB0 ss:$0x1] =	vst.idx.msk $0xffff, v9  }
0x2b1: {  	v9 =	vld.idx.msk [tilespmem:v5+s4+$0xFFFFFBC0 ss:$0x1], $0xffff  }
0x2b2: {  	v10 =	vld.idx.msk [tilespmem:v6+s4+$0xFFFFFBC0 ss:$0x1], $0xffff;
	_ =	sdelay $0x4  }
0x2b3: {  	v9 =	vmul.f32 v9, v7;
	v10 =	vmul.f32 v10, v8;
	_ =	sdelay $0x1  }
0x2b4: {  	v9 =	vadd.f32 v10, v9;
	_ =	sdelay $0x1  }
0x2b5: {  	[tilespmem:v5+s4+$0xFFFFFBC0 ss:$0x1] =	vst.idx.msk $0xffff, v9  }
0x2b6: {  	v9 =	vld.idx.msk [tilespmem:v5+s4+$0xFFFFFBD0 ss:$0x1], $0xffff  }
0x2b7: {  	v10 =	vld.idx.msk [tilespmem:v6+s4+$0xFFFFFBD0 ss:$0x1], $0xffff;
	_ =	sdelay $0x4  }
0x2b8: {  	v9 =	vmul.f32 v9, v7;
	v10 =	vmul.f32 v10, v8;
	_ =	sdelay $0x1  }
0x2b9: {  	v9 =	vadd.f32 v10, v9;
	_ =	sdelay $0x1  }
0x2ba: {  	[tilespmem:v5+s4+$0xFFFFFBD0 ss:$0x1] =	vst.idx.msk $0xffff, v9  }
0x2bb: {  	v9 =	vld.idx.msk [tilespmem:v5+s4+$0xFFFFFBE0 ss:$0x1], $0xffff  }
0x2bc: {  	v10 =	vld.idx.msk [tilespmem:v6+s4+$0xFFFFFBE0 ss:$0x1], $0xffff;
	_ =	sdelay $0x4  }
0x2bd: {  	v9 =	vmul.f32 v9, v7;
	v10 =	vmul.f32 v10, v8;
	_ =	sdelay $0x1  }
0x2be: {  	v9 =	vadd.f32 v10, v9;
	_ =	sdelay $0x1  }
0x2bf: {  	[tilespmem:v5+s4+$0xFFFFFBE0 ss:$0x1] =	vst.idx.msk $0xffff, v9  }
0x2c0: {  	v9 =	vld.idx.msk [tilespmem:v5+s4+$0xFFFFFBF0 ss:$0x1], $0xffff  }
0x2c1: {  	v10 =	vld.idx.msk [tilespmem:v6+s4+$0xFFFFFBF0 ss:$0x1], $0xffff;
	_ =	sdelay $0x4  }
0x2c2: {  	v9 =	vmul.f32 v9, v7;
	v10 =	vmul.f32 v10, v8;
	_ =	sdelay $0x1  }
0x2c3: {  	v9 =	vadd.f32 v10, v9;
	_ =	sdelay $0x1  }
0x2c4: {  	[tilespmem:v5+s4+$0xFFFFFBF0 ss:$0x1] =	vst.idx.msk $0xffff, v9  }
0x2c5: {  	v9 =	vld.idx.msk [tilespmem:v5+s4+$0xFFFFFC00 ss:$0x1], $0xffff  }
0x2c6: {  	v10 =	vld.idx.msk [tilespmem:v6+s4+$0xFFFFFC00 ss:$0x1], $0xffff;
	_ =	sdelay $0x4  }
0x2c7: {  	v9 =	vmul.f32 v9, v7;
	v10 =	vmul.f32 v10, v8;
	_ =	sdelay $0x1  }
0x2c8: {  	v9 =	vadd.f32 v10, v9;
	_ =	sdelay $0x1  }
0x2c9: {  	v10 =	vld.idx.msk [tilespmem:v5+s4+$0xFFFFFF90 ss:$0x1], $0xffff;
	[tilespmem:v5+s4+$0xFFFFFC00 ss:$0x1] =	vst.idx.msk $0xffff, v9  }
0x2ca: {  	v9 =	vld.idx.msk [tilespmem:v6+s4+$0xFFFFFF90 ss:$0x1], $0xffff;
	_ =	sdelay $0x4  }
0x2cb: {  	v10 =	vmul.f32 v10, v7;
	v9 =	vmul.f32 v9, v8;
	_ =	sdelay $0x1  }
0x2cc: {  	v9 =	vadd.f32 v9, v10;
	_ =	sdelay $0x1  }
0x2cd: {  	[tilespmem:v5+s4+$0xFFFFFF90 ss:$0x1] =	vst.idx.msk $0xffff, v9  }
0x2ce: {  	v9 =	vld.idx.msk [tilespmem:v5+s4+$0xFFFFFFA0 ss:$0x1], $0xffff  }
0x2cf: {  	v10 =	vld.idx.msk [tilespmem:v6+s4+$0xFFFFFFA0 ss:$0x1], $0xffff;
	_ =	sdelay $0x4  }
0x2d0: {  	v9 =	vmul.f32 v9, v7;
	v10 =	vmul.f32 v10, v8;
	_ =	sdelay $0x1  }
0x2d1: {  	v9 =	vadd.f32 v10, v9;
	_ =	sdelay $0x1  }
0x2d2: {  	[tilespmem:v5+s4+$0xFFFFFFA0 ss:$0x1] =	vst.idx.msk $0xffff, v9  }
0x2d3: {  	v9 =	vld.idx.msk [tilespmem:v5+s4+$0xFFFFFFB0 ss:$0x1], $0xffff  }
0x2d4: {  	v10 =	vld.idx.msk [tilespmem:v6+s4+$0xFFFFFFB0 ss:$0x1], $0xffff;
	_ =	sdelay $0x4  }
0x2d5: {  	v9 =	vmul.f32 v9, v7;
	v10 =	vmul.f32 v10, v8;
	_ =	sdelay $0x1  }
0x2d6: {  	v9 =	vadd.f32 v10, v9;
	_ =	sdelay $0x1  }
0x2d7: {  	[tilespmem:v5+s4+$0xFFFFFFB0 ss:$0x1] =	vst.idx.msk $0xffff, v9  }
0x2d8: {  	v9 =	vld.idx.msk [tilespmem:v5+s4+$0xFFFFFFC0 ss:$0x1], $0xffff  }
0x2d9: {  	v10 =	vld.idx.msk [tilespmem:v6+s4+$0xFFFFFFC0 ss:$0x1], $0xffff;
	_ =	sdelay $0x4  }
0x2da: {  	v9 =	vmul.f32 v9, v7;
	v10 =	vmul.f32 v10, v8;
	_ =	sdelay $0x1  }
0x2db: {  	v9 =	vadd.f32 v10, v9;
	_ =	sdelay $0x1  }
0x2dc: {  	[tilespmem:v5+s4+$0xFFFFFFC0 ss:$0x1] =	vst.idx.msk $0xffff, v9  }
0x2dd: {  	v9 =	vld.idx.msk [tilespmem:v5+s4+$0xFFFFFFD0 ss:$0x1], $0xffff  }
0x2de: {  	v10 =	vld.idx.msk [tilespmem:v6+s4+$0xFFFFFFD0 ss:$0x1], $0xffff;
	_ =	sdelay $0x4  }
0x2df: {  	v9 =	vmul.f32 v9, v7;
	v10 =	vmul.f32 v10, v8;
	_ =	sdelay $0x1  }
0x2e0: {  	v9 =	vadd.f32 v10, v9;
	_ =	sdelay $0x1  }
0x2e1: {  	[tilespmem:v5+s4+$0xFFFFFFD0 ss:$0x1] =	vst.idx.msk $0xffff, v9  }
0x2e2: {  	v9 =	vld.idx.msk [tilespmem:v5+s4+$0xFFFFFFE0 ss:$0x1], $0xffff  }
0x2e3: {  	v10 =	vld.idx.msk [tilespmem:v6+s4+$0xFFFFFFE0 ss:$0x1], $0xffff;
	_ =	sdelay $0x4  }
0x2e4: {  	v9 =	vmul.f32 v9, v7;
	v10 =	vmul.f32 v10, v8;
	_ =	sdelay $0x1  }
0x2e5: {  	v9 =	vadd.f32 v10, v9;
	_ =	sdelay $0x1  }
0x2e6: {  	[tilespmem:v5+s4+$0xFFFFFFE0 ss:$0x1] =	vst.idx.msk $0xffff, v9  }
0x2e7: {  	v9 =	vld.idx.msk [tilespmem:v5+s4+$0xFFFFFFF0 ss:$0x1], $0xffff  }
0x2e8: {  	v10 =	vld.idx.msk [tilespmem:v6+s4+$0xFFFFFFF0 ss:$0x1], $0xffff;
	_ =	sdelay $0x4  }
0x2e9: {  	s21 =	simm.s32 $0x2000;
	v9 =	vmul.f32 v9, v7;
	v10 =	vmul.f32 v10, v8  }
.LBB2_11:
0x2ea: {  	p0 =	sne.s32 s21, $0xE000;
	s5 =	smov.u32 s21;
	s21 =	sadd.s32 $0x2000, s21  }
0x2eb: {  	v9 =	vadd.f32 v10, v9;
	_ =	sdelay $0x1  }
0x2ec: {  	[tilespmem:v5+s4+$0xFFFFFFF0 ss:$0x1] =	vst.idx.msk $0xffff, v9  }
0x2ed: {  	v9 =	vld.idx.msk [tilespmem:v5+s4+$0x0 ss:$0x1], $0xffff  }
0x2ee: {  	v10 =	vld.idx.msk [tilespmem:v6+s4+$0x0 ss:$0x1], $0xffff;
	_ =	sdelay $0x4  }
0x2ef: {  	v9 =	vmul.f32 v9, v7  }
0x2f0: {  	v10 =	vmul.f32 v10, v8;
	_ =	sdelay $0x1  }
0x2f1: {  	v9 =	vadd.f32 v10, v9  }
0x2f2: {  	s5 =	sshra.s32 s5, $0x2  }
0x2f3: {  	v10 =	vld.idx.msk [tilespmem:v5+s5+$0xFFFFFB90 ss:$0x1], $0xffff;
	[tilespmem:v5+s4+$0x0 ss:$0x1] =	vst.idx.msk $0xffff, v9;
	s4 =	smov.u32 s5  }
0x2f4: {  	v9 =	vld.idx.msk [tilespmem:v6+s4+$0xFFFFFB90 ss:$0x1], $0xffff;
	_ =	sdelay $0x4  }
0x2f5: {  	v10 =	vmul.f32 v10, v7  }
0x2f6: {  	v9 =	vmul.f32 v9, v8;
	_ =	sdelay $0x1  }
0x2f7: {  	v9 =	vadd.f32 v9, v10;
	_ =	sdelay $0x1  }
0x2f8: {  	[tilespmem:v5+s4+$0xFFFFFB90 ss:$0x1] =	vst.idx.msk $0xffff, v9  }
0x2f9: {  	v9 =	vld.idx.msk [tilespmem:v5+s4+$0xFFFFFBA0 ss:$0x1], $0xffff  }
0x2fa: {  	v10 =	vld.idx.msk [tilespmem:v6+s4+$0xFFFFFBA0 ss:$0x1], $0xffff;
	_ =	sdelay $0x4  }
0x2fb: {  	v9 =	vmul.f32 v9, v7  }
0x2fc: {  	v10 =	vmul.f32 v10, v8;
	_ =	sdelay $0x1  }
0x2fd: {  	v9 =	vadd.f32 v10, v9;
	_ =	sdelay $0x1  }
0x2fe: {  	[tilespmem:v5+s4+$0xFFFFFBA0 ss:$0x1] =	vst.idx.msk $0xffff, v9  }
0x2ff: {  	v9 =	vld.idx.msk [tilespmem:v5+s4+$0xFFFFFBB0 ss:$0x1], $0xffff  }
0x300: {  	v10 =	vld.idx.msk [tilespmem:v6+s4+$0xFFFFFBB0 ss:$0x1], $0xffff;
	_ =	sdelay $0x4  }
0x301: {  	v9 =	vmul.f32 v9, v7  }
0x302: {  	v10 =	vmul.f32 v10, v8;
	_ =	sdelay $0x1  }
0x303: {  	v9 =	vadd.f32 v10, v9;
	_ =	sdelay $0x1  }
0x304: {  	[tilespmem:v5+s4+$0xFFFFFBB0 ss:$0x1] =	vst.idx.msk $0xffff, v9  }
0x305: {  	v9 =	vld.idx.msk [tilespmem:v5+s4+$0xFFFFFBC0 ss:$0x1], $0xffff  }
0x306: {  	v10 =	vld.idx.msk [tilespmem:v6+s4+$0xFFFFFBC0 ss:$0x1], $0xffff;
	_ =	sdelay $0x4  }
0x307: {  	v9 =	vmul.f32 v9, v7  }
0x308: {  	v10 =	vmul.f32 v10, v8;
	_ =	sdelay $0x1  }
0x309: {  	v9 =	vadd.f32 v10, v9;
	_ =	sdelay $0x1  }
0x30a: {  	[tilespmem:v5+s4+$0xFFFFFBC0 ss:$0x1] =	vst.idx.msk $0xffff, v9  }
0x30b: {  	v9 =	vld.idx.msk [tilespmem:v5+s4+$0xFFFFFBD0 ss:$0x1], $0xffff  }
0x30c: {  	v10 =	vld.idx.msk [tilespmem:v6+s4+$0xFFFFFBD0 ss:$0x1], $0xffff;
	_ =	sdelay $0x4  }
0x30d: {  	v9 =	vmul.f32 v9, v7  }
0x30e: {  	v10 =	vmul.f32 v10, v8;
	_ =	sdelay $0x1  }
0x30f: {  	v9 =	vadd.f32 v10, v9;
	_ =	sdelay $0x1  }
0x310: {  	[tilespmem:v5+s4+$0xFFFFFBD0 ss:$0x1] =	vst.idx.msk $0xffff, v9  }
0x311: {  	v9 =	vld.idx.msk [tilespmem:v5+s4+$0xFFFFFBE0 ss:$0x1], $0xffff  }
0x312: {  	v10 =	vld.idx.msk [tilespmem:v6+s4+$0xFFFFFBE0 ss:$0x1], $0xffff;
	_ =	sdelay $0x4  }
0x313: {  	v9 =	vmul.f32 v9, v7  }
0x314: {  	v10 =	vmul.f32 v10, v8;
	_ =	sdelay $0x1  }
0x315: {  	v9 =	vadd.f32 v10, v9;
	_ =	sdelay $0x1  }
0x316: {  	[tilespmem:v5+s4+$0xFFFFFBE0 ss:$0x1] =	vst.idx.msk $0xffff, v9  }
0x317: {  	v9 =	vld.idx.msk [tilespmem:v5+s4+$0xFFFFFBF0 ss:$0x1], $0xffff  }
0x318: {  	v10 =	vld.idx.msk [tilespmem:v6+s4+$0xFFFFFBF0 ss:$0x1], $0xffff;
	_ =	sdelay $0x4  }
0x319: {  	v9 =	vmul.f32 v9, v7  }
0x31a: {  	v10 =	vmul.f32 v10, v8;
	_ =	sdelay $0x1  }
0x31b: {  	v9 =	vadd.f32 v10, v9;
	_ =	sdelay $0x1  }
0x31c: {  	[tilespmem:v5+s4+$0xFFFFFBF0 ss:$0x1] =	vst.idx.msk $0xffff, v9  }
0x31d: {  	v9 =	vld.idx.msk [tilespmem:v5+s4+$0xFFFFFC00 ss:$0x1], $0xffff  }
0x31e: {  	v10 =	vld.idx.msk [tilespmem:v6+s4+$0xFFFFFC00 ss:$0x1], $0xffff;
	_ =	sdelay $0x2  }
0x31f: {  	v11 =	vld.idx.msk [tilespmem:v5+s4+$0xFFFFFF90 ss:$0x1], $0xffff;
	_ =	sdelay $0x1  }
0x320: {  	v9 =	vmul.f32 v9, v7  }
0x321: {  	v10 =	vmul.f32 v10, v8;
	_ =	sdelay $0x1  }
0x322: {  	v9 =	vadd.f32 v10, v9  }
0x323: {  	v10 =	vmul.f32 v11, v7  }
0x324: {  	[tilespmem:v5+s4+$0xFFFFFC00 ss:$0x1] =	vst.idx.msk $0xffff, v9  }
0x325: {  	v9 =	vld.idx.msk [tilespmem:v6+s4+$0xFFFFFF90 ss:$0x1], $0xffff;
	_ =	sdelay $0x5  }
0x326: {  	v9 =	vmul.f32 v9, v8;
	_ =	sdelay $0x1  }
0x327: {  	v9 =	vadd.f32 v9, v10;
	_ =	sdelay $0x1  }
0x328: {  	[tilespmem:v5+s4+$0xFFFFFF90 ss:$0x1] =	vst.idx.msk $0xffff, v9  }
0x329: {  	v9 =	vld.idx.msk [tilespmem:v5+s4+$0xFFFFFFA0 ss:$0x1], $0xffff  }
0x32a: {  	v10 =	vld.idx.msk [tilespmem:v6+s4+$0xFFFFFFA0 ss:$0x1], $0xffff;
	_ =	sdelay $0x4  }
0x32b: {  	v9 =	vmul.f32 v9, v7  }
0x32c: {  	v10 =	vmul.f32 v10, v8;
	_ =	sdelay $0x1  }
0x32d: {  	v9 =	vadd.f32 v10, v9;
	_ =	sdelay $0x1  }
0x32e: {  	[tilespmem:v5+s4+$0xFFFFFFA0 ss:$0x1] =	vst.idx.msk $0xffff, v9  }
0x32f: {  	v9 =	vld.idx.msk [tilespmem:v5+s4+$0xFFFFFFB0 ss:$0x1], $0xffff  }
0x330: {  	v10 =	vld.idx.msk [tilespmem:v6+s4+$0xFFFFFFB0 ss:$0x1], $0xffff;
	_ =	sdelay $0x4  }
0x331: {  	v9 =	vmul.f32 v9, v7  }
0x332: {  	v10 =	vmul.f32 v10, v8;
	_ =	sdelay $0x1  }
0x333: {  	v9 =	vadd.f32 v10, v9;
	_ =	sdelay $0x1  }
0x334: {  	[tilespmem:v5+s4+$0xFFFFFFB0 ss:$0x1] =	vst.idx.msk $0xffff, v9  }
0x335: {  	v9 =	vld.idx.msk [tilespmem:v5+s4+$0xFFFFFFC0 ss:$0x1], $0xffff  }
0x336: {  	v10 =	vld.idx.msk [tilespmem:v6+s4+$0xFFFFFFC0 ss:$0x1], $0xffff;
	_ =	sdelay $0x4  }
0x337: {  	v9 =	vmul.f32 v9, v7  }
0x338: {  	v10 =	vmul.f32 v10, v8;
	_ =	sdelay $0x1  }
0x339: {  	v9 =	vadd.f32 v10, v9;
	_ =	sdelay $0x1  }
0x33a: {  	[tilespmem:v5+s4+$0xFFFFFFC0 ss:$0x1] =	vst.idx.msk $0xffff, v9  }
0x33b: {  	v9 =	vld.idx.msk [tilespmem:v5+s4+$0xFFFFFFD0 ss:$0x1], $0xffff  }
0x33c: {  	v10 =	vld.idx.msk [tilespmem:v6+s4+$0xFFFFFFD0 ss:$0x1], $0xffff;
	_ =	sdelay $0x4  }
0x33d: {  	v9 =	vmul.f32 v9, v7  }
0x33e: {  	v10 =	vmul.f32 v10, v8;
	_ =	sdelay $0x1  }
0x33f: {  	v9 =	vadd.f32 v10, v9;
	_ =	sdelay $0x1  }
0x340: {  	[tilespmem:v5+s4+$0xFFFFFFD0 ss:$0x1] =	vst.idx.msk $0xffff, v9  }
0x341: {  	v9 =	vld.idx.msk [tilespmem:v5+s4+$0xFFFFFFE0 ss:$0x1], $0xffff  }
0x342: {  	v10 =	vld.idx.msk [tilespmem:v6+s4+$0xFFFFFFE0 ss:$0x1], $0xffff;
	_ =	sdelay $0x4  }
0x343: {  	v9 =	vmul.f32 v9, v7  }
0x344: {  	v10 =	vmul.f32 v10, v8;
	_ =	sdelay $0x1  }
0x345: {  	v9 =	vadd.f32 v10, v9;
	_ =	sdelay $0x1  }
0x346: {  	[tilespmem:v5+s4+$0xFFFFFFE0 ss:$0x1] =	vst.idx.msk $0xffff, v9  }
0x347: {  	v9 =	vld.idx.msk [tilespmem:v5+s4+$0xFFFFFFF0 ss:$0x1], $0xffff  }
0x348: {  	v10 =	vld.idx.msk [tilespmem:v6+s4+$0xFFFFFFF0 ss:$0x1], $0xffff;
	_ =	sdelay $0x1  }
.Ltmp4:
0x349: {  	(pc) =	sbr.rel @p0 .LBB2_11-.Ltmp4, $3  }
0x34a: {  	_ =	sdelay $0x1  }
0x34b: {  	v9 =	vmul.f32 v9, v7  }
0x34c: {  	v10 =	vmul.f32 v10, v8  }
0x34d: {  	_ =	sdelay $0x1  }
0x34e: {  	v9 =	vadd.f32 v10, v9;
	_ =	sdelay $0x1  }
0x34f: {  	[tilespmem:v5+s4+$0xFFFFFFF0 ss:$0x1] =	vst.idx.msk $0xffff, v9  }
0x350: {  	v9 =	vld.idx.msk [tilespmem:v5+s4+$0x0 ss:$0x1], $0xffff  }
0x351: {  	v6 =	vld.idx.msk [tilespmem:v6+s4+$0x0 ss:$0x1], $0xffff;
	_ =	sdelay $0x2  }
0x352: {  	s1 =	sadd.s32 $0x1, s1  }
0x353: {  	p0 =	sne.s32 s1, $0x10  }
.Ltmp5:
0x354: {  	v7 =	vmul.f32 v9, v7;
	v6 =	vmul.f32 v6, v8;
	(pc) =	sbr.rel @p0 .LBB2_10-.Ltmp5, $3  }
0x355: {  	_ = 	snop  }
0x356: {  	v6 =	vadd.f32 v6, v7;
	_ =	sdelay $0x1  }
0x357: {  	s0 =	sadd.s32 $0x800, s0;
	s31 =	sadd.s32 $0x1, s31;
	[tilespmem:v5+s4+$0x0 ss:$0x1] =	vst.idx.msk $0xffff, v6  }
0x358: {  	s31 =	simm.s32 $0x0;
	s0 =	rddreg [dreg:$0x9];
	s1 =	simm.s32 $0x200  }
0x359: {  	[hbm4b:s0+s31] =	stream.linear.scatter [tilespmem:s1], [sflag:$0x3], $0x8000, $0x38;
	[tilespmem:$0x18200] =	vst v63  }
0x35a: {  	_ =	swait.ge [sflag:s24], $0x8000  }
0x35b: {  	[sflag:s24] =	ssyncset.done $0x0  }
0x35c: {  	[sflag:s24] =	ssyncadd.s32 $0xFFFF8000  }
0x35d: {  	v3 =	vld [tilespmem:$0x30];
	_ =	sdelay $0x4  }
0x35e: {  	v4 =	vshll.u32 v3, $0x4  }
0x35f: {  	v3 =	vand.u32 $0x7, v3;
	v4 =	vand.u32 $0xFFFFFF80, v4  }
0x360: {  	v3 =	vor.u32 v3, v4  }
0x361: {  	v4 =	vperm.xlane v3, v0;
	_ =	sdelay $0x1  }
0x362: {  	v4 =	vadd.s32 v1, v4;
	_ =	sdelay $0x4  }
0x363: {  	v5 =	vld [tilespmem:$0xB0];
	[tilespmem:s19], [sflag:$0x1] =	stream.indirect_vreg.gather [hbm4b:s3+s31], $0x80, v4, vm0, $0xb8  }
0x364: {  	s5 =	simm.s32 $0x10A00  }
0x365: {  	[tilespmem:s5], [sflag:$0x1] =	stream.indirect_vreg.gather [hbm4b:s7+s31], $0x80, v4, vm0, $0xb8;
	[tilespmem:$0x18200] =	vst v63  }
0x366: {  	s21 =	simm.s32 $0x11200  }
0x367: {  	[tilespmem:s21], [sflag:$0x1] =	stream.indirect_vreg.gather [hbm4b:s8+s31], $0x80, v4, vm0, $0xb8;
	[tilespmem:$0x18200] =	vst v63  }
0x368: {  	s1 =	simm.s32 $0x11A00  }
0x369: {  	[tilespmem:s1], [sflag:$0x1] =	stream.indirect_vreg.gather [hbm4b:s9+s31], $0x80, v4, vm0, $0xb8;
	[tilespmem:$0x18200] =	vst v63  }
0x36a: {  	s4 =	simm.s32 $0x12200  }
0x36b: {  	[tilespmem:s4], [sflag:$0x1] =	stream.indirect_vreg.gather [hbm4b:s10+s31], $0x80, v4, vm0, $0xb8;
	[tilespmem:$0x18200] =	vst v63  }
0x36c: {  	v3 =	vperm.xlane v3, v2;
	s5 =	simm.s32 $0x12A00  }
0x36d: {  	[tilespmem:s5], [sflag:$0x1] =	stream.indirect_vreg.gather [hbm4b:s11+s31], $0x80, v4, vm0, $0xb8;
	[tilespmem:$0x18200] =	vst v63  }
0x36e: {  	v3 =	vadd.s32 v1, v3;
	s21 =	simm.s32 $0x13200  }
0x36f: {  	[tilespmem:s21], [sflag:$0x1] =	stream.indirect_vreg.gather [hbm4b:s12+s31], $0x80, v4, vm0, $0xb8;
	[tilespmem:$0x18200] =	vst v63  }
0x370: {  	s1 =	simm.s32 $0x13A00  }
0x371: {  	[tilespmem:s1], [sflag:$0x1] =	stream.indirect_vreg.gather [hbm4b:s15+s31], $0x80, v4, vm0, $0xb8;
	[tilespmem:$0x18200] =	vst v63  }
0x372: {  	s4 =	simm.s32 $0x14200  }
0x373: {  	[tilespmem:s4], [sflag:$0x1] =	stream.indirect_vreg.gather [hbm4b:s3+s31], $0x80, v3, vm0, $0xb8;
	[tilespmem:$0x18200] =	vst v63  }
0x374: {  	s5 =	simm.s32 $0x14A00  }
0x375: {  	[tilespmem:s5], [sflag:$0x1] =	stream.indirect_vreg.gather [hbm4b:s7+s31], $0x80, v3, vm0, $0xb8;
	[tilespmem:$0x18200] =	vst v63  }
0x376: {  	s21 =	simm.s32 $0x15200  }
0x377: {  	[tilespmem:s21], [sflag:$0x1] =	stream.indirect_vreg.gather [hbm4b:s8+s31], $0x80, v3, vm0, $0xb8;
	[tilespmem:$0x18200] =	vst v63  }
0x378: {  	s1 =	simm.s32 $0x15A00  }
0x379: {  	v4 =	vshll.u32 v5, $0x4;
	[tilespmem:s1], [sflag:$0x1] =	stream.indirect_vreg.gather [hbm4b:s9+s31], $0x80, v3, vm0, $0xb8;
	[tilespmem:$0x18200] =	vst v63  }
0x37a: {  	v5 =	vand.u32 $0x7, v5;
	v4 =	vand.u32 $0xFFFFFF80, v4;
	s4 =	simm.s32 $0x16200  }
0x37b: {  	v4 =	vor.u32 v5, v4;
	[tilespmem:s4], [sflag:$0x1] =	stream.indirect_vreg.gather [hbm4b:s10+s31], $0x80, v3, vm0, $0xb8;
	[tilespmem:$0x18200] =	vst v63  }
0x37c: {  	v5 =	vperm.xlane v4, v0;
	s5 =	simm.s32 $0x16A00  }
0x37d: {  	[tilespmem:s5], [sflag:$0x1] =	stream.indirect_vreg.gather [hbm4b:s11+s31], $0x80, v3, vm0, $0xb8;
	[tilespmem:$0x18200] =	vst v63  }
0x37e: {  	v5 =	vadd.s32 v1, v5;
	s21 =	simm.s32 $0x17200  }
0x37f: {  	[tilespmem:s21], [sflag:$0x1] =	stream.indirect_vreg.gather [hbm4b:s12+s31], $0x80, v3, vm0, $0xb8;
	[tilespmem:$0x18200] =	vst v63  }
0x380: {  	s1 =	simm.s32 $0x17A00  }
0x381: {  	[tilespmem:s1], [sflag:$0x1] =	stream.indirect_vreg.gather [hbm4b:s15+s31], $0x80, v3, vm0, $0xb8;
	[tilespmem:$0x18200] =	vst v63  }
0x382: {  	s4 =	simm.s32 $0x8200  }
0x383: {  	[tilespmem:s4], [sflag:$0x2] =	stream.indirect_vreg.gather [hbm4b:s3+s31], $0x80, v5, vm0, $0xb8;
	[tilespmem:$0x18200] =	vst v63  }
0x384: {  	s5 =	simm.s32 $0x8A00  }
0x385: {  	[tilespmem:s5], [sflag:$0x2] =	stream.indirect_vreg.gather [hbm4b:s7+s31], $0x80, v5, vm0, $0xb8;
	[tilespmem:$0x18200] =	vst v63  }
0x386: {  	s21 =	simm.s32 $0x9200  }
0x387: {  	[tilespmem:s21], [sflag:$0x2] =	stream.indirect_vreg.gather [hbm4b:s8+s31], $0x80, v5, vm0, $0xb8;
	[tilespmem:$0x18200] =	vst v63  }
0x388: {  	s1 =	simm.s32 $0x9A00  }
0x389: {  	[tilespmem:s1], [sflag:$0x2] =	stream.indirect_vreg.gather [hbm4b:s9+s31], $0x80, v5, vm0, $0xb8;
	[tilespmem:$0x18200] =	vst v63  }
0x38a: {  	s4 =	simm.s32 $0xA200  }
0x38b: {  	[tilespmem:s4], [sflag:$0x2] =	stream.indirect_vreg.gather [hbm4b:s10+s31], $0x80, v5, vm0, $0xb8;
	[tilespmem:$0x18200] =	vst v63  }
0x38c: {  	v3 =	vperm.xlane v4, v2;
	s5 =	simm.s32 $0xAA00  }
0x38d: {  	[tilespmem:s5], [sflag:$0x2] =	stream.indirect_vreg.gather [hbm4b:s11+s31], $0x80, v5, vm0, $0xb8;
	[tilespmem:$0x18200] =	vst v63  }
0x38e: {  	v3 =	vadd.s32 v1, v3;
	s21 =	simm.s32 $0xB200  }
0x38f: {  	[tilespmem:s21], [sflag:$0x2] =	stream.indirect_vreg.gather [hbm4b:s12+s31], $0x80, v5, vm0, $0xb8;
	[tilespmem:$0x18200] =	vst v63  }
0x390: {  	_ = 	snop  }
0x391: {  	[tilespmem:s22], [sflag:$0x2] =	stream.indirect_vreg.gather [hbm4b:s15+s31], $0x80, v5, vm0, $0xb8;
	[tilespmem:$0x18200] =	vst v63  }
0x392: {  	_ = 	snop  }
0x393: {  	[tilespmem:s6], [sflag:$0x2] =	stream.indirect_vreg.gather [hbm4b:s3+s31], $0x80, v3, vm0, $0xb8;
	[tilespmem:$0x18200] =	vst v63  }
0x394: {  	_ = 	snop  }
0x395: {  	[tilespmem:s23], [sflag:$0x2] =	stream.indirect_vreg.gather [hbm4b:s7+s31], $0x80, v3, vm0, $0xb8;
	[tilespmem:$0x18200] =	vst v63  }
0x396: {  	_ = 	snop  }
0x397: {  	[tilespmem:s25], [sflag:$0x2] =	stream.indirect_vreg.gather [hbm4b:s8+s31], $0x80, v3, vm0, $0xb8;
	[tilespmem:$0x18200] =	vst v63  }
0x398: {  	_ = 	snop  }
0x399: {  	[tilespmem:s26], [sflag:$0x2] =	stream.indirect_vreg.gather [hbm4b:s9+s31], $0x80, v3, vm0, $0xb8;
	[tilespmem:$0x18200] =	vst v63  }
0x39a: {  	_ = 	snop  }
0x39b: {  	[tilespmem:s28], [sflag:$0x2] =	stream.indirect_vreg.gather [hbm4b:s10+s31], $0x80, v3, vm0, $0xb8;
	[tilespmem:$0x18200] =	vst v63  }
0x39c: {  	_ = 	snop  }
0x39d: {  	[tilespmem:s29], [sflag:$0x2] =	stream.indirect_vreg.gather [hbm4b:s11+s31], $0x80, v3, vm0, $0xb8;
	[tilespmem:$0x18200] =	vst v63  }
0x39e: {  	_ = 	snop  }
0x39f: {  	[tilespmem:s14], [sflag:$0x2] =	stream.indirect_vreg.gather [hbm4b:s12+s31], $0x80, v3, vm0, $0xb8;
	[tilespmem:$0x18200] =	vst v63  }
0x3a0: {  	_ = 	snop  }
0x3a1: {  	[tilespmem:s16], [sflag:$0x2] =	stream.indirect_vreg.gather [hbm4b:s15+s31], $0x80, v3, vm0, $0xb8;
	[tilespmem:$0x18200] =	vst v63  }
0x3a2: {  	_ =	swait.ge [sflag:s17], $0x8000  }
0x3a3: {  	[sflag:s17] =	ssyncset.done $0x0  }
0x3a4: {  	[sflag:s17] =	ssyncadd.s32 $0xFFFF8000  }
0x3a5: {  	_ =	swait.ge [sflag:s18], $0x8000  }
0x3a6: {  	[sflag:s18] =	ssyncset.done $0x0  }
0x3a7: {  	[sflag:s18] =	ssyncadd.s32 $0xFFFF8000  }
0x3a8: {  	v3 =	vld [tilespmem:$0x130]  }
0x3a9: {  	s0 =	simm.s32 $0x0;
	s1 =	simm.s32 $0x0;
	v4 =	vld [tilespmem:$0x1B0]  }
.LBB2_14:
0x3aa: {  	s4 =	sshll.u32 s0, $0x2;
	s5 =	sand.u32 $0x7, s31  }
0x3ab: {  	s4 =	sand.u32 $0xFFFF0000, s4;
	s5 =	sshll.u32 s5, $0x9  }
0x3ac: {  	s4 =	sor.u32 s5, s4  }
0x3ad: {  	s4 =	sshrl.u32 s4, $0x2  }
0x3ae: {  	s21 =	sadd.s32 $0x10670, s4  }
0x3af: {  	s4 =	sadd.s32 $0x8670, s4;
	v5 =	vmov s21  }
0x3b0: {  	v6 =	vmov s4;
	_ =	sdelay $0x2  }
0x3b1: {  	s4 =	simm.s32 $0x0  }
0x3b2: {  	v9 =	vld.idx.msk [tilespmem:v5+s4+$0xFFFFFB90 ss:$0x1], $0xffff  }
0x3b3: {  	v10 =	vld.idx.msk [tilespmem:v6+s4+$0xFFFFFB90 ss:$0x1], $0xffff;
	_ =	sdelay $0x1  }
0x3b4: {  	v8 =	vmov s1  }
0x3b5: {  	v7 =	vperm.xlane v3, v8;
	v8 =	vperm.xlane v4, v8;
	_ =	sdelay $0x1  }
0x3b6: {  	v9 =	vmul.f32 v9, v7;
	v10 =	vmul.f32 v10, v8;
	_ =	sdelay $0x1  }
0x3b7: {  	v9 =	vadd.f32 v10, v9;
	_ =	sdelay $0x1  }
0x3b8: {  	[tilespmem:v5+s4+$0xFFFFFB90 ss:$0x1] =	vst.idx.msk $0xffff, v9  }
0x3b9: {  	v9 =	vld.idx.msk [tilespmem:v5+s4+$0xFFFFFBA0 ss:$0x1], $0xffff  }
0x3ba: {  	v10 =	vld.idx.msk [tilespmem:v6+s4+$0xFFFFFBA0 ss:$0x1], $0xffff;
	_ =	sdelay $0x4  }
0x3bb: {  	v9 =	vmul.f32 v9, v7;
	v10 =	vmul.f32 v10, v8;
	_ =	sdelay $0x1  }
0x3bc: {  	v9 =	vadd.f32 v10, v9;
	_ =	sdelay $0x1  }
0x3bd: {  	[tilespmem:v5+s4+$0xFFFFFBA0 ss:$0x1] =	vst.idx.msk $0xffff, v9  }
0x3be: {  	v9 =	vld.idx.msk [tilespmem:v5+s4+$0xFFFFFBB0 ss:$0x1], $0xffff  }
0x3bf: {  	v10 =	vld.idx.msk [tilespmem:v6+s4+$0xFFFFFBB0 ss:$0x1], $0xffff;
	_ =	sdelay $0x4  }
0x3c0: {  	v9 =	vmul.f32 v9, v7;
	v10 =	vmul.f32 v10, v8;
	_ =	sdelay $0x1  }
0x3c1: {  	v9 =	vadd.f32 v10, v9;
	_ =	sdelay $0x1  }
0x3c2: {  	[tilespmem:v5+s4+$0xFFFFFBB0 ss:$0x1] =	vst.idx.msk $0xffff, v9  }
0x3c3: {  	v9 =	vld.idx.msk [tilespmem:v5+s4+$0xFFFFFBC0 ss:$0x1], $0xffff  }
0x3c4: {  	v10 =	vld.idx.msk [tilespmem:v6+s4+$0xFFFFFBC0 ss:$0x1], $0xffff;
	_ =	sdelay $0x4  }
0x3c5: {  	v9 =	vmul.f32 v9, v7;
	v10 =	vmul.f32 v10, v8;
	_ =	sdelay $0x1  }
0x3c6: {  	v9 =	vadd.f32 v10, v9;
	_ =	sdelay $0x1  }
0x3c7: {  	[tilespmem:v5+s4+$0xFFFFFBC0 ss:$0x1] =	vst.idx.msk $0xffff, v9  }
0x3c8: {  	v9 =	vld.idx.msk [tilespmem:v5+s4+$0xFFFFFBD0 ss:$0x1], $0xffff  }
0x3c9: {  	v10 =	vld.idx.msk [tilespmem:v6+s4+$0xFFFFFBD0 ss:$0x1], $0xffff;
	_ =	sdelay $0x4  }
0x3ca: {  	v9 =	vmul.f32 v9, v7;
	v10 =	vmul.f32 v10, v8;
	_ =	sdelay $0x1  }
0x3cb: {  	v9 =	vadd.f32 v10, v9;
	_ =	sdelay $0x1  }
0x3cc: {  	[tilespmem:v5+s4+$0xFFFFFBD0 ss:$0x1] =	vst.idx.msk $0xffff, v9  }
0x3cd: {  	v9 =	vld.idx.msk [tilespmem:v5+s4+$0xFFFFFBE0 ss:$0x1], $0xffff  }
0x3ce: {  	v10 =	vld.idx.msk [tilespmem:v6+s4+$0xFFFFFBE0 ss:$0x1], $0xffff;
	_ =	sdelay $0x4  }
0x3cf: {  	v9 =	vmul.f32 v9, v7;
	v10 =	vmul.f32 v10, v8;
	_ =	sdelay $0x1  }
0x3d0: {  	v9 =	vadd.f32 v10, v9;
	_ =	sdelay $0x1  }
0x3d1: {  	[tilespmem:v5+s4+$0xFFFFFBE0 ss:$0x1] =	vst.idx.msk $0xffff, v9  }
0x3d2: {  	v9 =	vld.idx.msk [tilespmem:v5+s4+$0xFFFFFBF0 ss:$0x1], $0xffff  }
0x3d3: {  	v10 =	vld.idx.msk [tilespmem:v6+s4+$0xFFFFFBF0 ss:$0x1], $0xffff;
	_ =	sdelay $0x4  }
0x3d4: {  	v9 =	vmul.f32 v9, v7;
	v10 =	vmul.f32 v10, v8;
	_ =	sdelay $0x1  }
0x3d5: {  	v9 =	vadd.f32 v10, v9;
	_ =	sdelay $0x1  }
0x3d6: {  	[tilespmem:v5+s4+$0xFFFFFBF0 ss:$0x1] =	vst.idx.msk $0xffff, v9  }
0x3d7: {  	v9 =	vld.idx.msk [tilespmem:v5+s4+$0xFFFFFC00 ss:$0x1], $0xffff  }
0x3d8: {  	v10 =	vld.idx.msk [tilespmem:v6+s4+$0xFFFFFC00 ss:$0x1], $0xffff;
	_ =	sdelay $0x4  }
0x3d9: {  	v9 =	vmul.f32 v9, v7;
	v10 =	vmul.f32 v10, v8;
	_ =	sdelay $0x1  }
0x3da: {  	v9 =	vadd.f32 v10, v9;
	_ =	sdelay $0x1  }
0x3db: {  	v10 =	vld.idx.msk [tilespmem:v5+s4+$0xFFFFFF90 ss:$0x1], $0xffff;
	[tilespmem:v5+s4+$0xFFFFFC00 ss:$0x1] =	vst.idx.msk $0xffff, v9  }
0x3dc: {  	v9 =	vld.idx.msk [tilespmem:v6+s4+$0xFFFFFF90 ss:$0x1], $0xffff;
	_ =	sdelay $0x4  }
0x3dd: {  	v10 =	vmul.f32 v10, v7;
	v9 =	vmul.f32 v9, v8;
	_ =	sdelay $0x1  }
0x3de: {  	v9 =	vadd.f32 v9, v10;
	_ =	sdelay $0x1  }
0x3df: {  	[tilespmem:v5+s4+$0xFFFFFF90 ss:$0x1] =	vst.idx.msk $0xffff, v9  }
0x3e0: {  	v9 =	vld.idx.msk [tilespmem:v5+s4+$0xFFFFFFA0 ss:$0x1], $0xffff  }
0x3e1: {  	v10 =	vld.idx.msk [tilespmem:v6+s4+$0xFFFFFFA0 ss:$0x1], $0xffff;
	_ =	sdelay $0x4  }
0x3e2: {  	v9 =	vmul.f32 v9, v7;
	v10 =	vmul.f32 v10, v8;
	_ =	sdelay $0x1  }
0x3e3: {  	v9 =	vadd.f32 v10, v9;
	_ =	sdelay $0x1  }
0x3e4: {  	[tilespmem:v5+s4+$0xFFFFFFA0 ss:$0x1] =	vst.idx.msk $0xffff, v9  }
0x3e5: {  	v9 =	vld.idx.msk [tilespmem:v5+s4+$0xFFFFFFB0 ss:$0x1], $0xffff  }
0x3e6: {  	v10 =	vld.idx.msk [tilespmem:v6+s4+$0xFFFFFFB0 ss:$0x1], $0xffff;
	_ =	sdelay $0x4  }
0x3e7: {  	v9 =	vmul.f32 v9, v7;
	v10 =	vmul.f32 v10, v8;
	_ =	sdelay $0x1  }
0x3e8: {  	v9 =	vadd.f32 v10, v9;
	_ =	sdelay $0x1  }
0x3e9: {  	[tilespmem:v5+s4+$0xFFFFFFB0 ss:$0x1] =	vst.idx.msk $0xffff, v9  }
0x3ea: {  	v9 =	vld.idx.msk [tilespmem:v5+s4+$0xFFFFFFC0 ss:$0x1], $0xffff  }
0x3eb: {  	v10 =	vld.idx.msk [tilespmem:v6+s4+$0xFFFFFFC0 ss:$0x1], $0xffff;
	_ =	sdelay $0x4  }
0x3ec: {  	v9 =	vmul.f32 v9, v7;
	v10 =	vmul.f32 v10, v8;
	_ =	sdelay $0x1  }
0x3ed: {  	v9 =	vadd.f32 v10, v9;
	_ =	sdelay $0x1  }
0x3ee: {  	[tilespmem:v5+s4+$0xFFFFFFC0 ss:$0x1] =	vst.idx.msk $0xffff, v9  }
0x3ef: {  	v9 =	vld.idx.msk [tilespmem:v5+s4+$0xFFFFFFD0 ss:$0x1], $0xffff  }
0x3f0: {  	v10 =	vld.idx.msk [tilespmem:v6+s4+$0xFFFFFFD0 ss:$0x1], $0xffff;
	_ =	sdelay $0x4  }
0x3f1: {  	v9 =	vmul.f32 v9, v7;
	v10 =	vmul.f32 v10, v8;
	_ =	sdelay $0x1  }
0x3f2: {  	v9 =	vadd.f32 v10, v9;
	_ =	sdelay $0x1  }
0x3f3: {  	[tilespmem:v5+s4+$0xFFFFFFD0 ss:$0x1] =	vst.idx.msk $0xffff, v9  }
0x3f4: {  	v9 =	vld.idx.msk [tilespmem:v5+s4+$0xFFFFFFE0 ss:$0x1], $0xffff  }
0x3f5: {  	v10 =	vld.idx.msk [tilespmem:v6+s4+$0xFFFFFFE0 ss:$0x1], $0xffff;
	_ =	sdelay $0x4  }
0x3f6: {  	v9 =	vmul.f32 v9, v7;
	v10 =	vmul.f32 v10, v8;
	_ =	sdelay $0x1  }
0x3f7: {  	v9 =	vadd.f32 v10, v9;
	_ =	sdelay $0x1  }
0x3f8: {  	[tilespmem:v5+s4+$0xFFFFFFE0 ss:$0x1] =	vst.idx.msk $0xffff, v9  }
0x3f9: {  	v9 =	vld.idx.msk [tilespmem:v5+s4+$0xFFFFFFF0 ss:$0x1], $0xffff  }
0x3fa: {  	v10 =	vld.idx.msk [tilespmem:v6+s4+$0xFFFFFFF0 ss:$0x1], $0xffff;
	_ =	sdelay $0x4  }
0x3fb: {  	s21 =	simm.s32 $0x2000;
	v9 =	vmul.f32 v9, v7;
	v10 =	vmul.f32 v10, v8  }
.LBB2_15:
0x3fc: {  	p0 =	sne.s32 s21, $0xE000;
	s5 =	smov.u32 s21;
	s21 =	sadd.s32 $0x2000, s21  }
0x3fd: {  	v9 =	vadd.f32 v10, v9;
	_ =	sdelay $0x1  }
0x3fe: {  	[tilespmem:v5+s4+$0xFFFFFFF0 ss:$0x1] =	vst.idx.msk $0xffff, v9  }
0x3ff: {  	v9 =	vld.idx.msk [tilespmem:v5+s4+$0x0 ss:$0x1], $0xffff  }
0x400: {  	v10 =	vld.idx.msk [tilespmem:v6+s4+$0x0 ss:$0x1], $0xffff;
	_ =	sdelay $0x4  }
0x401: {  	v9 =	vmul.f32 v9, v7  }
0x402: {  	v10 =	vmul.f32 v10, v8;
	_ =	sdelay $0x1  }
0x403: {  	v9 =	vadd.f32 v10, v9  }
0x404: {  	s5 =	sshra.s32 s5, $0x2  }
0x405: {  	v10 =	vld.idx.msk [tilespmem:v5+s5+$0xFFFFFB90 ss:$0x1], $0xffff;
	[tilespmem:v5+s4+$0x0 ss:$0x1] =	vst.idx.msk $0xffff, v9;
	s4 =	smov.u32 s5  }
0x406: {  	v9 =	vld.idx.msk [tilespmem:v6+s4+$0xFFFFFB90 ss:$0x1], $0xffff;
	_ =	sdelay $0x4  }
0x407: {  	v10 =	vmul.f32 v10, v7  }
0x408: {  	v9 =	vmul.f32 v9, v8;
	_ =	sdelay $0x1  }
0x409: {  	v9 =	vadd.f32 v9, v10;
	_ =	sdelay $0x1  }
0x40a: {  	[tilespmem:v5+s4+$0xFFFFFB90 ss:$0x1] =	vst.idx.msk $0xffff, v9  }
0x40b: {  	v9 =	vld.idx.msk [tilespmem:v5+s4+$0xFFFFFBA0 ss:$0x1], $0xffff  }
0x40c: {  	v10 =	vld.idx.msk [tilespmem:v6+s4+$0xFFFFFBA0 ss:$0x1], $0xffff;
	_ =	sdelay $0x4  }
0x40d: {  	v9 =	vmul.f32 v9, v7  }
0x40e: {  	v10 =	vmul.f32 v10, v8;
	_ =	sdelay $0x1  }
0x40f: {  	v9 =	vadd.f32 v10, v9;
	_ =	sdelay $0x1  }
0x410: {  	[tilespmem:v5+s4+$0xFFFFFBA0 ss:$0x1] =	vst.idx.msk $0xffff, v9  }
0x411: {  	v9 =	vld.idx.msk [tilespmem:v5+s4+$0xFFFFFBB0 ss:$0x1], $0xffff  }
0x412: {  	v10 =	vld.idx.msk [tilespmem:v6+s4+$0xFFFFFBB0 ss:$0x1], $0xffff;
	_ =	sdelay $0x4  }
0x413: {  	v9 =	vmul.f32 v9, v7  }
0x414: {  	v10 =	vmul.f32 v10, v8;
	_ =	sdelay $0x1  }
0x415: {  	v9 =	vadd.f32 v10, v9;
	_ =	sdelay $0x1  }
0x416: {  	[tilespmem:v5+s4+$0xFFFFFBB0 ss:$0x1] =	vst.idx.msk $0xffff, v9  }
0x417: {  	v9 =	vld.idx.msk [tilespmem:v5+s4+$0xFFFFFBC0 ss:$0x1], $0xffff  }
0x418: {  	v10 =	vld.idx.msk [tilespmem:v6+s4+$0xFFFFFBC0 ss:$0x1], $0xffff;
	_ =	sdelay $0x4  }
0x419: {  	v9 =	vmul.f32 v9, v7  }
0x41a: {  	v10 =	vmul.f32 v10, v8;
	_ =	sdelay $0x1  }
0x41b: {  	v9 =	vadd.f32 v10, v9;
	_ =	sdelay $0x1  }
0x41c: {  	[tilespmem:v5+s4+$0xFFFFFBC0 ss:$0x1] =	vst.idx.msk $0xffff, v9  }
0x41d: {  	v9 =	vld.idx.msk [tilespmem:v5+s4+$0xFFFFFBD0 ss:$0x1], $0xffff  }
0x41e: {  	v10 =	vld.idx.msk [tilespmem:v6+s4+$0xFFFFFBD0 ss:$0x1], $0xffff;
	_ =	sdelay $0x4  }
0x41f: {  	v9 =	vmul.f32 v9, v7  }
0x420: {  	v10 =	vmul.f32 v10, v8;
	_ =	sdelay $0x1  }
0x421: {  	v9 =	vadd.f32 v10, v9;
	_ =	sdelay $0x1  }
0x422: {  	[tilespmem:v5+s4+$0xFFFFFBD0 ss:$0x1] =	vst.idx.msk $0xffff, v9  }
0x423: {  	v9 =	vld.idx.msk [tilespmem:v5+s4+$0xFFFFFBE0 ss:$0x1], $0xffff  }
0x424: {  	v10 =	vld.idx.msk [tilespmem:v6+s4+$0xFFFFFBE0 ss:$0x1], $0xffff;
	_ =	sdelay $0x4  }
0x425: {  	v9 =	vmul.f32 v9, v7  }
0x426: {  	v10 =	vmul.f32 v10, v8;
	_ =	sdelay $0x1  }
0x427: {  	v9 =	vadd.f32 v10, v9;
	_ =	sdelay $0x1  }
0x428: {  	[tilespmem:v5+s4+$0xFFFFFBE0 ss:$0x1] =	vst.idx.msk $0xffff, v9  }
0x429: {  	v9 =	vld.idx.msk [tilespmem:v5+s4+$0xFFFFFBF0 ss:$0x1], $0xffff  }
0x42a: {  	v10 =	vld.idx.msk [tilespmem:v6+s4+$0xFFFFFBF0 ss:$0x1], $0xffff;
	_ =	sdelay $0x4  }
0x42b: {  	v9 =	vmul.f32 v9, v7  }
0x42c: {  	v10 =	vmul.f32 v10, v8;
	_ =	sdelay $0x1  }
0x42d: {  	v9 =	vadd.f32 v10, v9;
	_ =	sdelay $0x1  }
0x42e: {  	[tilespmem:v5+s4+$0xFFFFFBF0 ss:$0x1] =	vst.idx.msk $0xffff, v9  }
0x42f: {  	v9 =	vld.idx.msk [tilespmem:v5+s4+$0xFFFFFC00 ss:$0x1], $0xffff  }
0x430: {  	v10 =	vld.idx.msk [tilespmem:v6+s4+$0xFFFFFC00 ss:$0x1], $0xffff;
	_ =	sdelay $0x2  }
0x431: {  	v11 =	vld.idx.msk [tilespmem:v5+s4+$0xFFFFFF90 ss:$0x1], $0xffff;
	_ =	sdelay $0x1  }
0x432: {  	v9 =	vmul.f32 v9, v7  }
0x433: {  	v10 =	vmul.f32 v10, v8;
	_ =	sdelay $0x1  }
0x434: {  	v9 =	vadd.f32 v10, v9  }
0x435: {  	v10 =	vmul.f32 v11, v7  }
0x436: {  	[tilespmem:v5+s4+$0xFFFFFC00 ss:$0x1] =	vst.idx.msk $0xffff, v9  }
0x437: {  	v9 =	vld.idx.msk [tilespmem:v6+s4+$0xFFFFFF90 ss:$0x1], $0xffff;
	_ =	sdelay $0x5  }
0x438: {  	v9 =	vmul.f32 v9, v8;
	_ =	sdelay $0x1  }
0x439: {  	v9 =	vadd.f32 v9, v10;
	_ =	sdelay $0x1  }
0x43a: {  	[tilespmem:v5+s4+$0xFFFFFF90 ss:$0x1] =	vst.idx.msk $0xffff, v9  }
0x43b: {  	v9 =	vld.idx.msk [tilespmem:v5+s4+$0xFFFFFFA0 ss:$0x1], $0xffff  }
0x43c: {  	v10 =	vld.idx.msk [tilespmem:v6+s4+$0xFFFFFFA0 ss:$0x1], $0xffff;
	_ =	sdelay $0x4  }
0x43d: {  	v9 =	vmul.f32 v9, v7  }
0x43e: {  	v10 =	vmul.f32 v10, v8;
	_ =	sdelay $0x1  }
0x43f: {  	v9 =	vadd.f32 v10, v9;
	_ =	sdelay $0x1  }
0x440: {  	[tilespmem:v5+s4+$0xFFFFFFA0 ss:$0x1] =	vst.idx.msk $0xffff, v9  }
0x441: {  	v9 =	vld.idx.msk [tilespmem:v5+s4+$0xFFFFFFB0 ss:$0x1], $0xffff  }
0x442: {  	v10 =	vld.idx.msk [tilespmem:v6+s4+$0xFFFFFFB0 ss:$0x1], $0xffff;
	_ =	sdelay $0x4  }
0x443: {  	v9 =	vmul.f32 v9, v7  }
0x444: {  	v10 =	vmul.f32 v10, v8;
	_ =	sdelay $0x1  }
0x445: {  	v9 =	vadd.f32 v10, v9;
	_ =	sdelay $0x1  }
0x446: {  	[tilespmem:v5+s4+$0xFFFFFFB0 ss:$0x1] =	vst.idx.msk $0xffff, v9  }
0x447: {  	v9 =	vld.idx.msk [tilespmem:v5+s4+$0xFFFFFFC0 ss:$0x1], $0xffff  }
0x448: {  	v10 =	vld.idx.msk [tilespmem:v6+s4+$0xFFFFFFC0 ss:$0x1], $0xffff;
	_ =	sdelay $0x4  }
0x449: {  	v9 =	vmul.f32 v9, v7  }
0x44a: {  	v10 =	vmul.f32 v10, v8;
	_ =	sdelay $0x1  }
0x44b: {  	v9 =	vadd.f32 v10, v9;
	_ =	sdelay $0x1  }
0x44c: {  	[tilespmem:v5+s4+$0xFFFFFFC0 ss:$0x1] =	vst.idx.msk $0xffff, v9  }
0x44d: {  	v9 =	vld.idx.msk [tilespmem:v5+s4+$0xFFFFFFD0 ss:$0x1], $0xffff  }
0x44e: {  	v10 =	vld.idx.msk [tilespmem:v6+s4+$0xFFFFFFD0 ss:$0x1], $0xffff;
	_ =	sdelay $0x4  }
0x44f: {  	v9 =	vmul.f32 v9, v7  }
0x450: {  	v10 =	vmul.f32 v10, v8;
	_ =	sdelay $0x1  }
0x451: {  	v9 =	vadd.f32 v10, v9;
	_ =	sdelay $0x1  }
0x452: {  	[tilespmem:v5+s4+$0xFFFFFFD0 ss:$0x1] =	vst.idx.msk $0xffff, v9  }
0x453: {  	v9 =	vld.idx.msk [tilespmem:v5+s4+$0xFFFFFFE0 ss:$0x1], $0xffff  }
0x454: {  	v10 =	vld.idx.msk [tilespmem:v6+s4+$0xFFFFFFE0 ss:$0x1], $0xffff;
	_ =	sdelay $0x4  }
0x455: {  	v9 =	vmul.f32 v9, v7  }
0x456: {  	v10 =	vmul.f32 v10, v8;
	_ =	sdelay $0x1  }
0x457: {  	v9 =	vadd.f32 v10, v9;
	_ =	sdelay $0x1  }
0x458: {  	[tilespmem:v5+s4+$0xFFFFFFE0 ss:$0x1] =	vst.idx.msk $0xffff, v9  }
0x459: {  	v9 =	vld.idx.msk [tilespmem:v5+s4+$0xFFFFFFF0 ss:$0x1], $0xffff  }
0x45a: {  	v10 =	vld.idx.msk [tilespmem:v6+s4+$0xFFFFFFF0 ss:$0x1], $0xffff;
	_ =	sdelay $0x1  }
.Ltmp6:
0x45b: {  	(pc) =	sbr.rel @p0 .LBB2_15-.Ltmp6, $3  }
0x45c: {  	_ =	sdelay $0x1  }
0x45d: {  	v9 =	vmul.f32 v9, v7  }
0x45e: {  	v10 =	vmul.f32 v10, v8  }
0x45f: {  	_ =	sdelay $0x1  }
0x460: {  	v9 =	vadd.f32 v10, v9;
	_ =	sdelay $0x1  }
0x461: {  	[tilespmem:v5+s4+$0xFFFFFFF0 ss:$0x1] =	vst.idx.msk $0xffff, v9  }
0x462: {  	v9 =	vld.idx.msk [tilespmem:v5+s4+$0x0 ss:$0x1], $0xffff  }
0x463: {  	v6 =	vld.idx.msk [tilespmem:v6+s4+$0x0 ss:$0x1], $0xffff;
	_ =	sdelay $0x2  }
0x464: {  	s1 =	sadd.s32 $0x1, s1  }
0x465: {  	p0 =	sne.s32 s1, $0x10  }
.Ltmp7:
0x466: {  	v7 =	vmul.f32 v9, v7;
	v6 =	vmul.f32 v6, v8;
	(pc) =	sbr.rel @p0 .LBB2_14-.Ltmp7, $3  }
0x467: {  	_ = 	snop  }
0x468: {  	v6 =	vadd.f32 v6, v7;
	_ =	sdelay $0x1  }
0x469: {  	s0 =	sadd.s32 $0x800, s0;
	s31 =	sadd.s32 $0x1, s31;
	[tilespmem:v5+s4+$0x0 ss:$0x1] =	vst.idx.msk $0xffff, v6  }
0x46a: {  	s0 =	rddreg [dreg:$0xa]  }
0x46b: {  	[hbm4b:s0+s2] =	stream.linear.scatter [tilespmem:s19], [sflag:$0x4], $0x8000, $0x38;
	[tilespmem:$0x18200] =	vst v63  }
0x46c: {  	_ =	swait.ge [sflag:s13], $0x8000  }
0x46d: {  	[sflag:s13] =	ssyncset.done $0x0  }
0x46e: {  	[sflag:s13] =	ssyncadd.s32 $0xFFFF8000  }
0x46f: {  	_ =	swait.ge [sflag:s24], $0x8000  }
0x470: {  	s30 =	sadd.s32 $0x1, s30;
	s31 =	rddreg [dreg:$0xb]  }
0x471: {  	p0 =	sne.s32 s30, s31  }
.Ltmp8:
0x472: {  	_ = 	snop;
	(pc) =	sbr.rel @p0 .LBB2_1-.Ltmp8, $3  }
0x473: {  	_ =	sdelay $0x1  }
0x474: {  	[sflag:s24] =	ssyncset.done $0x0  }
0x475: {  	[sflag:s24] =	ssyncadd.s32 $0xFFFF8000  }
0x476: {  	_ =	sfence.sel $0x180000  }
0x477: {  	[bflag:$0x0] =	sbarrier.arrive $0xFFFF  }
0x478: {  	_ =	strace $0x9000004A  }
0x479: {  	s0 =	stileid.u32;
	[bflag:$0x2] =	sbarrier.arrive $0xFFFF  }
0x47a: {  	p0 =	sne.s32 s0, $0x0;
	s0 =	rddreg [dreg:$0x2]  }
0x47b: {  	s0 =	sadd.s32 @!p0 $0x100000, s0  }
0x47c: {  	[sflag:s0] =	ssyncadd.tile.s32 @!p0 $0x1;
	_ =	shalt  }
.Lfunc_end2:
_tile_overlayer_lowered:
.L_overlay_start_2:
0x47d: {  	(tag) =	ssettag $0x2  }
0x47e: {  	s0 =	rddreg [dreg:$0x0];
	s2 =	stileid.u32  }
0x47f: {  	s1 =	rddreg [dreg:$0x1];
	p0 =	sne.s32 s2, $0x0  }
0x480: {  	s3 =	rddreg [dreg:$0x2];
	[bflag:$0x3] =	sbarrier.arrive $0xFFFF;
	s2 =	simm.s32 @!p0 $0x1C05  }
0x481: {  	[timem:s3], [sflag:s2] =	dma.local @!p0 [hbm:s0], s1  }
0x482: {  	s0 =	simm.s32 @!p0 $0x5  }
0x483: {  	_ =	swait.ge @!p0 [sflag:s0], s1  }
0x484: {  	s1 =	ssub.s32 @!p0 $0x0, s1;
	[sflag:s0] =	ssyncset.done @!p0 $0x0  }
0x485: {  	[sflag:s0] =	ssyncadd.s32 @!p0 s1  }
0x486: {  	[bflag:$0x3] =	sbarrier.arrive $0xFFFF  }
0x487: {  	_ =	shalt  }

</sc_bundles>
